<compile_context>
chip_gen: v7x
topology: tpu7x:2x2x1
jax: 0.10.2.dev20260603
libtpu: 0.0.44.dev20260713+nightly
codegen_flags: <defaults>
</compile_context>

<pallas_src>
import functools

import jax
import jax.numpy as jnp
from jax import lax
from jax.experimental import pallas as pl
from jax.experimental.pallas import tpu as pltpu
from jax.experimental.pallas import tpu_sc as plsc

N = 12288
NSRC = 3
SRC_ROWS = 4096
D = 1024
P = 512
Q = N // P
NB = 128

W = 32
RPW = SRC_ROWS // W
CH = 32
NCH = RPW // CH
NIT = NSRC * NCH


def _rank_kernel(vrow_ref, out_ref, f2t_ref, macc_ref, gacc_ref, c2_ref):
    iota_b_bP = lax.broadcasted_iota(jnp.int32, (NB, P), 0)
    iota_l_Pb = lax.broadcasted_iota(jnp.int32, (P, NB), 1)
    iota_p_PP = lax.broadcasted_iota(jnp.int32, (P, P), 0)
    iota_j_PP = lax.broadcasted_iota(jnp.int32, (P, P), 1)
    diag_PP = (iota_p_PP == iota_j_PP).astype(jnp.float32)

    macc_ref[...] = jnp.zeros((NB, NB), jnp.float32)

    def loop1(q, carry):
        vrow = vrow_ref[pl.ds(q * P, P)].reshape(1, P)
        vf = vrow.astype(jnp.float32)
        vcol = jnp.sum(vf * diag_PP, axis=1, keepdims=True).astype(jnp.int32)
        l_row = jnp.bitwise_and(vrow, 127)
        h_col = jnp.right_shift(vcol, 7)
        olt = (l_row == iota_b_bP).astype(jnp.bfloat16)
        oh = (h_col == iota_l_Pb).astype(jnp.bfloat16)
        f2t = lax.dot_general(olt, oh, (((1,), (0,)), ((), ())),
                              preferred_element_type=jnp.float32)
        macc_ref[...] += f2t
        f2t_ref[pl.ds(q * NB, NB), :] = f2t.astype(jnp.bfloat16)
        eq = (vcol == vrow) & (iota_j_PP < iota_p_PP)
        c2_col = jnp.sum(jnp.where(eq, 1.0, 0.0), axis=1, keepdims=True)
        c2_row = jnp.sum(c2_col * diag_PP, axis=0, keepdims=True)
        c2_ref[pl.ds(q, 1), :] = c2_row
        return carry

    lax.fori_loop(0, Q, loop1, 0, unroll=24)

    macct = macc_ref[...]
    cnt_h = jnp.sum(macct, axis=0, keepdims=True)
    iota_bb0 = lax.broadcasted_iota(jnp.int32, (NB, NB), 0)
    iota_bb1 = lax.broadcasted_iota(jnp.int32, (NB, NB), 1)
    lt_bb = (iota_bb0 < iota_bb1).astype(jnp.float32)
    diag_bb = (iota_bb0 == iota_bb1).astype(jnp.float32)
    cnt_col = jnp.sum(cnt_h * diag_bb, axis=1, keepdims=True)
    sh_row = jnp.sum(cnt_col * lt_bb, axis=0, keepdims=True)
    m_hi = jnp.floor(macct * (1.0 / 256.0)) * 256.0
    m_lo = macct - m_hi
    m_hi_bf = m_hi.astype(jnp.bfloat16)
    m_lo_bf = m_lo.astype(jnp.bfloat16)
    sh_hi = jnp.floor(sh_row * (1.0 / 256.0)) * 256.0
    sh_lo = sh_row - sh_hi
    sh_rows = jnp.concatenate(
        [sh_hi.astype(jnp.bfloat16), sh_lo.astype(jnp.bfloat16),
         jnp.zeros((6, NB), jnp.bfloat16)], axis=0)

    gacc_ref[...] = jnp.zeros((NB, NB), jnp.float32)

    def loop2(q, carry):
        vrow = vrow_ref[pl.ds(q * P, P)].reshape(1, P)
        h_row = jnp.right_shift(vrow, 7)
        l_row = jnp.bitwise_and(vrow, 127)
        oht_bf = (h_row == iota_b_bP).astype(jnp.bfloat16)
        g = gacc_ref[...]
        g_hi = jnp.floor(g * (1.0 / 256.0)) * 256.0
        g_lo = g - g_hi
        tblt = jnp.concatenate(
            [m_hi_bf, m_lo_bf,
             g_hi.astype(jnp.bfloat16), g_lo.astype(jnp.bfloat16),
             sh_rows], axis=0)
        xyt = lax.dot_general(tblt, oht_bf, (((1,), (0,)), ((), ())),
                              preferred_element_type=jnp.float32)
        xt = xyt[0:NB, :] + xyt[NB:2 * NB, :]
        yt = xyt[2 * NB:3 * NB, :] + xyt[3 * NB:4 * NB, :]
        a_row = xyt[4 * NB:4 * NB + 1, :] + xyt[4 * NB + 1:4 * NB + 2, :]
        b_row = jnp.sum(jnp.where(iota_b_bP < l_row, xt, 0.0), axis=0,
                        keepdims=True)
        c1_row = jnp.sum(jnp.where(iota_b_bP == l_row, yt, 0.0), axis=0,
                         keepdims=True)
        rank = a_row + b_row + c1_row + c2_ref[pl.ds(q, 1), :]
        out_ref[pl.ds(q, 1), :] = rank.astype(jnp.int32)
        gacc_ref[...] += f2t_ref[pl.ds(q * NB, NB), :].astype(jnp.float32)
        return carry

    lax.fori_loop(0, Q, loop2, 0, unroll=24)


def _compute_rank(vrow):
    return pl.pallas_call(
        _rank_kernel,
        out_shape=jax.ShapeDtypeStruct((Q, P), jnp.int32),
        scratch_shapes=[
            pltpu.VMEM((Q * NB, NB), jnp.bfloat16),
            pltpu.VMEM((NB, NB), jnp.float32),
            pltpu.VMEM((NB, NB), jnp.float32),
            pltpu.VMEM((Q, P), jnp.float32),
        ],
    )(vrow)


NBUF = 3


def _sc_scatter(asc, cru, des, rank):
    mesh = plsc.VectorSubcoreMesh(core_axis_name="c", subcore_axis_name="s")

    @functools.partial(
        pl.kernel,
        out_type=jax.ShapeDtypeStruct((N, D), jnp.float32),
        mesh=mesh,
        scratch_types=(
            [pltpu.VMEM((NIT, CH), jnp.int32)]
            + [pltpu.VMEM((CH, D), jnp.float32)] * NBUF
            + [pltpu.SemaphoreType.DMA] * (2 * NBUF)
        ),
    )
    def scatter_kernel(asc_hbm, cru_hbm, des_hbm, rank_hbm, out_hbm,
                       idx_v, *bufs_sems):
        bufs = bufs_sems[:NBUF]
        lsems = bufs_sems[NBUF:2 * NBUF]
        ssems = bufs_sems[2 * NBUF:3 * NBUF]
        wid = lax.axis_index("s") * 2 + lax.axis_index("c")
        row0 = wid * RPW
        srcs = (asc_hbm, cru_hbm, des_hbm)
        for s in range(NSRC):
            pltpu.sync_copy(
                rank_hbm.at[pl.ds(s * (SRC_ROWS // CH) + wid * NCH, NCH)],
                idx_v.at[pl.ds(s * NCH, NCH)])

        def start_load(i):
            s, k = divmod(i, NCH)
            return pltpu.async_copy(
                srcs[s].at[pl.ds(row0 + k * CH, CH)], bufs[i % NBUF],
                lsems[i % NBUF])

        loads = {i: start_load(i) for i in range(min(2, NIT))}
        stores = {}
        for i in range(NIT):
            loads[i].wait()
            stores[i] = pltpu.async_copy(
                bufs[i % NBUF], out_hbm.at[idx_v.at[i]], ssems[i % NBUF])
            m = i + 2
            if m < NIT:
                if m - NBUF >= 0:
                    stores[m - NBUF].wait()
                loads[m] = start_load(m)
        for i in range(NIT - NBUF, NIT):
            stores[i].wait()

    return scatter_kernel(asc, cru, des, rank)


def kernel(asc_dec, cru_dec, des_dec, concat_index):
    v = concat_index.astype(jnp.int32)
    rank = _compute_rank(v)
    rank2d = rank.reshape(N // CH, CH)
    return _sc_scatter(asc_dec, cru_dec, des_dec, rank2d)

# --- scband reference (transcript-rebuilt; emitter-appended) ---
"""Pipeline reference for scband-concatenate-35132832481588 (READ-ONLY COPY).

The authoritative reference and input builder live on the scoring server;
editing this copy changes nothing except your own understanding.
"""

import jax, jax.numpy as jnp
import numpy as np


def setup_inputs(seed: int = 0) -> dict:
    key = jax.random.key(seed)
    k1, k2, k3, k4 = jax.random.split(key, 4)
    asc_dec = jax.random.normal(k1, (4096, 1024), dtype=jnp.float32)
    cru_dec = jax.random.normal(k2, (4096, 1024), dtype=jnp.float32)
    des_dec = jax.random.normal(k3, (4096, 1024), dtype=jnp.float32)
    concat_index = jax.random.randint(k4, (12288,), 0, 12288, dtype=jnp.int64)
    return {"asc_dec": asc_dec, "cru_dec": cru_dec, "des_dec": des_dec, "concat_index": concat_index}


def reference(asc_dec, cru_dec, des_dec, concat_index):
    # Concatenate the three decoder segments along axis 0
    concat_dec = jnp.concatenate([asc_dec, cru_dec, des_dec], axis=0)
    # Reorder rows by the sorted order of concat_index (tf.gather(x, tf.argsort(idx)))
    order = jnp.argsort(concat_index)
    return jnp.take(concat_dec, order, axis=0)

if __name__ == "__main__":
    import jax
    _d = setup_inputs()
    print(jax.jit(kernel)(*tuple(_d.values())))

</pallas_src>

<mosaic_0001>
#map = affine_map<(d0, d1) -> (0, 0)>
module attributes {stable_mosaic.version = 14 : i64} {
  func.func @scatter_kernel(%arg0: i32, %arg1: i32, %arg2: memref<4096x1024xf32, #tpu.memory_space<hbm>>, %arg3: memref<4096x1024xf32, #tpu.memory_space<hbm>>, %arg4: memref<4096x1024xf32, #tpu.memory_space<hbm>>, %arg5: memref<384x32xi32, #tpu.memory_space<hbm>>, %arg6: memref<12288x1024xf32, #tpu.memory_space<hbm>>, %arg7: memref<12x32xi32, #tpu.memory_space<vmem>>, %arg8: memref<32x1024xf32, #tpu.memory_space<vmem>>, %arg9: memref<32x1024xf32, #tpu.memory_space<vmem>>, %arg10: memref<32x1024xf32, #tpu.memory_space<vmem>>, %arg11: memref<!tpu.dma_semaphore, #tpu.memory_space<semaphore_mem>>, %arg12: memref<!tpu.dma_semaphore, #tpu.memory_space<semaphore_mem>>, %arg13: memref<!tpu.dma_semaphore, #tpu.memory_space<semaphore_mem>>, %arg14: memref<!tpu.dma_semaphore, #tpu.memory_space<semaphore_mem>>, %arg15: memref<!tpu.dma_semaphore, #tpu.memory_space<semaphore_mem>>, %arg16: memref<!tpu.dma_semaphore, #tpu.memory_space<semaphore_mem>>) attributes {dimension_semantics = [#tpu.dimension_semantics<core_parallel>, #tpu.dimension_semantics<subcore_parallel>], iteration_bounds = array<i64: 2, 16>, scalar_prefetch = 0 : i64, scratch_operands = 10 : i64, tpu.core_type = #tpu.core_type<sc_vector_subcore>, window_params = [{transform_indices = #map}, {transform_indices = #map}, {transform_indices = #map}, {transform_indices = #map}, {transform_indices = #map}]} {
    %mul3A = arith.constant 2 : i32
    %mul3A_0 = arith.muli %arg1, %mul3A : i32
    %add3A = arith.addi %mul3A_0, %arg0 : i32
    %mul3A_1 = arith.constant 128 : i32
    %mul3A_2 = arith.muli %add3A, %mul3A_1 : i32
    %mul3A_3 = arith.constant 4 : i32
    %mul3A_4 = arith.muli %add3A, %mul3A_3 : i32
    %add3A_5 = arith.constant 0 : i32
    %add3A_6 = arith.addi %add3A_5, %mul3A_4 : i32
    "tpu.region"() ({
      %run_scoped3A = tpu.sem_alloc : memref<!tpu.dma_semaphore, #tpu.memory_space<semaphore_mem>>
      %dma_start3A_301 = arith.constant 0 : i32
      %dma_start3A_302 = arith.constant 0 : i32
      %dma_start3A_303 = tpu.memref_slice %arg7[%dma_start3A_301, %dma_start3A_302] : memref<12x32xi32, #tpu.memory_space<vmem>> -> memref<4x32xi32, #tpu.memory_space<vmem>>
      %dma_start3A_304 = arith.constant 0 : i32
      %dma_start3A_305 = tpu.memref_slice %arg5[%add3A_6, %dma_start3A_304] : memref<384x32xi32, #tpu.memory_space<hbm>> -> memref<4x32xi32, #tpu.memory_space<hbm>>
      %dma_start3A_306 = arith.constant 0 : i32
      %dma_start3A_307 = arith.constant 0 : i32
      %dma_start3A_308 = tpu.memref_slice %arg7[%dma_start3A_306, %dma_start3A_307] : memref<12x32xi32, #tpu.memory_space<vmem>> -> memref<4x32xi32, #tpu.memory_space<vmem>>
      %dma_start3A_309 = arith.constant 0 : i32
      %dma_start3A_310 = tpu.memref_slice %arg5[%add3A_6, %dma_start3A_309] : memref<384x32xi32, #tpu.memory_space<hbm>> -> memref<4x32xi32, #tpu.memory_space<hbm>>
      tpu.enqueue_dma source(%dma_start3A_310 : memref<4x32xi32, #tpu.memory_space<hbm>>) target(%dma_start3A_308 : memref<4x32xi32, #tpu.memory_space<vmem>>) target_semaphore(%run_scoped3A : memref<!tpu.dma_semaphore, #tpu.memory_space<semaphore_mem>>)
      %dma_wait3A_311 = arith.constant 0 : i32
      %dma_wait3A_312 = arith.constant 0 : i32
      %dma_wait3A_313 = tpu.memref_slice %arg7[%dma_wait3A_311, %dma_wait3A_312] : memref<12x32xi32, #tpu.memory_space<vmem>> -> memref<4x32xi32, #tpu.memory_space<vmem>>
      %dma_wait3A_314 = arith.constant 0 : i32
      %dma_wait3A_315 = tpu.memref_slice %arg5[%add3A_6, %dma_wait3A_314] : memref<384x32xi32, #tpu.memory_space<hbm>> -> memref<4x32xi32, #tpu.memory_space<hbm>>
      %dma_wait3A_316 = arith.constant 0 : i32
      %dma_wait3A_317 = arith.constant 0 : i32
      %dma_wait3A_318 = tpu.memref_slice %arg7[%dma_wait3A_316, %dma_wait3A_317] : memref<12x32xi32, #tpu.memory_space<vmem>> -> memref<4x32xi32, #tpu.memory_space<vmem>>
      %dma_wait3A_319 = arith.constant 0 : i32
      %dma_wait3A_320 = tpu.memref_slice %arg5[%add3A_6, %dma_wait3A_319] : memref<384x32xi32, #tpu.memory_space<hbm>> -> memref<4x32xi32, #tpu.memory_space<hbm>>
      tpu.wait_dma2 semaphore(%run_scoped3A : memref<!tpu.dma_semaphore, #tpu.memory_space<semaphore_mem>>) src(%dma_wait3A_320 : memref<4x32xi32, #tpu.memory_space<hbm>>) dst(%dma_wait3A_318 : memref<4x32xi32, #tpu.memory_space<vmem>>)
      tpu.yield
    }) : () -> ()
    %mul3A_7 = arith.constant 4 : i32
    %mul3A_8 = arith.muli %add3A, %mul3A_7 : i32
    %add3A_9 = arith.constant 128 : i32
    %add3A_10 = arith.addi %add3A_9, %mul3A_8 : i32
    "tpu.region"() ({
      %run_scoped3A = tpu.sem_alloc : memref<!tpu.dma_semaphore, #tpu.memory_space<semaphore_mem>>
      %dma_start3A_301 = arith.constant 4 : i32
      %dma_start3A_302 = arith.constant 0 : i32
      %dma_start3A_303 = tpu.memref_slice %arg7[%dma_start3A_301, %dma_start3A_302] : memref<12x32xi32, #tpu.memory_space<vmem>> -> memref<4x32xi32, #tpu.memory_space<vmem>>
      %dma_start3A_304 = arith.constant 0 : i32
      %dma_start3A_305 = tpu.memref_slice %arg5[%add3A_10, %dma_start3A_304] : memref<384x32xi32, #tpu.memory_space<hbm>> -> memref<4x32xi32, #tpu.memory_space<hbm>>
      %dma_start3A_306 = arith.constant 4 : i32
      %dma_start3A_307 = arith.constant 0 : i32
      %dma_start3A_308 = tpu.memref_slice %arg7[%dma_start3A_306, %dma_start3A_307] : memref<12x32xi32, #tpu.memory_space<vmem>> -> memref<4x32xi32, #tpu.memory_space<vmem>>
      %dma_start3A_309 = arith.constant 0 : i32
      %dma_start3A_310 = tpu.memref_slice %arg5[%add3A_10, %dma_start3A_309] : memref<384x32xi32, #tpu.memory_space<hbm>> -> memref<4x32xi32, #tpu.memory_space<hbm>>
      tpu.enqueue_dma source(%dma_start3A_310 : memref<4x32xi32, #tpu.memory_space<hbm>>) target(%dma_start3A_308 : memref<4x32xi32, #tpu.memory_space<vmem>>) target_semaphore(%run_scoped3A : memref<!tpu.dma_semaphore, #tpu.memory_space<semaphore_mem>>)
      %dma_wait3A_311 = arith.constant 4 : i32
      %dma_wait3A_312 = arith.constant 0 : i32
      %dma_wait3A_313 = tpu.memref_slice %arg7[%dma_wait3A_311, %dma_wait3A_312] : memref<12x32xi32, #tpu.memory_space<vmem>> -> memref<4x32xi32, #tpu.memory_space<vmem>>
      %dma_wait3A_314 = arith.constant 0 : i32
      %dma_wait3A_315 = tpu.memref_slice %arg5[%add3A_10, %dma_wait3A_314] : memref<384x32xi32, #tpu.memory_space<hbm>> -> memref<4x32xi32, #tpu.memory_space<hbm>>
      %dma_wait3A_316 = arith.constant 4 : i32
      %dma_wait3A_317 = arith.constant 0 : i32
      %dma_wait3A_318 = tpu.memref_slice %arg7[%dma_wait3A_316, %dma_wait3A_317] : memref<12x32xi32, #tpu.memory_space<vmem>> -> memref<4x32xi32, #tpu.memory_space<vmem>>
      %dma_wait3A_319 = arith.constant 0 : i32
      %dma_wait3A_320 = tpu.memref_slice %arg5[%add3A_10, %dma_wait3A_319] : memref<384x32xi32, #tpu.memory_space<hbm>> -> memref<4x32xi32, #tpu.memory_space<hbm>>
      tpu.wait_dma2 semaphore(%run_scoped3A : memref<!tpu.dma_semaphore, #tpu.memory_space<semaphore_mem>>) src(%dma_wait3A_320 : memref<4x32xi32, #tpu.memory_space<hbm>>) dst(%dma_wait3A_318 : memref<4x32xi32, #tpu.memory_space<vmem>>)
      tpu.yield
    }) : () -> ()
    %mul3A_11 = arith.constant 4 : i32
    %mul3A_12 = arith.muli %add3A, %mul3A_11 : i32
    %add3A_13 = arith.constant 256 : i32
    %add3A_14 = arith.addi %add3A_13, %mul3A_12 : i32
    "tpu.region"() ({
      %run_scoped3A = tpu.sem_alloc : memref<!tpu.dma_semaphore, #tpu.memory_space<semaphore_mem>>
      %dma_start3A_301 = arith.constant 8 : i32
      %dma_start3A_302 = arith.constant 0 : i32
      %dma_start3A_303 = tpu.memref_slice %arg7[%dma_start3A_301, %dma_start3A_302] : memref<12x32xi32, #tpu.memory_space<vmem>> -> memref<4x32xi32, #tpu.memory_space<vmem>>
      %dma_start3A_304 = arith.constant 0 : i32
      %dma_start3A_305 = tpu.memref_slice %arg5[%add3A_14, %dma_start3A_304] : memref<384x32xi32, #tpu.memory_space<hbm>> -> memref<4x32xi32, #tpu.memory_space<hbm>>
      %dma_start3A_306 = arith.constant 8 : i32
      %dma_start3A_307 = arith.constant 0 : i32
      %dma_start3A_308 = tpu.memref_slice %arg7[%dma_start3A_306, %dma_start3A_307] : memref<12x32xi32, #tpu.memory_space<vmem>> -> memref<4x32xi32, #tpu.memory_space<vmem>>
      %dma_start3A_309 = arith.constant 0 : i32
      %dma_start3A_310 = tpu.memref_slice %arg5[%add3A_14, %dma_start3A_309] : memref<384x32xi32, #tpu.memory_space<hbm>> -> memref<4x32xi32, #tpu.memory_space<hbm>>
      tpu.enqueue_dma source(%dma_start3A_310 : memref<4x32xi32, #tpu.memory_space<hbm>>) target(%dma_start3A_308 : memref<4x32xi32, #tpu.memory_space<vmem>>) target_semaphore(%run_scoped3A : memref<!tpu.dma_semaphore, #tpu.memory_space<semaphore_mem>>)
      %dma_wait3A_311 = arith.constant 8 : i32
      %dma_wait3A_312 = arith.constant 0 : i32
      %dma_wait3A_313 = tpu.memref_slice %arg7[%dma_wait3A_311, %dma_wait3A_312] : memref<12x32xi32, #tpu.memory_space<vmem>> -> memref<4x32xi32, #tpu.memory_space<vmem>>
      %dma_wait3A_314 = arith.constant 0 : i32
      %dma_wait3A_315 = tpu.memref_slice %arg5[%add3A_14, %dma_wait3A_314] : memref<384x32xi32, #tpu.memory_space<hbm>> -> memref<4x32xi32, #tpu.memory_space<hbm>>
      %dma_wait3A_316 = arith.constant 8 : i32
      %dma_wait3A_317 = arith.constant 0 : i32
      %dma_wait3A_318 = tpu.memref_slice %arg7[%dma_wait3A_316, %dma_wait3A_317] : memref<12x32xi32, #tpu.memory_space<vmem>> -> memref<4x32xi32, #tpu.memory_space<vmem>>
      %dma_wait3A_319 = arith.constant 0 : i32
      %dma_wait3A_320 = tpu.memref_slice %arg5[%add3A_14, %dma_wait3A_319] : memref<384x32xi32, #tpu.memory_space<hbm>> -> memref<4x32xi32, #tpu.memory_space<hbm>>
      tpu.wait_dma2 semaphore(%run_scoped3A : memref<!tpu.dma_semaphore, #tpu.memory_space<semaphore_mem>>) src(%dma_wait3A_320 : memref<4x32xi32, #tpu.memory_space<hbm>>) dst(%dma_wait3A_318 : memref<4x32xi32, #tpu.memory_space<vmem>>)
      tpu.yield
    }) : () -> ()
    %add3A_15 = arith.constant 0 : i32
    %add3A_16 = arith.addi %mul3A_2, %add3A_15 : i32
    %dma_start3A = arith.constant 0 : i32
    %dma_start3A_17 = tpu.memref_slice %arg2[%add3A_16, %dma_start3A] : memref<4096x1024xf32, #tpu.memory_space<hbm>> -> memref<32x1024xf32, #tpu.memory_space<hbm>>
    %dma_start3A_18 = arith.constant 0 : i32
    %dma_start3A_19 = tpu.memref_slice %arg2[%add3A_16, %dma_start3A_18] : memref<4096x1024xf32, #tpu.memory_space<hbm>> -> memref<32x1024xf32, #tpu.memory_space<hbm>>
    tpu.enqueue_dma source(%dma_start3A_19 : memref<32x1024xf32, #tpu.memory_space<hbm>>) target(%arg8 : memref<32x1024xf32, #tpu.memory_space<vmem>>) target_semaphore(%arg11 : memref<!tpu.dma_semaphore, #tpu.memory_space<semaphore_mem>>)
    %add3A_20 = arith.constant 32 : i32
    %add3A_21 = arith.addi %mul3A_2, %add3A_20 : i32
    %dma_start3A_22 = arith.constant 0 : i32
    %dma_start3A_23 = tpu.memref_slice %arg2[%add3A_21, %dma_start3A_22] : memref<4096x1024xf32, #tpu.memory_space<hbm>> -> memref<32x1024xf32, #tpu.memory_space<hbm>>
    %dma_start3A_24 = arith.constant 0 : i32
    %dma_start3A_25 = tpu.memref_slice %arg2[%add3A_21, %dma_start3A_24] : memref<4096x1024xf32, #tpu.memory_space<hbm>> -> memref<32x1024xf32, #tpu.memory_space<hbm>>
    tpu.enqueue_dma source(%dma_start3A_25 : memref<32x1024xf32, #tpu.memory_space<hbm>>) target(%arg9 : memref<32x1024xf32, #tpu.memory_space<vmem>>) target_semaphore(%arg12 : memref<!tpu.dma_semaphore, #tpu.memory_space<semaphore_mem>>)
    %dma_wait3A = arith.constant 0 : i32
    %dma_wait3A_26 = tpu.memref_slice %arg2[%add3A_16, %dma_wait3A] : memref<4096x1024xf32, #tpu.memory_space<hbm>> -> memref<32x1024xf32, #tpu.memory_space<hbm>>
    %dma_wait3A_27 = arith.constant 0 : i32
    %dma_wait3A_28 = tpu.memref_slice %arg2[%add3A_16, %dma_wait3A_27] : memref<4096x1024xf32, #tpu.memory_space<hbm>> -> memref<32x1024xf32, #tpu.memory_space<hbm>>
    tpu.wait_dma2 semaphore(%arg11 : memref<!tpu.dma_semaphore, #tpu.memory_space<semaphore_mem>>) src(%dma_wait3A_28 : memref<32x1024xf32, #tpu.memory_space<hbm>>) dst(%arg8 : memref<32x1024xf32, #tpu.memory_space<vmem>>)
    %dma_start3A_29 = arith.constant 0 : i32
    %dma_start3A_30 = arith.constant 0 : i32
    %dma_start3A_31 = tpu.memref_slice %arg7[%dma_start3A_29, %dma_start3A_30] : memref<12x32xi32, #tpu.memory_space<vmem>> -> memref<1x32xi32, #tpu.memory_space<vmem>>
    %dma_start3A_32 = tpu.memref_squeeze %dma_start3A_31 : memref<1x32xi32, #tpu.memory_space<vmem>> -> memref<32xi32, #tpu.memory_space<vmem>>
    %dma_start3A_33 = arith.constant 0 : i32
    %dma_start3A_34 = arith.constant 0 : i32
    %dma_start3A_35 = tpu.memref_slice %arg6[%dma_start3A_33, %dma_start3A_34] : memref<12288x1024xf32, #tpu.memory_space<hbm>> -> memref<12288x1024xf32, #tpu.memory_space<hbm>>
    tpu.enqueue_indirect_dma source(%arg8 : memref<32x1024xf32, #tpu.memory_space<vmem>>) target(%dma_start3A_35 : memref<12288x1024xf32, #tpu.memory_space<hbm>>) offsets(%dma_start3A_32 : memref<32xi32, #tpu.memory_space<vmem>>) semaphore(%arg14 : memref<!tpu.dma_semaphore, #tpu.memory_space<semaphore_mem>>)
    %add3A_36 = arith.constant 64 : i32
    %add3A_37 = arith.addi %mul3A_2, %add3A_36 : i32
    %dma_start3A_38 = arith.constant 0 : i32
    %dma_start3A_39 = tpu.memref_slice %arg2[%add3A_37, %dma_start3A_38] : memref<4096x1024xf32, #tpu.memory_space<hbm>> -> memref<32x1024xf32, #tpu.memory_space<hbm>>
    %dma_start3A_40 = arith.constant 0 : i32
    %dma_start3A_41 = tpu.memref_slice %arg2[%add3A_37, %dma_start3A_40] : memref<4096x1024xf32, #tpu.memory_space<hbm>> -> memref<32x1024xf32, #tpu.memory_space<hbm>>
    tpu.enqueue_dma source(%dma_start3A_41 : memref<32x1024xf32, #tpu.memory_space<hbm>>) target(%arg10 : memref<32x1024xf32, #tpu.memory_space<vmem>>) target_semaphore(%arg13 : memref<!tpu.dma_semaphore, #tpu.memory_space<semaphore_mem>>)
    %dma_wait3A_42 = arith.constant 0 : i32
    %dma_wait3A_43 = tpu.memref_slice %arg2[%add3A_21, %dma_wait3A_42] : memref<4096x1024xf32, #tpu.memory_space<hbm>> -> memref<32x1024xf32, #tpu.memory_space<hbm>>
    %dma_wait3A_44 = arith.constant 0 : i32
    %dma_wait3A_45 = tpu.memref_slice %arg2[%add3A_21, %dma_wait3A_44] : memref<4096x1024xf32, #tpu.memory_space<hbm>> -> memref<32x1024xf32, #tpu.memory_space<hbm>>
    tpu.wait_dma2 semaphore(%arg12 : memref<!tpu.dma_semaphore, #tpu.memory_space<semaphore_mem>>) src(%dma_wait3A_45 : memref<32x1024xf32, #tpu.memory_space<hbm>>) dst(%arg9 : memref<32x1024xf32, #tpu.memory_space<vmem>>)
    %dma_start3A_46 = arith.constant 1 : i32
    %dma_start3A_47 = arith.constant 0 : i32
    %dma_start3A_48 = tpu.memref_slice %arg7[%dma_start3A_46, %dma_start3A_47] : memref<12x32xi32, #tpu.memory_space<vmem>> -> memref<1x32xi32, #tpu.memory_space<vmem>>
    %dma_start3A_49 = tpu.memref_squeeze %dma_start3A_48 : memref<1x32xi32, #tpu.memory_space<vmem>> -> memref<32xi32, #tpu.memory_space<vmem>>
    %dma_start3A_50 = arith.constant 0 : i32
    %dma_start3A_51 = arith.constant 0 : i32
    %dma_start3A_52 = tpu.memref_slice %arg6[%dma_start3A_50, %dma_start3A_51] : memref<12288x1024xf32, #tpu.memory_space<hbm>> -> memref<12288x1024xf32, #tpu.memory_space<hbm>>
    tpu.enqueue_indirect_dma source(%arg9 : memref<32x1024xf32, #tpu.memory_space<vmem>>) target(%dma_start3A_52 : memref<12288x1024xf32, #tpu.memory_space<hbm>>) offsets(%dma_start3A_49 : memref<32xi32, #tpu.memory_space<vmem>>) semaphore(%arg15 : memref<!tpu.dma_semaphore, #tpu.memory_space<semaphore_mem>>)
    %dma_wait3A_53 = arith.constant 0 : i32
    %dma_wait3A_54 = arith.constant 0 : i32
    %dma_wait3A_55 = tpu.memref_slice %arg7[%dma_wait3A_53, %dma_wait3A_54] : memref<12x32xi32, #tpu.memory_space<vmem>> -> memref<1x32xi32, #tpu.memory_space<vmem>>
    %dma_wait3A_56 = tpu.memref_squeeze %dma_wait3A_55 : memref<1x32xi32, #tpu.memory_space<vmem>> -> memref<32xi32, #tpu.memory_space<vmem>>
    %dma_wait3A_57 = arith.constant 0 : i32
    %dma_wait3A_58 = arith.constant 0 : i32
    %dma_wait3A_59 = tpu.memref_slice %arg6[%dma_wait3A_57, %dma_wait3A_58] : memref<12288x1024xf32, #tpu.memory_space<hbm>> -> memref<12288x1024xf32, #tpu.memory_space<hbm>>
    tpu.wait_indirect_dma semaphore(%arg14 : memref<!tpu.dma_semaphore, #tpu.memory_space<semaphore_mem>>) src(%arg8 : memref<32x1024xf32, #tpu.memory_space<vmem>>) dst(%dma_wait3A_59 : memref<12288x1024xf32, #tpu.memory_space<hbm>>)
    %add3A_60 = arith.constant 96 : i32
    %add3A_61 = arith.addi %mul3A_2, %add3A_60 : i32
    %dma_start3A_62 = arith.constant 0 : i32
    %dma_start3A_63 = tpu.memref_slice %arg2[%add3A_61, %dma_start3A_62] : memref<4096x1024xf32, #tpu.memory_space<hbm>> -> memref<32x1024xf32, #tpu.memory_space<hbm>>
    %dma_start3A_64 = arith.constant 0 : i32
    %dma_start3A_65 = tpu.memref_slice %arg2[%add3A_61, %dma_start3A_64] : memref<4096x1024xf32, #tpu.memory_space<hbm>> -> memref<32x1024xf32, #tpu.memory_space<hbm>>
    tpu.enqueue_dma source(%dma_start3A_65 : memref<32x1024xf32, #tpu.memory_space<hbm>>) target(%arg8 : memref<32x1024xf32, #tpu.memory_space<vmem>>) target_semaphore(%arg11 : memref<!tpu.dma_semaphore, #tpu.memory_space<semaphore_mem>>)
    %dma_wait3A_66 = arith.constant 0 : i32
    %dma_wait3A_67 = tpu.memref_slice %arg2[%add3A_37, %dma_wait3A_66] : memref<4096x1024xf32, #tpu.memory_space<hbm>> -> memref<32x1024xf32, #tpu.memory_space<hbm>>
    %dma_wait3A_68 = arith.constant 0 : i32
    %dma_wait3A_69 = tpu.memref_slice %arg2[%add3A_37, %dma_wait3A_68] : memref<4096x1024xf32, #tpu.memory_space<hbm>> -> memref<32x1024xf32, #tpu.memory_space<hbm>>
    tpu.wait_dma2 semaphore(%arg13 : memref<!tpu.dma_semaphore, #tpu.memory_space<semaphore_mem>>) src(%dma_wait3A_69 : memref<32x1024xf32, #tpu.memory_space<hbm>>) dst(%arg10 : memref<32x1024xf32, #tpu.memory_space<vmem>>)
    %dma_start3A_70 = arith.constant 2 : i32
    %dma_start3A_71 = arith.constant 0 : i32
    %dma_start3A_72 = tpu.memref_slice %arg7[%dma_start3A_70, %dma_start3A_71] : memref<12x32xi32, #tpu.memory_space<vmem>> -> memref<1x32xi32, #tpu.memory_space<vmem>>
    %dma_start3A_73 = tpu.memref_squeeze %dma_start3A_72 : memref<1x32xi32, #tpu.memory_space<vmem>> -> memref<32xi32, #tpu.memory_space<vmem>>
    %dma_start3A_74 = arith.constant 0 : i32
    %dma_start3A_75 = arith.constant 0 : i32
    %dma_start3A_76 = tpu.memref_slice %arg6[%dma_start3A_74, %dma_start3A_75] : memref<12288x1024xf32, #tpu.memory_space<hbm>> -> memref<12288x1024xf32, #tpu.memory_space<hbm>>
    tpu.enqueue_indirect_dma source(%arg10 : memref<32x1024xf32, #tpu.memory_space<vmem>>) target(%dma_start3A_76 : memref<12288x1024xf32, #tpu.memory_space<hbm>>) offsets(%dma_start3A_73 : memref<32xi32, #tpu.memory_space<vmem>>) semaphore(%arg16 : memref<!tpu.dma_semaphore, #tpu.memory_space<semaphore_mem>>)
    %dma_wait3A_77 = arith.constant 1 : i32
    %dma_wait3A_78 = arith.constant 0 : i32
    %dma_wait3A_79 = tpu.memref_slice %arg7[%dma_wait3A_77, %dma_wait3A_78] : memref<12x32xi32, #tpu.memory_space<vmem>> -> memref<1x32xi32, #tpu.memory_space<vmem>>
    %dma_wait3A_80 = tpu.memref_squeeze %dma_wait3A_79 : memref<1x32xi32, #tpu.memory_space<vmem>> -> memref<32xi32, #tpu.memory_space<vmem>>
    %dma_wait3A_81 = arith.constant 0 : i32
    %dma_wait3A_82 = arith.constant 0 : i32
    %dma_wait3A_83 = tpu.memref_slice %arg6[%dma_wait3A_81, %dma_wait3A_82] : memref<12288x1024xf32, #tpu.memory_space<hbm>> -> memref<12288x1024xf32, #tpu.memory_space<hbm>>
    tpu.wait_indirect_dma semaphore(%arg15 : memref<!tpu.dma_semaphore, #tpu.memory_space<semaphore_mem>>) src(%arg9 : memref<32x1024xf32, #tpu.memory_space<vmem>>) dst(%dma_wait3A_83 : memref<12288x1024xf32, #tpu.memory_space<hbm>>)
    %add3A_84 = arith.constant 0 : i32
    %add3A_85 = arith.addi %mul3A_2, %add3A_84 : i32
    %dma_start3A_86 = arith.constant 0 : i32
    %dma_start3A_87 = tpu.memref_slice %arg3[%add3A_85, %dma_start3A_86] : memref<4096x1024xf32, #tpu.memory_space<hbm>> -> memref<32x1024xf32, #tpu.memory_space<hbm>>
    %dma_start3A_88 = arith.constant 0 : i32
    %dma_start3A_89 = tpu.memref_slice %arg3[%add3A_85, %dma_start3A_88] : memref<4096x1024xf32, #tpu.memory_space<hbm>> -> memref<32x1024xf32, #tpu.memory_space<hbm>>
    tpu.enqueue_dma source(%dma_start3A_89 : memref<32x1024xf32, #tpu.memory_space<hbm>>) target(%arg9 : memref<32x1024xf32, #tpu.memory_space<vmem>>) target_semaphore(%arg12 : memref<!tpu.dma_semaphore, #tpu.memory_space<semaphore_mem>>)
    %dma_wait3A_90 = arith.constant 0 : i32
    %dma_wait3A_91 = tpu.memref_slice %arg2[%add3A_61, %dma_wait3A_90] : memref<4096x1024xf32, #tpu.memory_space<hbm>> -> memref<32x1024xf32, #tpu.memory_space<hbm>>
    %dma_wait3A_92 = arith.constant 0 : i32
    %dma_wait3A_93 = tpu.memref_slice %arg2[%add3A_61, %dma_wait3A_92] : memref<4096x1024xf32, #tpu.memory_space<hbm>> -> memref<32x1024xf32, #tpu.memory_space<hbm>>
    tpu.wait_dma2 semaphore(%arg11 : memref<!tpu.dma_semaphore, #tpu.memory_space<semaphore_mem>>) src(%dma_wait3A_93 : memref<32x1024xf32, #tpu.memory_space<hbm>>) dst(%arg8 : memref<32x1024xf32, #tpu.memory_space<vmem>>)
    %dma_start3A_94 = arith.constant 3 : i32
    %dma_start3A_95 = arith.constant 0 : i32
    %dma_start3A_96 = tpu.memref_slice %arg7[%dma_start3A_94, %dma_start3A_95] : memref<12x32xi32, #tpu.memory_space<vmem>> -> memref<1x32xi32, #tpu.memory_space<vmem>>
    %dma_start3A_97 = tpu.memref_squeeze %dma_start3A_96 : memref<1x32xi32, #tpu.memory_space<vmem>> -> memref<32xi32, #tpu.memory_space<vmem>>
    %dma_start3A_98 = arith.constant 0 : i32
    %dma_start3A_99 = arith.constant 0 : i32
    %dma_start3A_100 = tpu.memref_slice %arg6[%dma_start3A_98, %dma_start3A_99] : memref<12288x1024xf32, #tpu.memory_space<hbm>> -> memref<12288x1024xf32, #tpu.memory_space<hbm>>
    tpu.enqueue_indirect_dma source(%arg8 : memref<32x1024xf32, #tpu.memory_space<vmem>>) target(%dma_start3A_100 : memref<12288x1024xf32, #tpu.memory_space<hbm>>) offsets(%dma_start3A_97 : memref<32xi32, #tpu.memory_space<vmem>>) semaphore(%arg14 : memref<!tpu.dma_semaphore, #tpu.memory_space<semaphore_mem>>)
    %dma_wait3A_101 = arith.constant 2 : i32
    %dma_wait3A_102 = arith.constant 0 : i32
    %dma_wait3A_103 = tpu.memref_slice %arg7[%dma_wait3A_101, %dma_wait3A_102] : memref<12x32xi32, #tpu.memory_space<vmem>> -> memref<1x32xi32, #tpu.memory_space<vmem>>
    %dma_wait3A_104 = tpu.memref_squeeze %dma_wait3A_103 : memref<1x32xi32, #tpu.memory_space<vmem>> -> memref<32xi32, #tpu.memory_space<vmem>>
    %dma_wait3A_105 = arith.constant 0 : i32
    %dma_wait3A_106 = arith.constant 0 : i32
    %dma_wait3A_107 = tpu.memref_slice %arg6[%dma_wait3A_105, %dma_wait3A_106] : memref<12288x1024xf32, #tpu.memory_space<hbm>> -> memref<12288x1024xf32, #tpu.memory_space<hbm>>
    tpu.wait_indirect_dma semaphore(%arg16 : memref<!tpu.dma_semaphore, #tpu.memory_space<semaphore_mem>>) src(%arg10 : memref<32x1024xf32, #tpu.memory_space<vmem>>) dst(%dma_wait3A_107 : memref<12288x1024xf32, #tpu.memory_space<hbm>>)
    %add3A_108 = arith.constant 32 : i32
    %add3A_109 = arith.addi %mul3A_2, %add3A_108 : i32
    %dma_start3A_110 = arith.constant 0 : i32
    %dma_start3A_111 = tpu.memref_slice %arg3[%add3A_109, %dma_start3A_110] : memref<4096x1024xf32, #tpu.memory_space<hbm>> -> memref<32x1024xf32, #tpu.memory_space<hbm>>
    %dma_start3A_112 = arith.constant 0 : i32
    %dma_start3A_113 = tpu.memref_slice %arg3[%add3A_109, %dma_start3A_112] : memref<4096x1024xf32, #tpu.memory_space<hbm>> -> memref<32x1024xf32, #tpu.memory_space<hbm>>
    tpu.enqueue_dma source(%dma_start3A_113 : memref<32x1024xf32, #tpu.memory_space<hbm>>) target(%arg10 : memref<32x1024xf32, #tpu.memory_space<vmem>>) target_semaphore(%arg13 : memref<!tpu.dma_semaphore, #tpu.memory_space<semaphore_mem>>)
    %dma_wait3A_114 = arith.constant 0 : i32
    %dma_wait3A_115 = tpu.memref_slice %arg3[%add3A_85, %dma_wait3A_114] : memref<4096x1024xf32, #tpu.memory_space<hbm>> -> memref<32x1024xf32, #tpu.memory_space<hbm>>
    %dma_wait3A_116 = arith.constant 0 : i32
    %dma_wait3A_117 = tpu.memref_slice %arg3[%add3A_85, %dma_wait3A_116] : memref<4096x1024xf32, #tpu.memory_space<hbm>> -> memref<32x1024xf32, #tpu.memory_space<hbm>>
    tpu.wait_dma2 semaphore(%arg12 : memref<!tpu.dma_semaphore, #tpu.memory_space<semaphore_mem>>) src(%dma_wait3A_117 : memref<32x1024xf32, #tpu.memory_space<hbm>>) dst(%arg9 : memref<32x1024xf32, #tpu.memory_space<vmem>>)
    %dma_start3A_118 = arith.constant 4 : i32
    %dma_start3A_119 = arith.constant 0 : i32
    %dma_start3A_120 = tpu.memref_slice %arg7[%dma_start3A_118, %dma_start3A_119] : memref<12x32xi32, #tpu.memory_space<vmem>> -> memref<1x32xi32, #tpu.memory_space<vmem>>
    %dma_start3A_121 = tpu.memref_squeeze %dma_start3A_120 : memref<1x32xi32, #tpu.memory_space<vmem>> -> memref<32xi32, #tpu.memory_space<vmem>>
    %dma_start3A_122 = arith.constant 0 : i32
    %dma_start3A_123 = arith.constant 0 : i32
    %dma_start3A_124 = tpu.memref_slice %arg6[%dma_start3A_122, %dma_start3A_123] : memref<12288x1024xf32, #tpu.memory_space<hbm>> -> memref<12288x1024xf32, #tpu.memory_space<hbm>>
    tpu.enqueue_indirect_dma source(%arg9 : memref<32x1024xf32, #tpu.memory_space<vmem>>) target(%dma_start3A_124 : memref<12288x1024xf32, #tpu.memory_space<hbm>>) offsets(%dma_start3A_121 : memref<32xi32, #tpu.memory_space<vmem>>) semaphore(%arg15 : memref<!tpu.dma_semaphore, #tpu.memory_space<semaphore_mem>>)
    %dma_wait3A_125 = arith.constant 3 : i32
    %dma_wait3A_126 = arith.constant 0 : i32
    %dma_wait3A_127 = tpu.memref_slice %arg7[%dma_wait3A_125, %dma_wait3A_126] : memref<12x32xi32, #tpu.memory_space<vmem>> -> memref<1x32xi32, #tpu.memory_space<vmem>>
    %dma_wait3A_128 = tpu.memref_squeeze %dma_wait3A_127 : memref<1x32xi32, #tpu.memory_space<vmem>> -> memref<32xi32, #tpu.memory_space<vmem>>
    %dma_wait3A_129 = arith.constant 0 : i32
    %dma_wait3A_130 = arith.constant 0 : i32
    %dma_wait3A_131 = tpu.memref_slice %arg6[%dma_wait3A_129, %dma_wait3A_130] : memref<12288x1024xf32, #tpu.memory_space<hbm>> -> memref<12288x1024xf32, #tpu.memory_space<hbm>>
    tpu.wait_indirect_dma semaphore(%arg14 : memref<!tpu.dma_semaphore, #tpu.memory_space<semaphore_mem>>) src(%arg8 : memref<32x1024xf32, #tpu.memory_space<vmem>>) dst(%dma_wait3A_131 : memref<12288x1024xf32, #tpu.memory_space<hbm>>)
    %add3A_132 = arith.constant 64 : i32
    %add3A_133 = arith.addi %mul3A_2, %add3A_132 : i32
    %dma_start3A_134 = arith.constant 0 : i32
    %dma_start3A_135 = tpu.memref_slice %arg3[%add3A_133, %dma_start3A_134] : memref<4096x1024xf32, #tpu.memory_space<hbm>> -> memref<32x1024xf32, #tpu.memory_space<hbm>>
    %dma_start3A_136 = arith.constant 0 : i32
    %dma_start3A_137 = tpu.memref_slice %arg3[%add3A_133, %dma_start3A_136] : memref<4096x1024xf32, #tpu.memory_space<hbm>> -> memref<32x1024xf32, #tpu.memory_space<hbm>>
    tpu.enqueue_dma source(%dma_start3A_137 : memref<32x1024xf32, #tpu.memory_space<hbm>>) target(%arg8 : memref<32x1024xf32, #tpu.memory_space<vmem>>) target_semaphore(%arg11 : memref<!tpu.dma_semaphore, #tpu.memory_space<semaphore_mem>>)
    %dma_wait3A_138 = arith.constant 0 : i32
    %dma_wait3A_139 = tpu.memref_slice %arg3[%add3A_109, %dma_wait3A_138] : memref<4096x1024xf32, #tpu.memory_space<hbm>> -> memref<32x1024xf32, #tpu.memory_space<hbm>>
    %dma_wait3A_140 = arith.constant 0 : i32
    %dma_wait3A_141 = tpu.memref_slice %arg3[%add3A_109, %dma_wait3A_140] : memref<4096x1024xf32, #tpu.memory_space<hbm>> -> memref<32x1024xf32, #tpu.memory_space<hbm>>
    tpu.wait_dma2 semaphore(%arg13 : memref<!tpu.dma_semaphore, #tpu.memory_space<semaphore_mem>>) src(%dma_wait3A_141 : memref<32x1024xf32, #tpu.memory_space<hbm>>) dst(%arg10 : memref<32x1024xf32, #tpu.memory_space<vmem>>)
    %dma_start3A_142 = arith.constant 5 : i32
    %dma_start3A_143 = arith.constant 0 : i32
    %dma_start3A_144 = tpu.memref_slice %arg7[%dma_start3A_142, %dma_start3A_143] : memref<12x32xi32, #tpu.memory_space<vmem>> -> memref<1x32xi32, #tpu.memory_space<vmem>>
    %dma_start3A_145 = tpu.memref_squeeze %dma_start3A_144 : memref<1x32xi32, #tpu.memory_space<vmem>> -> memref<32xi32, #tpu.memory_space<vmem>>
    %dma_start3A_146 = arith.constant 0 : i32
    %dma_start3A_147 = arith.constant 0 : i32
    %dma_start3A_148 = tpu.memref_slice %arg6[%dma_start3A_146, %dma_start3A_147] : memref<12288x1024xf32, #tpu.memory_space<hbm>> -> memref<12288x1024xf32, #tpu.memory_space<hbm>>
    tpu.enqueue_indirect_dma source(%arg10 : memref<32x1024xf32, #tpu.memory_space<vmem>>) target(%dma_start3A_148 : memref<12288x1024xf32, #tpu.memory_space<hbm>>) offsets(%dma_start3A_145 : memref<32xi32, #tpu.memory_space<vmem>>) semaphore(%arg16 : memref<!tpu.dma_semaphore, #tpu.memory_space<semaphore_mem>>)
    %dma_wait3A_149 = arith.constant 4 : i32
    %dma_wait3A_150 = arith.constant 0 : i32
    %dma_wait3A_151 = tpu.memref_slice %arg7[%dma_wait3A_149, %dma_wait3A_150] : memref<12x32xi32, #tpu.memory_space<vmem>> -> memref<1x32xi32, #tpu.memory_space<vmem>>
    %dma_wait3A_152 = tpu.memref_squeeze %dma_wait3A_151 : memref<1x32xi32, #tpu.memory_space<vmem>> -> memref<32xi32, #tpu.memory_space<vmem>>
    %dma_wait3A_153 = arith.constant 0 : i32
    %dma_wait3A_154 = arith.constant 0 : i32
    %dma_wait3A_155 = tpu.memref_slice %arg6[%dma_wait3A_153, %dma_wait3A_154] : memref<12288x1024xf32, #tpu.memory_space<hbm>> -> memref<12288x1024xf32, #tpu.memory_space<hbm>>
    tpu.wait_indirect_dma semaphore(%arg15 : memref<!tpu.dma_semaphore, #tpu.memory_space<semaphore_mem>>) src(%arg9 : memref<32x1024xf32, #tpu.memory_space<vmem>>) dst(%dma_wait3A_155 : memref<12288x1024xf32, #tpu.memory_space<hbm>>)
    %add3A_156 = arith.constant 96 : i32
    %add3A_157 = arith.addi %mul3A_2, %add3A_156 : i32
    %dma_start3A_158 = arith.constant 0 : i32
    %dma_start3A_159 = tpu.memref_slice %arg3[%add3A_157, %dma_start3A_158] : memref<4096x1024xf32, #tpu.memory_space<hbm>> -> memref<32x1024xf32, #tpu.memory_space<hbm>>
    %dma_start3A_160 = arith.constant 0 : i32
    %dma_start3A_161 = tpu.memref_slice %arg3[%add3A_157, %dma_start3A_160] : memref<4096x1024xf32, #tpu.memory_space<hbm>> -> memref<32x1024xf32, #tpu.memory_space<hbm>>
    tpu.enqueue_dma source(%dma_start3A_161 : memref<32x1024xf32, #tpu.memory_space<hbm>>) target(%arg9 : memref<32x1024xf32, #tpu.memory_space<vmem>>) target_semaphore(%arg12 : memref<!tpu.dma_semaphore, #tpu.memory_space<semaphore_mem>>)
    %dma_wait3A_162 = arith.constant 0 : i32
    %dma_wait3A_163 = tpu.memref_slice %arg3[%add3A_133, %dma_wait3A_162] : memref<4096x1024xf32, #tpu.memory_space<hbm>> -> memref<32x1024xf32, #tpu.memory_space<hbm>>
    %dma_wait3A_164 = arith.constant 0 : i32
    %dma_wait3A_165 = tpu.memref_slice %arg3[%add3A_133, %dma_wait3A_164] : memref<4096x1024xf32, #tpu.memory_space<hbm>> -> memref<32x1024xf32, #tpu.memory_space<hbm>>
    tpu.wait_dma2 semaphore(%arg11 : memref<!tpu.dma_semaphore, #tpu.memory_space<semaphore_mem>>) src(%dma_wait3A_165 : memref<32x1024xf32, #tpu.memory_space<hbm>>) dst(%arg8 : memref<32x1024xf32, #tpu.memory_space<vmem>>)
    %dma_start3A_166 = arith.constant 6 : i32
    %dma_start3A_167 = arith.constant 0 : i32
    %dma_start3A_168 = tpu.memref_slice %arg7[%dma_start3A_166, %dma_start3A_167] : memref<12x32xi32, #tpu.memory_space<vmem>> -> memref<1x32xi32, #tpu.memory_space<vmem>>
    %dma_start3A_169 = tpu.memref_squeeze %dma_start3A_168 : memref<1x32xi32, #tpu.memory_space<vmem>> -> memref<32xi32, #tpu.memory_space<vmem>>
    %dma_start3A_170 = arith.constant 0 : i32
    %dma_start3A_171 = arith.constant 0 : i32
    %dma_start3A_172 = tpu.memref_slice %arg6[%dma_start3A_170, %dma_start3A_171] : memref<12288x1024xf32, #tpu.memory_space<hbm>> -> memref<12288x1024xf32, #tpu.memory_space<hbm>>
    tpu.enqueue_indirect_dma source(%arg8 : memref<32x1024xf32, #tpu.memory_space<vmem>>) target(%dma_start3A_172 : memref<12288x1024xf32, #tpu.memory_space<hbm>>) offsets(%dma_start3A_169 : memref<32xi32, #tpu.memory_space<vmem>>) semaphore(%arg14 : memref<!tpu.dma_semaphore, #tpu.memory_space<semaphore_mem>>)
    %dma_wait3A_173 = arith.constant 5 : i32
    %dma_wait3A_174 = arith.constant 0 : i32
    %dma_wait3A_175 = tpu.memref_slice %arg7[%dma_wait3A_173, %dma_wait3A_174] : memref<12x32xi32, #tpu.memory_space<vmem>> -> memref<1x32xi32, #tpu.memory_space<vmem>>
    %dma_wait3A_176 = tpu.memref_squeeze %dma_wait3A_175 : memref<1x32xi32, #tpu.memory_space<vmem>> -> memref<32xi32, #tpu.memory_space<vmem>>
    %dma_wait3A_177 = arith.constant 0 : i32
    %dma_wait3A_178 = arith.constant 0 : i32
    %dma_wait3A_179 = tpu.memref_slice %arg6[%dma_wait3A_177, %dma_wait3A_178] : memref<12288x1024xf32, #tpu.memory_space<hbm>> -> memref<12288x1024xf32, #tpu.memory_space<hbm>>
    tpu.wait_indirect_dma semaphore(%arg16 : memref<!tpu.dma_semaphore, #tpu.memory_space<semaphore_mem>>) src(%arg10 : memref<32x1024xf32, #tpu.memory_space<vmem>>) dst(%dma_wait3A_179 : memref<12288x1024xf32, #tpu.memory_space<hbm>>)
    %add3A_180 = arith.constant 0 : i32
    %add3A_181 = arith.addi %mul3A_2, %add3A_180 : i32
    %dma_start3A_182 = arith.constant 0 : i32
    %dma_start3A_183 = tpu.memref_slice %arg4[%add3A_181, %dma_start3A_182] : memref<4096x1024xf32, #tpu.memory_space<hbm>> -> memref<32x1024xf32, #tpu.memory_space<hbm>>
    %dma_start3A_184 = arith.constant 0 : i32
    %dma_start3A_185 = tpu.memref_slice %arg4[%add3A_181, %dma_start3A_184] : memref<4096x1024xf32, #tpu.memory_space<hbm>> -> memref<32x1024xf32, #tpu.memory_space<hbm>>
    tpu.enqueue_dma source(%dma_start3A_185 : memref<32x1024xf32, #tpu.memory_space<hbm>>) target(%arg10 : memref<32x1024xf32, #tpu.memory_space<vmem>>) target_semaphore(%arg13 : memref<!tpu.dma_semaphore, #tpu.memory_space<semaphore_mem>>)
    %dma_wait3A_186 = arith.constant 0 : i32
    %dma_wait3A_187 = tpu.memref_slice %arg3[%add3A_157, %dma_wait3A_186] : memref<4096x1024xf32, #tpu.memory_space<hbm>> -> memref<32x1024xf32, #tpu.memory_space<hbm>>
    %dma_wait3A_188 = arith.constant 0 : i32
    %dma_wait3A_189 = tpu.memref_slice %arg3[%add3A_157, %dma_wait3A_188] : memref<4096x1024xf32, #tpu.memory_space<hbm>> -> memref<32x1024xf32, #tpu.memory_space<hbm>>
    tpu.wait_dma2 semaphore(%arg12 : memref<!tpu.dma_semaphore, #tpu.memory_space<semaphore_mem>>) src(%dma_wait3A_189 : memref<32x1024xf32, #tpu.memory_space<hbm>>) dst(%arg9 : memref<32x1024xf32, #tpu.memory_space<vmem>>)
    %dma_start3A_190 = arith.constant 7 : i32
    %dma_start3A_191 = arith.constant 0 : i32
    %dma_start3A_192 = tpu.memref_slice %arg7[%dma_start3A_190, %dma_start3A_191] : memref<12x32xi32, #tpu.memory_space<vmem>> -> memref<1x32xi32, #tpu.memory_space<vmem>>
    %dma_start3A_193 = tpu.memref_squeeze %dma_start3A_192 : memref<1x32xi32, #tpu.memory_space<vmem>> -> memref<32xi32, #tpu.memory_space<vmem>>
    %dma_start3A_194 = arith.constant 0 : i32
    %dma_start3A_195 = arith.constant 0 : i32
    %dma_start3A_196 = tpu.memref_slice %arg6[%dma_start3A_194, %dma_start3A_195] : memref<12288x1024xf32, #tpu.memory_space<hbm>> -> memref<12288x1024xf32, #tpu.memory_space<hbm>>
    tpu.enqueue_indirect_dma source(%arg9 : memref<32x1024xf32, #tpu.memory_space<vmem>>) target(%dma_start3A_196 : memref<12288x1024xf32, #tpu.memory_space<hbm>>) offsets(%dma_start3A_193 : memref<32xi32, #tpu.memory_space<vmem>>) semaphore(%arg15 : memref<!tpu.dma_semaphore, #tpu.memory_space<semaphore_mem>>)
    %dma_wait3A_197 = arith.constant 6 : i32
    %dma_wait3A_198 = arith.constant 0 : i32
    %dma_wait3A_199 = tpu.memref_slice %arg7[%dma_wait3A_197, %dma_wait3A_198] : memref<12x32xi32, #tpu.memory_space<vmem>> -> memref<1x32xi32, #tpu.memory_space<vmem>>
    %dma_wait3A_200 = tpu.memref_squeeze %dma_wait3A_199 : memref<1x32xi32, #tpu.memory_space<vmem>> -> memref<32xi32, #tpu.memory_space<vmem>>
    %dma_wait3A_201 = arith.constant 0 : i32
    %dma_wait3A_202 = arith.constant 0 : i32
    %dma_wait3A_203 = tpu.memref_slice %arg6[%dma_wait3A_201, %dma_wait3A_202] : memref<12288x1024xf32, #tpu.memory_space<hbm>> -> memref<12288x1024xf32, #tpu.memory_space<hbm>>
    tpu.wait_indirect_dma semaphore(%arg14 : memref<!tpu.dma_semaphore, #tpu.memory_space<semaphore_mem>>) src(%arg8 : memref<32x1024xf32, #tpu.memory_space<vmem>>) dst(%dma_wait3A_203 : memref<12288x1024xf32, #tpu.memory_space<hbm>>)
    %add3A_204 = arith.constant 32 : i32
    %add3A_205 = arith.addi %mul3A_2, %add3A_204 : i32
    %dma_start3A_206 = arith.constant 0 : i32
    %dma_start3A_207 = tpu.memref_slice %arg4[%add3A_205, %dma_start3A_206] : memref<4096x1024xf32, #tpu.memory_space<hbm>> -> memref<32x1024xf32, #tpu.memory_space<hbm>>
    %dma_start3A_208 = arith.constant 0 : i32
    %dma_start3A_209 = tpu.memref_slice %arg4[%add3A_205, %dma_start3A_208] : memref<4096x1024xf32, #tpu.memory_space<hbm>> -> memref<32x1024xf32, #tpu.memory_space<hbm>>
    tpu.enqueue_dma source(%dma_start3A_209 : memref<32x1024xf32, #tpu.memory_space<hbm>>) target(%arg8 : memref<32x1024xf32, #tpu.memory_space<vmem>>) target_semaphore(%arg11 : memref<!tpu.dma_semaphore, #tpu.memory_space<semaphore_mem>>)
    %dma_wait3A_210 = arith.constant 0 : i32
    %dma_wait3A_211 = tpu.memref_slice %arg4[%add3A_181, %dma_wait3A_210] : memref<4096x1024xf32, #tpu.memory_space<hbm>> -> memref<32x1024xf32, #tpu.memory_space<hbm>>
    %dma_wait3A_212 = arith.constant 0 : i32
    %dma_wait3A_213 = tpu.memref_slice %arg4[%add3A_181, %dma_wait3A_212] : memref<4096x1024xf32, #tpu.memory_space<hbm>> -> memref<32x1024xf32, #tpu.memory_space<hbm>>
    tpu.wait_dma2 semaphore(%arg13 : memref<!tpu.dma_semaphore, #tpu.memory_space<semaphore_mem>>) src(%dma_wait3A_213 : memref<32x1024xf32, #tpu.memory_space<hbm>>) dst(%arg10 : memref<32x1024xf32, #tpu.memory_space<vmem>>)
    %dma_start3A_214 = arith.constant 8 : i32
    %dma_start3A_215 = arith.constant 0 : i32
    %dma_start3A_216 = tpu.memref_slice %arg7[%dma_start3A_214, %dma_start3A_215] : memref<12x32xi32, #tpu.memory_space<vmem>> -> memref<1x32xi32, #tpu.memory_space<vmem>>
    %dma_start3A_217 = tpu.memref_squeeze %dma_start3A_216 : memref<1x32xi32, #tpu.memory_space<vmem>> -> memref<32xi32, #tpu.memory_space<vmem>>
    %dma_start3A_218 = arith.constant 0 : i32
    %dma_start3A_219 = arith.constant 0 : i32
    %dma_start3A_220 = tpu.memref_slice %arg6[%dma_start3A_218, %dma_start3A_219] : memref<12288x1024xf32, #tpu.memory_space<hbm>> -> memref<12288x1024xf32, #tpu.memory_space<hbm>>
    tpu.enqueue_indirect_dma source(%arg10 : memref<32x1024xf32, #tpu.memory_space<vmem>>) target(%dma_start3A_220 : memref<12288x1024xf32, #tpu.memory_space<hbm>>) offsets(%dma_start3A_217 : memref<32xi32, #tpu.memory_space<vmem>>) semaphore(%arg16 : memref<!tpu.dma_semaphore, #tpu.memory_space<semaphore_mem>>)
    %dma_wait3A_221 = arith.constant 7 : i32
    %dma_wait3A_222 = arith.constant 0 : i32
    %dma_wait3A_223 = tpu.memref_slice %arg7[%dma_wait3A_221, %dma_wait3A_222] : memref<12x32xi32, #tpu.memory_space<vmem>> -> memref<1x32xi32, #tpu.memory_space<vmem>>
    %dma_wait3A_224 = tpu.memref_squeeze %dma_wait3A_223 : memref<1x32xi32, #tpu.memory_space<vmem>> -> memref<32xi32, #tpu.memory_space<vmem>>
    %dma_wait3A_225 = arith.constant 0 : i32
    %dma_wait3A_226 = arith.constant 0 : i32
    %dma_wait3A_227 = tpu.memref_slice %arg6[%dma_wait3A_225, %dma_wait3A_226] : memref<12288x1024xf32, #tpu.memory_space<hbm>> -> memref<12288x1024xf32, #tpu.memory_space<hbm>>
    tpu.wait_indirect_dma semaphore(%arg15 : memref<!tpu.dma_semaphore, #tpu.memory_space<semaphore_mem>>) src(%arg9 : memref<32x1024xf32, #tpu.memory_space<vmem>>) dst(%dma_wait3A_227 : memref<12288x1024xf32, #tpu.memory_space<hbm>>)
    %add3A_228 = arith.constant 64 : i32
    %add3A_229 = arith.addi %mul3A_2, %add3A_228 : i32
    %dma_start3A_230 = arith.constant 0 : i32
    %dma_start3A_231 = tpu.memref_slice %arg4[%add3A_229, %dma_start3A_230] : memref<4096x1024xf32, #tpu.memory_space<hbm>> -> memref<32x1024xf32, #tpu.memory_space<hbm>>
    %dma_start3A_232 = arith.constant 0 : i32
    %dma_start3A_233 = tpu.memref_slice %arg4[%add3A_229, %dma_start3A_232] : memref<4096x1024xf32, #tpu.memory_space<hbm>> -> memref<32x1024xf32, #tpu.memory_space<hbm>>
    tpu.enqueue_dma source(%dma_start3A_233 : memref<32x1024xf32, #tpu.memory_space<hbm>>) target(%arg9 : memref<32x1024xf32, #tpu.memory_space<vmem>>) target_semaphore(%arg12 : memref<!tpu.dma_semaphore, #tpu.memory_space<semaphore_mem>>)
    %dma_wait3A_234 = arith.constant 0 : i32
    %dma_wait3A_235 = tpu.memref_slice %arg4[%add3A_205, %dma_wait3A_234] : memref<4096x1024xf32, #tpu.memory_space<hbm>> -> memref<32x1024xf32, #tpu.memory_space<hbm>>
    %dma_wait3A_236 = arith.constant 0 : i32
    %dma_wait3A_237 = tpu.memref_slice %arg4[%add3A_205, %dma_wait3A_236] : memref<4096x1024xf32, #tpu.memory_space<hbm>> -> memref<32x1024xf32, #tpu.memory_space<hbm>>
    tpu.wait_dma2 semaphore(%arg11 : memref<!tpu.dma_semaphore, #tpu.memory_space<semaphore_mem>>) src(%dma_wait3A_237 : memref<32x1024xf32, #tpu.memory_space<hbm>>) dst(%arg8 : memref<32x1024xf32, #tpu.memory_space<vmem>>)
    %dma_start3A_238 = arith.constant 9 : i32
    %dma_start3A_239 = arith.constant 0 : i32
    %dma_start3A_240 = tpu.memref_slice %arg7[%dma_start3A_238, %dma_start3A_239] : memref<12x32xi32, #tpu.memory_space<vmem>> -> memref<1x32xi32, #tpu.memory_space<vmem>>
    %dma_start3A_241 = tpu.memref_squeeze %dma_start3A_240 : memref<1x32xi32, #tpu.memory_space<vmem>> -> memref<32xi32, #tpu.memory_space<vmem>>
    %dma_start3A_242 = arith.constant 0 : i32
    %dma_start3A_243 = arith.constant 0 : i32
    %dma_start3A_244 = tpu.memref_slice %arg6[%dma_start3A_242, %dma_start3A_243] : memref<12288x1024xf32, #tpu.memory_space<hbm>> -> memref<12288x1024xf32, #tpu.memory_space<hbm>>
    tpu.enqueue_indirect_dma source(%arg8 : memref<32x1024xf32, #tpu.memory_space<vmem>>) target(%dma_start3A_244 : memref<12288x1024xf32, #tpu.memory_space<hbm>>) offsets(%dma_start3A_241 : memref<32xi32, #tpu.memory_space<vmem>>) semaphore(%arg14 : memref<!tpu.dma_semaphore, #tpu.memory_space<semaphore_mem>>)
    %dma_wait3A_245 = arith.constant 8 : i32
    %dma_wait3A_246 = arith.constant 0 : i32
    %dma_wait3A_247 = tpu.memref_slice %arg7[%dma_wait3A_245, %dma_wait3A_246] : memref<12x32xi32, #tpu.memory_space<vmem>> -> memref<1x32xi32, #tpu.memory_space<vmem>>
    %dma_wait3A_248 = tpu.memref_squeeze %dma_wait3A_247 : memref<1x32xi32, #tpu.memory_space<vmem>> -> memref<32xi32, #tpu.memory_space<vmem>>
    %dma_wait3A_249 = arith.constant 0 : i32
    %dma_wait3A_250 = arith.constant 0 : i32
    %dma_wait3A_251 = tpu.memref_slice %arg6[%dma_wait3A_249, %dma_wait3A_250] : memref<12288x1024xf32, #tpu.memory_space<hbm>> -> memref<12288x1024xf32, #tpu.memory_space<hbm>>
    tpu.wait_indirect_dma semaphore(%arg16 : memref<!tpu.dma_semaphore, #tpu.memory_space<semaphore_mem>>) src(%arg10 : memref<32x1024xf32, #tpu.memory_space<vmem>>) dst(%dma_wait3A_251 : memref<12288x1024xf32, #tpu.memory_space<hbm>>)
    %add3A_252 = arith.constant 96 : i32
    %add3A_253 = arith.addi %mul3A_2, %add3A_252 : i32
    %dma_start3A_254 = arith.constant 0 : i32
    %dma_start3A_255 = tpu.memref_slice %arg4[%add3A_253, %dma_start3A_254] : memref<4096x1024xf32, #tpu.memory_space<hbm>> -> memref<32x1024xf32, #tpu.memory_space<hbm>>
    %dma_start3A_256 = arith.constant 0 : i32
    %dma_start3A_257 = tpu.memref_slice %arg4[%add3A_253, %dma_start3A_256] : memref<4096x1024xf32, #tpu.memory_space<hbm>> -> memref<32x1024xf32, #tpu.memory_space<hbm>>
    tpu.enqueue_dma source(%dma_start3A_257 : memref<32x1024xf32, #tpu.memory_space<hbm>>) target(%arg10 : memref<32x1024xf32, #tpu.memory_space<vmem>>) target_semaphore(%arg13 : memref<!tpu.dma_semaphore, #tpu.memory_space<semaphore_mem>>)
    %dma_wait3A_258 = arith.constant 0 : i32
    %dma_wait3A_259 = tpu.memref_slice %arg4[%add3A_229, %dma_wait3A_258] : memref<4096x1024xf32, #tpu.memory_space<hbm>> -> memref<32x1024xf32, #tpu.memory_space<hbm>>
    %dma_wait3A_260 = arith.constant 0 : i32
    %dma_wait3A_261 = tpu.memref_slice %arg4[%add3A_229, %dma_wait3A_260] : memref<4096x1024xf32, #tpu.memory_space<hbm>> -> memref<32x1024xf32, #tpu.memory_space<hbm>>
    tpu.wait_dma2 semaphore(%arg12 : memref<!tpu.dma_semaphore, #tpu.memory_space<semaphore_mem>>) src(%dma_wait3A_261 : memref<32x1024xf32, #tpu.memory_space<hbm>>) dst(%arg9 : memref<32x1024xf32, #tpu.memory_space<vmem>>)
    %dma_start3A_262 = arith.constant 10 : i32
    %dma_start3A_263 = arith.constant 0 : i32
    %dma_start3A_264 = tpu.memref_slice %arg7[%dma_start3A_262, %dma_start3A_263] : memref<12x32xi32, #tpu.memory_space<vmem>> -> memref<1x32xi32, #tpu.memory_space<vmem>>
    %dma_start3A_265 = tpu.memref_squeeze %dma_start3A_264 : memref<1x32xi32, #tpu.memory_space<vmem>> -> memref<32xi32, #tpu.memory_space<vmem>>
    %dma_start3A_266 = arith.constant 0 : i32
    %dma_start3A_267 = arith.constant 0 : i32
    %dma_start3A_268 = tpu.memref_slice %arg6[%dma_start3A_266, %dma_start3A_267] : memref<12288x1024xf32, #tpu.memory_space<hbm>> -> memref<12288x1024xf32, #tpu.memory_space<hbm>>
    tpu.enqueue_indirect_dma source(%arg9 : memref<32x1024xf32, #tpu.memory_space<vmem>>) target(%dma_start3A_268 : memref<12288x1024xf32, #tpu.memory_space<hbm>>) offsets(%dma_start3A_265 : memref<32xi32, #tpu.memory_space<vmem>>) semaphore(%arg15 : memref<!tpu.dma_semaphore, #tpu.memory_space<semaphore_mem>>)
    %dma_wait3A_269 = arith.constant 0 : i32
    %dma_wait3A_270 = tpu.memref_slice %arg4[%add3A_253, %dma_wait3A_269] : memref<4096x1024xf32, #tpu.memory_space<hbm>> -> memref<32x1024xf32, #tpu.memory_space<hbm>>
    %dma_wait3A_271 = arith.constant 0 : i32
    %dma_wait3A_272 = tpu.memref_slice %arg4[%add3A_253, %dma_wait3A_271] : memref<4096x1024xf32, #tpu.memory_space<hbm>> -> memref<32x1024xf32, #tpu.memory_space<hbm>>
    tpu.wait_dma2 semaphore(%arg13 : memref<!tpu.dma_semaphore, #tpu.memory_space<semaphore_mem>>) src(%dma_wait3A_272 : memref<32x1024xf32, #tpu.memory_space<hbm>>) dst(%arg10 : memref<32x1024xf32, #tpu.memory_space<vmem>>)
    %dma_start3A_273 = arith.constant 11 : i32
    %dma_start3A_274 = arith.constant 0 : i32
    %dma_start3A_275 = tpu.memref_slice %arg7[%dma_start3A_273, %dma_start3A_274] : memref<12x32xi32, #tpu.memory_space<vmem>> -> memref<1x32xi32, #tpu.memory_space<vmem>>
    %dma_start3A_276 = tpu.memref_squeeze %dma_start3A_275 : memref<1x32xi32, #tpu.memory_space<vmem>> -> memref<32xi32, #tpu.memory_space<vmem>>
    %dma_start3A_277 = arith.constant 0 : i32
    %dma_start3A_278 = arith.constant 0 : i32
    %dma_start3A_279 = tpu.memref_slice %arg6[%dma_start3A_277, %dma_start3A_278] : memref<12288x1024xf32, #tpu.memory_space<hbm>> -> memref<12288x1024xf32, #tpu.memory_space<hbm>>
    tpu.enqueue_indirect_dma source(%arg10 : memref<32x1024xf32, #tpu.memory_space<vmem>>) target(%dma_start3A_279 : memref<12288x1024xf32, #tpu.memory_space<hbm>>) offsets(%dma_start3A_276 : memref<32xi32, #tpu.memory_space<vmem>>) semaphore(%arg16 : memref<!tpu.dma_semaphore, #tpu.memory_space<semaphore_mem>>)
    %dma_wait3A_280 = arith.constant 9 : i32
    %dma_wait3A_281 = arith.constant 0 : i32
    %dma_wait3A_282 = tpu.memref_slice %arg7[%dma_wait3A_280, %dma_wait3A_281] : memref<12x32xi32, #tpu.memory_space<vmem>> -> memref<1x32xi32, #tpu.memory_space<vmem>>
    %dma_wait3A_283 = tpu.memref_squeeze %dma_wait3A_282 : memref<1x32xi32, #tpu.memory_space<vmem>> -> memref<32xi32, #tpu.memory_space<vmem>>
    %dma_wait3A_284 = arith.constant 0 : i32
    %dma_wait3A_285 = arith.constant 0 : i32
    %dma_wait3A_286 = tpu.memref_slice %arg6[%dma_wait3A_284, %dma_wait3A_285] : memref<12288x1024xf32, #tpu.memory_space<hbm>> -> memref<12288x1024xf32, #tpu.memory_space<hbm>>
    tpu.wait_indirect_dma semaphore(%arg14 : memref<!tpu.dma_semaphore, #tpu.memory_space<semaphore_mem>>) src(%arg8 : memref<32x1024xf32, #tpu.memory_space<vmem>>) dst(%dma_wait3A_286 : memref<12288x1024xf32, #tpu.memory_space<hbm>>)
    %dma_wait3A_287 = arith.constant 10 : i32
    %dma_wait3A_288 = arith.constant 0 : i32
    %dma_wait3A_289 = tpu.memref_slice %arg7[%dma_wait3A_287, %dma_wait3A_288] : memref<12x32xi32, #tpu.memory_space<vmem>> -> memref<1x32xi32, #tpu.memory_space<vmem>>
    %dma_wait3A_290 = tpu.memref_squeeze %dma_wait3A_289 : memref<1x32xi32, #tpu.memory_space<vmem>> -> memref<32xi32, #tpu.memory_space<vmem>>
    %dma_wait3A_291 = arith.constant 0 : i32
    %dma_wait3A_292 = arith.constant 0 : i32
    %dma_wait3A_293 = tpu.memref_slice %arg6[%dma_wait3A_291, %dma_wait3A_292] : memref<12288x1024xf32, #tpu.memory_space<hbm>> -> memref<12288x1024xf32, #tpu.memory_space<hbm>>
    tpu.wait_indirect_dma semaphore(%arg15 : memref<!tpu.dma_semaphore, #tpu.memory_space<semaphore_mem>>) src(%arg9 : memref<32x1024xf32, #tpu.memory_space<vmem>>) dst(%dma_wait3A_293 : memref<12288x1024xf32, #tpu.memory_space<hbm>>)
    %dma_wait3A_294 = arith.constant 11 : i32
    %dma_wait3A_295 = arith.constant 0 : i32
    %dma_wait3A_296 = tpu.memref_slice %arg7[%dma_wait3A_294, %dma_wait3A_295] : memref<12x32xi32, #tpu.memory_space<vmem>> -> memref<1x32xi32, #tpu.memory_space<vmem>>
    %dma_wait3A_297 = tpu.memref_squeeze %dma_wait3A_296 : memref<1x32xi32, #tpu.memory_space<vmem>> -> memref<32xi32, #tpu.memory_space<vmem>>
    %dma_wait3A_298 = arith.constant 0 : i32
    %dma_wait3A_299 = arith.constant 0 : i32
    %dma_wait3A_300 = tpu.memref_slice %arg6[%dma_wait3A_298, %dma_wait3A_299] : memref<12288x1024xf32, #tpu.memory_space<hbm>> -> memref<12288x1024xf32, #tpu.memory_space<hbm>>
    tpu.wait_indirect_dma semaphore(%arg16 : memref<!tpu.dma_semaphore, #tpu.memory_space<semaphore_mem>>) src(%arg10 : memref<32x1024xf32, #tpu.memory_space<vmem>>) dst(%dma_wait3A_300 : memref<12288x1024xf32, #tpu.memory_space<hbm>>)
    return
  }
}

module attributes {stable_mosaic.version = 14 : i64} {
  func.func @_rank_kernel(%arg0: memref<12288xi32, #tpu.memory_space<vmem>>, %arg1: memref<24x512xi32, #tpu.memory_space<vmem>>, %arg2: memref<3072x128xbf16, #tpu.memory_space<vmem>>, %arg3: memref<128x128xf32, #tpu.memory_space<vmem>>, %arg4: memref<128x128xf32, #tpu.memory_space<vmem>>, %arg5: memref<24x512xf32, #tpu.memory_space<vmem>>) attributes {dimension_semantics = [], scalar_prefetch = 0 : i64, scratch_operands = 4 : i64, tpu.core_type = #tpu.core_type<tc>} {
    %iota3A = tpu.iota {dimensions = array<i32: 0>} : vector<128x512xi32>
    %iota3A_0 = tpu.iota {dimensions = array<i32: 1>} : vector<512x128xi32>
    %iota3A_1 = tpu.iota {dimensions = array<i32: 0>} : vector<512x512xi32>
    %iota3A_2 = tpu.iota {dimensions = array<i32: 1>} : vector<512x512xi32>
    %eq3A = arith.cmpi eq, %iota3A_1, %iota3A_2 : vector<512x512xi32>
    %convert_element_type3A = arith.extui %eq3A : vector<512x512xi1> to vector<512x512xi32>
    %convert_element_type3A_3 = arith.sitofp %convert_element_type3A : vector<512x512xi32> to vector<512x512xf32>
    %broadcast_in_dim3A = arith.constant 0.000000e+00 : f32
    %broadcast_in_dim3A_4 = vector.broadcast %broadcast_in_dim3A : f32 to vector<128x128xf32>
    %swap3A = arith.constant 0 : index
    %swap3A_5 = arith.constant 0 : index
    %swap3A_6 = vector.load %arg3[%swap3A, %swap3A_5] : memref<128x128xf32, #tpu.memory_space<vmem>>, vector<128x128xf32>
    tpu.vector_store %arg3[%swap3A, %swap3A_5], %broadcast_in_dim3A_4 {strides = array<i32>} : memref<128x128xf32, #tpu.memory_space<vmem>>, vector<128x128xf32>,
    %scan3A = arith.constant 0 : i32
    %mul3A = arith.constant 512 : i32
    %mul3A_7 = arith.muli %scan3A, %mul3A : i32
    %get3A = arith.index_cast %mul3A_7 : i32 to index
    %get3A_8 = vector.load %arg0[%get3A] : memref<12288xi32, #tpu.memory_space<vmem>>, vector<512xi32>
    %reshape3A = vector.shape_cast %get3A_8 : vector<512xi32> to vector<1x512xi32>
    %convert_element_type3A_9 = arith.sitofp %reshape3A : vector<1x512xi32> to vector<1x512xf32>
    %mul3A_10 = vector.broadcast %convert_element_type3A_9 : vector<1x512xf32> to vector<512x512xf32>
    %mul3A_11 = arith.mulf %mul3A_10, %convert_element_type3A_3 : vector<512x512xf32>
    %reduce_sum3A = arith.constant dense<0.000000e+00> : vector<512xf32>
    %reduce_sum3A_12 = vector.multi_reduction <add>, %mul3A_11, %reduce_sum3A [1] : vector<512x512xf32> to vector<512xf32>
    %broadcast_in_dim3A_13 = vector.shape_cast %reduce_sum3A_12 : vector<512xf32> to vector<512x1xf32>
    %convert_element_type3A_14 = arith.fptosi %broadcast_in_dim3A_13 : vector<512x1xf32> to vector<512x1xi32>
    %and3A = arith.constant 127 : i32
    %and3A_15 = vector.broadcast %and3A : i32 to vector<1x512xi32>
    %and3A_16 = arith.andi %reshape3A, %and3A_15 : vector<1x512xi32>
    %shift_right_arithmetic3A = arith.constant 7 : i32
    %shift_right_arithmetic3A_17 = vector.broadcast %shift_right_arithmetic3A : i32 to vector<512x1xi32>
    %shift_right_arithmetic3A_18 = arith.shrsi %convert_element_type3A_14, %shift_right_arithmetic3A_17 : vector<512x1xi32>
    %eq3A_19 = vector.broadcast %and3A_16 : vector<1x512xi32> to vector<128x512xi32>
    %eq3A_20 = arith.cmpi eq, %eq3A_19, %iota3A : vector<128x512xi32>
    %convert_element_type3A_21 = arith.extui %eq3A_20 : vector<128x512xi1> to vector<128x512xi32>
    %convert_element_type3A_22 = arith.sitofp %convert_element_type3A_21 : vector<128x512xi32> to vector<128x512xf32>
    %convert_element_type3A_23 = arith.truncf %convert_element_type3A_22 : vector<128x512xf32> to vector<128x512xbf16>
    %eq3A_24 = vector.broadcast %shift_right_arithmetic3A_18 : vector<512x1xi32> to vector<512x128xi32>
    %eq3A_25 = arith.cmpi eq, %eq3A_24, %iota3A_0 : vector<512x128xi32>
    %convert_element_type3A_26 = arith.extui %eq3A_25 : vector<512x128xi1> to vector<512x128xi32>
    %convert_element_type3A_27 = arith.sitofp %convert_element_type3A_26 : vector<512x128xi32> to vector<512x128xf32>
    %convert_element_type3A_28 = arith.truncf %convert_element_type3A_27 : vector<512x128xf32> to vector<512x128xbf16>
    %dot_general3A = arith.constant dense<0.000000e+00> : vector<128x128xf32>
    %dot_general3A_29 = tpu.matmul %convert_element_type3A_23, %convert_element_type3A_28, %dot_general3A {dimension_numbers = #tpu.dot_dimension_numbers<[1], [0], [0], [1], [0, 0, 1, 1], [], []>, transpose_lhs_hint = false} : vector<128x512xbf16>, vector<512x128xbf16>, vector<128x128xf32> -> vector<128x128xf32>
    %get3A_30 = arith.constant 0 : index
    %get3A_31 = arith.constant 0 : index
    %get3A_32 = vector.load %arg3[%get3A_30, %get3A_31] : memref<128x128xf32, #tpu.memory_space<vmem>>, vector<128x128xf32>
    %add3A = arith.addf %get3A_32, %dot_general3A_29 : vector<128x128xf32>
    %swap3A_33 = arith.constant 0 : index
    %swap3A_34 = arith.constant 0 : index
    %swap3A_35 = vector.load %arg3[%swap3A_33, %swap3A_34] : memref<128x128xf32, #tpu.memory_space<vmem>>, vector<128x128xf32>
    tpu.vector_store %arg3[%swap3A_33, %swap3A_34], %add3A {strides = array<i32>} : memref<128x128xf32, #tpu.memory_space<vmem>>, vector<128x128xf32>,
    %convert_element_type3A_36 = arith.truncf %dot_general3A_29 : vector<128x128xf32> to vector<128x128xbf16>
    %mul3A_37 = arith.constant 128 : i32
    %mul3A_38 = arith.muli %scan3A, %mul3A_37 : i32
    %swap3A_39 = arith.index_cast %mul3A_38 : i32 to index
    %swap3A_40 = arith.constant 0 : index
    %swap3A_41 = vector.load %arg2[%swap3A_39, %swap3A_40] : memref<3072x128xbf16, #tpu.memory_space<vmem>>, vector<128x128xbf16>
    tpu.vector_store %arg2[%swap3A_39, %swap3A_40], %convert_element_type3A_36 {strides = array<i32>} : memref<3072x128xbf16, #tpu.memory_space<vmem>>, vector<128x128xbf16>,
    %eq3A_42 = vector.broadcast %convert_element_type3A_14 : vector<512x1xi32> to vector<512x512xi32>
    %eq3A_43 = vector.broadcast %reshape3A : vector<1x512xi32> to vector<512x512xi32>
    %eq3A_44 = arith.cmpi eq, %eq3A_42, %eq3A_43 : vector<512x512xi32>
    %lt3A = arith.cmpi slt, %iota3A_2, %iota3A_1 : vector<512x512xi32>
    %and3A_45 = arith.andi %eq3A_44, %lt3A : vector<512x512xi1>
    %jit3A = arith.constant 1.000000e+00 : f32
    %jit3A_46 = arith.constant 0.000000e+00 : f32
    %broadcast_in_dim3A_47 = vector.broadcast %jit3A : f32 to vector<512x512xf32>
    %broadcast_in_dim3A_48 = vector.broadcast %jit3A_46 : f32 to vector<512x512xf32>
    %select_n3A = arith.select %and3A_45, %broadcast_in_dim3A_47, %broadcast_in_dim3A_48 : vector<512x512xi1>, vector<512x512xf32>
    %reduce_sum3A_49 = arith.constant dense<0.000000e+00> : vector<512xf32>
    %reduce_sum3A_50 = vector.multi_reduction <add>, %select_n3A, %reduce_sum3A_49 [1] : vector<512x512xf32> to vector<512xf32>
    %broadcast_in_dim3A_51 = vector.shape_cast %reduce_sum3A_50 : vector<512xf32> to vector<512x1xf32>
    %mul3A_52 = vector.broadcast %broadcast_in_dim3A_51 : vector<512x1xf32> to vector<512x512xf32>
    %mul3A_53 = arith.mulf %mul3A_52, %convert_element_type3A_3 : vector<512x512xf32>
    %reduce_sum3A_54 = arith.constant dense<0.000000e+00> : vector<512xf32>
    %reduce_sum3A_55 = vector.multi_reduction <add>, %mul3A_53, %reduce_sum3A_54 [0] : vector<512x512xf32> to vector<512xf32>
    %broadcast_in_dim3A_56 = vector.shape_cast %reduce_sum3A_55 : vector<512xf32> to vector<1x512xf32>
    %swap3A_57 = arith.index_cast %scan3A : i32 to index
    %swap3A_58 = arith.constant 0 : index
    %swap3A_59 = vector.load %arg5[%swap3A_57, %swap3A_58] : memref<24x512xf32, #tpu.memory_space<vmem>>, vector<1x512xf32>
    tpu.vector_store %arg5[%swap3A_57, %swap3A_58], %broadcast_in_dim3A_56 {strides = array<i32>} : memref<24x512xf32, #tpu.memory_space<vmem>>, vector<1x512xf32>,
    %scan3A_60 = arith.constant 1 : i32
    %mul3A_61 = arith.constant 512 : i32
    %mul3A_62 = arith.muli %scan3A_60, %mul3A_61 : i32
    %get3A_63 = arith.index_cast %mul3A_62 : i32 to index
    %get3A_64 = vector.load %arg0[%get3A_63] : memref<12288xi32, #tpu.memory_space<vmem>>, vector<512xi32>
    %reshape3A_65 = vector.shape_cast %get3A_64 : vector<512xi32> to vector<1x512xi32>
    %convert_element_type3A_66 = arith.sitofp %reshape3A_65 : vector<1x512xi32> to vector<1x512xf32>
    %mul3A_67 = vector.broadcast %convert_element_type3A_66 : vector<1x512xf32> to vector<512x512xf32>
    %mul3A_68 = arith.mulf %mul3A_67, %convert_element_type3A_3 : vector<512x512xf32>
    %reduce_sum3A_69 = arith.constant dense<0.000000e+00> : vector<512xf32>
    %reduce_sum3A_70 = vector.multi_reduction <add>, %mul3A_68, %reduce_sum3A_69 [1] : vector<512x512xf32> to vector<512xf32>
    %broadcast_in_dim3A_71 = vector.shape_cast %reduce_sum3A_70 : vector<512xf32> to vector<512x1xf32>
    %convert_element_type3A_72 = arith.fptosi %broadcast_in_dim3A_71 : vector<512x1xf32> to vector<512x1xi32>
    %and3A_73 = arith.constant 127 : i32
    %and3A_74 = vector.broadcast %and3A_73 : i32 to vector<1x512xi32>
    %and3A_75 = arith.andi %reshape3A_65, %and3A_74 : vector<1x512xi32>
    %shift_right_arithmetic3A_76 = arith.constant 7 : i32
    %shift_right_arithmetic3A_77 = vector.broadcast %shift_right_arithmetic3A_76 : i32 to vector<512x1xi32>
    %shift_right_arithmetic3A_78 = arith.shrsi %convert_element_type3A_72, %shift_right_arithmetic3A_77 : vector<512x1xi32>
    %eq3A_79 = vector.broadcast %and3A_75 : vector<1x512xi32> to vector<128x512xi32>
    %eq3A_80 = arith.cmpi eq, %eq3A_79, %iota3A : vector<128x512xi32>
    %convert_element_type3A_81 = arith.extui %eq3A_80 : vector<128x512xi1> to vector<128x512xi32>
    %convert_element_type3A_82 = arith.sitofp %convert_element_type3A_81 : vector<128x512xi32> to vector<128x512xf32>
    %convert_element_type3A_83 = arith.truncf %convert_element_type3A_82 : vector<128x512xf32> to vector<128x512xbf16>
    %eq3A_84 = vector.broadcast %shift_right_arithmetic3A_78 : vector<512x1xi32> to vector<512x128xi32>
    %eq3A_85 = arith.cmpi eq, %eq3A_84, %iota3A_0 : vector<512x128xi32>
    %convert_element_type3A_86 = arith.extui %eq3A_85 : vector<512x128xi1> to vector<512x128xi32>
    %convert_element_type3A_87 = arith.sitofp %convert_element_type3A_86 : vector<512x128xi32> to vector<512x128xf32>
    %convert_element_type3A_88 = arith.truncf %convert_element_type3A_87 : vector<512x128xf32> to vector<512x128xbf16>
    %dot_general3A_89 = arith.constant dense<0.000000e+00> : vector<128x128xf32>
    %dot_general3A_90 = tpu.matmul %convert_element_type3A_83, %convert_element_type3A_88, %dot_general3A_89 {dimension_numbers = #tpu.dot_dimension_numbers<[1], [0], [0], [1], [0, 0, 1, 1], [], []>, transpose_lhs_hint = false} : vector<128x512xbf16>, vector<512x128xbf16>, vector<128x128xf32> -> vector<128x128xf32>
    %get3A_91 = arith.constant 0 : index
    %get3A_92 = arith.constant 0 : index
    %get3A_93 = vector.load %arg3[%get3A_91, %get3A_92] : memref<128x128xf32, #tpu.memory_space<vmem>>, vector<128x128xf32>
    %add3A_94 = arith.addf %get3A_93, %dot_general3A_90 : vector<128x128xf32>
    %swap3A_95 = arith.constant 0 : index
    %swap3A_96 = arith.constant 0 : index
    %swap3A_97 = vector.load %arg3[%swap3A_95, %swap3A_96] : memref<128x128xf32, #tpu.memory_space<vmem>>, vector<128x128xf32>
    tpu.vector_store %arg3[%swap3A_95, %swap3A_96], %add3A_94 {strides = array<i32>} : memref<128x128xf32, #tpu.memory_space<vmem>>, vector<128x128xf32>,
    %convert_element_type3A_98 = arith.truncf %dot_general3A_90 : vector<128x128xf32> to vector<128x128xbf16>
    %mul3A_99 = arith.constant 128 : i32
    %mul3A_100 = arith.muli %scan3A_60, %mul3A_99 : i32
    %swap3A_101 = arith.index_cast %mul3A_100 : i32 to index
    %swap3A_102 = arith.constant 0 : index
    %swap3A_103 = vector.load %arg2[%swap3A_101, %swap3A_102] : memref<3072x128xbf16, #tpu.memory_space<vmem>>, vector<128x128xbf16>
    tpu.vector_store %arg2[%swap3A_101, %swap3A_102], %convert_element_type3A_98 {strides = array<i32>} : memref<3072x128xbf16, #tpu.memory_space<vmem>>, vector<128x128xbf16>,
    %eq3A_104 = vector.broadcast %convert_element_type3A_72 : vector<512x1xi32> to vector<512x512xi32>
    %eq3A_105 = vector.broadcast %reshape3A_65 : vector<1x512xi32> to vector<512x512xi32>
    %eq3A_106 = arith.cmpi eq, %eq3A_104, %eq3A_105 : vector<512x512xi32>
    %lt3A_107 = arith.cmpi slt, %iota3A_2, %iota3A_1 : vector<512x512xi32>
    %and3A_108 = arith.andi %eq3A_106, %lt3A_107 : vector<512x512xi1>
    %jit3A_109 = arith.constant 1.000000e+00 : f32
    %jit3A_110 = arith.constant 0.000000e+00 : f32
    %broadcast_in_dim3A_111 = vector.broadcast %jit3A_109 : f32 to vector<512x512xf32>
    %broadcast_in_dim3A_112 = vector.broadcast %jit3A_110 : f32 to vector<512x512xf32>
    %select_n3A_113 = arith.select %and3A_108, %broadcast_in_dim3A_111, %broadcast_in_dim3A_112 : vector<512x512xi1>, vector<512x512xf32>
    %reduce_sum3A_114 = arith.constant dense<0.000000e+00> : vector<512xf32>
    %reduce_sum3A_115 = vector.multi_reduction <add>, %select_n3A_113, %reduce_sum3A_114 [1] : vector<512x512xf32> to vector<512xf32>
    %broadcast_in_dim3A_116 = vector.shape_cast %reduce_sum3A_115 : vector<512xf32> to vector<512x1xf32>
    %mul3A_117 = vector.broadcast %broadcast_in_dim3A_116 : vector<512x1xf32> to vector<512x512xf32>
    %mul3A_118 = arith.mulf %mul3A_117, %convert_element_type3A_3 : vector<512x512xf32>
    %reduce_sum3A_119 = arith.constant dense<0.000000e+00> : vector<512xf32>
    %reduce_sum3A_120 = vector.multi_reduction <add>, %mul3A_118, %reduce_sum3A_119 [0] : vector<512x512xf32> to vector<512xf32>
    %broadcast_in_dim3A_121 = vector.shape_cast %reduce_sum3A_120 : vector<512xf32> to vector<1x512xf32>
    %swap3A_122 = arith.index_cast %scan3A_60 : i32 to index
    %swap3A_123 = arith.constant 0 : index
    %swap3A_124 = vector.load %arg5[%swap3A_122, %swap3A_123] : memref<24x512xf32, #tpu.memory_space<vmem>>, vector<1x512xf32>
    tpu.vector_store %arg5[%swap3A_122, %swap3A_123], %broadcast_in_dim3A_121 {strides = array<i32>} : memref<24x512xf32, #tpu.memory_space<vmem>>, vector<1x512xf32>,
    %scan3A_125 = arith.constant 2 : i32
    %mul3A_126 = arith.constant 512 : i32
    %mul3A_127 = arith.muli %scan3A_125, %mul3A_126 : i32
    %get3A_128 = arith.index_cast %mul3A_127 : i32 to index
    %get3A_129 = vector.load %arg0[%get3A_128] : memref<12288xi32, #tpu.memory_space<vmem>>, vector<512xi32>
    %reshape3A_130 = vector.shape_cast %get3A_129 : vector<512xi32> to vector<1x512xi32>
    %convert_element_type3A_131 = arith.sitofp %reshape3A_130 : vector<1x512xi32> to vector<1x512xf32>
    %mul3A_132 = vector.broadcast %convert_element_type3A_131 : vector<1x512xf32> to vector<512x512xf32>
    %mul3A_133 = arith.mulf %mul3A_132, %convert_element_type3A_3 : vector<512x512xf32>
    %reduce_sum3A_134 = arith.constant dense<0.000000e+00> : vector<512xf32>
    %reduce_sum3A_135 = vector.multi_reduction <add>, %mul3A_133, %reduce_sum3A_134 [1] : vector<512x512xf32> to vector<512xf32>
    %broadcast_in_dim3A_136 = vector.shape_cast %reduce_sum3A_135 : vector<512xf32> to vector<512x1xf32>
    %convert_element_type3A_137 = arith.fptosi %broadcast_in_dim3A_136 : vector<512x1xf32> to vector<512x1xi32>
    %and3A_138 = arith.constant 127 : i32
    %and3A_139 = vector.broadcast %and3A_138 : i32 to vector<1x512xi32>
    %and3A_140 = arith.andi %reshape3A_130, %and3A_139 : vector<1x512xi32>
    %shift_right_arithmetic3A_141 = arith.constant 7 : i32
    %shift_right_arithmetic3A_142 = vector.broadcast %shift_right_arithmetic3A_141 : i32 to vector<512x1xi32>
    %shift_right_arithmetic3A_143 = arith.shrsi %convert_element_type3A_137, %shift_right_arithmetic3A_142 : vector<512x1xi32>
    %eq3A_144 = vector.broadcast %and3A_140 : vector<1x512xi32> to vector<128x512xi32>
    %eq3A_145 = arith.cmpi eq, %eq3A_144, %iota3A : vector<128x512xi32>
    %convert_element_type3A_146 = arith.extui %eq3A_145 : vector<128x512xi1> to vector<128x512xi32>
    %convert_element_type3A_147 = arith.sitofp %convert_element_type3A_146 : vector<128x512xi32> to vector<128x512xf32>
    %convert_element_type3A_148 = arith.truncf %convert_element_type3A_147 : vector<128x512xf32> to vector<128x512xbf16>
    %eq3A_149 = vector.broadcast %shift_right_arithmetic3A_143 : vector<512x1xi32> to vector<512x128xi32>
    %eq3A_150 = arith.cmpi eq, %eq3A_149, %iota3A_0 : vector<512x128xi32>
    %convert_element_type3A_151 = arith.extui %eq3A_150 : vector<512x128xi1> to vector<512x128xi32>
    %convert_element_type3A_152 = arith.sitofp %convert_element_type3A_151 : vector<512x128xi32> to vector<512x128xf32>
    %convert_element_type3A_153 = arith.truncf %convert_element_type3A_152 : vector<512x128xf32> to vector<512x128xbf16>
    %dot_general3A_154 = arith.constant dense<0.000000e+00> : vector<128x128xf32>
    %dot_general3A_155 = tpu.matmul %convert_element_type3A_148, %convert_element_type3A_153, %dot_general3A_154 {dimension_numbers = #tpu.dot_dimension_numbers<[1], [0], [0], [1], [0, 0, 1, 1], [], []>, transpose_lhs_hint = false} : vector<128x512xbf16>, vector<512x128xbf16>, vector<128x128xf32> -> vector<128x128xf32>
    %get3A_156 = arith.constant 0 : index
    %get3A_157 = arith.constant 0 : index
    %get3A_158 = vector.load %arg3[%get3A_156, %get3A_157] : memref<128x128xf32, #tpu.memory_space<vmem>>, vector<128x128xf32>
    %add3A_159 = arith.addf %get3A_158, %dot_general3A_155 : vector<128x128xf32>
    %swap3A_160 = arith.constant 0 : index
    %swap3A_161 = arith.constant 0 : index
    %swap3A_162 = vector.load %arg3[%swap3A_160, %swap3A_161] : memref<128x128xf32, #tpu.memory_space<vmem>>, vector<128x128xf32>
    tpu.vector_store %arg3[%swap3A_160, %swap3A_161], %add3A_159 {strides = array<i32>} : memref<128x128xf32, #tpu.memory_space<vmem>>, vector<128x128xf32>,
    %convert_element_type3A_163 = arith.truncf %dot_general3A_155 : vector<128x128xf32> to vector<128x128xbf16>
    %mul3A_164 = arith.constant 128 : i32
    %mul3A_165 = arith.muli %scan3A_125, %mul3A_164 : i32
    %swap3A_166 = arith.index_cast %mul3A_165 : i32 to index
    %swap3A_167 = arith.constant 0 : index
    %swap3A_168 = vector.load %arg2[%swap3A_166, %swap3A_167] : memref<3072x128xbf16, #tpu.memory_space<vmem>>, vector<128x128xbf16>
    tpu.vector_store %arg2[%swap3A_166, %swap3A_167], %convert_element_type3A_163 {strides = array<i32>} : memref<3072x128xbf16, #tpu.memory_space<vmem>>, vector<128x128xbf16>,
    %eq3A_169 = vector.broadcast %convert_element_type3A_137 : vector<512x1xi32> to vector<512x512xi32>
    %eq3A_170 = vector.broadcast %reshape3A_130 : vector<1x512xi32> to vector<512x512xi32>
    %eq3A_171 = arith.cmpi eq, %eq3A_169, %eq3A_170 : vector<512x512xi32>
    %lt3A_172 = arith.cmpi slt, %iota3A_2, %iota3A_1 : vector<512x512xi32>
    %and3A_173 = arith.andi %eq3A_171, %lt3A_172 : vector<512x512xi1>
    %jit3A_174 = arith.constant 1.000000e+00 : f32
    %jit3A_175 = arith.constant 0.000000e+00 : f32
    %broadcast_in_dim3A_176 = vector.broadcast %jit3A_174 : f32 to vector<512x512xf32>
    %broadcast_in_dim3A_177 = vector.broadcast %jit3A_175 : f32 to vector<512x512xf32>
    %select_n3A_178 = arith.select %and3A_173, %broadcast_in_dim3A_176, %broadcast_in_dim3A_177 : vector<512x512xi1>, vector<512x512xf32>
    %reduce_sum3A_179 = arith.constant dense<0.000000e+00> : vector<512xf32>
    %reduce_sum3A_180 = vector.multi_reduction <add>, %select_n3A_178, %reduce_sum3A_179 [1] : vector<512x512xf32> to vector<512xf32>
    %broadcast_in_dim3A_181 = vector.shape_cast %reduce_sum3A_180 : vector<512xf32> to vector<512x1xf32>
    %mul3A_182 = vector.broadcast %broadcast_in_dim3A_181 : vector<512x1xf32> to vector<512x512xf32>
    %mul3A_183 = arith.mulf %mul3A_182, %convert_element_type3A_3 : vector<512x512xf32>
    %reduce_sum3A_184 = arith.constant dense<0.000000e+00> : vector<512xf32>
    %reduce_sum3A_185 = vector.multi_reduction <add>, %mul3A_183, %reduce_sum3A_184 [0] : vector<512x512xf32> to vector<512xf32>
    %broadcast_in_dim3A_186 = vector.shape_cast %reduce_sum3A_185 : vector<512xf32> to vector<1x512xf32>
    %swap3A_187 = arith.index_cast %scan3A_125 : i32 to index
    %swap3A_188 = arith.constant 0 : index
    %swap3A_189 = vector.load %arg5[%swap3A_187, %swap3A_188] : memref<24x512xf32, #tpu.memory_space<vmem>>, vector<1x512xf32>
    tpu.vector_store %arg5[%swap3A_187, %swap3A_188], %broadcast_in_dim3A_186 {strides = array<i32>} : memref<24x512xf32, #tpu.memory_space<vmem>>, vector<1x512xf32>,
    %scan3A_190 = arith.constant 3 : i32
    %mul3A_191 = arith.constant 512 : i32
    %mul3A_192 = arith.muli %scan3A_190, %mul3A_191 : i32
    %get3A_193 = arith.index_cast %mul3A_192 : i32 to index
    %get3A_194 = vector.load %arg0[%get3A_193] : memref<12288xi32, #tpu.memory_space<vmem>>, vector<512xi32>
    %reshape3A_195 = vector.shape_cast %get3A_194 : vector<512xi32> to vector<1x512xi32>
    %convert_element_type3A_196 = arith.sitofp %reshape3A_195 : vector<1x512xi32> to vector<1x512xf32>
    %mul3A_197 = vector.broadcast %convert_element_type3A_196 : vector<1x512xf32> to vector<512x512xf32>
    %mul3A_198 = arith.mulf %mul3A_197, %convert_element_type3A_3 : vector<512x512xf32>
    %reduce_sum3A_199 = arith.constant dense<0.000000e+00> : vector<512xf32>
    %reduce_sum3A_200 = vector.multi_reduction <add>, %mul3A_198, %reduce_sum3A_199 [1] : vector<512x512xf32> to vector<512xf32>
    %broadcast_in_dim3A_201 = vector.shape_cast %reduce_sum3A_200 : vector<512xf32> to vector<512x1xf32>
    %convert_element_type3A_202 = arith.fptosi %broadcast_in_dim3A_201 : vector<512x1xf32> to vector<512x1xi32>
    %and3A_203 = arith.constant 127 : i32
    %and3A_204 = vector.broadcast %and3A_203 : i32 to vector<1x512xi32>
    %and3A_205 = arith.andi %reshape3A_195, %and3A_204 : vector<1x512xi32>
    %shift_right_arithmetic3A_206 = arith.constant 7 : i32
    %shift_right_arithmetic3A_207 = vector.broadcast %shift_right_arithmetic3A_206 : i32 to vector<512x1xi32>
    %shift_right_arithmetic3A_208 = arith.shrsi %convert_element_type3A_202, %shift_right_arithmetic3A_207 : vector<512x1xi32>
    %eq3A_209 = vector.broadcast %and3A_205 : vector<1x512xi32> to vector<128x512xi32>
    %eq3A_210 = arith.cmpi eq, %eq3A_209, %iota3A : vector<128x512xi32>
    %convert_element_type3A_211 = arith.extui %eq3A_210 : vector<128x512xi1> to vector<128x512xi32>
    %convert_element_type3A_212 = arith.sitofp %convert_element_type3A_211 : vector<128x512xi32> to vector<128x512xf32>
    %convert_element_type3A_213 = arith.truncf %convert_element_type3A_212 : vector<128x512xf32> to vector<128x512xbf16>
    %eq3A_214 = vector.broadcast %shift_right_arithmetic3A_208 : vector<512x1xi32> to vector<512x128xi32>
    %eq3A_215 = arith.cmpi eq, %eq3A_214, %iota3A_0 : vector<512x128xi32>
    %convert_element_type3A_216 = arith.extui %eq3A_215 : vector<512x128xi1> to vector<512x128xi32>
    %convert_element_type3A_217 = arith.sitofp %convert_element_type3A_216 : vector<512x128xi32> to vector<512x128xf32>
    %convert_element_type3A_218 = arith.truncf %convert_element_type3A_217 : vector<512x128xf32> to vector<512x128xbf16>
    %dot_general3A_219 = arith.constant dense<0.000000e+00> : vector<128x128xf32>
    %dot_general3A_220 = tpu.matmul %convert_element_type3A_213, %convert_element_type3A_218, %dot_general3A_219 {dimension_numbers = #tpu.dot_dimension_numbers<[1], [0], [0], [1], [0, 0, 1, 1], [], []>, transpose_lhs_hint = false} : vector<128x512xbf16>, vector<512x128xbf16>, vector<128x128xf32> -> vector<128x128xf32>
    %get3A_221 = arith.constant 0 : index
    %get3A_222 = arith.constant 0 : index
    %get3A_223 = vector.load %arg3[%get3A_221, %get3A_222] : memref<128x128xf32, #tpu.memory_space<vmem>>, vector<128x128xf32>
    %add3A_224 = arith.addf %get3A_223, %dot_general3A_220 : vector<128x128xf32>
    %swap3A_225 = arith.constant 0 : index
    %swap3A_226 = arith.constant 0 : index
    %swap3A_227 = vector.load %arg3[%swap3A_225, %swap3A_226] : memref<128x128xf32, #tpu.memory_space<vmem>>, vector<128x128xf32>
    tpu.vector_store %arg3[%swap3A_225, %swap3A_226], %add3A_224 {strides = array<i32>} : memref<128x128xf32, #tpu.memory_space<vmem>>, vector<128x128xf32>,
    %convert_element_type3A_228 = arith.truncf %dot_general3A_220 : vector<128x128xf32> to vector<128x128xbf16>
    %mul3A_229 = arith.constant 128 : i32
    %mul3A_230 = arith.muli %scan3A_190, %mul3A_229 : i32
    %swap3A_231 = arith.index_cast %mul3A_230 : i32 to index
    %swap3A_232 = arith.constant 0 : index
    %swap3A_233 = vector.load %arg2[%swap3A_231, %swap3A_232] : memref<3072x128xbf16, #tpu.memory_space<vmem>>, vector<128x128xbf16>
    tpu.vector_store %arg2[%swap3A_231, %swap3A_232], %convert_element_type3A_228 {strides = array<i32>} : memref<3072x128xbf16, #tpu.memory_space<vmem>>, vector<128x128xbf16>,
    %eq3A_234 = vector.broadcast %convert_element_type3A_202 : vector<512x1xi32> to vector<512x512xi32>
    %eq3A_235 = vector.broadcast %reshape3A_195 : vector<1x512xi32> to vector<512x512xi32>
    %eq3A_236 = arith.cmpi eq, %eq3A_234, %eq3A_235 : vector<512x512xi32>
    %lt3A_237 = arith.cmpi slt, %iota3A_2, %iota3A_1 : vector<512x512xi32>
    %and3A_238 = arith.andi %eq3A_236, %lt3A_237 : vector<512x512xi1>
    %jit3A_239 = arith.constant 1.000000e+00 : f32
    %jit3A_240 = arith.constant 0.000000e+00 : f32
    %broadcast_in_dim3A_241 = vector.broadcast %jit3A_239 : f32 to vector<512x512xf32>
    %broadcast_in_dim3A_242 = vector.broadcast %jit3A_240 : f32 to vector<512x512xf32>
    %select_n3A_243 = arith.select %and3A_238, %broadcast_in_dim3A_241, %broadcast_in_dim3A_242 : vector<512x512xi1>, vector<512x512xf32>
    %reduce_sum3A_244 = arith.constant dense<0.000000e+00> : vector<512xf32>
    %reduce_sum3A_245 = vector.multi_reduction <add>, %select_n3A_243, %reduce_sum3A_244 [1] : vector<512x512xf32> to vector<512xf32>
    %broadcast_in_dim3A_246 = vector.shape_cast %reduce_sum3A_245 : vector<512xf32> to vector<512x1xf32>
    %mul3A_247 = vector.broadcast %broadcast_in_dim3A_246 : vector<512x1xf32> to vector<512x512xf32>
    %mul3A_248 = arith.mulf %mul3A_247, %convert_element_type3A_3 : vector<512x512xf32>
    %reduce_sum3A_249 = arith.constant dense<0.000000e+00> : vector<512xf32>
    %reduce_sum3A_250 = vector.multi_reduction <add>, %mul3A_248, %reduce_sum3A_249 [0] : vector<512x512xf32> to vector<512xf32>
    %broadcast_in_dim3A_251 = vector.shape_cast %reduce_sum3A_250 : vector<512xf32> to vector<1x512xf32>
    %swap3A_252 = arith.index_cast %scan3A_190 : i32 to index
    %swap3A_253 = arith.constant 0 : index
    %swap3A_254 = vector.load %arg5[%swap3A_252, %swap3A_253] : memref<24x512xf32, #tpu.memory_space<vmem>>, vector<1x512xf32>
    tpu.vector_store %arg5[%swap3A_252, %swap3A_253], %broadcast_in_dim3A_251 {strides = array<i32>} : memref<24x512xf32, #tpu.memory_space<vmem>>, vector<1x512xf32>,
    %scan3A_255 = arith.constant 4 : i32
    %mul3A_256 = arith.constant 512 : i32
    %mul3A_257 = arith.muli %scan3A_255, %mul3A_256 : i32
    %get3A_258 = arith.index_cast %mul3A_257 : i32 to index
    %get3A_259 = vector.load %arg0[%get3A_258] : memref<12288xi32, #tpu.memory_space<vmem>>, vector<512xi32>
    %reshape3A_260 = vector.shape_cast %get3A_259 : vector<512xi32> to vector<1x512xi32>
    %convert_element_type3A_261 = arith.sitofp %reshape3A_260 : vector<1x512xi32> to vector<1x512xf32>
    %mul3A_262 = vector.broadcast %convert_element_type3A_261 : vector<1x512xf32> to vector<512x512xf32>
    %mul3A_263 = arith.mulf %mul3A_262, %convert_element_type3A_3 : vector<512x512xf32>
    %reduce_sum3A_264 = arith.constant dense<0.000000e+00> : vector<512xf32>
    %reduce_sum3A_265 = vector.multi_reduction <add>, %mul3A_263, %reduce_sum3A_264 [1] : vector<512x512xf32> to vector<512xf32>
    %broadcast_in_dim3A_266 = vector.shape_cast %reduce_sum3A_265 : vector<512xf32> to vector<512x1xf32>
    %convert_element_type3A_267 = arith.fptosi %broadcast_in_dim3A_266 : vector<512x1xf32> to vector<512x1xi32>
    %and3A_268 = arith.constant 127 : i32
    %and3A_269 = vector.broadcast %and3A_268 : i32 to vector<1x512xi32>
    %and3A_270 = arith.andi %reshape3A_260, %and3A_269 : vector<1x512xi32>
    %shift_right_arithmetic3A_271 = arith.constant 7 : i32
    %shift_right_arithmetic3A_272 = vector.broadcast %shift_right_arithmetic3A_271 : i32 to vector<512x1xi32>
    %shift_right_arithmetic3A_273 = arith.shrsi %convert_element_type3A_267, %shift_right_arithmetic3A_272 : vector<512x1xi32>
    %eq3A_274 = vector.broadcast %and3A_270 : vector<1x512xi32> to vector<128x512xi32>
    %eq3A_275 = arith.cmpi eq, %eq3A_274, %iota3A : vector<128x512xi32>
    %convert_element_type3A_276 = arith.extui %eq3A_275 : vector<128x512xi1> to vector<128x512xi32>
    %convert_element_type3A_277 = arith.sitofp %convert_element_type3A_276 : vector<128x512xi32> to vector<128x512xf32>
    %convert_element_type3A_278 = arith.truncf %convert_element_type3A_277 : vector<128x512xf32> to vector<128x512xbf16>
    %eq3A_279 = vector.broadcast %shift_right_arithmetic3A_273 : vector<512x1xi32> to vector<512x128xi32>
    %eq3A_280 = arith.cmpi eq, %eq3A_279, %iota3A_0 : vector<512x128xi32>
    %convert_element_type3A_281 = arith.extui %eq3A_280 : vector<512x128xi1> to vector<512x128xi32>
    %convert_element_type3A_282 = arith.sitofp %convert_element_type3A_281 : vector<512x128xi32> to vector<512x128xf32>
    %convert_element_type3A_283 = arith.truncf %convert_element_type3A_282 : vector<512x128xf32> to vector<512x128xbf16>
    %dot_general3A_284 = arith.constant dense<0.000000e+00> : vector<128x128xf32>
    %dot_general3A_285 = tpu.matmul %convert_element_type3A_278, %convert_element_type3A_283, %dot_general3A_284 {dimension_numbers = #tpu.dot_dimension_numbers<[1], [0], [0], [1], [0, 0, 1, 1], [], []>, transpose_lhs_hint = false} : vector<128x512xbf16>, vector<512x128xbf16>, vector<128x128xf32> -> vector<128x128xf32>
    %get3A_286 = arith.constant 0 : index
    %get3A_287 = arith.constant 0 : index
    %get3A_288 = vector.load %arg3[%get3A_286, %get3A_287] : memref<128x128xf32, #tpu.memory_space<vmem>>, vector<128x128xf32>
    %add3A_289 = arith.addf %get3A_288, %dot_general3A_285 : vector<128x128xf32>
    %swap3A_290 = arith.constant 0 : index
    %swap3A_291 = arith.constant 0 : index
    %swap3A_292 = vector.load %arg3[%swap3A_290, %swap3A_291] : memref<128x128xf32, #tpu.memory_space<vmem>>, vector<128x128xf32>
    tpu.vector_store %arg3[%swap3A_290, %swap3A_291], %add3A_289 {strides = array<i32>} : memref<128x128xf32, #tpu.memory_space<vmem>>, vector<128x128xf32>,
    %convert_element_type3A_293 = arith.truncf %dot_general3A_285 : vector<128x128xf32> to vector<128x128xbf16>
    %mul3A_294 = arith.constant 128 : i32
    %mul3A_295 = arith.muli %scan3A_255, %mul3A_294 : i32
    %swap3A_296 = arith.index_cast %mul3A_295 : i32 to index
    %swap3A_297 = arith.constant 0 : index
    %swap3A_298 = vector.load %arg2[%swap3A_296, %swap3A_297] : memref<3072x128xbf16, #tpu.memory_space<vmem>>, vector<128x128xbf16>
    tpu.vector_store %arg2[%swap3A_296, %swap3A_297], %convert_element_type3A_293 {strides = array<i32>} : memref<3072x128xbf16, #tpu.memory_space<vmem>>, vector<128x128xbf16>,
    %eq3A_299 = vector.broadcast %convert_element_type3A_267 : vector<512x1xi32> to vector<512x512xi32>
    %eq3A_300 = vector.broadcast %reshape3A_260 : vector<1x512xi32> to vector<512x512xi32>
    %eq3A_301 = arith.cmpi eq, %eq3A_299, %eq3A_300 : vector<512x512xi32>
    %lt3A_302 = arith.cmpi slt, %iota3A_2, %iota3A_1 : vector<512x512xi32>
    %and3A_303 = arith.andi %eq3A_301, %lt3A_302 : vector<512x512xi1>
    %jit3A_304 = arith.constant 1.000000e+00 : f32
    %jit3A_305 = arith.constant 0.000000e+00 : f32
    %broadcast_in_dim3A_306 = vector.broadcast %jit3A_304 : f32 to vector<512x512xf32>
    %broadcast_in_dim3A_307 = vector.broadcast %jit3A_305 : f32 to vector<512x512xf32>
    %select_n3A_308 = arith.select %and3A_303, %broadcast_in_dim3A_306, %broadcast_in_dim3A_307 : vector<512x512xi1>, vector<512x512xf32>
    %reduce_sum3A_309 = arith.constant dense<0.000000e+00> : vector<512xf32>
    %reduce_sum3A_310 = vector.multi_reduction <add>, %select_n3A_308, %reduce_sum3A_309 [1] : vector<512x512xf32> to vector<512xf32>
    %broadcast_in_dim3A_311 = vector.shape_cast %reduce_sum3A_310 : vector<512xf32> to vector<512x1xf32>
    %mul3A_312 = vector.broadcast %broadcast_in_dim3A_311 : vector<512x1xf32> to vector<512x512xf32>
    %mul3A_313 = arith.mulf %mul3A_312, %convert_element_type3A_3 : vector<512x512xf32>
    %reduce_sum3A_314 = arith.constant dense<0.000000e+00> : vector<512xf32>
    %reduce_sum3A_315 = vector.multi_reduction <add>, %mul3A_313, %reduce_sum3A_314 [0] : vector<512x512xf32> to vector<512xf32>
    %broadcast_in_dim3A_316 = vector.shape_cast %reduce_sum3A_315 : vector<512xf32> to vector<1x512xf32>
    %swap3A_317 = arith.index_cast %scan3A_255 : i32 to index
    %swap3A_318 = arith.constant 0 : index
    %swap3A_319 = vector.load %arg5[%swap3A_317, %swap3A_318] : memref<24x512xf32, #tpu.memory_space<vmem>>, vector<1x512xf32>
    tpu.vector_store %arg5[%swap3A_317, %swap3A_318], %broadcast_in_dim3A_316 {strides = array<i32>} : memref<24x512xf32, #tpu.memory_space<vmem>>, vector<1x512xf32>,
    %scan3A_320 = arith.constant 5 : i32
    %mul3A_321 = arith.constant 512 : i32
    %mul3A_322 = arith.muli %scan3A_320, %mul3A_321 : i32
    %get3A_323 = arith.index_cast %mul3A_322 : i32 to index
    %get3A_324 = vector.load %arg0[%get3A_323] : memref<12288xi32, #tpu.memory_space<vmem>>, vector<512xi32>
    %reshape3A_325 = vector.shape_cast %get3A_324 : vector<512xi32> to vector<1x512xi32>
    %convert_element_type3A_326 = arith.sitofp %reshape3A_325 : vector<1x512xi32> to vector<1x512xf32>
    %mul3A_327 = vector.broadcast %convert_element_type3A_326 : vector<1x512xf32> to vector<512x512xf32>
    %mul3A_328 = arith.mulf %mul3A_327, %convert_element_type3A_3 : vector<512x512xf32>
    %reduce_sum3A_329 = arith.constant dense<0.000000e+00> : vector<512xf32>
    %reduce_sum3A_330 = vector.multi_reduction <add>, %mul3A_328, %reduce_sum3A_329 [1] : vector<512x512xf32> to vector<512xf32>
    %broadcast_in_dim3A_331 = vector.shape_cast %reduce_sum3A_330 : vector<512xf32> to vector<512x1xf32>
    %convert_element_type3A_332 = arith.fptosi %broadcast_in_dim3A_331 : vector<512x1xf32> to vector<512x1xi32>
    %and3A_333 = arith.constant 127 : i32
    %and3A_334 = vector.broadcast %and3A_333 : i32 to vector<1x512xi32>
    %and3A_335 = arith.andi %reshape3A_325, %and3A_334 : vector<1x512xi32>
    %shift_right_arithmetic3A_336 = arith.constant 7 : i32
    %shift_right_arithmetic3A_337 = vector.broadcast %shift_right_arithmetic3A_336 : i32 to vector<512x1xi32>
    %shift_right_arithmetic3A_338 = arith.shrsi %convert_element_type3A_332, %shift_right_arithmetic3A_337 : vector<512x1xi32>
    %eq3A_339 = vector.broadcast %and3A_335 : vector<1x512xi32> to vector<128x512xi32>
    %eq3A_340 = arith.cmpi eq, %eq3A_339, %iota3A : vector<128x512xi32>
    %convert_element_type3A_341 = arith.extui %eq3A_340 : vector<128x512xi1> to vector<128x512xi32>
    %convert_element_type3A_342 = arith.sitofp %convert_element_type3A_341 : vector<128x512xi32> to vector<128x512xf32>
    %convert_element_type3A_343 = arith.truncf %convert_element_type3A_342 : vector<128x512xf32> to vector<128x512xbf16>
    %eq3A_344 = vector.broadcast %shift_right_arithmetic3A_338 : vector<512x1xi32> to vector<512x128xi32>
    %eq3A_345 = arith.cmpi eq, %eq3A_344, %iota3A_0 : vector<512x128xi32>
    %convert_element_type3A_346 = arith.extui %eq3A_345 : vector<512x128xi1> to vector<512x128xi32>
    %convert_element_type3A_347 = arith.sitofp %convert_element_type3A_346 : vector<512x128xi32> to vector<512x128xf32>
    %convert_element_type3A_348 = arith.truncf %convert_element_type3A_347 : vector<512x128xf32> to vector<512x128xbf16>
    %dot_general3A_349 = arith.constant dense<0.000000e+00> : vector<128x128xf32>
    %dot_general3A_350 = tpu.matmul %convert_element_type3A_343, %convert_element_type3A_348, %dot_general3A_349 {dimension_numbers = #tpu.dot_dimension_numbers<[1], [0], [0], [1], [0, 0, 1, 1], [], []>, transpose_lhs_hint = false} : vector<128x512xbf16>, vector<512x128xbf16>, vector<128x128xf32> -> vector<128x128xf32>
    %get3A_351 = arith.constant 0 : index
    %get3A_352 = arith.constant 0 : index
    %get3A_353 = vector.load %arg3[%get3A_351, %get3A_352] : memref<128x128xf32, #tpu.memory_space<vmem>>, vector<128x128xf32>
    %add3A_354 = arith.addf %get3A_353, %dot_general3A_350 : vector<128x128xf32>
    %swap3A_355 = arith.constant 0 : index
    %swap3A_356 = arith.constant 0 : index
    %swap3A_357 = vector.load %arg3[%swap3A_355, %swap3A_356] : memref<128x128xf32, #tpu.memory_space<vmem>>, vector<128x128xf32>
    tpu.vector_store %arg3[%swap3A_355, %swap3A_356], %add3A_354 {strides = array<i32>} : memref<128x128xf32, #tpu.memory_space<vmem>>, vector<128x128xf32>,
    %convert_element_type3A_358 = arith.truncf %dot_general3A_350 : vector<128x128xf32> to vector<128x128xbf16>
    %mul3A_359 = arith.constant 128 : i32
    %mul3A_360 = arith.muli %scan3A_320, %mul3A_359 : i32
    %swap3A_361 = arith.index_cast %mul3A_360 : i32 to index
    %swap3A_362 = arith.constant 0 : index
    %swap3A_363 = vector.load %arg2[%swap3A_361, %swap3A_362] : memref<3072x128xbf16, #tpu.memory_space<vmem>>, vector<128x128xbf16>
    tpu.vector_store %arg2[%swap3A_361, %swap3A_362], %convert_element_type3A_358 {strides = array<i32>} : memref<3072x128xbf16, #tpu.memory_space<vmem>>, vector<128x128xbf16>,
    %eq3A_364 = vector.broadcast %convert_element_type3A_332 : vector<512x1xi32> to vector<512x512xi32>
    %eq3A_365 = vector.broadcast %reshape3A_325 : vector<1x512xi32> to vector<512x512xi32>
    %eq3A_366 = arith.cmpi eq, %eq3A_364, %eq3A_365 : vector<512x512xi32>
    %lt3A_367 = arith.cmpi slt, %iota3A_2, %iota3A_1 : vector<512x512xi32>
    %and3A_368 = arith.andi %eq3A_366, %lt3A_367 : vector<512x512xi1>
    %jit3A_369 = arith.constant 1.000000e+00 : f32
    %jit3A_370 = arith.constant 0.000000e+00 : f32
    %broadcast_in_dim3A_371 = vector.broadcast %jit3A_369 : f32 to vector<512x512xf32>
    %broadcast_in_dim3A_372 = vector.broadcast %jit3A_370 : f32 to vector<512x512xf32>
    %select_n3A_373 = arith.select %and3A_368, %broadcast_in_dim3A_371, %broadcast_in_dim3A_372 : vector<512x512xi1>, vector<512x512xf32>
    %reduce_sum3A_374 = arith.constant dense<0.000000e+00> : vector<512xf32>
    %reduce_sum3A_375 = vector.multi_reduction <add>, %select_n3A_373, %reduce_sum3A_374 [1] : vector<512x512xf32> to vector<512xf32>
    %broadcast_in_dim3A_376 = vector.shape_cast %reduce_sum3A_375 : vector<512xf32> to vector<512x1xf32>
    %mul3A_377 = vector.broadcast %broadcast_in_dim3A_376 : vector<512x1xf32> to vector<512x512xf32>
    %mul3A_378 = arith.mulf %mul3A_377, %convert_element_type3A_3 : vector<512x512xf32>
    %reduce_sum3A_379 = arith.constant dense<0.000000e+00> : vector<512xf32>
    %reduce_sum3A_380 = vector.multi_reduction <add>, %mul3A_378, %reduce_sum3A_379 [0] : vector<512x512xf32> to vector<512xf32>
    %broadcast_in_dim3A_381 = vector.shape_cast %reduce_sum3A_380 : vector<512xf32> to vector<1x512xf32>
    %swap3A_382 = arith.index_cast %scan3A_320 : i32 to index
    %swap3A_383 = arith.constant 0 : index
    %swap3A_384 = vector.load %arg5[%swap3A_382, %swap3A_383] : memref<24x512xf32, #tpu.memory_space<vmem>>, vector<1x512xf32>
    tpu.vector_store %arg5[%swap3A_382, %swap3A_383], %broadcast_in_dim3A_381 {strides = array<i32>} : memref<24x512xf32, #tpu.memory_space<vmem>>, vector<1x512xf32>,
    %scan3A_385 = arith.constant 6 : i32
    %mul3A_386 = arith.constant 512 : i32
    %mul3A_387 = arith.muli %scan3A_385, %mul3A_386 : i32
    %get3A_388 = arith.index_cast %mul3A_387 : i32 to index
    %get3A_389 = vector.load %arg0[%get3A_388] : memref<12288xi32, #tpu.memory_space<vmem>>, vector<512xi32>
    %reshape3A_390 = vector.shape_cast %get3A_389 : vector<512xi32> to vector<1x512xi32>
    %convert_element_type3A_391 = arith.sitofp %reshape3A_390 : vector<1x512xi32> to vector<1x512xf32>
    %mul3A_392 = vector.broadcast %convert_element_type3A_391 : vector<1x512xf32> to vector<512x512xf32>
    %mul3A_393 = arith.mulf %mul3A_392, %convert_element_type3A_3 : vector<512x512xf32>
    %reduce_sum3A_394 = arith.constant dense<0.000000e+00> : vector<512xf32>
    %reduce_sum3A_395 = vector.multi_reduction <add>, %mul3A_393, %reduce_sum3A_394 [1] : vector<512x512xf32> to vector<512xf32>
    %broadcast_in_dim3A_396 = vector.shape_cast %reduce_sum3A_395 : vector<512xf32> to vector<512x1xf32>
    %convert_element_type3A_397 = arith.fptosi %broadcast_in_dim3A_396 : vector<512x1xf32> to vector<512x1xi32>
    %and3A_398 = arith.constant 127 : i32
    %and3A_399 = vector.broadcast %and3A_398 : i32 to vector<1x512xi32>
    %and3A_400 = arith.andi %reshape3A_390, %and3A_399 : vector<1x512xi32>
    %shift_right_arithmetic3A_401 = arith.constant 7 : i32
    %shift_right_arithmetic3A_402 = vector.broadcast %shift_right_arithmetic3A_401 : i32 to vector<512x1xi32>
    %shift_right_arithmetic3A_403 = arith.shrsi %convert_element_type3A_397, %shift_right_arithmetic3A_402 : vector<512x1xi32>
    %eq3A_404 = vector.broadcast %and3A_400 : vector<1x512xi32> to vector<128x512xi32>
    %eq3A_405 = arith.cmpi eq, %eq3A_404, %iota3A : vector<128x512xi32>
    %convert_element_type3A_406 = arith.extui %eq3A_405 : vector<128x512xi1> to vector<128x512xi32>
    %convert_element_type3A_407 = arith.sitofp %convert_element_type3A_406 : vector<128x512xi32> to vector<128x512xf32>
    %convert_element_type3A_408 = arith.truncf %convert_element_type3A_407 : vector<128x512xf32> to vector<128x512xbf16>
    %eq3A_409 = vector.broadcast %shift_right_arithmetic3A_403 : vector<512x1xi32> to vector<512x128xi32>
    %eq3A_410 = arith.cmpi eq, %eq3A_409, %iota3A_0 : vector<512x128xi32>
    %convert_element_type3A_411 = arith.extui %eq3A_410 : vector<512x128xi1> to vector<512x128xi32>
    %convert_element_type3A_412 = arith.sitofp %convert_element_type3A_411 : vector<512x128xi32> to vector<512x128xf32>
    %convert_element_type3A_413 = arith.truncf %convert_element_type3A_412 : vector<512x128xf32> to vector<512x128xbf16>
    %dot_general3A_414 = arith.constant dense<0.000000e+00> : vector<128x128xf32>
    %dot_general3A_415 = tpu.matmul %convert_element_type3A_408, %convert_element_type3A_413, %dot_general3A_414 {dimension_numbers = #tpu.dot_dimension_numbers<[1], [0], [0], [1], [0, 0, 1, 1], [], []>, transpose_lhs_hint = false} : vector<128x512xbf16>, vector<512x128xbf16>, vector<128x128xf32> -> vector<128x128xf32>
    %get3A_416 = arith.constant 0 : index
    %get3A_417 = arith.constant 0 : index
    %get3A_418 = vector.load %arg3[%get3A_416, %get3A_417] : memref<128x128xf32, #tpu.memory_space<vmem>>, vector<128x128xf32>
    %add3A_419 = arith.addf %get3A_418, %dot_general3A_415 : vector<128x128xf32>
    %swap3A_420 = arith.constant 0 : index
    %swap3A_421 = arith.constant 0 : index
    %swap3A_422 = vector.load %arg3[%swap3A_420, %swap3A_421] : memref<128x128xf32, #tpu.memory_space<vmem>>, vector<128x128xf32>
    tpu.vector_store %arg3[%swap3A_420, %swap3A_421], %add3A_419 {strides = array<i32>} : memref<128x128xf32, #tpu.memory_space<vmem>>, vector<128x128xf32>,
    %convert_element_type3A_423 = arith.truncf %dot_general3A_415 : vector<128x128xf32> to vector<128x128xbf16>
    %mul3A_424 = arith.constant 128 : i32
    %mul3A_425 = arith.muli %scan3A_385, %mul3A_424 : i32
    %swap3A_426 = arith.index_cast %mul3A_425 : i32 to index
    %swap3A_427 = arith.constant 0 : index
    %swap3A_428 = vector.load %arg2[%swap3A_426, %swap3A_427] : memref<3072x128xbf16, #tpu.memory_space<vmem>>, vector<128x128xbf16>
    tpu.vector_store %arg2[%swap3A_426, %swap3A_427], %convert_element_type3A_423 {strides = array<i32>} : memref<3072x128xbf16, #tpu.memory_space<vmem>>, vector<128x128xbf16>,
    %eq3A_429 = vector.broadcast %convert_element_type3A_397 : vector<512x1xi32> to vector<512x512xi32>
    %eq3A_430 = vector.broadcast %reshape3A_390 : vector<1x512xi32> to vector<512x512xi32>
    %eq3A_431 = arith.cmpi eq, %eq3A_429, %eq3A_430 : vector<512x512xi32>
    %lt3A_432 = arith.cmpi slt, %iota3A_2, %iota3A_1 : vector<512x512xi32>
    %and3A_433 = arith.andi %eq3A_431, %lt3A_432 : vector<512x512xi1>
    %jit3A_434 = arith.constant 1.000000e+00 : f32
    %jit3A_435 = arith.constant 0.000000e+00 : f32
    %broadcast_in_dim3A_436 = vector.broadcast %jit3A_434 : f32 to vector<512x512xf32>
    %broadcast_in_dim3A_437 = vector.broadcast %jit3A_435 : f32 to vector<512x512xf32>
    %select_n3A_438 = arith.select %and3A_433, %broadcast_in_dim3A_436, %broadcast_in_dim3A_437 : vector<512x512xi1>, vector<512x512xf32>
    %reduce_sum3A_439 = arith.constant dense<0.000000e+00> : vector<512xf32>
    %reduce_sum3A_440 = vector.multi_reduction <add>, %select_n3A_438, %reduce_sum3A_439 [1] : vector<512x512xf32> to vector<512xf32>
    %broadcast_in_dim3A_441 = vector.shape_cast %reduce_sum3A_440 : vector<512xf32> to vector<512x1xf32>
    %mul3A_442 = vector.broadcast %broadcast_in_dim3A_441 : vector<512x1xf32> to vector<512x512xf32>
    %mul3A_443 = arith.mulf %mul3A_442, %convert_element_type3A_3 : vector<512x512xf32>
    %reduce_sum3A_444 = arith.constant dense<0.000000e+00> : vector<512xf32>
    %reduce_sum3A_445 = vector.multi_reduction <add>, %mul3A_443, %reduce_sum3A_444 [0] : vector<512x512xf32> to vector<512xf32>
    %broadcast_in_dim3A_446 = vector.shape_cast %reduce_sum3A_445 : vector<512xf32> to vector<1x512xf32>
    %swap3A_447 = arith.index_cast %scan3A_385 : i32 to index
    %swap3A_448 = arith.constant 0 : index
    %swap3A_449 = vector.load %arg5[%swap3A_447, %swap3A_448] : memref<24x512xf32, #tpu.memory_space<vmem>>, vector<1x512xf32>
    tpu.vector_store %arg5[%swap3A_447, %swap3A_448], %broadcast_in_dim3A_446 {strides = array<i32>} : memref<24x512xf32, #tpu.memory_space<vmem>>, vector<1x512xf32>,
    %scan3A_450 = arith.constant 7 : i32
    %mul3A_451 = arith.constant 512 : i32
    %mul3A_452 = arith.muli %scan3A_450, %mul3A_451 : i32
    %get3A_453 = arith.index_cast %mul3A_452 : i32 to index
    %get3A_454 = vector.load %arg0[%get3A_453] : memref<12288xi32, #tpu.memory_space<vmem>>, vector<512xi32>
    %reshape3A_455 = vector.shape_cast %get3A_454 : vector<512xi32> to vector<1x512xi32>
    %convert_element_type3A_456 = arith.sitofp %reshape3A_455 : vector<1x512xi32> to vector<1x512xf32>
    %mul3A_457 = vector.broadcast %convert_element_type3A_456 : vector<1x512xf32> to vector<512x512xf32>
    %mul3A_458 = arith.mulf %mul3A_457, %convert_element_type3A_3 : vector<512x512xf32>
    %reduce_sum3A_459 = arith.constant dense<0.000000e+00> : vector<512xf32>
    %reduce_sum3A_460 = vector.multi_reduction <add>, %mul3A_458, %reduce_sum3A_459 [1] : vector<512x512xf32> to vector<512xf32>
    %broadcast_in_dim3A_461 = vector.shape_cast %reduce_sum3A_460 : vector<512xf32> to vector<512x1xf32>
    %convert_element_type3A_462 = arith.fptosi %broadcast_in_dim3A_461 : vector<512x1xf32> to vector<512x1xi32>
    %and3A_463 = arith.constant 127 : i32
    %and3A_464 = vector.broadcast %and3A_463 : i32 to vector<1x512xi32>
    %and3A_465 = arith.andi %reshape3A_455, %and3A_464 : vector<1x512xi32>
    %shift_right_arithmetic3A_466 = arith.constant 7 : i32
    %shift_right_arithmetic3A_467 = vector.broadcast %shift_right_arithmetic3A_466 : i32 to vector<512x1xi32>
    %shift_right_arithmetic3A_468 = arith.shrsi %convert_element_type3A_462, %shift_right_arithmetic3A_467 : vector<512x1xi32>
    %eq3A_469 = vector.broadcast %and3A_465 : vector<1x512xi32> to vector<128x512xi32>
    %eq3A_470 = arith.cmpi eq, %eq3A_469, %iota3A : vector<128x512xi32>
    %convert_element_type3A_471 = arith.extui %eq3A_470 : vector<128x512xi1> to vector<128x512xi32>
    %convert_element_type3A_472 = arith.sitofp %convert_element_type3A_471 : vector<128x512xi32> to vector<128x512xf32>
    %convert_element_type3A_473 = arith.truncf %convert_element_type3A_472 : vector<128x512xf32> to vector<128x512xbf16>
    %eq3A_474 = vector.broadcast %shift_right_arithmetic3A_468 : vector<512x1xi32> to vector<512x128xi32>
    %eq3A_475 = arith.cmpi eq, %eq3A_474, %iota3A_0 : vector<512x128xi32>
    %convert_element_type3A_476 = arith.extui %eq3A_475 : vector<512x128xi1> to vector<512x128xi32>
    %convert_element_type3A_477 = arith.sitofp %convert_element_type3A_476 : vector<512x128xi32> to vector<512x128xf32>
    %convert_element_type3A_478 = arith.truncf %convert_element_type3A_477 : vector<512x128xf32> to vector<512x128xbf16>
    %dot_general3A_479 = arith.constant dense<0.000000e+00> : vector<128x128xf32>
    %dot_general3A_480 = tpu.matmul %convert_element_type3A_473, %convert_element_type3A_478, %dot_general3A_479 {dimension_numbers = #tpu.dot_dimension_numbers<[1], [0], [0], [1], [0, 0, 1, 1], [], []>, transpose_lhs_hint = false} : vector<128x512xbf16>, vector<512x128xbf16>, vector<128x128xf32> -> vector<128x128xf32>
    %get3A_481 = arith.constant 0 : index
    %get3A_482 = arith.constant 0 : index
    %get3A_483 = vector.load %arg3[%get3A_481, %get3A_482] : memref<128x128xf32, #tpu.memory_space<vmem>>, vector<128x128xf32>
    %add3A_484 = arith.addf %get3A_483, %dot_general3A_480 : vector<128x128xf32>
    %swap3A_485 = arith.constant 0 : index
    %swap3A_486 = arith.constant 0 : index
    %swap3A_487 = vector.load %arg3[%swap3A_485, %swap3A_486] : memref<128x128xf32, #tpu.memory_space<vmem>>, vector<128x128xf32>
    tpu.vector_store %arg3[%swap3A_485, %swap3A_486], %add3A_484 {strides = array<i32>} : memref<128x128xf32, #tpu.memory_space<vmem>>, vector<128x128xf32>,
    %convert_element_type3A_488 = arith.truncf %dot_general3A_480 : vector<128x128xf32> to vector<128x128xbf16>
    %mul3A_489 = arith.constant 128 : i32
    %mul3A_490 = arith.muli %scan3A_450, %mul3A_489 : i32
    %swap3A_491 = arith.index_cast %mul3A_490 : i32 to index
    %swap3A_492 = arith.constant 0 : index
    %swap3A_493 = vector.load %arg2[%swap3A_491, %swap3A_492] : memref<3072x128xbf16, #tpu.memory_space<vmem>>, vector<128x128xbf16>
    tpu.vector_store %arg2[%swap3A_491, %swap3A_492], %convert_element_type3A_488 {strides = array<i32>} : memref<3072x128xbf16, #tpu.memory_space<vmem>>, vector<128x128xbf16>,
    %eq3A_494 = vector.broadcast %convert_element_type3A_462 : vector<512x1xi32> to vector<512x512xi32>
    %eq3A_495 = vector.broadcast %reshape3A_455 : vector<1x512xi32> to vector<512x512xi32>
    %eq3A_496 = arith.cmpi eq, %eq3A_494, %eq3A_495 : vector<512x512xi32>
    %lt3A_497 = arith.cmpi slt, %iota3A_2, %iota3A_1 : vector<512x512xi32>
    %and3A_498 = arith.andi %eq3A_496, %lt3A_497 : vector<512x512xi1>
    %jit3A_499 = arith.constant 1.000000e+00 : f32
    %jit3A_500 = arith.constant 0.000000e+00 : f32
    %broadcast_in_dim3A_501 = vector.broadcast %jit3A_499 : f32 to vector<512x512xf32>
    %broadcast_in_dim3A_502 = vector.broadcast %jit3A_500 : f32 to vector<512x512xf32>
    %select_n3A_503 = arith.select %and3A_498, %broadcast_in_dim3A_501, %broadcast_in_dim3A_502 : vector<512x512xi1>, vector<512x512xf32>
    %reduce_sum3A_504 = arith.constant dense<0.000000e+00> : vector<512xf32>
    %reduce_sum3A_505 = vector.multi_reduction <add>, %select_n3A_503, %reduce_sum3A_504 [1] : vector<512x512xf32> to vector<512xf32>
    %broadcast_in_dim3A_506 = vector.shape_cast %reduce_sum3A_505 : vector<512xf32> to vector<512x1xf32>
    %mul3A_507 = vector.broadcast %broadcast_in_dim3A_506 : vector<512x1xf32> to vector<512x512xf32>
    %mul3A_508 = arith.mulf %mul3A_507, %convert_element_type3A_3 : vector<512x512xf32>
    %reduce_sum3A_509 = arith.constant dense<0.000000e+00> : vector<512xf32>
    %reduce_sum3A_510 = vector.multi_reduction <add>, %mul3A_508, %reduce_sum3A_509 [0] : vector<512x512xf32> to vector<512xf32>
    %broadcast_in_dim3A_511 = vector.shape_cast %reduce_sum3A_510 : vector<512xf32> to vector<1x512xf32>
    %swap3A_512 = arith.index_cast %scan3A_450 : i32 to index
    %swap3A_513 = arith.constant 0 : index
    %swap3A_514 = vector.load %arg5[%swap3A_512, %swap3A_513] : memref<24x512xf32, #tpu.memory_space<vmem>>, vector<1x512xf32>
    tpu.vector_store %arg5[%swap3A_512, %swap3A_513], %broadcast_in_dim3A_511 {strides = array<i32>} : memref<24x512xf32, #tpu.memory_space<vmem>>, vector<1x512xf32>,
    %scan3A_515 = arith.constant 8 : i32
    %mul3A_516 = arith.constant 512 : i32
    %mul3A_517 = arith.muli %scan3A_515, %mul3A_516 : i32
    %get3A_518 = arith.index_cast %mul3A_517 : i32 to index
    %get3A_519 = vector.load %arg0[%get3A_518] : memref<12288xi32, #tpu.memory_space<vmem>>, vector<512xi32>
    %reshape3A_520 = vector.shape_cast %get3A_519 : vector<512xi32> to vector<1x512xi32>
    %convert_element_type3A_521 = arith.sitofp %reshape3A_520 : vector<1x512xi32> to vector<1x512xf32>
    %mul3A_522 = vector.broadcast %convert_element_type3A_521 : vector<1x512xf32> to vector<512x512xf32>
    %mul3A_523 = arith.mulf %mul3A_522, %convert_element_type3A_3 : vector<512x512xf32>
    %reduce_sum3A_524 = arith.constant dense<0.000000e+00> : vector<512xf32>
    %reduce_sum3A_525 = vector.multi_reduction <add>, %mul3A_523, %reduce_sum3A_524 [1] : vector<512x512xf32> to vector<512xf32>
    %broadcast_in_dim3A_526 = vector.shape_cast %reduce_sum3A_525 : vector<512xf32> to vector<512x1xf32>
    %convert_element_type3A_527 = arith.fptosi %broadcast_in_dim3A_526 : vector<512x1xf32> to vector<512x1xi32>
    %and3A_528 = arith.constant 127 : i32
    %and3A_529 = vector.broadcast %and3A_528 : i32 to vector<1x512xi32>
    %and3A_530 = arith.andi %reshape3A_520, %and3A_529 : vector<1x512xi32>
    %shift_right_arithmetic3A_531 = arith.constant 7 : i32
    %shift_right_arithmetic3A_532 = vector.broadcast %shift_right_arithmetic3A_531 : i32 to vector<512x1xi32>
    %shift_right_arithmetic3A_533 = arith.shrsi %convert_element_type3A_527, %shift_right_arithmetic3A_532 : vector<512x1xi32>
    %eq3A_534 = vector.broadcast %and3A_530 : vector<1x512xi32> to vector<128x512xi32>
    %eq3A_535 = arith.cmpi eq, %eq3A_534, %iota3A : vector<128x512xi32>
    %convert_element_type3A_536 = arith.extui %eq3A_535 : vector<128x512xi1> to vector<128x512xi32>
    %convert_element_type3A_537 = arith.sitofp %convert_element_type3A_536 : vector<128x512xi32> to vector<128x512xf32>
    %convert_element_type3A_538 = arith.truncf %convert_element_type3A_537 : vector<128x512xf32> to vector<128x512xbf16>
    %eq3A_539 = vector.broadcast %shift_right_arithmetic3A_533 : vector<512x1xi32> to vector<512x128xi32>
    %eq3A_540 = arith.cmpi eq, %eq3A_539, %iota3A_0 : vector<512x128xi32>
    %convert_element_type3A_541 = arith.extui %eq3A_540 : vector<512x128xi1> to vector<512x128xi32>
    %convert_element_type3A_542 = arith.sitofp %convert_element_type3A_541 : vector<512x128xi32> to vector<512x128xf32>
    %convert_element_type3A_543 = arith.truncf %convert_element_type3A_542 : vector<512x128xf32> to vector<512x128xbf16>
    %dot_general3A_544 = arith.constant dense<0.000000e+00> : vector<128x128xf32>
    %dot_general3A_545 = tpu.matmul %convert_element_type3A_538, %convert_element_type3A_543, %dot_general3A_544 {dimension_numbers = #tpu.dot_dimension_numbers<[1], [0], [0], [1], [0, 0, 1, 1], [], []>, transpose_lhs_hint = false} : vector<128x512xbf16>, vector<512x128xbf16>, vector<128x128xf32> -> vector<128x128xf32>
    %get3A_546 = arith.constant 0 : index
    %get3A_547 = arith.constant 0 : index
    %get3A_548 = vector.load %arg3[%get3A_546, %get3A_547] : memref<128x128xf32, #tpu.memory_space<vmem>>, vector<128x128xf32>
    %add3A_549 = arith.addf %get3A_548, %dot_general3A_545 : vector<128x128xf32>
    %swap3A_550 = arith.constant 0 : index
    %swap3A_551 = arith.constant 0 : index
    %swap3A_552 = vector.load %arg3[%swap3A_550, %swap3A_551] : memref<128x128xf32, #tpu.memory_space<vmem>>, vector<128x128xf32>
    tpu.vector_store %arg3[%swap3A_550, %swap3A_551], %add3A_549 {strides = array<i32>} : memref<128x128xf32, #tpu.memory_space<vmem>>, vector<128x128xf32>,
    %convert_element_type3A_553 = arith.truncf %dot_general3A_545 : vector<128x128xf32> to vector<128x128xbf16>
    %mul3A_554 = arith.constant 128 : i32
    %mul3A_555 = arith.muli %scan3A_515, %mul3A_554 : i32
    %swap3A_556 = arith.index_cast %mul3A_555 : i32 to index
    %swap3A_557 = arith.constant 0 : index
    %swap3A_558 = vector.load %arg2[%swap3A_556, %swap3A_557] : memref<3072x128xbf16, #tpu.memory_space<vmem>>, vector<128x128xbf16>
    tpu.vector_store %arg2[%swap3A_556, %swap3A_557], %convert_element_type3A_553 {strides = array<i32>} : memref<3072x128xbf16, #tpu.memory_space<vmem>>, vector<128x128xbf16>,
    %eq3A_559 = vector.broadcast %convert_element_type3A_527 : vector<512x1xi32> to vector<512x512xi32>
    %eq3A_560 = vector.broadcast %reshape3A_520 : vector<1x512xi32> to vector<512x512xi32>
    %eq3A_561 = arith.cmpi eq, %eq3A_559, %eq3A_560 : vector<512x512xi32>
    %lt3A_562 = arith.cmpi slt, %iota3A_2, %iota3A_1 : vector<512x512xi32>
    %and3A_563 = arith.andi %eq3A_561, %lt3A_562 : vector<512x512xi1>
    %jit3A_564 = arith.constant 1.000000e+00 : f32
    %jit3A_565 = arith.constant 0.000000e+00 : f32
    %broadcast_in_dim3A_566 = vector.broadcast %jit3A_564 : f32 to vector<512x512xf32>
    %broadcast_in_dim3A_567 = vector.broadcast %jit3A_565 : f32 to vector<512x512xf32>
    %select_n3A_568 = arith.select %and3A_563, %broadcast_in_dim3A_566, %broadcast_in_dim3A_567 : vector<512x512xi1>, vector<512x512xf32>
    %reduce_sum3A_569 = arith.constant dense<0.000000e+00> : vector<512xf32>
    %reduce_sum3A_570 = vector.multi_reduction <add>, %select_n3A_568, %reduce_sum3A_569 [1] : vector<512x512xf32> to vector<512xf32>
    %broadcast_in_dim3A_571 = vector.shape_cast %reduce_sum3A_570 : vector<512xf32> to vector<512x1xf32>
    %mul3A_572 = vector.broadcast %broadcast_in_dim3A_571 : vector<512x1xf32> to vector<512x512xf32>
    %mul3A_573 = arith.mulf %mul3A_572, %convert_element_type3A_3 : vector<512x512xf32>
    %reduce_sum3A_574 = arith.constant dense<0.000000e+00> : vector<512xf32>
    %reduce_sum3A_575 = vector.multi_reduction <add>, %mul3A_573, %reduce_sum3A_574 [0] : vector<512x512xf32> to vector<512xf32>
    %broadcast_in_dim3A_576 = vector.shape_cast %reduce_sum3A_575 : vector<512xf32> to vector<1x512xf32>
    %swap3A_577 = arith.index_cast %scan3A_515 : i32 to index
    %swap3A_578 = arith.constant 0 : index
    %swap3A_579 = vector.load %arg5[%swap3A_577, %swap3A_578] : memref<24x512xf32, #tpu.memory_space<vmem>>, vector<1x512xf32>
    tpu.vector_store %arg5[%swap3A_577, %swap3A_578], %broadcast_in_dim3A_576 {strides = array<i32>} : memref<24x512xf32, #tpu.memory_space<vmem>>, vector<1x512xf32>,
    %scan3A_580 = arith.constant 9 : i32
    %mul3A_581 = arith.constant 512 : i32
    %mul3A_582 = arith.muli %scan3A_580, %mul3A_581 : i32
    %get3A_583 = arith.index_cast %mul3A_582 : i32 to index
    %get3A_584 = vector.load %arg0[%get3A_583] : memref<12288xi32, #tpu.memory_space<vmem>>, vector<512xi32>
    %reshape3A_585 = vector.shape_cast %get3A_584 : vector<512xi32> to vector<1x512xi32>
    %convert_element_type3A_586 = arith.sitofp %reshape3A_585 : vector<1x512xi32> to vector<1x512xf32>
    %mul3A_587 = vector.broadcast %convert_element_type3A_586 : vector<1x512xf32> to vector<512x512xf32>
    %mul3A_588 = arith.mulf %mul3A_587, %convert_element_type3A_3 : vector<512x512xf32>
    %reduce_sum3A_589 = arith.constant dense<0.000000e+00> : vector<512xf32>
    %reduce_sum3A_590 = vector.multi_reduction <add>, %mul3A_588, %reduce_sum3A_589 [1] : vector<512x512xf32> to vector<512xf32>
    %broadcast_in_dim3A_591 = vector.shape_cast %reduce_sum3A_590 : vector<512xf32> to vector<512x1xf32>
    %convert_element_type3A_592 = arith.fptosi %broadcast_in_dim3A_591 : vector<512x1xf32> to vector<512x1xi32>
    %and3A_593 = arith.constant 127 : i32
    %and3A_594 = vector.broadcast %and3A_593 : i32 to vector<1x512xi32>
    %and3A_595 = arith.andi %reshape3A_585, %and3A_594 : vector<1x512xi32>
    %shift_right_arithmetic3A_596 = arith.constant 7 : i32
    %shift_right_arithmetic3A_597 = vector.broadcast %shift_right_arithmetic3A_596 : i32 to vector<512x1xi32>
    %shift_right_arithmetic3A_598 = arith.shrsi %convert_element_type3A_592, %shift_right_arithmetic3A_597 : vector<512x1xi32>
    %eq3A_599 = vector.broadcast %and3A_595 : vector<1x512xi32> to vector<128x512xi32>
    %eq3A_600 = arith.cmpi eq, %eq3A_599, %iota3A : vector<128x512xi32>
    %convert_element_type3A_601 = arith.extui %eq3A_600 : vector<128x512xi1> to vector<128x512xi32>
    %convert_element_type3A_602 = arith.sitofp %convert_element_type3A_601 : vector<128x512xi32> to vector<128x512xf32>
    %convert_element_type3A_603 = arith.truncf %convert_element_type3A_602 : vector<128x512xf32> to vector<128x512xbf16>
    %eq3A_604 = vector.broadcast %shift_right_arithmetic3A_598 : vector<512x1xi32> to vector<512x128xi32>
    %eq3A_605 = arith.cmpi eq, %eq3A_604, %iota3A_0 : vector<512x128xi32>
    %convert_element_type3A_606 = arith.extui %eq3A_605 : vector<512x128xi1> to vector<512x128xi32>
    %convert_element_type3A_607 = arith.sitofp %convert_element_type3A_606 : vector<512x128xi32> to vector<512x128xf32>
    %convert_element_type3A_608 = arith.truncf %convert_element_type3A_607 : vector<512x128xf32> to vector<512x128xbf16>
    %dot_general3A_609 = arith.constant dense<0.000000e+00> : vector<128x128xf32>
    %dot_general3A_610 = tpu.matmul %convert_element_type3A_603, %convert_element_type3A_608, %dot_general3A_609 {dimension_numbers = #tpu.dot_dimension_numbers<[1], [0], [0], [1], [0, 0, 1, 1], [], []>, transpose_lhs_hint = false} : vector<128x512xbf16>, vector<512x128xbf16>, vector<128x128xf32> -> vector<128x128xf32>
    %get3A_611 = arith.constant 0 : index
    %get3A_612 = arith.constant 0 : index
    %get3A_613 = vector.load %arg3[%get3A_611, %get3A_612] : memref<128x128xf32, #tpu.memory_space<vmem>>, vector<128x128xf32>
    %add3A_614 = arith.addf %get3A_613, %dot_general3A_610 : vector<128x128xf32>
    %swap3A_615 = arith.constant 0 : index
    %swap3A_616 = arith.constant 0 : index
    %swap3A_617 = vector.load %arg3[%swap3A_615, %swap3A_616] : memref<128x128xf32, #tpu.memory_space<vmem>>, vector<128x128xf32>
    tpu.vector_store %arg3[%swap3A_615, %swap3A_616], %add3A_614 {strides = array<i32>} : memref<128x128xf32, #tpu.memory_space<vmem>>, vector<128x128xf32>,
    %convert_element_type3A_618 = arith.truncf %dot_general3A_610 : vector<128x128xf32> to vector<128x128xbf16>
    %mul3A_619 = arith.constant 128 : i32
    %mul3A_620 = arith.muli %scan3A_580, %mul3A_619 : i32
    %swap3A_621 = arith.index_cast %mul3A_620 : i32 to index
    %swap3A_622 = arith.constant 0 : index
    %swap3A_623 = vector.load %arg2[%swap3A_621, %swap3A_622] : memref<3072x128xbf16, #tpu.memory_space<vmem>>, vector<128x128xbf16>
    tpu.vector_store %arg2[%swap3A_621, %swap3A_622], %convert_element_type3A_618 {strides = array<i32>} : memref<3072x128xbf16, #tpu.memory_space<vmem>>, vector<128x128xbf16>,
    %eq3A_624 = vector.broadcast %convert_element_type3A_592 : vector<512x1xi32> to vector<512x512xi32>
    %eq3A_625 = vector.broadcast %reshape3A_585 : vector<1x512xi32> to vector<512x512xi32>
    %eq3A_626 = arith.cmpi eq, %eq3A_624, %eq3A_625 : vector<512x512xi32>
    %lt3A_627 = arith.cmpi slt, %iota3A_2, %iota3A_1 : vector<512x512xi32>
    %and3A_628 = arith.andi %eq3A_626, %lt3A_627 : vector<512x512xi1>
    %jit3A_629 = arith.constant 1.000000e+00 : f32
    %jit3A_630 = arith.constant 0.000000e+00 : f32
    %broadcast_in_dim3A_631 = vector.broadcast %jit3A_629 : f32 to vector<512x512xf32>
    %broadcast_in_dim3A_632 = vector.broadcast %jit3A_630 : f32 to vector<512x512xf32>
    %select_n3A_633 = arith.select %and3A_628, %broadcast_in_dim3A_631, %broadcast_in_dim3A_632 : vector<512x512xi1>, vector<512x512xf32>
    %reduce_sum3A_634 = arith.constant dense<0.000000e+00> : vector<512xf32>
    %reduce_sum3A_635 = vector.multi_reduction <add>, %select_n3A_633, %reduce_sum3A_634 [1] : vector<512x512xf32> to vector<512xf32>
    %broadcast_in_dim3A_636 = vector.shape_cast %reduce_sum3A_635 : vector<512xf32> to vector<512x1xf32>
    %mul3A_637 = vector.broadcast %broadcast_in_dim3A_636 : vector<512x1xf32> to vector<512x512xf32>
    %mul3A_638 = arith.mulf %mul3A_637, %convert_element_type3A_3 : vector<512x512xf32>
    %reduce_sum3A_639 = arith.constant dense<0.000000e+00> : vector<512xf32>
    %reduce_sum3A_640 = vector.multi_reduction <add>, %mul3A_638, %reduce_sum3A_639 [0] : vector<512x512xf32> to vector<512xf32>
    %broadcast_in_dim3A_641 = vector.shape_cast %reduce_sum3A_640 : vector<512xf32> to vector<1x512xf32>
    %swap3A_642 = arith.index_cast %scan3A_580 : i32 to index
    %swap3A_643 = arith.constant 0 : index
    %swap3A_644 = vector.load %arg5[%swap3A_642, %swap3A_643] : memref<24x512xf32, #tpu.memory_space<vmem>>, vector<1x512xf32>
    tpu.vector_store %arg5[%swap3A_642, %swap3A_643], %broadcast_in_dim3A_641 {strides = array<i32>} : memref<24x512xf32, #tpu.memory_space<vmem>>, vector<1x512xf32>,
    %scan3A_645 = arith.constant 10 : i32
    %mul3A_646 = arith.constant 512 : i32
    %mul3A_647 = arith.muli %scan3A_645, %mul3A_646 : i32
    %get3A_648 = arith.index_cast %mul3A_647 : i32 to index
    %get3A_649 = vector.load %arg0[%get3A_648] : memref<12288xi32, #tpu.memory_space<vmem>>, vector<512xi32>
    %reshape3A_650 = vector.shape_cast %get3A_649 : vector<512xi32> to vector<1x512xi32>
    %convert_element_type3A_651 = arith.sitofp %reshape3A_650 : vector<1x512xi32> to vector<1x512xf32>
    %mul3A_652 = vector.broadcast %convert_element_type3A_651 : vector<1x512xf32> to vector<512x512xf32>
    %mul3A_653 = arith.mulf %mul3A_652, %convert_element_type3A_3 : vector<512x512xf32>
    %reduce_sum3A_654 = arith.constant dense<0.000000e+00> : vector<512xf32>
    %reduce_sum3A_655 = vector.multi_reduction <add>, %mul3A_653, %reduce_sum3A_654 [1] : vector<512x512xf32> to vector<512xf32>
    %broadcast_in_dim3A_656 = vector.shape_cast %reduce_sum3A_655 : vector<512xf32> to vector<512x1xf32>
    %convert_element_type3A_657 = arith.fptosi %broadcast_in_dim3A_656 : vector<512x1xf32> to vector<512x1xi32>
    %and3A_658 = arith.constant 127 : i32
    %and3A_659 = vector.broadcast %and3A_658 : i32 to vector<1x512xi32>
    %and3A_660 = arith.andi %reshape3A_650, %and3A_659 : vector<1x512xi32>
    %shift_right_arithmetic3A_661 = arith.constant 7 : i32
    %shift_right_arithmetic3A_662 = vector.broadcast %shift_right_arithmetic3A_661 : i32 to vector<512x1xi32>
    %shift_right_arithmetic3A_663 = arith.shrsi %convert_element_type3A_657, %shift_right_arithmetic3A_662 : vector<512x1xi32>
    %eq3A_664 = vector.broadcast %and3A_660 : vector<1x512xi32> to vector<128x512xi32>
    %eq3A_665 = arith.cmpi eq, %eq3A_664, %iota3A : vector<128x512xi32>
    %convert_element_type3A_666 = arith.extui %eq3A_665 : vector<128x512xi1> to vector<128x512xi32>
    %convert_element_type3A_667 = arith.sitofp %convert_element_type3A_666 : vector<128x512xi32> to vector<128x512xf32>
    %convert_element_type3A_668 = arith.truncf %convert_element_type3A_667 : vector<128x512xf32> to vector<128x512xbf16>
    %eq3A_669 = vector.broadcast %shift_right_arithmetic3A_663 : vector<512x1xi32> to vector<512x128xi32>
    %eq3A_670 = arith.cmpi eq, %eq3A_669, %iota3A_0 : vector<512x128xi32>
    %convert_element_type3A_671 = arith.extui %eq3A_670 : vector<512x128xi1> to vector<512x128xi32>
    %convert_element_type3A_672 = arith.sitofp %convert_element_type3A_671 : vector<512x128xi32> to vector<512x128xf32>
    %convert_element_type3A_673 = arith.truncf %convert_element_type3A_672 : vector<512x128xf32> to vector<512x128xbf16>
    %dot_general3A_674 = arith.constant dense<0.000000e+00> : vector<128x128xf32>
    %dot_general3A_675 = tpu.matmul %convert_element_type3A_668, %convert_element_type3A_673, %dot_general3A_674 {dimension_numbers = #tpu.dot_dimension_numbers<[1], [0], [0], [1], [0, 0, 1, 1], [], []>, transpose_lhs_hint = false} : vector<128x512xbf16>, vector<512x128xbf16>, vector<128x128xf32> -> vector<128x128xf32>
    %get3A_676 = arith.constant 0 : index
    %get3A_677 = arith.constant 0 : index
    %get3A_678 = vector.load %arg3[%get3A_676, %get3A_677] : memref<128x128xf32, #tpu.memory_space<vmem>>, vector<128x128xf32>
    %add3A_679 = arith.addf %get3A_678, %dot_general3A_675 : vector<128x128xf32>
    %swap3A_680 = arith.constant 0 : index
    %swap3A_681 = arith.constant 0 : index
    %swap3A_682 = vector.load %arg3[%swap3A_680, %swap3A_681] : memref<128x128xf32, #tpu.memory_space<vmem>>, vector<128x128xf32>
    tpu.vector_store %arg3[%swap3A_680, %swap3A_681], %add3A_679 {strides = array<i32>} : memref<128x128xf32, #tpu.memory_space<vmem>>, vector<128x128xf32>,
    %convert_element_type3A_683 = arith.truncf %dot_general3A_675 : vector<128x128xf32> to vector<128x128xbf16>
    %mul3A_684 = arith.constant 128 : i32
    %mul3A_685 = arith.muli %scan3A_645, %mul3A_684 : i32
    %swap3A_686 = arith.index_cast %mul3A_685 : i32 to index
    %swap3A_687 = arith.constant 0 : index
    %swap3A_688 = vector.load %arg2[%swap3A_686, %swap3A_687] : memref<3072x128xbf16, #tpu.memory_space<vmem>>, vector<128x128xbf16>
    tpu.vector_store %arg2[%swap3A_686, %swap3A_687], %convert_element_type3A_683 {strides = array<i32>} : memref<3072x128xbf16, #tpu.memory_space<vmem>>, vector<128x128xbf16>,
    %eq3A_689 = vector.broadcast %convert_element_type3A_657 : vector<512x1xi32> to vector<512x512xi32>
    %eq3A_690 = vector.broadcast %reshape3A_650 : vector<1x512xi32> to vector<512x512xi32>
    %eq3A_691 = arith.cmpi eq, %eq3A_689, %eq3A_690 : vector<512x512xi32>
    %lt3A_692 = arith.cmpi slt, %iota3A_2, %iota3A_1 : vector<512x512xi32>
    %and3A_693 = arith.andi %eq3A_691, %lt3A_692 : vector<512x512xi1>
    %jit3A_694 = arith.constant 1.000000e+00 : f32
    %jit3A_695 = arith.constant 0.000000e+00 : f32
    %broadcast_in_dim3A_696 = vector.broadcast %jit3A_694 : f32 to vector<512x512xf32>
    %broadcast_in_dim3A_697 = vector.broadcast %jit3A_695 : f32 to vector<512x512xf32>
    %select_n3A_698 = arith.select %and3A_693, %broadcast_in_dim3A_696, %broadcast_in_dim3A_697 : vector<512x512xi1>, vector<512x512xf32>
    %reduce_sum3A_699 = arith.constant dense<0.000000e+00> : vector<512xf32>
    %reduce_sum3A_700 = vector.multi_reduction <add>, %select_n3A_698, %reduce_sum3A_699 [1] : vector<512x512xf32> to vector<512xf32>
    %broadcast_in_dim3A_701 = vector.shape_cast %reduce_sum3A_700 : vector<512xf32> to vector<512x1xf32>
    %mul3A_702 = vector.broadcast %broadcast_in_dim3A_701 : vector<512x1xf32> to vector<512x512xf32>
    %mul3A_703 = arith.mulf %mul3A_702, %convert_element_type3A_3 : vector<512x512xf32>
    %reduce_sum3A_704 = arith.constant dense<0.000000e+00> : vector<512xf32>
    %reduce_sum3A_705 = vector.multi_reduction <add>, %mul3A_703, %reduce_sum3A_704 [0] : vector<512x512xf32> to vector<512xf32>
    %broadcast_in_dim3A_706 = vector.shape_cast %reduce_sum3A_705 : vector<512xf32> to vector<1x512xf32>
    %swap3A_707 = arith.index_cast %scan3A_645 : i32 to index
    %swap3A_708 = arith.constant 0 : index
    %swap3A_709 = vector.load %arg5[%swap3A_707, %swap3A_708] : memref<24x512xf32, #tpu.memory_space<vmem>>, vector<1x512xf32>
    tpu.vector_store %arg5[%swap3A_707, %swap3A_708], %broadcast_in_dim3A_706 {strides = array<i32>} : memref<24x512xf32, #tpu.memory_space<vmem>>, vector<1x512xf32>,
    %scan3A_710 = arith.constant 11 : i32
    %mul3A_711 = arith.constant 512 : i32
    %mul3A_712 = arith.muli %scan3A_710, %mul3A_711 : i32
    %get3A_713 = arith.index_cast %mul3A_712 : i32 to index
    %get3A_714 = vector.load %arg0[%get3A_713] : memref<12288xi32, #tpu.memory_space<vmem>>, vector<512xi32>
    %reshape3A_715 = vector.shape_cast %get3A_714 : vector<512xi32> to vector<1x512xi32>
    %convert_element_type3A_716 = arith.sitofp %reshape3A_715 : vector<1x512xi32> to vector<1x512xf32>
    %mul3A_717 = vector.broadcast %convert_element_type3A_716 : vector<1x512xf32> to vector<512x512xf32>
    %mul3A_718 = arith.mulf %mul3A_717, %convert_element_type3A_3 : vector<512x512xf32>
    %reduce_sum3A_719 = arith.constant dense<0.000000e+00> : vector<512xf32>
    %reduce_sum3A_720 = vector.multi_reduction <add>, %mul3A_718, %reduce_sum3A_719 [1] : vector<512x512xf32> to vector<512xf32>
    %broadcast_in_dim3A_721 = vector.shape_cast %reduce_sum3A_720 : vector<512xf32> to vector<512x1xf32>
    %convert_element_type3A_722 = arith.fptosi %broadcast_in_dim3A_721 : vector<512x1xf32> to vector<512x1xi32>
    %and3A_723 = arith.constant 127 : i32
    %and3A_724 = vector.broadcast %and3A_723 : i32 to vector<1x512xi32>
    %and3A_725 = arith.andi %reshape3A_715, %and3A_724 : vector<1x512xi32>
    %shift_right_arithmetic3A_726 = arith.constant 7 : i32
    %shift_right_arithmetic3A_727 = vector.broadcast %shift_right_arithmetic3A_726 : i32 to vector<512x1xi32>
    %shift_right_arithmetic3A_728 = arith.shrsi %convert_element_type3A_722, %shift_right_arithmetic3A_727 : vector<512x1xi32>
    %eq3A_729 = vector.broadcast %and3A_725 : vector<1x512xi32> to vector<128x512xi32>
    %eq3A_730 = arith.cmpi eq, %eq3A_729, %iota3A : vector<128x512xi32>
    %convert_element_type3A_731 = arith.extui %eq3A_730 : vector<128x512xi1> to vector<128x512xi32>
    %convert_element_type3A_732 = arith.sitofp %convert_element_type3A_731 : vector<128x512xi32> to vector<128x512xf32>
    %convert_element_type3A_733 = arith.truncf %convert_element_type3A_732 : vector<128x512xf32> to vector<128x512xbf16>
    %eq3A_734 = vector.broadcast %shift_right_arithmetic3A_728 : vector<512x1xi32> to vector<512x128xi32>
    %eq3A_735 = arith.cmpi eq, %eq3A_734, %iota3A_0 : vector<512x128xi32>
    %convert_element_type3A_736 = arith.extui %eq3A_735 : vector<512x128xi1> to vector<512x128xi32>
    %convert_element_type3A_737 = arith.sitofp %convert_element_type3A_736 : vector<512x128xi32> to vector<512x128xf32>
    %convert_element_type3A_738 = arith.truncf %convert_element_type3A_737 : vector<512x128xf32> to vector<512x128xbf16>
    %dot_general3A_739 = arith.constant dense<0.000000e+00> : vector<128x128xf32>
    %dot_general3A_740 = tpu.matmul %convert_element_type3A_733, %convert_element_type3A_738, %dot_general3A_739 {dimension_numbers = #tpu.dot_dimension_numbers<[1], [0], [0], [1], [0, 0, 1, 1], [], []>, transpose_lhs_hint = false} : vector<128x512xbf16>, vector<512x128xbf16>, vector<128x128xf32> -> vector<128x128xf32>
    %get3A_741 = arith.constant 0 : index
    %get3A_742 = arith.constant 0 : index
    %get3A_743 = vector.load %arg3[%get3A_741, %get3A_742] : memref<128x128xf32, #tpu.memory_space<vmem>>, vector<128x128xf32>
    %add3A_744 = arith.addf %get3A_743, %dot_general3A_740 : vector<128x128xf32>
    %swap3A_745 = arith.constant 0 : index
    %swap3A_746 = arith.constant 0 : index
    %swap3A_747 = vector.load %arg3[%swap3A_745, %swap3A_746] : memref<128x128xf32, #tpu.memory_space<vmem>>, vector<128x128xf32>
    tpu.vector_store %arg3[%swap3A_745, %swap3A_746], %add3A_744 {strides = array<i32>} : memref<128x128xf32, #tpu.memory_space<vmem>>, vector<128x128xf32>,
    %convert_element_type3A_748 = arith.truncf %dot_general3A_740 : vector<128x128xf32> to vector<128x128xbf16>
    %mul3A_749 = arith.constant 128 : i32
    %mul3A_750 = arith.muli %scan3A_710, %mul3A_749 : i32
    %swap3A_751 = arith.index_cast %mul3A_750 : i32 to index
    %swap3A_752 = arith.constant 0 : index
    %swap3A_753 = vector.load %arg2[%swap3A_751, %swap3A_752] : memref<3072x128xbf16, #tpu.memory_space<vmem>>, vector<128x128xbf16>
    tpu.vector_store %arg2[%swap3A_751, %swap3A_752], %convert_element_type3A_748 {strides = array<i32>} : memref<3072x128xbf16, #tpu.memory_space<vmem>>, vector<128x128xbf16>,
    %eq3A_754 = vector.broadcast %convert_element_type3A_722 : vector<512x1xi32> to vector<512x512xi32>
    %eq3A_755 = vector.broadcast %reshape3A_715 : vector<1x512xi32> to vector<512x512xi32>
    %eq3A_756 = arith.cmpi eq, %eq3A_754, %eq3A_755 : vector<512x512xi32>
    %lt3A_757 = arith.cmpi slt, %iota3A_2, %iota3A_1 : vector<512x512xi32>
    %and3A_758 = arith.andi %eq3A_756, %lt3A_757 : vector<512x512xi1>
    %jit3A_759 = arith.constant 1.000000e+00 : f32
    %jit3A_760 = arith.constant 0.000000e+00 : f32
    %broadcast_in_dim3A_761 = vector.broadcast %jit3A_759 : f32 to vector<512x512xf32>
    %broadcast_in_dim3A_762 = vector.broadcast %jit3A_760 : f32 to vector<512x512xf32>
    %select_n3A_763 = arith.select %and3A_758, %broadcast_in_dim3A_761, %broadcast_in_dim3A_762 : vector<512x512xi1>, vector<512x512xf32>
    %reduce_sum3A_764 = arith.constant dense<0.000000e+00> : vector<512xf32>
    %reduce_sum3A_765 = vector.multi_reduction <add>, %select_n3A_763, %reduce_sum3A_764 [1] : vector<512x512xf32> to vector<512xf32>
    %broadcast_in_dim3A_766 = vector.shape_cast %reduce_sum3A_765 : vector<512xf32> to vector<512x1xf32>
    %mul3A_767 = vector.broadcast %broadcast_in_dim3A_766 : vector<512x1xf32> to vector<512x512xf32>
    %mul3A_768 = arith.mulf %mul3A_767, %convert_element_type3A_3 : vector<512x512xf32>
    %reduce_sum3A_769 = arith.constant dense<0.000000e+00> : vector<512xf32>
    %reduce_sum3A_770 = vector.multi_reduction <add>, %mul3A_768, %reduce_sum3A_769 [0] : vector<512x512xf32> to vector<512xf32>
    %broadcast_in_dim3A_771 = vector.shape_cast %reduce_sum3A_770 : vector<512xf32> to vector<1x512xf32>
    %swap3A_772 = arith.index_cast %scan3A_710 : i32 to index
    %swap3A_773 = arith.constant 0 : index
    %swap3A_774 = vector.load %arg5[%swap3A_772, %swap3A_773] : memref<24x512xf32, #tpu.memory_space<vmem>>, vector<1x512xf32>
    tpu.vector_store %arg5[%swap3A_772, %swap3A_773], %broadcast_in_dim3A_771 {strides = array<i32>} : memref<24x512xf32, #tpu.memory_space<vmem>>, vector<1x512xf32>,
    %scan3A_775 = arith.constant 12 : i32
    %mul3A_776 = arith.constant 512 : i32
    %mul3A_777 = arith.muli %scan3A_775, %mul3A_776 : i32
    %get3A_778 = arith.index_cast %mul3A_777 : i32 to index
    %get3A_779 = vector.load %arg0[%get3A_778] : memref<12288xi32, #tpu.memory_space<vmem>>, vector<512xi32>
    %reshape3A_780 = vector.shape_cast %get3A_779 : vector<512xi32> to vector<1x512xi32>
    %convert_element_type3A_781 = arith.sitofp %reshape3A_780 : vector<1x512xi32> to vector<1x512xf32>
    %mul3A_782 = vector.broadcast %convert_element_type3A_781 : vector<1x512xf32> to vector<512x512xf32>
    %mul3A_783 = arith.mulf %mul3A_782, %convert_element_type3A_3 : vector<512x512xf32>
    %reduce_sum3A_784 = arith.constant dense<0.000000e+00> : vector<512xf32>
    %reduce_sum3A_785 = vector.multi_reduction <add>, %mul3A_783, %reduce_sum3A_784 [1] : vector<512x512xf32> to vector<512xf32>
    %broadcast_in_dim3A_786 = vector.shape_cast %reduce_sum3A_785 : vector<512xf32> to vector<512x1xf32>
    %convert_element_type3A_787 = arith.fptosi %broadcast_in_dim3A_786 : vector<512x1xf32> to vector<512x1xi32>
    %and3A_788 = arith.constant 127 : i32
    %and3A_789 = vector.broadcast %and3A_788 : i32 to vector<1x512xi32>
    %and3A_790 = arith.andi %reshape3A_780, %and3A_789 : vector<1x512xi32>
    %shift_right_arithmetic3A_791 = arith.constant 7 : i32
    %shift_right_arithmetic3A_792 = vector.broadcast %shift_right_arithmetic3A_791 : i32 to vector<512x1xi32>
    %shift_right_arithmetic3A_793 = arith.shrsi %convert_element_type3A_787, %shift_right_arithmetic3A_792 : vector<512x1xi32>
    %eq3A_794 = vector.broadcast %and3A_790 : vector<1x512xi32> to vector<128x512xi32>
    %eq3A_795 = arith.cmpi eq, %eq3A_794, %iota3A : vector<128x512xi32>
    %convert_element_type3A_796 = arith.extui %eq3A_795 : vector<128x512xi1> to vector<128x512xi32>
    %convert_element_type3A_797 = arith.sitofp %convert_element_type3A_796 : vector<128x512xi32> to vector<128x512xf32>
    %convert_element_type3A_798 = arith.truncf %convert_element_type3A_797 : vector<128x512xf32> to vector<128x512xbf16>
    %eq3A_799 = vector.broadcast %shift_right_arithmetic3A_793 : vector<512x1xi32> to vector<512x128xi32>
    %eq3A_800 = arith.cmpi eq, %eq3A_799, %iota3A_0 : vector<512x128xi32>
    %convert_element_type3A_801 = arith.extui %eq3A_800 : vector<512x128xi1> to vector<512x128xi32>
    %convert_element_type3A_802 = arith.sitofp %convert_element_type3A_801 : vector<512x128xi32> to vector<512x128xf32>
    %convert_element_type3A_803 = arith.truncf %convert_element_type3A_802 : vector<512x128xf32> to vector<512x128xbf16>
    %dot_general3A_804 = arith.constant dense<0.000000e+00> : vector<128x128xf32>
    %dot_general3A_805 = tpu.matmul %convert_element_type3A_798, %convert_element_type3A_803, %dot_general3A_804 {dimension_numbers = #tpu.dot_dimension_numbers<[1], [0], [0], [1], [0, 0, 1, 1], [], []>, transpose_lhs_hint = false} : vector<128x512xbf16>, vector<512x128xbf16>, vector<128x128xf32> -> vector<128x128xf32>
    %get3A_806 = arith.constant 0 : index
    %get3A_807 = arith.constant 0 : index
    %get3A_808 = vector.load %arg3[%get3A_806, %get3A_807] : memref<128x128xf32, #tpu.memory_space<vmem>>, vector<128x128xf32>
    %add3A_809 = arith.addf %get3A_808, %dot_general3A_805 : vector<128x128xf32>
    %swap3A_810 = arith.constant 0 : index
    %swap3A_811 = arith.constant 0 : index
    %swap3A_812 = vector.load %arg3[%swap3A_810, %swap3A_811] : memref<128x128xf32, #tpu.memory_space<vmem>>, vector<128x128xf32>
    tpu.vector_store %arg3[%swap3A_810, %swap3A_811], %add3A_809 {strides = array<i32>} : memref<128x128xf32, #tpu.memory_space<vmem>>, vector<128x128xf32>,
    %convert_element_type3A_813 = arith.truncf %dot_general3A_805 : vector<128x128xf32> to vector<128x128xbf16>
    %mul3A_814 = arith.constant 128 : i32
    %mul3A_815 = arith.muli %scan3A_775, %mul3A_814 : i32
    %swap3A_816 = arith.index_cast %mul3A_815 : i32 to index
    %swap3A_817 = arith.constant 0 : index
    %swap3A_818 = vector.load %arg2[%swap3A_816, %swap3A_817] : memref<3072x128xbf16, #tpu.memory_space<vmem>>, vector<128x128xbf16>
    tpu.vector_store %arg2[%swap3A_816, %swap3A_817], %convert_element_type3A_813 {strides = array<i32>} : memref<3072x128xbf16, #tpu.memory_space<vmem>>, vector<128x128xbf16>,
    %eq3A_819 = vector.broadcast %convert_element_type3A_787 : vector<512x1xi32> to vector<512x512xi32>
    %eq3A_820 = vector.broadcast %reshape3A_780 : vector<1x512xi32> to vector<512x512xi32>
    %eq3A_821 = arith.cmpi eq, %eq3A_819, %eq3A_820 : vector<512x512xi32>
    %lt3A_822 = arith.cmpi slt, %iota3A_2, %iota3A_1 : vector<512x512xi32>
    %and3A_823 = arith.andi %eq3A_821, %lt3A_822 : vector<512x512xi1>
    %jit3A_824 = arith.constant 1.000000e+00 : f32
    %jit3A_825 = arith.constant 0.000000e+00 : f32
    %broadcast_in_dim3A_826 = vector.broadcast %jit3A_824 : f32 to vector<512x512xf32>
    %broadcast_in_dim3A_827 = vector.broadcast %jit3A_825 : f32 to vector<512x512xf32>
    %select_n3A_828 = arith.select %and3A_823, %broadcast_in_dim3A_826, %broadcast_in_dim3A_827 : vector<512x512xi1>, vector<512x512xf32>
    %reduce_sum3A_829 = arith.constant dense<0.000000e+00> : vector<512xf32>
    %reduce_sum3A_830 = vector.multi_reduction <add>, %select_n3A_828, %reduce_sum3A_829 [1] : vector<512x512xf32> to vector<512xf32>
    %broadcast_in_dim3A_831 = vector.shape_cast %reduce_sum3A_830 : vector<512xf32> to vector<512x1xf32>
    %mul3A_832 = vector.broadcast %broadcast_in_dim3A_831 : vector<512x1xf32> to vector<512x512xf32>
    %mul3A_833 = arith.mulf %mul3A_832, %convert_element_type3A_3 : vector<512x512xf32>
    %reduce_sum3A_834 = arith.constant dense<0.000000e+00> : vector<512xf32>
    %reduce_sum3A_835 = vector.multi_reduction <add>, %mul3A_833, %reduce_sum3A_834 [0] : vector<512x512xf32> to vector<512xf32>
    %broadcast_in_dim3A_836 = vector.shape_cast %reduce_sum3A_835 : vector<512xf32> to vector<1x512xf32>
    %swap3A_837 = arith.index_cast %scan3A_775 : i32 to index
    %swap3A_838 = arith.constant 0 : index
    %swap3A_839 = vector.load %arg5[%swap3A_837, %swap3A_838] : memref<24x512xf32, #tpu.memory_space<vmem>>, vector<1x512xf32>
    tpu.vector_store %arg5[%swap3A_837, %swap3A_838], %broadcast_in_dim3A_836 {strides = array<i32>} : memref<24x512xf32, #tpu.memory_space<vmem>>, vector<1x512xf32>,
    %scan3A_840 = arith.constant 13 : i32
    %mul3A_841 = arith.constant 512 : i32
    %mul3A_842 = arith.muli %scan3A_840, %mul3A_841 : i32
    %get3A_843 = arith.index_cast %mul3A_842 : i32 to index
    %get3A_844 = vector.load %arg0[%get3A_843] : memref<12288xi32, #tpu.memory_space<vmem>>, vector<512xi32>
    %reshape3A_845 = vector.shape_cast %get3A_844 : vector<512xi32> to vector<1x512xi32>
    %convert_element_type3A_846 = arith.sitofp %reshape3A_845 : vector<1x512xi32> to vector<1x512xf32>
    %mul3A_847 = vector.broadcast %convert_element_type3A_846 : vector<1x512xf32> to vector<512x512xf32>
    %mul3A_848 = arith.mulf %mul3A_847, %convert_element_type3A_3 : vector<512x512xf32>
    %reduce_sum3A_849 = arith.constant dense<0.000000e+00> : vector<512xf32>
    %reduce_sum3A_850 = vector.multi_reduction <add>, %mul3A_848, %reduce_sum3A_849 [1] : vector<512x512xf32> to vector<512xf32>
    %broadcast_in_dim3A_851 = vector.shape_cast %reduce_sum3A_850 : vector<512xf32> to vector<512x1xf32>
    %convert_element_type3A_852 = arith.fptosi %broadcast_in_dim3A_851 : vector<512x1xf32> to vector<512x1xi32>
    %and3A_853 = arith.constant 127 : i32
    %and3A_854 = vector.broadcast %and3A_853 : i32 to vector<1x512xi32>
    %and3A_855 = arith.andi %reshape3A_845, %and3A_854 : vector<1x512xi32>
    %shift_right_arithmetic3A_856 = arith.constant 7 : i32
    %shift_right_arithmetic3A_857 = vector.broadcast %shift_right_arithmetic3A_856 : i32 to vector<512x1xi32>
    %shift_right_arithmetic3A_858 = arith.shrsi %convert_element_type3A_852, %shift_right_arithmetic3A_857 : vector<512x1xi32>
    %eq3A_859 = vector.broadcast %and3A_855 : vector<1x512xi32> to vector<128x512xi32>
    %eq3A_860 = arith.cmpi eq, %eq3A_859, %iota3A : vector<128x512xi32>
    %convert_element_type3A_861 = arith.extui %eq3A_860 : vector<128x512xi1> to vector<128x512xi32>
    %convert_element_type3A_862 = arith.sitofp %convert_element_type3A_861 : vector<128x512xi32> to vector<128x512xf32>
    %convert_element_type3A_863 = arith.truncf %convert_element_type3A_862 : vector<128x512xf32> to vector<128x512xbf16>
    %eq3A_864 = vector.broadcast %shift_right_arithmetic3A_858 : vector<512x1xi32> to vector<512x128xi32>
    %eq3A_865 = arith.cmpi eq, %eq3A_864, %iota3A_0 : vector<512x128xi32>
    %convert_element_type3A_866 = arith.extui %eq3A_865 : vector<512x128xi1> to vector<512x128xi32>
    %convert_element_type3A_867 = arith.sitofp %convert_element_type3A_866 : vector<512x128xi32> to vector<512x128xf32>
    %convert_element_type3A_868 = arith.truncf %convert_element_type3A_867 : vector<512x128xf32> to vector<512x128xbf16>
    %dot_general3A_869 = arith.constant dense<0.000000e+00> : vector<128x128xf32>
    %dot_general3A_870 = tpu.matmul %convert_element_type3A_863, %convert_element_type3A_868, %dot_general3A_869 {dimension_numbers = #tpu.dot_dimension_numbers<[1], [0], [0], [1], [0, 0, 1, 1], [], []>, transpose_lhs_hint = false} : vector<128x512xbf16>, vector<512x128xbf16>, vector<128x128xf32> -> vector<128x128xf32>
    %get3A_871 = arith.constant 0 : index
    %get3A_872 = arith.constant 0 : index
    %get3A_873 = vector.load %arg3[%get3A_871, %get3A_872] : memref<128x128xf32, #tpu.memory_space<vmem>>, vector<128x128xf32>
    %add3A_874 = arith.addf %get3A_873, %dot_general3A_870 : vector<128x128xf32>
    %swap3A_875 = arith.constant 0 : index
    %swap3A_876 = arith.constant 0 : index
    %swap3A_877 = vector.load %arg3[%swap3A_875, %swap3A_876] : memref<128x128xf32, #tpu.memory_space<vmem>>, vector<128x128xf32>
    tpu.vector_store %arg3[%swap3A_875, %swap3A_876], %add3A_874 {strides = array<i32>} : memref<128x128xf32, #tpu.memory_space<vmem>>, vector<128x128xf32>,
    %convert_element_type3A_878 = arith.truncf %dot_general3A_870 : vector<128x128xf32> to vector<128x128xbf16>
    %mul3A_879 = arith.constant 128 : i32
    %mul3A_880 = arith.muli %scan3A_840, %mul3A_879 : i32
    %swap3A_881 = arith.index_cast %mul3A_880 : i32 to index
    %swap3A_882 = arith.constant 0 : index
    %swap3A_883 = vector.load %arg2[%swap3A_881, %swap3A_882] : memref<3072x128xbf16, #tpu.memory_space<vmem>>, vector<128x128xbf16>
    tpu.vector_store %arg2[%swap3A_881, %swap3A_882], %convert_element_type3A_878 {strides = array<i32>} : memref<3072x128xbf16, #tpu.memory_space<vmem>>, vector<128x128xbf16>,
    %eq3A_884 = vector.broadcast %convert_element_type3A_852 : vector<512x1xi32> to vector<512x512xi32>
    %eq3A_885 = vector.broadcast %reshape3A_845 : vector<1x512xi32> to vector<512x512xi32>
    %eq3A_886 = arith.cmpi eq, %eq3A_884, %eq3A_885 : vector<512x512xi32>
    %lt3A_887 = arith.cmpi slt, %iota3A_2, %iota3A_1 : vector<512x512xi32>
    %and3A_888 = arith.andi %eq3A_886, %lt3A_887 : vector<512x512xi1>
    %jit3A_889 = arith.constant 1.000000e+00 : f32
    %jit3A_890 = arith.constant 0.000000e+00 : f32
    %broadcast_in_dim3A_891 = vector.broadcast %jit3A_889 : f32 to vector<512x512xf32>
    %broadcast_in_dim3A_892 = vector.broadcast %jit3A_890 : f32 to vector<512x512xf32>
    %select_n3A_893 = arith.select %and3A_888, %broadcast_in_dim3A_891, %broadcast_in_dim3A_892 : vector<512x512xi1>, vector<512x512xf32>
    %reduce_sum3A_894 = arith.constant dense<0.000000e+00> : vector<512xf32>
    %reduce_sum3A_895 = vector.multi_reduction <add>, %select_n3A_893, %reduce_sum3A_894 [1] : vector<512x512xf32> to vector<512xf32>
    %broadcast_in_dim3A_896 = vector.shape_cast %reduce_sum3A_895 : vector<512xf32> to vector<512x1xf32>
    %mul3A_897 = vector.broadcast %broadcast_in_dim3A_896 : vector<512x1xf32> to vector<512x512xf32>
    %mul3A_898 = arith.mulf %mul3A_897, %convert_element_type3A_3 : vector<512x512xf32>
    %reduce_sum3A_899 = arith.constant dense<0.000000e+00> : vector<512xf32>
    %reduce_sum3A_900 = vector.multi_reduction <add>, %mul3A_898, %reduce_sum3A_899 [0] : vector<512x512xf32> to vector<512xf32>
    %broadcast_in_dim3A_901 = vector.shape_cast %reduce_sum3A_900 : vector<512xf32> to vector<1x512xf32>
    %swap3A_902 = arith.index_cast %scan3A_840 : i32 to index
    %swap3A_903 = arith.constant 0 : index
    %swap3A_904 = vector.load %arg5[%swap3A_902, %swap3A_903] : memref<24x512xf32, #tpu.memory_space<vmem>>, vector<1x512xf32>
    tpu.vector_store %arg5[%swap3A_902, %swap3A_903], %broadcast_in_dim3A_901 {strides = array<i32>} : memref<24x512xf32, #tpu.memory_space<vmem>>, vector<1x512xf32>,
    %scan3A_905 = arith.constant 14 : i32
    %mul3A_906 = arith.constant 512 : i32
    %mul3A_907 = arith.muli %scan3A_905, %mul3A_906 : i32
    %get3A_908 = arith.index_cast %mul3A_907 : i32 to index
    %get3A_909 = vector.load %arg0[%get3A_908] : memref<12288xi32, #tpu.memory_space<vmem>>, vector<512xi32>
    %reshape3A_910 = vector.shape_cast %get3A_909 : vector<512xi32> to vector<1x512xi32>
    %convert_element_type3A_911 = arith.sitofp %reshape3A_910 : vector<1x512xi32> to vector<1x512xf32>
    %mul3A_912 = vector.broadcast %convert_element_type3A_911 : vector<1x512xf32> to vector<512x512xf32>
    %mul3A_913 = arith.mulf %mul3A_912, %convert_element_type3A_3 : vector<512x512xf32>
    %reduce_sum3A_914 = arith.constant dense<0.000000e+00> : vector<512xf32>
    %reduce_sum3A_915 = vector.multi_reduction <add>, %mul3A_913, %reduce_sum3A_914 [1] : vector<512x512xf32> to vector<512xf32>
    %broadcast_in_dim3A_916 = vector.shape_cast %reduce_sum3A_915 : vector<512xf32> to vector<512x1xf32>
    %convert_element_type3A_917 = arith.fptosi %broadcast_in_dim3A_916 : vector<512x1xf32> to vector<512x1xi32>
    %and3A_918 = arith.constant 127 : i32
    %and3A_919 = vector.broadcast %and3A_918 : i32 to vector<1x512xi32>
    %and3A_920 = arith.andi %reshape3A_910, %and3A_919 : vector<1x512xi32>
    %shift_right_arithmetic3A_921 = arith.constant 7 : i32
    %shift_right_arithmetic3A_922 = vector.broadcast %shift_right_arithmetic3A_921 : i32 to vector<512x1xi32>
    %shift_right_arithmetic3A_923 = arith.shrsi %convert_element_type3A_917, %shift_right_arithmetic3A_922 : vector<512x1xi32>
    %eq3A_924 = vector.broadcast %and3A_920 : vector<1x512xi32> to vector<128x512xi32>
    %eq3A_925 = arith.cmpi eq, %eq3A_924, %iota3A : vector<128x512xi32>
    %convert_element_type3A_926 = arith.extui %eq3A_925 : vector<128x512xi1> to vector<128x512xi32>
    %convert_element_type3A_927 = arith.sitofp %convert_element_type3A_926 : vector<128x512xi32> to vector<128x512xf32>
    %convert_element_type3A_928 = arith.truncf %convert_element_type3A_927 : vector<128x512xf32> to vector<128x512xbf16>
    %eq3A_929 = vector.broadcast %shift_right_arithmetic3A_923 : vector<512x1xi32> to vector<512x128xi32>
    %eq3A_930 = arith.cmpi eq, %eq3A_929, %iota3A_0 : vector<512x128xi32>
    %convert_element_type3A_931 = arith.extui %eq3A_930 : vector<512x128xi1> to vector<512x128xi32>
    %convert_element_type3A_932 = arith.sitofp %convert_element_type3A_931 : vector<512x128xi32> to vector<512x128xf32>
    %convert_element_type3A_933 = arith.truncf %convert_element_type3A_932 : vector<512x128xf32> to vector<512x128xbf16>
    %dot_general3A_934 = arith.constant dense<0.000000e+00> : vector<128x128xf32>
    %dot_general3A_935 = tpu.matmul %convert_element_type3A_928, %convert_element_type3A_933, %dot_general3A_934 {dimension_numbers = #tpu.dot_dimension_numbers<[1], [0], [0], [1], [0, 0, 1, 1], [], []>, transpose_lhs_hint = false} : vector<128x512xbf16>, vector<512x128xbf16>, vector<128x128xf32> -> vector<128x128xf32>
    %get3A_936 = arith.constant 0 : index
    %get3A_937 = arith.constant 0 : index
    %get3A_938 = vector.load %arg3[%get3A_936, %get3A_937] : memref<128x128xf32, #tpu.memory_space<vmem>>, vector<128x128xf32>
    %add3A_939 = arith.addf %get3A_938, %dot_general3A_935 : vector<128x128xf32>
    %swap3A_940 = arith.constant 0 : index
    %swap3A_941 = arith.constant 0 : index
    %swap3A_942 = vector.load %arg3[%swap3A_940, %swap3A_941] : memref<128x128xf32, #tpu.memory_space<vmem>>, vector<128x128xf32>
    tpu.vector_store %arg3[%swap3A_940, %swap3A_941], %add3A_939 {strides = array<i32>} : memref<128x128xf32, #tpu.memory_space<vmem>>, vector<128x128xf32>,
    %convert_element_type3A_943 = arith.truncf %dot_general3A_935 : vector<128x128xf32> to vector<128x128xbf16>
    %mul3A_944 = arith.constant 128 : i32
    %mul3A_945 = arith.muli %scan3A_905, %mul3A_944 : i32
    %swap3A_946 = arith.index_cast %mul3A_945 : i32 to index
    %swap3A_947 = arith.constant 0 : index
    %swap3A_948 = vector.load %arg2[%swap3A_946, %swap3A_947] : memref<3072x128xbf16, #tpu.memory_space<vmem>>, vector<128x128xbf16>
    tpu.vector_store %arg2[%swap3A_946, %swap3A_947], %convert_element_type3A_943 {strides = array<i32>} : memref<3072x128xbf16, #tpu.memory_space<vmem>>, vector<128x128xbf16>,
    %eq3A_949 = vector.broadcast %convert_element_type3A_917 : vector<512x1xi32> to vector<512x512xi32>
    %eq3A_950 = vector.broadcast %reshape3A_910 : vector<1x512xi32> to vector<512x512xi32>
    %eq3A_951 = arith.cmpi eq, %eq3A_949, %eq3A_950 : vector<512x512xi32>
    %lt3A_952 = arith.cmpi slt, %iota3A_2, %iota3A_1 : vector<512x512xi32>
    %and3A_953 = arith.andi %eq3A_951, %lt3A_952 : vector<512x512xi1>
    %jit3A_954 = arith.constant 1.000000e+00 : f32
    %jit3A_955 = arith.constant 0.000000e+00 : f32
    %broadcast_in_dim3A_956 = vector.broadcast %jit3A_954 : f32 to vector<512x512xf32>
    %broadcast_in_dim3A_957 = vector.broadcast %jit3A_955 : f32 to vector<512x512xf32>
    %select_n3A_958 = arith.select %and3A_953, %broadcast_in_dim3A_956, %broadcast_in_dim3A_957 : vector<512x512xi1>, vector<512x512xf32>
    %reduce_sum3A_959 = arith.constant dense<0.000000e+00> : vector<512xf32>
    %reduce_sum3A_960 = vector.multi_reduction <add>, %select_n3A_958, %reduce_sum3A_959 [1] : vector<512x512xf32> to vector<512xf32>
    %broadcast_in_dim3A_961 = vector.shape_cast %reduce_sum3A_960 : vector<512xf32> to vector<512x1xf32>
    %mul3A_962 = vector.broadcast %broadcast_in_dim3A_961 : vector<512x1xf32> to vector<512x512xf32>
    %mul3A_963 = arith.mulf %mul3A_962, %convert_element_type3A_3 : vector<512x512xf32>
    %reduce_sum3A_964 = arith.constant dense<0.000000e+00> : vector<512xf32>
    %reduce_sum3A_965 = vector.multi_reduction <add>, %mul3A_963, %reduce_sum3A_964 [0] : vector<512x512xf32> to vector<512xf32>
    %broadcast_in_dim3A_966 = vector.shape_cast %reduce_sum3A_965 : vector<512xf32> to vector<1x512xf32>
    %swap3A_967 = arith.index_cast %scan3A_905 : i32 to index
    %swap3A_968 = arith.constant 0 : index
    %swap3A_969 = vector.load %arg5[%swap3A_967, %swap3A_968] : memref<24x512xf32, #tpu.memory_space<vmem>>, vector<1x512xf32>
    tpu.vector_store %arg5[%swap3A_967, %swap3A_968], %broadcast_in_dim3A_966 {strides = array<i32>} : memref<24x512xf32, #tpu.memory_space<vmem>>, vector<1x512xf32>,
    %scan3A_970 = arith.constant 15 : i32
    %mul3A_971 = arith.constant 512 : i32
    %mul3A_972 = arith.muli %scan3A_970, %mul3A_971 : i32
    %get3A_973 = arith.index_cast %mul3A_972 : i32 to index
    %get3A_974 = vector.load %arg0[%get3A_973] : memref<12288xi32, #tpu.memory_space<vmem>>, vector<512xi32>
    %reshape3A_975 = vector.shape_cast %get3A_974 : vector<512xi32> to vector<1x512xi32>
    %convert_element_type3A_976 = arith.sitofp %reshape3A_975 : vector<1x512xi32> to vector<1x512xf32>
    %mul3A_977 = vector.broadcast %convert_element_type3A_976 : vector<1x512xf32> to vector<512x512xf32>
    %mul3A_978 = arith.mulf %mul3A_977, %convert_element_type3A_3 : vector<512x512xf32>
    %reduce_sum3A_979 = arith.constant dense<0.000000e+00> : vector<512xf32>
    %reduce_sum3A_980 = vector.multi_reduction <add>, %mul3A_978, %reduce_sum3A_979 [1] : vector<512x512xf32> to vector<512xf32>
    %broadcast_in_dim3A_981 = vector.shape_cast %reduce_sum3A_980 : vector<512xf32> to vector<512x1xf32>
    %convert_element_type3A_982 = arith.fptosi %broadcast_in_dim3A_981 : vector<512x1xf32> to vector<512x1xi32>
    %and3A_983 = arith.constant 127 : i32
    %and3A_984 = vector.broadcast %and3A_983 : i32 to vector<1x512xi32>
    %and3A_985 = arith.andi %reshape3A_975, %and3A_984 : vector<1x512xi32>
    %shift_right_arithmetic3A_986 = arith.constant 7 : i32
    %shift_right_arithmetic3A_987 = vector.broadcast %shift_right_arithmetic3A_986 : i32 to vector<512x1xi32>
    %shift_right_arithmetic3A_988 = arith.shrsi %convert_element_type3A_982, %shift_right_arithmetic3A_987 : vector<512x1xi32>
    %eq3A_989 = vector.broadcast %and3A_985 : vector<1x512xi32> to vector<128x512xi32>
    %eq3A_990 = arith.cmpi eq, %eq3A_989, %iota3A : vector<128x512xi32>
    %convert_element_type3A_991 = arith.extui %eq3A_990 : vector<128x512xi1> to vector<128x512xi32>
    %convert_element_type3A_992 = arith.sitofp %convert_element_type3A_991 : vector<128x512xi32> to vector<128x512xf32>
    %convert_element_type3A_993 = arith.truncf %convert_element_type3A_992 : vector<128x512xf32> to vector<128x512xbf16>
    %eq3A_994 = vector.broadcast %shift_right_arithmetic3A_988 : vector<512x1xi32> to vector<512x128xi32>
    %eq3A_995 = arith.cmpi eq, %eq3A_994, %iota3A_0 : vector<512x128xi32>
    %convert_element_type3A_996 = arith.extui %eq3A_995 : vector<512x128xi1> to vector<512x128xi32>
    %convert_element_type3A_997 = arith.sitofp %convert_element_type3A_996 : vector<512x128xi32> to vector<512x128xf32>
    %convert_element_type3A_998 = arith.truncf %convert_element_type3A_997 : vector<512x128xf32> to vector<512x128xbf16>
    %dot_general3A_999 = arith.constant dense<0.000000e+00> : vector<128x128xf32>
    %dot_general3A_1000 = tpu.matmul %convert_element_type3A_993, %convert_element_type3A_998, %dot_general3A_999 {dimension_numbers = #tpu.dot_dimension_numbers<[1], [0], [0], [1], [0, 0, 1, 1], [], []>, transpose_lhs_hint = false} : vector<128x512xbf16>, vector<512x128xbf16>, vector<128x128xf32> -> vector<128x128xf32>
    %get3A_1001 = arith.constant 0 : index
    %get3A_1002 = arith.constant 0 : index
    %get3A_1003 = vector.load %arg3[%get3A_1001, %get3A_1002] : memref<128x128xf32, #tpu.memory_space<vmem>>, vector<128x128xf32>
    %add3A_1004 = arith.addf %get3A_1003, %dot_general3A_1000 : vector<128x128xf32>
    %swap3A_1005 = arith.constant 0 : index
    %swap3A_1006 = arith.constant 0 : index
    %swap3A_1007 = vector.load %arg3[%swap3A_1005, %swap3A_1006] : memref<128x128xf32, #tpu.memory_space<vmem>>, vector<128x128xf32>
    tpu.vector_store %arg3[%swap3A_1005, %swap3A_1006], %add3A_1004 {strides = array<i32>} : memref<128x128xf32, #tpu.memory_space<vmem>>, vector<128x128xf32>,
    %convert_element_type3A_1008 = arith.truncf %dot_general3A_1000 : vector<128x128xf32> to vector<128x128xbf16>
    %mul3A_1009 = arith.constant 128 : i32
    %mul3A_1010 = arith.muli %scan3A_970, %mul3A_1009 : i32
    %swap3A_1011 = arith.index_cast %mul3A_1010 : i32 to index
    %swap3A_1012 = arith.constant 0 : index
    %swap3A_1013 = vector.load %arg2[%swap3A_1011, %swap3A_1012] : memref<3072x128xbf16, #tpu.memory_space<vmem>>, vector<128x128xbf16>
    tpu.vector_store %arg2[%swap3A_1011, %swap3A_1012], %convert_element_type3A_1008 {strides = array<i32>} : memref<3072x128xbf16, #tpu.memory_space<vmem>>, vector<128x128xbf16>,
    %eq3A_1014 = vector.broadcast %convert_element_type3A_982 : vector<512x1xi32> to vector<512x512xi32>
    %eq3A_1015 = vector.broadcast %reshape3A_975 : vector<1x512xi32> to vector<512x512xi32>
    %eq3A_1016 = arith.cmpi eq, %eq3A_1014, %eq3A_1015 : vector<512x512xi32>
    %lt3A_1017 = arith.cmpi slt, %iota3A_2, %iota3A_1 : vector<512x512xi32>
    %and3A_1018 = arith.andi %eq3A_1016, %lt3A_1017 : vector<512x512xi1>
    %jit3A_1019 = arith.constant 1.000000e+00 : f32
    %jit3A_1020 = arith.constant 0.000000e+00 : f32
    %broadcast_in_dim3A_1021 = vector.broadcast %jit3A_1019 : f32 to vector<512x512xf32>
    %broadcast_in_dim3A_1022 = vector.broadcast %jit3A_1020 : f32 to vector<512x512xf32>
    %select_n3A_1023 = arith.select %and3A_1018, %broadcast_in_dim3A_1021, %broadcast_in_dim3A_1022 : vector<512x512xi1>, vector<512x512xf32>
    %reduce_sum3A_1024 = arith.constant dense<0.000000e+00> : vector<512xf32>
    %reduce_sum3A_1025 = vector.multi_reduction <add>, %select_n3A_1023, %reduce_sum3A_1024 [1] : vector<512x512xf32> to vector<512xf32>
    %broadcast_in_dim3A_1026 = vector.shape_cast %reduce_sum3A_1025 : vector<512xf32> to vector<512x1xf32>
    %mul3A_1027 = vector.broadcast %broadcast_in_dim3A_1026 : vector<512x1xf32> to vector<512x512xf32>
    %mul3A_1028 = arith.mulf %mul3A_1027, %convert_element_type3A_3 : vector<512x512xf32>
    %reduce_sum3A_1029 = arith.constant dense<0.000000e+00> : vector<512xf32>
    %reduce_sum3A_1030 = vector.multi_reduction <add>, %mul3A_1028, %reduce_sum3A_1029 [0] : vector<512x512xf32> to vector<512xf32>
    %broadcast_in_dim3A_1031 = vector.shape_cast %reduce_sum3A_1030 : vector<512xf32> to vector<1x512xf32>
    %swap3A_1032 = arith.index_cast %scan3A_970 : i32 to index
    %swap3A_1033 = arith.constant 0 : index
    %swap3A_1034 = vector.load %arg5[%swap3A_1032, %swap3A_1033] : memref<24x512xf32, #tpu.memory_space<vmem>>, vector<1x512xf32>
    tpu.vector_store %arg5[%swap3A_1032, %swap3A_1033], %broadcast_in_dim3A_1031 {strides = array<i32>} : memref<24x512xf32, #tpu.memory_space<vmem>>, vector<1x512xf32>,
    %scan3A_1035 = arith.constant 16 : i32
    %mul3A_1036 = arith.constant 512 : i32
    %mul3A_1037 = arith.muli %scan3A_1035, %mul3A_1036 : i32
    %get3A_1038 = arith.index_cast %mul3A_1037 : i32 to index
    %get3A_1039 = vector.load %arg0[%get3A_1038] : memref<12288xi32, #tpu.memory_space<vmem>>, vector<512xi32>
    %reshape3A_1040 = vector.shape_cast %get3A_1039 : vector<512xi32> to vector<1x512xi32>
    %convert_element_type3A_1041 = arith.sitofp %reshape3A_1040 : vector<1x512xi32> to vector<1x512xf32>
    %mul3A_1042 = vector.broadcast %convert_element_type3A_1041 : vector<1x512xf32> to vector<512x512xf32>
    %mul3A_1043 = arith.mulf %mul3A_1042, %convert_element_type3A_3 : vector<512x512xf32>
    %reduce_sum3A_1044 = arith.constant dense<0.000000e+00> : vector<512xf32>
    %reduce_sum3A_1045 = vector.multi_reduction <add>, %mul3A_1043, %reduce_sum3A_1044 [1] : vector<512x512xf32> to vector<512xf32>
    %broadcast_in_dim3A_1046 = vector.shape_cast %reduce_sum3A_1045 : vector<512xf32> to vector<512x1xf32>
    %convert_element_type3A_1047 = arith.fptosi %broadcast_in_dim3A_1046 : vector<512x1xf32> to vector<512x1xi32>
    %and3A_1048 = arith.constant 127 : i32
    %and3A_1049 = vector.broadcast %and3A_1048 : i32 to vector<1x512xi32>
    %and3A_1050 = arith.andi %reshape3A_1040, %and3A_1049 : vector<1x512xi32>
    %shift_right_arithmetic3A_1051 = arith.constant 7 : i32
    %shift_right_arithmetic3A_1052 = vector.broadcast %shift_right_arithmetic3A_1051 : i32 to vector<512x1xi32>
    %shift_right_arithmetic3A_1053 = arith.shrsi %convert_element_type3A_1047, %shift_right_arithmetic3A_1052 : vector<512x1xi32>
    %eq3A_1054 = vector.broadcast %and3A_1050 : vector<1x512xi32> to vector<128x512xi32>
    %eq3A_1055 = arith.cmpi eq, %eq3A_1054, %iota3A : vector<128x512xi32>
    %convert_element_type3A_1056 = arith.extui %eq3A_1055 : vector<128x512xi1> to vector<128x512xi32>
    %convert_element_type3A_1057 = arith.sitofp %convert_element_type3A_1056 : vector<128x512xi32> to vector<128x512xf32>
    %convert_element_type3A_1058 = arith.truncf %convert_element_type3A_1057 : vector<128x512xf32> to vector<128x512xbf16>
    %eq3A_1059 = vector.broadcast %shift_right_arithmetic3A_1053 : vector<512x1xi32> to vector<512x128xi32>
    %eq3A_1060 = arith.cmpi eq, %eq3A_1059, %iota3A_0 : vector<512x128xi32>
    %convert_element_type3A_1061 = arith.extui %eq3A_1060 : vector<512x128xi1> to vector<512x128xi32>
    %convert_element_type3A_1062 = arith.sitofp %convert_element_type3A_1061 : vector<512x128xi32> to vector<512x128xf32>
    %convert_element_type3A_1063 = arith.truncf %convert_element_type3A_1062 : vector<512x128xf32> to vector<512x128xbf16>
    %dot_general3A_1064 = arith.constant dense<0.000000e+00> : vector<128x128xf32>
    %dot_general3A_1065 = tpu.matmul %convert_element_type3A_1058, %convert_element_type3A_1063, %dot_general3A_1064 {dimension_numbers = #tpu.dot_dimension_numbers<[1], [0], [0], [1], [0, 0, 1, 1], [], []>, transpose_lhs_hint = false} : vector<128x512xbf16>, vector<512x128xbf16>, vector<128x128xf32> -> vector<128x128xf32>
    %get3A_1066 = arith.constant 0 : index
    %get3A_1067 = arith.constant 0 : index
    %get3A_1068 = vector.load %arg3[%get3A_1066, %get3A_1067] : memref<128x128xf32, #tpu.memory_space<vmem>>, vector<128x128xf32>
    %add3A_1069 = arith.addf %get3A_1068, %dot_general3A_1065 : vector<128x128xf32>
    %swap3A_1070 = arith.constant 0 : index
    %swap3A_1071 = arith.constant 0 : index
    %swap3A_1072 = vector.load %arg3[%swap3A_1070, %swap3A_1071] : memref<128x128xf32, #tpu.memory_space<vmem>>, vector<128x128xf32>
    tpu.vector_store %arg3[%swap3A_1070, %swap3A_1071], %add3A_1069 {strides = array<i32>} : memref<128x128xf32, #tpu.memory_space<vmem>>, vector<128x128xf32>,
    %convert_element_type3A_1073 = arith.truncf %dot_general3A_1065 : vector<128x128xf32> to vector<128x128xbf16>
    %mul3A_1074 = arith.constant 128 : i32
    %mul3A_1075 = arith.muli %scan3A_1035, %mul3A_1074 : i32
    %swap3A_1076 = arith.index_cast %mul3A_1075 : i32 to index
    %swap3A_1077 = arith.constant 0 : index
    %swap3A_1078 = vector.load %arg2[%swap3A_1076, %swap3A_1077] : memref<3072x128xbf16, #tpu.memory_space<vmem>>, vector<128x128xbf16>
    tpu.vector_store %arg2[%swap3A_1076, %swap3A_1077], %convert_element_type3A_1073 {strides = array<i32>} : memref<3072x128xbf16, #tpu.memory_space<vmem>>, vector<128x128xbf16>,
    %eq3A_1079 = vector.broadcast %convert_element_type3A_1047 : vector<512x1xi32> to vector<512x512xi32>
    %eq3A_1080 = vector.broadcast %reshape3A_1040 : vector<1x512xi32> to vector<512x512xi32>
    %eq3A_1081 = arith.cmpi eq, %eq3A_1079, %eq3A_1080 : vector<512x512xi32>
    %lt3A_1082 = arith.cmpi slt, %iota3A_2, %iota3A_1 : vector<512x512xi32>
    %and3A_1083 = arith.andi %eq3A_1081, %lt3A_1082 : vector<512x512xi1>
    %jit3A_1084 = arith.constant 1.000000e+00 : f32
    %jit3A_1085 = arith.constant 0.000000e+00 : f32
    %broadcast_in_dim3A_1086 = vector.broadcast %jit3A_1084 : f32 to vector<512x512xf32>
    %broadcast_in_dim3A_1087 = vector.broadcast %jit3A_1085 : f32 to vector<512x512xf32>
    %select_n3A_1088 = arith.select %and3A_1083, %broadcast_in_dim3A_1086, %broadcast_in_dim3A_1087 : vector<512x512xi1>, vector<512x512xf32>
    %reduce_sum3A_1089 = arith.constant dense<0.000000e+00> : vector<512xf32>
    %reduce_sum3A_1090 = vector.multi_reduction <add>, %select_n3A_1088, %reduce_sum3A_1089 [1] : vector<512x512xf32> to vector<512xf32>
    %broadcast_in_dim3A_1091 = vector.shape_cast %reduce_sum3A_1090 : vector<512xf32> to vector<512x1xf32>
    %mul3A_1092 = vector.broadcast %broadcast_in_dim3A_1091 : vector<512x1xf32> to vector<512x512xf32>
    %mul3A_1093 = arith.mulf %mul3A_1092, %convert_element_type3A_3 : vector<512x512xf32>
    %reduce_sum3A_1094 = arith.constant dense<0.000000e+00> : vector<512xf32>
    %reduce_sum3A_1095 = vector.multi_reduction <add>, %mul3A_1093, %reduce_sum3A_1094 [0] : vector<512x512xf32> to vector<512xf32>
    %broadcast_in_dim3A_1096 = vector.shape_cast %reduce_sum3A_1095 : vector<512xf32> to vector<1x512xf32>
    %swap3A_1097 = arith.index_cast %scan3A_1035 : i32 to index
    %swap3A_1098 = arith.constant 0 : index
    %swap3A_1099 = vector.load %arg5[%swap3A_1097, %swap3A_1098] : memref<24x512xf32, #tpu.memory_space<vmem>>, vector<1x512xf32>
    tpu.vector_store %arg5[%swap3A_1097, %swap3A_1098], %broadcast_in_dim3A_1096 {strides = array<i32>} : memref<24x512xf32, #tpu.memory_space<vmem>>, vector<1x512xf32>,
    %scan3A_1100 = arith.constant 17 : i32
    %mul3A_1101 = arith.constant 512 : i32
    %mul3A_1102 = arith.muli %scan3A_1100, %mul3A_1101 : i32
    %get3A_1103 = arith.index_cast %mul3A_1102 : i32 to index
    %get3A_1104 = vector.load %arg0[%get3A_1103] : memref<12288xi32, #tpu.memory_space<vmem>>, vector<512xi32>
    %reshape3A_1105 = vector.shape_cast %get3A_1104 : vector<512xi32> to vector<1x512xi32>
    %convert_element_type3A_1106 = arith.sitofp %reshape3A_1105 : vector<1x512xi32> to vector<1x512xf32>
    %mul3A_1107 = vector.broadcast %convert_element_type3A_1106 : vector<1x512xf32> to vector<512x512xf32>
    %mul3A_1108 = arith.mulf %mul3A_1107, %convert_element_type3A_3 : vector<512x512xf32>
    %reduce_sum3A_1109 = arith.constant dense<0.000000e+00> : vector<512xf32>
    %reduce_sum3A_1110 = vector.multi_reduction <add>, %mul3A_1108, %reduce_sum3A_1109 [1] : vector<512x512xf32> to vector<512xf32>
    %broadcast_in_dim3A_1111 = vector.shape_cast %reduce_sum3A_1110 : vector<512xf32> to vector<512x1xf32>
    %convert_element_type3A_1112 = arith.fptosi %broadcast_in_dim3A_1111 : vector<512x1xf32> to vector<512x1xi32>
    %and3A_1113 = arith.constant 127 : i32
    %and3A_1114 = vector.broadcast %and3A_1113 : i32 to vector<1x512xi32>
    %and3A_1115 = arith.andi %reshape3A_1105, %and3A_1114 : vector<1x512xi32>
    %shift_right_arithmetic3A_1116 = arith.constant 7 : i32
    %shift_right_arithmetic3A_1117 = vector.broadcast %shift_right_arithmetic3A_1116 : i32 to vector<512x1xi32>
    %shift_right_arithmetic3A_1118 = arith.shrsi %convert_element_type3A_1112, %shift_right_arithmetic3A_1117 : vector<512x1xi32>
    %eq3A_1119 = vector.broadcast %and3A_1115 : vector<1x512xi32> to vector<128x512xi32>
    %eq3A_1120 = arith.cmpi eq, %eq3A_1119, %iota3A : vector<128x512xi32>
    %convert_element_type3A_1121 = arith.extui %eq3A_1120 : vector<128x512xi1> to vector<128x512xi32>
    %convert_element_type3A_1122 = arith.sitofp %convert_element_type3A_1121 : vector<128x512xi32> to vector<128x512xf32>
    %convert_element_type3A_1123 = arith.truncf %convert_element_type3A_1122 : vector<128x512xf32> to vector<128x512xbf16>
    %eq3A_1124 = vector.broadcast %shift_right_arithmetic3A_1118 : vector<512x1xi32> to vector<512x128xi32>
    %eq3A_1125 = arith.cmpi eq, %eq3A_1124, %iota3A_0 : vector<512x128xi32>
    %convert_element_type3A_1126 = arith.extui %eq3A_1125 : vector<512x128xi1> to vector<512x128xi32>
    %convert_element_type3A_1127 = arith.sitofp %convert_element_type3A_1126 : vector<512x128xi32> to vector<512x128xf32>
    %convert_element_type3A_1128 = arith.truncf %convert_element_type3A_1127 : vector<512x128xf32> to vector<512x128xbf16>
    %dot_general3A_1129 = arith.constant dense<0.000000e+00> : vector<128x128xf32>
    %dot_general3A_1130 = tpu.matmul %convert_element_type3A_1123, %convert_element_type3A_1128, %dot_general3A_1129 {dimension_numbers = #tpu.dot_dimension_numbers<[1], [0], [0], [1], [0, 0, 1, 1], [], []>, transpose_lhs_hint = false} : vector<128x512xbf16>, vector<512x128xbf16>, vector<128x128xf32> -> vector<128x128xf32>
    %get3A_1131 = arith.constant 0 : index
    %get3A_1132 = arith.constant 0 : index
    %get3A_1133 = vector.load %arg3[%get3A_1131, %get3A_1132] : memref<128x128xf32, #tpu.memory_space<vmem>>, vector<128x128xf32>
    %add3A_1134 = arith.addf %get3A_1133, %dot_general3A_1130 : vector<128x128xf32>
    %swap3A_1135 = arith.constant 0 : index
    %swap3A_1136 = arith.constant 0 : index
    %swap3A_1137 = vector.load %arg3[%swap3A_1135, %swap3A_1136] : memref<128x128xf32, #tpu.memory_space<vmem>>, vector<128x128xf32>
    tpu.vector_store %arg3[%swap3A_1135, %swap3A_1136], %add3A_1134 {strides = array<i32>} : memref<128x128xf32, #tpu.memory_space<vmem>>, vector<128x128xf32>,
    %convert_element_type3A_1138 = arith.truncf %dot_general3A_1130 : vector<128x128xf32> to vector<128x128xbf16>
    %mul3A_1139 = arith.constant 128 : i32
    %mul3A_1140 = arith.muli %scan3A_1100, %mul3A_1139 : i32
    %swap3A_1141 = arith.index_cast %mul3A_1140 : i32 to index
    %swap3A_1142 = arith.constant 0 : index
    %swap3A_1143 = vector.load %arg2[%swap3A_1141, %swap3A_1142] : memref<3072x128xbf16, #tpu.memory_space<vmem>>, vector<128x128xbf16>
    tpu.vector_store %arg2[%swap3A_1141, %swap3A_1142], %convert_element_type3A_1138 {strides = array<i32>} : memref<3072x128xbf16, #tpu.memory_space<vmem>>, vector<128x128xbf16>,
    %eq3A_1144 = vector.broadcast %convert_element_type3A_1112 : vector<512x1xi32> to vector<512x512xi32>
    %eq3A_1145 = vector.broadcast %reshape3A_1105 : vector<1x512xi32> to vector<512x512xi32>
    %eq3A_1146 = arith.cmpi eq, %eq3A_1144, %eq3A_1145 : vector<512x512xi32>
    %lt3A_1147 = arith.cmpi slt, %iota3A_2, %iota3A_1 : vector<512x512xi32>
    %and3A_1148 = arith.andi %eq3A_1146, %lt3A_1147 : vector<512x512xi1>
    %jit3A_1149 = arith.constant 1.000000e+00 : f32
    %jit3A_1150 = arith.constant 0.000000e+00 : f32
    %broadcast_in_dim3A_1151 = vector.broadcast %jit3A_1149 : f32 to vector<512x512xf32>
    %broadcast_in_dim3A_1152 = vector.broadcast %jit3A_1150 : f32 to vector<512x512xf32>
    %select_n3A_1153 = arith.select %and3A_1148, %broadcast_in_dim3A_1151, %broadcast_in_dim3A_1152 : vector<512x512xi1>, vector<512x512xf32>
    %reduce_sum3A_1154 = arith.constant dense<0.000000e+00> : vector<512xf32>
    %reduce_sum3A_1155 = vector.multi_reduction <add>, %select_n3A_1153, %reduce_sum3A_1154 [1] : vector<512x512xf32> to vector<512xf32>
    %broadcast_in_dim3A_1156 = vector.shape_cast %reduce_sum3A_1155 : vector<512xf32> to vector<512x1xf32>
    %mul3A_1157 = vector.broadcast %broadcast_in_dim3A_1156 : vector<512x1xf32> to vector<512x512xf32>
    %mul3A_1158 = arith.mulf %mul3A_1157, %convert_element_type3A_3 : vector<512x512xf32>
    %reduce_sum3A_1159 = arith.constant dense<0.000000e+00> : vector<512xf32>
    %reduce_sum3A_1160 = vector.multi_reduction <add>, %mul3A_1158, %reduce_sum3A_1159 [0] : vector<512x512xf32> to vector<512xf32>
    %broadcast_in_dim3A_1161 = vector.shape_cast %reduce_sum3A_1160 : vector<512xf32> to vector<1x512xf32>
    %swap3A_1162 = arith.index_cast %scan3A_1100 : i32 to index
    %swap3A_1163 = arith.constant 0 : index
    %swap3A_1164 = vector.load %arg5[%swap3A_1162, %swap3A_1163] : memref<24x512xf32, #tpu.memory_space<vmem>>, vector<1x512xf32>
    tpu.vector_store %arg5[%swap3A_1162, %swap3A_1163], %broadcast_in_dim3A_1161 {strides = array<i32>} : memref<24x512xf32, #tpu.memory_space<vmem>>, vector<1x512xf32>,
    %scan3A_1165 = arith.constant 18 : i32
    %mul3A_1166 = arith.constant 512 : i32
    %mul3A_1167 = arith.muli %scan3A_1165, %mul3A_1166 : i32
    %get3A_1168 = arith.index_cast %mul3A_1167 : i32 to index
    %get3A_1169 = vector.load %arg0[%get3A_1168] : memref<12288xi32, #tpu.memory_space<vmem>>, vector<512xi32>
    %reshape3A_1170 = vector.shape_cast %get3A_1169 : vector<512xi32> to vector<1x512xi32>
    %convert_element_type3A_1171 = arith.sitofp %reshape3A_1170 : vector<1x512xi32> to vector<1x512xf32>
    %mul3A_1172 = vector.broadcast %convert_element_type3A_1171 : vector<1x512xf32> to vector<512x512xf32>
    %mul3A_1173 = arith.mulf %mul3A_1172, %convert_element_type3A_3 : vector<512x512xf32>
    %reduce_sum3A_1174 = arith.constant dense<0.000000e+00> : vector<512xf32>
    %reduce_sum3A_1175 = vector.multi_reduction <add>, %mul3A_1173, %reduce_sum3A_1174 [1] : vector<512x512xf32> to vector<512xf32>
    %broadcast_in_dim3A_1176 = vector.shape_cast %reduce_sum3A_1175 : vector<512xf32> to vector<512x1xf32>
    %convert_element_type3A_1177 = arith.fptosi %broadcast_in_dim3A_1176 : vector<512x1xf32> to vector<512x1xi32>
    %and3A_1178 = arith.constant 127 : i32
    %and3A_1179 = vector.broadcast %and3A_1178 : i32 to vector<1x512xi32>
    %and3A_1180 = arith.andi %reshape3A_1170, %and3A_1179 : vector<1x512xi32>
    %shift_right_arithmetic3A_1181 = arith.constant 7 : i32
    %shift_right_arithmetic3A_1182 = vector.broadcast %shift_right_arithmetic3A_1181 : i32 to vector<512x1xi32>
    %shift_right_arithmetic3A_1183 = arith.shrsi %convert_element_type3A_1177, %shift_right_arithmetic3A_1182 : vector<512x1xi32>
    %eq3A_1184 = vector.broadcast %and3A_1180 : vector<1x512xi32> to vector<128x512xi32>
    %eq3A_1185 = arith.cmpi eq, %eq3A_1184, %iota3A : vector<128x512xi32>
    %convert_element_type3A_1186 = arith.extui %eq3A_1185 : vector<128x512xi1> to vector<128x512xi32>
    %convert_element_type3A_1187 = arith.sitofp %convert_element_type3A_1186 : vector<128x512xi32> to vector<128x512xf32>
    %convert_element_type3A_1188 = arith.truncf %convert_element_type3A_1187 : vector<128x512xf32> to vector<128x512xbf16>
    %eq3A_1189 = vector.broadcast %shift_right_arithmetic3A_1183 : vector<512x1xi32> to vector<512x128xi32>
    %eq3A_1190 = arith.cmpi eq, %eq3A_1189, %iota3A_0 : vector<512x128xi32>
    %convert_element_type3A_1191 = arith.extui %eq3A_1190 : vector<512x128xi1> to vector<512x128xi32>
    %convert_element_type3A_1192 = arith.sitofp %convert_element_type3A_1191 : vector<512x128xi32> to vector<512x128xf32>
    %convert_element_type3A_1193 = arith.truncf %convert_element_type3A_1192 : vector<512x128xf32> to vector<512x128xbf16>
    %dot_general3A_1194 = arith.constant dense<0.000000e+00> : vector<128x128xf32>
    %dot_general3A_1195 = tpu.matmul %convert_element_type3A_1188, %convert_element_type3A_1193, %dot_general3A_1194 {dimension_numbers = #tpu.dot_dimension_numbers<[1], [0], [0], [1], [0, 0, 1, 1], [], []>, transpose_lhs_hint = false} : vector<128x512xbf16>, vector<512x128xbf16>, vector<128x128xf32> -> vector<128x128xf32>
    %get3A_1196 = arith.constant 0 : index
    %get3A_1197 = arith.constant 0 : index
    %get3A_1198 = vector.load %arg3[%get3A_1196, %get3A_1197] : memref<128x128xf32, #tpu.memory_space<vmem>>, vector<128x128xf32>
    %add3A_1199 = arith.addf %get3A_1198, %dot_general3A_1195 : vector<128x128xf32>
    %swap3A_1200 = arith.constant 0 : index
    %swap3A_1201 = arith.constant 0 : index
    %swap3A_1202 = vector.load %arg3[%swap3A_1200, %swap3A_1201] : memref<128x128xf32, #tpu.memory_space<vmem>>, vector<128x128xf32>
    tpu.vector_store %arg3[%swap3A_1200, %swap3A_1201], %add3A_1199 {strides = array<i32>} : memref<128x128xf32, #tpu.memory_space<vmem>>, vector<128x128xf32>,
    %convert_element_type3A_1203 = arith.truncf %dot_general3A_1195 : vector<128x128xf32> to vector<128x128xbf16>
    %mul3A_1204 = arith.constant 128 : i32
    %mul3A_1205 = arith.muli %scan3A_1165, %mul3A_1204 : i32
    %swap3A_1206 = arith.index_cast %mul3A_1205 : i32 to index
    %swap3A_1207 = arith.constant 0 : index
    %swap3A_1208 = vector.load %arg2[%swap3A_1206, %swap3A_1207] : memref<3072x128xbf16, #tpu.memory_space<vmem>>, vector<128x128xbf16>
    tpu.vector_store %arg2[%swap3A_1206, %swap3A_1207], %convert_element_type3A_1203 {strides = array<i32>} : memref<3072x128xbf16, #tpu.memory_space<vmem>>, vector<128x128xbf16>,
    %eq3A_1209 = vector.broadcast %convert_element_type3A_1177 : vector<512x1xi32> to vector<512x512xi32>
    %eq3A_1210 = vector.broadcast %reshape3A_1170 : vector<1x512xi32> to vector<512x512xi32>
    %eq3A_1211 = arith.cmpi eq, %eq3A_1209, %eq3A_1210 : vector<512x512xi32>
    %lt3A_1212 = arith.cmpi slt, %iota3A_2, %iota3A_1 : vector<512x512xi32>
    %and3A_1213 = arith.andi %eq3A_1211, %lt3A_1212 : vector<512x512xi1>
    %jit3A_1214 = arith.constant 1.000000e+00 : f32
    %jit3A_1215 = arith.constant 0.000000e+00 : f32
    %broadcast_in_dim3A_1216 = vector.broadcast %jit3A_1214 : f32 to vector<512x512xf32>
    %broadcast_in_dim3A_1217 = vector.broadcast %jit3A_1215 : f32 to vector<512x512xf32>
    %select_n3A_1218 = arith.select %and3A_1213, %broadcast_in_dim3A_1216, %broadcast_in_dim3A_1217 : vector<512x512xi1>, vector<512x512xf32>
    %reduce_sum3A_1219 = arith.constant dense<0.000000e+00> : vector<512xf32>
    %reduce_sum3A_1220 = vector.multi_reduction <add>, %select_n3A_1218, %reduce_sum3A_1219 [1] : vector<512x512xf32> to vector<512xf32>
    %broadcast_in_dim3A_1221 = vector.shape_cast %reduce_sum3A_1220 : vector<512xf32> to vector<512x1xf32>
    %mul3A_1222 = vector.broadcast %broadcast_in_dim3A_1221 : vector<512x1xf32> to vector<512x512xf32>
    %mul3A_1223 = arith.mulf %mul3A_1222, %convert_element_type3A_3 : vector<512x512xf32>
    %reduce_sum3A_1224 = arith.constant dense<0.000000e+00> : vector<512xf32>
    %reduce_sum3A_1225 = vector.multi_reduction <add>, %mul3A_1223, %reduce_sum3A_1224 [0] : vector<512x512xf32> to vector<512xf32>
    %broadcast_in_dim3A_1226 = vector.shape_cast %reduce_sum3A_1225 : vector<512xf32> to vector<1x512xf32>
    %swap3A_1227 = arith.index_cast %scan3A_1165 : i32 to index
    %swap3A_1228 = arith.constant 0 : index
    %swap3A_1229 = vector.load %arg5[%swap3A_1227, %swap3A_1228] : memref<24x512xf32, #tpu.memory_space<vmem>>, vector<1x512xf32>
    tpu.vector_store %arg5[%swap3A_1227, %swap3A_1228], %broadcast_in_dim3A_1226 {strides = array<i32>} : memref<24x512xf32, #tpu.memory_space<vmem>>, vector<1x512xf32>,
    %scan3A_1230 = arith.constant 19 : i32
    %mul3A_1231 = arith.constant 512 : i32
    %mul3A_1232 = arith.muli %scan3A_1230, %mul3A_1231 : i32
    %get3A_1233 = arith.index_cast %mul3A_1232 : i32 to index
    %get3A_1234 = vector.load %arg0[%get3A_1233] : memref<12288xi32, #tpu.memory_space<vmem>>, vector<512xi32>
    %reshape3A_1235 = vector.shape_cast %get3A_1234 : vector<512xi32> to vector<1x512xi32>
    %convert_element_type3A_1236 = arith.sitofp %reshape3A_1235 : vector<1x512xi32> to vector<1x512xf32>
    %mul3A_1237 = vector.broadcast %convert_element_type3A_1236 : vector<1x512xf32> to vector<512x512xf32>
    %mul3A_1238 = arith.mulf %mul3A_1237, %convert_element_type3A_3 : vector<512x512xf32>
    %reduce_sum3A_1239 = arith.constant dense<0.000000e+00> : vector<512xf32>
    %reduce_sum3A_1240 = vector.multi_reduction <add>, %mul3A_1238, %reduce_sum3A_1239 [1] : vector<512x512xf32> to vector<512xf32>
    %broadcast_in_dim3A_1241 = vector.shape_cast %reduce_sum3A_1240 : vector<512xf32> to vector<512x1xf32>
    %convert_element_type3A_1242 = arith.fptosi %broadcast_in_dim3A_1241 : vector<512x1xf32> to vector<512x1xi32>
    %and3A_1243 = arith.constant 127 : i32
    %and3A_1244 = vector.broadcast %and3A_1243 : i32 to vector<1x512xi32>
    %and3A_1245 = arith.andi %reshape3A_1235, %and3A_1244 : vector<1x512xi32>
    %shift_right_arithmetic3A_1246 = arith.constant 7 : i32
    %shift_right_arithmetic3A_1247 = vector.broadcast %shift_right_arithmetic3A_1246 : i32 to vector<512x1xi32>
    %shift_right_arithmetic3A_1248 = arith.shrsi %convert_element_type3A_1242, %shift_right_arithmetic3A_1247 : vector<512x1xi32>
    %eq3A_1249 = vector.broadcast %and3A_1245 : vector<1x512xi32> to vector<128x512xi32>
    %eq3A_1250 = arith.cmpi eq, %eq3A_1249, %iota3A : vector<128x512xi32>
    %convert_element_type3A_1251 = arith.extui %eq3A_1250 : vector<128x512xi1> to vector<128x512xi32>
    %convert_element_type3A_1252 = arith.sitofp %convert_element_type3A_1251 : vector<128x512xi32> to vector<128x512xf32>
    %convert_element_type3A_1253 = arith.truncf %convert_element_type3A_1252 : vector<128x512xf32> to vector<128x512xbf16>
    %eq3A_1254 = vector.broadcast %shift_right_arithmetic3A_1248 : vector<512x1xi32> to vector<512x128xi32>
    %eq3A_1255 = arith.cmpi eq, %eq3A_1254, %iota3A_0 : vector<512x128xi32>
    %convert_element_type3A_1256 = arith.extui %eq3A_1255 : vector<512x128xi1> to vector<512x128xi32>
    %convert_element_type3A_1257 = arith.sitofp %convert_element_type3A_1256 : vector<512x128xi32> to vector<512x128xf32>
    %convert_element_type3A_1258 = arith.truncf %convert_element_type3A_1257 : vector<512x128xf32> to vector<512x128xbf16>
    %dot_general3A_1259 = arith.constant dense<0.000000e+00> : vector<128x128xf32>
    %dot_general3A_1260 = tpu.matmul %convert_element_type3A_1253, %convert_element_type3A_1258, %dot_general3A_1259 {dimension_numbers = #tpu.dot_dimension_numbers<[1], [0], [0], [1], [0, 0, 1, 1], [], []>, transpose_lhs_hint = false} : vector<128x512xbf16>, vector<512x128xbf16>, vector<128x128xf32> -> vector<128x128xf32>
    %get3A_1261 = arith.constant 0 : index
    %get3A_1262 = arith.constant 0 : index
    %get3A_1263 = vector.load %arg3[%get3A_1261, %get3A_1262] : memref<128x128xf32, #tpu.memory_space<vmem>>, vector<128x128xf32>
    %add3A_1264 = arith.addf %get3A_1263, %dot_general3A_1260 : vector<128x128xf32>
    %swap3A_1265 = arith.constant 0 : index
    %swap3A_1266 = arith.constant 0 : index
    %swap3A_1267 = vector.load %arg3[%swap3A_1265, %swap3A_1266] : memref<128x128xf32, #tpu.memory_space<vmem>>, vector<128x128xf32>
    tpu.vector_store %arg3[%swap3A_1265, %swap3A_1266], %add3A_1264 {strides = array<i32>} : memref<128x128xf32, #tpu.memory_space<vmem>>, vector<128x128xf32>,
    %convert_element_type3A_1268 = arith.truncf %dot_general3A_1260 : vector<128x128xf32> to vector<128x128xbf16>
    %mul3A_1269 = arith.constant 128 : i32
    %mul3A_1270 = arith.muli %scan3A_1230, %mul3A_1269 : i32
    %swap3A_1271 = arith.index_cast %mul3A_1270 : i32 to index
    %swap3A_1272 = arith.constant 0 : index
    %swap3A_1273 = vector.load %arg2[%swap3A_1271, %swap3A_1272] : memref<3072x128xbf16, #tpu.memory_space<vmem>>, vector<128x128xbf16>
    tpu.vector_store %arg2[%swap3A_1271, %swap3A_1272], %convert_element_type3A_1268 {strides = array<i32>} : memref<3072x128xbf16, #tpu.memory_space<vmem>>, vector<128x128xbf16>,
    %eq3A_1274 = vector.broadcast %convert_element_type3A_1242 : vector<512x1xi32> to vector<512x512xi32>
    %eq3A_1275 = vector.broadcast %reshape3A_1235 : vector<1x512xi32> to vector<512x512xi32>
    %eq3A_1276 = arith.cmpi eq, %eq3A_1274, %eq3A_1275 : vector<512x512xi32>
    %lt3A_1277 = arith.cmpi slt, %iota3A_2, %iota3A_1 : vector<512x512xi32>
    %and3A_1278 = arith.andi %eq3A_1276, %lt3A_1277 : vector<512x512xi1>
    %jit3A_1279 = arith.constant 1.000000e+00 : f32
    %jit3A_1280 = arith.constant 0.000000e+00 : f32
    %broadcast_in_dim3A_1281 = vector.broadcast %jit3A_1279 : f32 to vector<512x512xf32>
    %broadcast_in_dim3A_1282 = vector.broadcast %jit3A_1280 : f32 to vector<512x512xf32>
    %select_n3A_1283 = arith.select %and3A_1278, %broadcast_in_dim3A_1281, %broadcast_in_dim3A_1282 : vector<512x512xi1>, vector<512x512xf32>
    %reduce_sum3A_1284 = arith.constant dense<0.000000e+00> : vector<512xf32>
    %reduce_sum3A_1285 = vector.multi_reduction <add>, %select_n3A_1283, %reduce_sum3A_1284 [1] : vector<512x512xf32> to vector<512xf32>
    %broadcast_in_dim3A_1286 = vector.shape_cast %reduce_sum3A_1285 : vector<512xf32> to vector<512x1xf32>
    %mul3A_1287 = vector.broadcast %broadcast_in_dim3A_1286 : vector<512x1xf32> to vector<512x512xf32>
    %mul3A_1288 = arith.mulf %mul3A_1287, %convert_element_type3A_3 : vector<512x512xf32>
    %reduce_sum3A_1289 = arith.constant dense<0.000000e+00> : vector<512xf32>
    %reduce_sum3A_1290 = vector.multi_reduction <add>, %mul3A_1288, %reduce_sum3A_1289 [0] : vector<512x512xf32> to vector<512xf32>
    %broadcast_in_dim3A_1291 = vector.shape_cast %reduce_sum3A_1290 : vector<512xf32> to vector<1x512xf32>
    %swap3A_1292 = arith.index_cast %scan3A_1230 : i32 to index
    %swap3A_1293 = arith.constant 0 : index
    %swap3A_1294 = vector.load %arg5[%swap3A_1292, %swap3A_1293] : memref<24x512xf32, #tpu.memory_space<vmem>>, vector<1x512xf32>
    tpu.vector_store %arg5[%swap3A_1292, %swap3A_1293], %broadcast_in_dim3A_1291 {strides = array<i32>} : memref<24x512xf32, #tpu.memory_space<vmem>>, vector<1x512xf32>,
    %scan3A_1295 = arith.constant 20 : i32
    %mul3A_1296 = arith.constant 512 : i32
    %mul3A_1297 = arith.muli %scan3A_1295, %mul3A_1296 : i32
    %get3A_1298 = arith.index_cast %mul3A_1297 : i32 to index
    %get3A_1299 = vector.load %arg0[%get3A_1298] : memref<12288xi32, #tpu.memory_space<vmem>>, vector<512xi32>
    %reshape3A_1300 = vector.shape_cast %get3A_1299 : vector<512xi32> to vector<1x512xi32>
    %convert_element_type3A_1301 = arith.sitofp %reshape3A_1300 : vector<1x512xi32> to vector<1x512xf32>
    %mul3A_1302 = vector.broadcast %convert_element_type3A_1301 : vector<1x512xf32> to vector<512x512xf32>
    %mul3A_1303 = arith.mulf %mul3A_1302, %convert_element_type3A_3 : vector<512x512xf32>
    %reduce_sum3A_1304 = arith.constant dense<0.000000e+00> : vector<512xf32>
    %reduce_sum3A_1305 = vector.multi_reduction <add>, %mul3A_1303, %reduce_sum3A_1304 [1] : vector<512x512xf32> to vector<512xf32>
    %broadcast_in_dim3A_1306 = vector.shape_cast %reduce_sum3A_1305 : vector<512xf32> to vector<512x1xf32>
    %convert_element_type3A_1307 = arith.fptosi %broadcast_in_dim3A_1306 : vector<512x1xf32> to vector<512x1xi32>
    %and3A_1308 = arith.constant 127 : i32
    %and3A_1309 = vector.broadcast %and3A_1308 : i32 to vector<1x512xi32>
    %and3A_1310 = arith.andi %reshape3A_1300, %and3A_1309 : vector<1x512xi32>
    %shift_right_arithmetic3A_1311 = arith.constant 7 : i32
    %shift_right_arithmetic3A_1312 = vector.broadcast %shift_right_arithmetic3A_1311 : i32 to vector<512x1xi32>
    %shift_right_arithmetic3A_1313 = arith.shrsi %convert_element_type3A_1307, %shift_right_arithmetic3A_1312 : vector<512x1xi32>
    %eq3A_1314 = vector.broadcast %and3A_1310 : vector<1x512xi32> to vector<128x512xi32>
    %eq3A_1315 = arith.cmpi eq, %eq3A_1314, %iota3A : vector<128x512xi32>
    %convert_element_type3A_1316 = arith.extui %eq3A_1315 : vector<128x512xi1> to vector<128x512xi32>
    %convert_element_type3A_1317 = arith.sitofp %convert_element_type3A_1316 : vector<128x512xi32> to vector<128x512xf32>
    %convert_element_type3A_1318 = arith.truncf %convert_element_type3A_1317 : vector<128x512xf32> to vector<128x512xbf16>
    %eq3A_1319 = vector.broadcast %shift_right_arithmetic3A_1313 : vector<512x1xi32> to vector<512x128xi32>
    %eq3A_1320 = arith.cmpi eq, %eq3A_1319, %iota3A_0 : vector<512x128xi32>
    %convert_element_type3A_1321 = arith.extui %eq3A_1320 : vector<512x128xi1> to vector<512x128xi32>
    %convert_element_type3A_1322 = arith.sitofp %convert_element_type3A_1321 : vector<512x128xi32> to vector<512x128xf32>
    %convert_element_type3A_1323 = arith.truncf %convert_element_type3A_1322 : vector<512x128xf32> to vector<512x128xbf16>
    %dot_general3A_1324 = arith.constant dense<0.000000e+00> : vector<128x128xf32>
    %dot_general3A_1325 = tpu.matmul %convert_element_type3A_1318, %convert_element_type3A_1323, %dot_general3A_1324 {dimension_numbers = #tpu.dot_dimension_numbers<[1], [0], [0], [1], [0, 0, 1, 1], [], []>, transpose_lhs_hint = false} : vector<128x512xbf16>, vector<512x128xbf16>, vector<128x128xf32> -> vector<128x128xf32>
    %get3A_1326 = arith.constant 0 : index
    %get3A_1327 = arith.constant 0 : index
    %get3A_1328 = vector.load %arg3[%get3A_1326, %get3A_1327] : memref<128x128xf32, #tpu.memory_space<vmem>>, vector<128x128xf32>
    %add3A_1329 = arith.addf %get3A_1328, %dot_general3A_1325 : vector<128x128xf32>
    %swap3A_1330 = arith.constant 0 : index
    %swap3A_1331 = arith.constant 0 : index
    %swap3A_1332 = vector.load %arg3[%swap3A_1330, %swap3A_1331] : memref<128x128xf32, #tpu.memory_space<vmem>>, vector<128x128xf32>
    tpu.vector_store %arg3[%swap3A_1330, %swap3A_1331], %add3A_1329 {strides = array<i32>} : memref<128x128xf32, #tpu.memory_space<vmem>>, vector<128x128xf32>,
    %convert_element_type3A_1333 = arith.truncf %dot_general3A_1325 : vector<128x128xf32> to vector<128x128xbf16>
    %mul3A_1334 = arith.constant 128 : i32
    %mul3A_1335 = arith.muli %scan3A_1295, %mul3A_1334 : i32
    %swap3A_1336 = arith.index_cast %mul3A_1335 : i32 to index
    %swap3A_1337 = arith.constant 0 : index
    %swap3A_1338 = vector.load %arg2[%swap3A_1336, %swap3A_1337] : memref<3072x128xbf16, #tpu.memory_space<vmem>>, vector<128x128xbf16>
    tpu.vector_store %arg2[%swap3A_1336, %swap3A_1337], %convert_element_type3A_1333 {strides = array<i32>} : memref<3072x128xbf16, #tpu.memory_space<vmem>>, vector<128x128xbf16>,
    %eq3A_1339 = vector.broadcast %convert_element_type3A_1307 : vector<512x1xi32> to vector<512x512xi32>
    %eq3A_1340 = vector.broadcast %reshape3A_1300 : vector<1x512xi32> to vector<512x512xi32>
    %eq3A_1341 = arith.cmpi eq, %eq3A_1339, %eq3A_1340 : vector<512x512xi32>
    %lt3A_1342 = arith.cmpi slt, %iota3A_2, %iota3A_1 : vector<512x512xi32>
    %and3A_1343 = arith.andi %eq3A_1341, %lt3A_1342 : vector<512x512xi1>
    %jit3A_1344 = arith.constant 1.000000e+00 : f32
    %jit3A_1345 = arith.constant 0.000000e+00 : f32
    %broadcast_in_dim3A_1346 = vector.broadcast %jit3A_1344 : f32 to vector<512x512xf32>
    %broadcast_in_dim3A_1347 = vector.broadcast %jit3A_1345 : f32 to vector<512x512xf32>
    %select_n3A_1348 = arith.select %and3A_1343, %broadcast_in_dim3A_1346, %broadcast_in_dim3A_1347 : vector<512x512xi1>, vector<512x512xf32>
    %reduce_sum3A_1349 = arith.constant dense<0.000000e+00> : vector<512xf32>
    %reduce_sum3A_1350 = vector.multi_reduction <add>, %select_n3A_1348, %reduce_sum3A_1349 [1] : vector<512x512xf32> to vector<512xf32>
    %broadcast_in_dim3A_1351 = vector.shape_cast %reduce_sum3A_1350 : vector<512xf32> to vector<512x1xf32>
    %mul3A_1352 = vector.broadcast %broadcast_in_dim3A_1351 : vector<512x1xf32> to vector<512x512xf32>
    %mul3A_1353 = arith.mulf %mul3A_1352, %convert_element_type3A_3 : vector<512x512xf32>
    %reduce_sum3A_1354 = arith.constant dense<0.000000e+00> : vector<512xf32>
    %reduce_sum3A_1355 = vector.multi_reduction <add>, %mul3A_1353, %reduce_sum3A_1354 [0] : vector<512x512xf32> to vector<512xf32>
    %broadcast_in_dim3A_1356 = vector.shape_cast %reduce_sum3A_1355 : vector<512xf32> to vector<1x512xf32>
    %swap3A_1357 = arith.index_cast %scan3A_1295 : i32 to index
    %swap3A_1358 = arith.constant 0 : index
    %swap3A_1359 = vector.load %arg5[%swap3A_1357, %swap3A_1358] : memref<24x512xf32, #tpu.memory_space<vmem>>, vector<1x512xf32>
    tpu.vector_store %arg5[%swap3A_1357, %swap3A_1358], %broadcast_in_dim3A_1356 {strides = array<i32>} : memref<24x512xf32, #tpu.memory_space<vmem>>, vector<1x512xf32>,
    %scan3A_1360 = arith.constant 21 : i32
    %mul3A_1361 = arith.constant 512 : i32
    %mul3A_1362 = arith.muli %scan3A_1360, %mul3A_1361 : i32
    %get3A_1363 = arith.index_cast %mul3A_1362 : i32 to index
    %get3A_1364 = vector.load %arg0[%get3A_1363] : memref<12288xi32, #tpu.memory_space<vmem>>, vector<512xi32>
    %reshape3A_1365 = vector.shape_cast %get3A_1364 : vector<512xi32> to vector<1x512xi32>
    %convert_element_type3A_1366 = arith.sitofp %reshape3A_1365 : vector<1x512xi32> to vector<1x512xf32>
    %mul3A_1367 = vector.broadcast %convert_element_type3A_1366 : vector<1x512xf32> to vector<512x512xf32>
    %mul3A_1368 = arith.mulf %mul3A_1367, %convert_element_type3A_3 : vector<512x512xf32>
    %reduce_sum3A_1369 = arith.constant dense<0.000000e+00> : vector<512xf32>
    %reduce_sum3A_1370 = vector.multi_reduction <add>, %mul3A_1368, %reduce_sum3A_1369 [1] : vector<512x512xf32> to vector<512xf32>
    %broadcast_in_dim3A_1371 = vector.shape_cast %reduce_sum3A_1370 : vector<512xf32> to vector<512x1xf32>
    %convert_element_type3A_1372 = arith.fptosi %broadcast_in_dim3A_1371 : vector<512x1xf32> to vector<512x1xi32>
    %and3A_1373 = arith.constant 127 : i32
    %and3A_1374 = vector.broadcast %and3A_1373 : i32 to vector<1x512xi32>
    %and3A_1375 = arith.andi %reshape3A_1365, %and3A_1374 : vector<1x512xi32>
    %shift_right_arithmetic3A_1376 = arith.constant 7 : i32
    %shift_right_arithmetic3A_1377 = vector.broadcast %shift_right_arithmetic3A_1376 : i32 to vector<512x1xi32>
    %shift_right_arithmetic3A_1378 = arith.shrsi %convert_element_type3A_1372, %shift_right_arithmetic3A_1377 : vector<512x1xi32>
    %eq3A_1379 = vector.broadcast %and3A_1375 : vector<1x512xi32> to vector<128x512xi32>
    %eq3A_1380 = arith.cmpi eq, %eq3A_1379, %iota3A : vector<128x512xi32>
    %convert_element_type3A_1381 = arith.extui %eq3A_1380 : vector<128x512xi1> to vector<128x512xi32>
    %convert_element_type3A_1382 = arith.sitofp %convert_element_type3A_1381 : vector<128x512xi32> to vector<128x512xf32>
    %convert_element_type3A_1383 = arith.truncf %convert_element_type3A_1382 : vector<128x512xf32> to vector<128x512xbf16>
    %eq3A_1384 = vector.broadcast %shift_right_arithmetic3A_1378 : vector<512x1xi32> to vector<512x128xi32>
    %eq3A_1385 = arith.cmpi eq, %eq3A_1384, %iota3A_0 : vector<512x128xi32>
    %convert_element_type3A_1386 = arith.extui %eq3A_1385 : vector<512x128xi1> to vector<512x128xi32>
    %convert_element_type3A_1387 = arith.sitofp %convert_element_type3A_1386 : vector<512x128xi32> to vector<512x128xf32>
    %convert_element_type3A_1388 = arith.truncf %convert_element_type3A_1387 : vector<512x128xf32> to vector<512x128xbf16>
    %dot_general3A_1389 = arith.constant dense<0.000000e+00> : vector<128x128xf32>
    %dot_general3A_1390 = tpu.matmul %convert_element_type3A_1383, %convert_element_type3A_1388, %dot_general3A_1389 {dimension_numbers = #tpu.dot_dimension_numbers<[1], [0], [0], [1], [0, 0, 1, 1], [], []>, transpose_lhs_hint = false} : vector<128x512xbf16>, vector<512x128xbf16>, vector<128x128xf32> -> vector<128x128xf32>
    %get3A_1391 = arith.constant 0 : index
    %get3A_1392 = arith.constant 0 : index
    %get3A_1393 = vector.load %arg3[%get3A_1391, %get3A_1392] : memref<128x128xf32, #tpu.memory_space<vmem>>, vector<128x128xf32>
    %add3A_1394 = arith.addf %get3A_1393, %dot_general3A_1390 : vector<128x128xf32>
    %swap3A_1395 = arith.constant 0 : index
    %swap3A_1396 = arith.constant 0 : index
    %swap3A_1397 = vector.load %arg3[%swap3A_1395, %swap3A_1396] : memref<128x128xf32, #tpu.memory_space<vmem>>, vector<128x128xf32>
    tpu.vector_store %arg3[%swap3A_1395, %swap3A_1396], %add3A_1394 {strides = array<i32>} : memref<128x128xf32, #tpu.memory_space<vmem>>, vector<128x128xf32>,
    %convert_element_type3A_1398 = arith.truncf %dot_general3A_1390 : vector<128x128xf32> to vector<128x128xbf16>
    %mul3A_1399 = arith.constant 128 : i32
    %mul3A_1400 = arith.muli %scan3A_1360, %mul3A_1399 : i32
    %swap3A_1401 = arith.index_cast %mul3A_1400 : i32 to index
    %swap3A_1402 = arith.constant 0 : index
    %swap3A_1403 = vector.load %arg2[%swap3A_1401, %swap3A_1402] : memref<3072x128xbf16, #tpu.memory_space<vmem>>, vector<128x128xbf16>
    tpu.vector_store %arg2[%swap3A_1401, %swap3A_1402], %convert_element_type3A_1398 {strides = array<i32>} : memref<3072x128xbf16, #tpu.memory_space<vmem>>, vector<128x128xbf16>,
    %eq3A_1404 = vector.broadcast %convert_element_type3A_1372 : vector<512x1xi32> to vector<512x512xi32>
    %eq3A_1405 = vector.broadcast %reshape3A_1365 : vector<1x512xi32> to vector<512x512xi32>
    %eq3A_1406 = arith.cmpi eq, %eq3A_1404, %eq3A_1405 : vector<512x512xi32>
    %lt3A_1407 = arith.cmpi slt, %iota3A_2, %iota3A_1 : vector<512x512xi32>
    %and3A_1408 = arith.andi %eq3A_1406, %lt3A_1407 : vector<512x512xi1>
    %jit3A_1409 = arith.constant 1.000000e+00 : f32
    %jit3A_1410 = arith.constant 0.000000e+00 : f32
    %broadcast_in_dim3A_1411 = vector.broadcast %jit3A_1409 : f32 to vector<512x512xf32>
    %broadcast_in_dim3A_1412 = vector.broadcast %jit3A_1410 : f32 to vector<512x512xf32>
    %select_n3A_1413 = arith.select %and3A_1408, %broadcast_in_dim3A_1411, %broadcast_in_dim3A_1412 : vector<512x512xi1>, vector<512x512xf32>
    %reduce_sum3A_1414 = arith.constant dense<0.000000e+00> : vector<512xf32>
    %reduce_sum3A_1415 = vector.multi_reduction <add>, %select_n3A_1413, %reduce_sum3A_1414 [1] : vector<512x512xf32> to vector<512xf32>
    %broadcast_in_dim3A_1416 = vector.shape_cast %reduce_sum3A_1415 : vector<512xf32> to vector<512x1xf32>
    %mul3A_1417 = vector.broadcast %broadcast_in_dim3A_1416 : vector<512x1xf32> to vector<512x512xf32>
    %mul3A_1418 = arith.mulf %mul3A_1417, %convert_element_type3A_3 : vector<512x512xf32>
    %reduce_sum3A_1419 = arith.constant dense<0.000000e+00> : vector<512xf32>
    %reduce_sum3A_1420 = vector.multi_reduction <add>, %mul3A_1418, %reduce_sum3A_1419 [0] : vector<512x512xf32> to vector<512xf32>
    %broadcast_in_dim3A_1421 = vector.shape_cast %reduce_sum3A_1420 : vector<512xf32> to vector<1x512xf32>
    %swap3A_1422 = arith.index_cast %scan3A_1360 : i32 to index
    %swap3A_1423 = arith.constant 0 : index
    %swap3A_1424 = vector.load %arg5[%swap3A_1422, %swap3A_1423] : memref<24x512xf32, #tpu.memory_space<vmem>>, vector<1x512xf32>
    tpu.vector_store %arg5[%swap3A_1422, %swap3A_1423], %broadcast_in_dim3A_1421 {strides = array<i32>} : memref<24x512xf32, #tpu.memory_space<vmem>>, vector<1x512xf32>,
    %scan3A_1425 = arith.constant 22 : i32
    %mul3A_1426 = arith.constant 512 : i32
    %mul3A_1427 = arith.muli %scan3A_1425, %mul3A_1426 : i32
    %get3A_1428 = arith.index_cast %mul3A_1427 : i32 to index
    %get3A_1429 = vector.load %arg0[%get3A_1428] : memref<12288xi32, #tpu.memory_space<vmem>>, vector<512xi32>
    %reshape3A_1430 = vector.shape_cast %get3A_1429 : vector<512xi32> to vector<1x512xi32>
    %convert_element_type3A_1431 = arith.sitofp %reshape3A_1430 : vector<1x512xi32> to vector<1x512xf32>
    %mul3A_1432 = vector.broadcast %convert_element_type3A_1431 : vector<1x512xf32> to vector<512x512xf32>
    %mul3A_1433 = arith.mulf %mul3A_1432, %convert_element_type3A_3 : vector<512x512xf32>
    %reduce_sum3A_1434 = arith.constant dense<0.000000e+00> : vector<512xf32>
    %reduce_sum3A_1435 = vector.multi_reduction <add>, %mul3A_1433, %reduce_sum3A_1434 [1] : vector<512x512xf32> to vector<512xf32>
    %broadcast_in_dim3A_1436 = vector.shape_cast %reduce_sum3A_1435 : vector<512xf32> to vector<512x1xf32>
    %convert_element_type3A_1437 = arith.fptosi %broadcast_in_dim3A_1436 : vector<512x1xf32> to vector<512x1xi32>
    %and3A_1438 = arith.constant 127 : i32
    %and3A_1439 = vector.broadcast %and3A_1438 : i32 to vector<1x512xi32>
    %and3A_1440 = arith.andi %reshape3A_1430, %and3A_1439 : vector<1x512xi32>
    %shift_right_arithmetic3A_1441 = arith.constant 7 : i32
    %shift_right_arithmetic3A_1442 = vector.broadcast %shift_right_arithmetic3A_1441 : i32 to vector<512x1xi32>
    %shift_right_arithmetic3A_1443 = arith.shrsi %convert_element_type3A_1437, %shift_right_arithmetic3A_1442 : vector<512x1xi32>
    %eq3A_1444 = vector.broadcast %and3A_1440 : vector<1x512xi32> to vector<128x512xi32>
    %eq3A_1445 = arith.cmpi eq, %eq3A_1444, %iota3A : vector<128x512xi32>
    %convert_element_type3A_1446 = arith.extui %eq3A_1445 : vector<128x512xi1> to vector<128x512xi32>
    %convert_element_type3A_1447 = arith.sitofp %convert_element_type3A_1446 : vector<128x512xi32> to vector<128x512xf32>
    %convert_element_type3A_1448 = arith.truncf %convert_element_type3A_1447 : vector<128x512xf32> to vector<128x512xbf16>
    %eq3A_1449 = vector.broadcast %shift_right_arithmetic3A_1443 : vector<512x1xi32> to vector<512x128xi32>
    %eq3A_1450 = arith.cmpi eq, %eq3A_1449, %iota3A_0 : vector<512x128xi32>
    %convert_element_type3A_1451 = arith.extui %eq3A_1450 : vector<512x128xi1> to vector<512x128xi32>
    %convert_element_type3A_1452 = arith.sitofp %convert_element_type3A_1451 : vector<512x128xi32> to vector<512x128xf32>
    %convert_element_type3A_1453 = arith.truncf %convert_element_type3A_1452 : vector<512x128xf32> to vector<512x128xbf16>
    %dot_general3A_1454 = arith.constant dense<0.000000e+00> : vector<128x128xf32>
    %dot_general3A_1455 = tpu.matmul %convert_element_type3A_1448, %convert_element_type3A_1453, %dot_general3A_1454 {dimension_numbers = #tpu.dot_dimension_numbers<[1], [0], [0], [1], [0, 0, 1, 1], [], []>, transpose_lhs_hint = false} : vector<128x512xbf16>, vector<512x128xbf16>, vector<128x128xf32> -> vector<128x128xf32>
    %get3A_1456 = arith.constant 0 : index
    %get3A_1457 = arith.constant 0 : index
    %get3A_1458 = vector.load %arg3[%get3A_1456, %get3A_1457] : memref<128x128xf32, #tpu.memory_space<vmem>>, vector<128x128xf32>
    %add3A_1459 = arith.addf %get3A_1458, %dot_general3A_1455 : vector<128x128xf32>
    %swap3A_1460 = arith.constant 0 : index
    %swap3A_1461 = arith.constant 0 : index
    %swap3A_1462 = vector.load %arg3[%swap3A_1460, %swap3A_1461] : memref<128x128xf32, #tpu.memory_space<vmem>>, vector<128x128xf32>
    tpu.vector_store %arg3[%swap3A_1460, %swap3A_1461], %add3A_1459 {strides = array<i32>} : memref<128x128xf32, #tpu.memory_space<vmem>>, vector<128x128xf32>,
    %convert_element_type3A_1463 = arith.truncf %dot_general3A_1455 : vector<128x128xf32> to vector<128x128xbf16>
    %mul3A_1464 = arith.constant 128 : i32
    %mul3A_1465 = arith.muli %scan3A_1425, %mul3A_1464 : i32
    %swap3A_1466 = arith.index_cast %mul3A_1465 : i32 to index
    %swap3A_1467 = arith.constant 0 : index
    %swap3A_1468 = vector.load %arg2[%swap3A_1466, %swap3A_1467] : memref<3072x128xbf16, #tpu.memory_space<vmem>>, vector<128x128xbf16>
    tpu.vector_store %arg2[%swap3A_1466, %swap3A_1467], %convert_element_type3A_1463 {strides = array<i32>} : memref<3072x128xbf16, #tpu.memory_space<vmem>>, vector<128x128xbf16>,
    %eq3A_1469 = vector.broadcast %convert_element_type3A_1437 : vector<512x1xi32> to vector<512x512xi32>
    %eq3A_1470 = vector.broadcast %reshape3A_1430 : vector<1x512xi32> to vector<512x512xi32>
    %eq3A_1471 = arith.cmpi eq, %eq3A_1469, %eq3A_1470 : vector<512x512xi32>
    %lt3A_1472 = arith.cmpi slt, %iota3A_2, %iota3A_1 : vector<512x512xi32>
    %and3A_1473 = arith.andi %eq3A_1471, %lt3A_1472 : vector<512x512xi1>
    %jit3A_1474 = arith.constant 1.000000e+00 : f32
    %jit3A_1475 = arith.constant 0.000000e+00 : f32
    %broadcast_in_dim3A_1476 = vector.broadcast %jit3A_1474 : f32 to vector<512x512xf32>
    %broadcast_in_dim3A_1477 = vector.broadcast %jit3A_1475 : f32 to vector<512x512xf32>
    %select_n3A_1478 = arith.select %and3A_1473, %broadcast_in_dim3A_1476, %broadcast_in_dim3A_1477 : vector<512x512xi1>, vector<512x512xf32>
    %reduce_sum3A_1479 = arith.constant dense<0.000000e+00> : vector<512xf32>
    %reduce_sum3A_1480 = vector.multi_reduction <add>, %select_n3A_1478, %reduce_sum3A_1479 [1] : vector<512x512xf32> to vector<512xf32>
    %broadcast_in_dim3A_1481 = vector.shape_cast %reduce_sum3A_1480 : vector<512xf32> to vector<512x1xf32>
    %mul3A_1482 = vector.broadcast %broadcast_in_dim3A_1481 : vector<512x1xf32> to vector<512x512xf32>
    %mul3A_1483 = arith.mulf %mul3A_1482, %convert_element_type3A_3 : vector<512x512xf32>
    %reduce_sum3A_1484 = arith.constant dense<0.000000e+00> : vector<512xf32>
    %reduce_sum3A_1485 = vector.multi_reduction <add>, %mul3A_1483, %reduce_sum3A_1484 [0] : vector<512x512xf32> to vector<512xf32>
    %broadcast_in_dim3A_1486 = vector.shape_cast %reduce_sum3A_1485 : vector<512xf32> to vector<1x512xf32>
    %swap3A_1487 = arith.index_cast %scan3A_1425 : i32 to index
    %swap3A_1488 = arith.constant 0 : index
    %swap3A_1489 = vector.load %arg5[%swap3A_1487, %swap3A_1488] : memref<24x512xf32, #tpu.memory_space<vmem>>, vector<1x512xf32>
    tpu.vector_store %arg5[%swap3A_1487, %swap3A_1488], %broadcast_in_dim3A_1486 {strides = array<i32>} : memref<24x512xf32, #tpu.memory_space<vmem>>, vector<1x512xf32>,
    %scan3A_1490 = arith.constant 23 : i32
    %mul3A_1491 = arith.constant 512 : i32
    %mul3A_1492 = arith.muli %scan3A_1490, %mul3A_1491 : i32
    %get3A_1493 = arith.index_cast %mul3A_1492 : i32 to index
    %get3A_1494 = vector.load %arg0[%get3A_1493] : memref<12288xi32, #tpu.memory_space<vmem>>, vector<512xi32>
    %reshape3A_1495 = vector.shape_cast %get3A_1494 : vector<512xi32> to vector<1x512xi32>
    %convert_element_type3A_1496 = arith.sitofp %reshape3A_1495 : vector<1x512xi32> to vector<1x512xf32>
    %mul3A_1497 = vector.broadcast %convert_element_type3A_1496 : vector<1x512xf32> to vector<512x512xf32>
    %mul3A_1498 = arith.mulf %mul3A_1497, %convert_element_type3A_3 : vector<512x512xf32>
    %reduce_sum3A_1499 = arith.constant dense<0.000000e+00> : vector<512xf32>
    %reduce_sum3A_1500 = vector.multi_reduction <add>, %mul3A_1498, %reduce_sum3A_1499 [1] : vector<512x512xf32> to vector<512xf32>
    %broadcast_in_dim3A_1501 = vector.shape_cast %reduce_sum3A_1500 : vector<512xf32> to vector<512x1xf32>
    %convert_element_type3A_1502 = arith.fptosi %broadcast_in_dim3A_1501 : vector<512x1xf32> to vector<512x1xi32>
    %and3A_1503 = arith.constant 127 : i32
    %and3A_1504 = vector.broadcast %and3A_1503 : i32 to vector<1x512xi32>
    %and3A_1505 = arith.andi %reshape3A_1495, %and3A_1504 : vector<1x512xi32>
    %shift_right_arithmetic3A_1506 = arith.constant 7 : i32
    %shift_right_arithmetic3A_1507 = vector.broadcast %shift_right_arithmetic3A_1506 : i32 to vector<512x1xi32>
    %shift_right_arithmetic3A_1508 = arith.shrsi %convert_element_type3A_1502, %shift_right_arithmetic3A_1507 : vector<512x1xi32>
    %eq3A_1509 = vector.broadcast %and3A_1505 : vector<1x512xi32> to vector<128x512xi32>
    %eq3A_1510 = arith.cmpi eq, %eq3A_1509, %iota3A : vector<128x512xi32>
    %convert_element_type3A_1511 = arith.extui %eq3A_1510 : vector<128x512xi1> to vector<128x512xi32>
    %convert_element_type3A_1512 = arith.sitofp %convert_element_type3A_1511 : vector<128x512xi32> to vector<128x512xf32>
    %convert_element_type3A_1513 = arith.truncf %convert_element_type3A_1512 : vector<128x512xf32> to vector<128x512xbf16>
    %eq3A_1514 = vector.broadcast %shift_right_arithmetic3A_1508 : vector<512x1xi32> to vector<512x128xi32>
    %eq3A_1515 = arith.cmpi eq, %eq3A_1514, %iota3A_0 : vector<512x128xi32>
    %convert_element_type3A_1516 = arith.extui %eq3A_1515 : vector<512x128xi1> to vector<512x128xi32>
    %convert_element_type3A_1517 = arith.sitofp %convert_element_type3A_1516 : vector<512x128xi32> to vector<512x128xf32>
    %convert_element_type3A_1518 = arith.truncf %convert_element_type3A_1517 : vector<512x128xf32> to vector<512x128xbf16>
    %dot_general3A_1519 = arith.constant dense<0.000000e+00> : vector<128x128xf32>
    %dot_general3A_1520 = tpu.matmul %convert_element_type3A_1513, %convert_element_type3A_1518, %dot_general3A_1519 {dimension_numbers = #tpu.dot_dimension_numbers<[1], [0], [0], [1], [0, 0, 1, 1], [], []>, transpose_lhs_hint = false} : vector<128x512xbf16>, vector<512x128xbf16>, vector<128x128xf32> -> vector<128x128xf32>
    %get3A_1521 = arith.constant 0 : index
    %get3A_1522 = arith.constant 0 : index
    %get3A_1523 = vector.load %arg3[%get3A_1521, %get3A_1522] : memref<128x128xf32, #tpu.memory_space<vmem>>, vector<128x128xf32>
    %add3A_1524 = arith.addf %get3A_1523, %dot_general3A_1520 : vector<128x128xf32>
    %swap3A_1525 = arith.constant 0 : index
    %swap3A_1526 = arith.constant 0 : index
    %swap3A_1527 = vector.load %arg3[%swap3A_1525, %swap3A_1526] : memref<128x128xf32, #tpu.memory_space<vmem>>, vector<128x128xf32>
    tpu.vector_store %arg3[%swap3A_1525, %swap3A_1526], %add3A_1524 {strides = array<i32>} : memref<128x128xf32, #tpu.memory_space<vmem>>, vector<128x128xf32>,
    %convert_element_type3A_1528 = arith.truncf %dot_general3A_1520 : vector<128x128xf32> to vector<128x128xbf16>
    %mul3A_1529 = arith.constant 128 : i32
    %mul3A_1530 = arith.muli %scan3A_1490, %mul3A_1529 : i32
    %swap3A_1531 = arith.index_cast %mul3A_1530 : i32 to index
    %swap3A_1532 = arith.constant 0 : index
    %swap3A_1533 = vector.load %arg2[%swap3A_1531, %swap3A_1532] : memref<3072x128xbf16, #tpu.memory_space<vmem>>, vector<128x128xbf16>
    tpu.vector_store %arg2[%swap3A_1531, %swap3A_1532], %convert_element_type3A_1528 {strides = array<i32>} : memref<3072x128xbf16, #tpu.memory_space<vmem>>, vector<128x128xbf16>,
    %eq3A_1534 = vector.broadcast %convert_element_type3A_1502 : vector<512x1xi32> to vector<512x512xi32>
    %eq3A_1535 = vector.broadcast %reshape3A_1495 : vector<1x512xi32> to vector<512x512xi32>
    %eq3A_1536 = arith.cmpi eq, %eq3A_1534, %eq3A_1535 : vector<512x512xi32>
    %lt3A_1537 = arith.cmpi slt, %iota3A_2, %iota3A_1 : vector<512x512xi32>
    %and3A_1538 = arith.andi %eq3A_1536, %lt3A_1537 : vector<512x512xi1>
    %jit3A_1539 = arith.constant 1.000000e+00 : f32
    %jit3A_1540 = arith.constant 0.000000e+00 : f32
    %broadcast_in_dim3A_1541 = vector.broadcast %jit3A_1539 : f32 to vector<512x512xf32>
    %broadcast_in_dim3A_1542 = vector.broadcast %jit3A_1540 : f32 to vector<512x512xf32>
    %select_n3A_1543 = arith.select %and3A_1538, %broadcast_in_dim3A_1541, %broadcast_in_dim3A_1542 : vector<512x512xi1>, vector<512x512xf32>
    %reduce_sum3A_1544 = arith.constant dense<0.000000e+00> : vector<512xf32>
    %reduce_sum3A_1545 = vector.multi_reduction <add>, %select_n3A_1543, %reduce_sum3A_1544 [1] : vector<512x512xf32> to vector<512xf32>
    %broadcast_in_dim3A_1546 = vector.shape_cast %reduce_sum3A_1545 : vector<512xf32> to vector<512x1xf32>
    %mul3A_1547 = vector.broadcast %broadcast_in_dim3A_1546 : vector<512x1xf32> to vector<512x512xf32>
    %mul3A_1548 = arith.mulf %mul3A_1547, %convert_element_type3A_3 : vector<512x512xf32>
    %reduce_sum3A_1549 = arith.constant dense<0.000000e+00> : vector<512xf32>
    %reduce_sum3A_1550 = vector.multi_reduction <add>, %mul3A_1548, %reduce_sum3A_1549 [0] : vector<512x512xf32> to vector<512xf32>
    %broadcast_in_dim3A_1551 = vector.shape_cast %reduce_sum3A_1550 : vector<512xf32> to vector<1x512xf32>
    %swap3A_1552 = arith.index_cast %scan3A_1490 : i32 to index
    %swap3A_1553 = arith.constant 0 : index
    %swap3A_1554 = vector.load %arg5[%swap3A_1552, %swap3A_1553] : memref<24x512xf32, #tpu.memory_space<vmem>>, vector<1x512xf32>
    tpu.vector_store %arg5[%swap3A_1552, %swap3A_1553], %broadcast_in_dim3A_1551 {strides = array<i32>} : memref<24x512xf32, #tpu.memory_space<vmem>>, vector<1x512xf32>,
    %scan3A_1555 = arith.constant 24 : i32
    %get3A_1556 = arith.constant 0 : index
    %get3A_1557 = arith.constant 0 : index
    %get3A_1558 = vector.load %arg3[%get3A_1556, %get3A_1557] : memref<128x128xf32, #tpu.memory_space<vmem>>, vector<128x128xf32>
    %reduce_sum3A_1559 = arith.constant dense<0.000000e+00> : vector<128xf32>
    %reduce_sum3A_1560 = vector.multi_reduction <add>, %get3A_1558, %reduce_sum3A_1559 [0] : vector<128x128xf32> to vector<128xf32>
    %broadcast_in_dim3A_1561 = vector.shape_cast %reduce_sum3A_1560 : vector<128xf32> to vector<1x128xf32>
    %iota3A_1562 = tpu.iota {dimensions = array<i32: 0>} : vector<128x128xi32>
    %iota3A_1563 = tpu.iota {dimensions = array<i32: 1>} : vector<128x128xi32>
    %lt3A_1564 = arith.cmpi slt, %iota3A_1562, %iota3A_1563 : vector<128x128xi32>
    %convert_element_type3A_1565 = arith.extui %lt3A_1564 : vector<128x128xi1> to vector<128x128xi32>
    %convert_element_type3A_1566 = arith.sitofp %convert_element_type3A_1565 : vector<128x128xi32> to vector<128x128xf32>
    %eq3A_1567 = arith.cmpi eq, %iota3A_1562, %iota3A_1563 : vector<128x128xi32>
    %convert_element_type3A_1568 = arith.extui %eq3A_1567 : vector<128x128xi1> to vector<128x128xi32>
    %convert_element_type3A_1569 = arith.sitofp %convert_element_type3A_1568 : vector<128x128xi32> to vector<128x128xf32>
    %mul3A_1570 = vector.broadcast %broadcast_in_dim3A_1561 : vector<1x128xf32> to vector<128x128xf32>
    %mul3A_1571 = arith.mulf %mul3A_1570, %convert_element_type3A_1569 : vector<128x128xf32>
    %reduce_sum3A_1572 = arith.constant dense<0.000000e+00> : vector<128xf32>
    %reduce_sum3A_1573 = vector.multi_reduction <add>, %mul3A_1571, %reduce_sum3A_1572 [1] : vector<128x128xf32> to vector<128xf32>
    %broadcast_in_dim3A_1574 = vector.shape_cast %reduce_sum3A_1573 : vector<128xf32> to vector<128x1xf32>
    %mul3A_1575 = vector.broadcast %broadcast_in_dim3A_1574 : vector<128x1xf32> to vector<128x128xf32>
    %mul3A_1576 = arith.mulf %mul3A_1575, %convert_element_type3A_1566 : vector<128x128xf32>
    %reduce_sum3A_1577 = arith.constant dense<0.000000e+00> : vector<128xf32>
    %reduce_sum3A_1578 = vector.multi_reduction <add>, %mul3A_1576, %reduce_sum3A_1577 [0] : vector<128x128xf32> to vector<128xf32>
    %broadcast_in_dim3A_1579 = vector.shape_cast %reduce_sum3A_1578 : vector<128xf32> to vector<1x128xf32>
    %mul3A_1580 = arith.constant 3.906250e-03 : f32
    %mul3A_1581 = vector.broadcast %mul3A_1580 : f32 to vector<128x128xf32>
    %mul3A_1582 = arith.mulf %get3A_1558, %mul3A_1581 : vector<128x128xf32>
    %floor3A = math.floor %mul3A_1582 : vector<128x128xf32>
    %mul3A_1583 = arith.constant 2.560000e+02 : f32
    %mul3A_1584 = vector.broadcast %mul3A_1583 : f32 to vector<128x128xf32>
    %mul3A_1585 = arith.mulf %floor3A, %mul3A_1584 : vector<128x128xf32>
    %sub3A = arith.subf %get3A_1558, %mul3A_1585 : vector<128x128xf32>
    %convert_element_type3A_1586 = arith.truncf %mul3A_1585 : vector<128x128xf32> to vector<128x128xbf16>
    %convert_element_type3A_1587 = arith.truncf %sub3A : vector<128x128xf32> to vector<128x128xbf16>
    %mul3A_1588 = arith.constant 3.906250e-03 : f32
    %mul3A_1589 = vector.broadcast %mul3A_1588 : f32 to vector<1x128xf32>
    %mul3A_1590 = arith.mulf %broadcast_in_dim3A_1579, %mul3A_1589 : vector<1x128xf32>
    %floor3A_1591 = math.floor %mul3A_1590 : vector<1x128xf32>
    %mul3A_1592 = arith.constant 2.560000e+02 : f32
    %mul3A_1593 = vector.broadcast %mul3A_1592 : f32 to vector<1x128xf32>
    %mul3A_1594 = arith.mulf %floor3A_1591, %mul3A_1593 : vector<1x128xf32>
    %sub3A_1595 = arith.subf %broadcast_in_dim3A_1579, %mul3A_1594 : vector<1x128xf32>
    %convert_element_type3A_1596 = arith.truncf %mul3A_1594 : vector<1x128xf32> to vector<1x128xbf16>
    %convert_element_type3A_1597 = arith.truncf %sub3A_1595 : vector<1x128xf32> to vector<1x128xbf16>
    %broadcast_in_dim3A_1598 = arith.constant 0.000000e+00 : bf16
    %broadcast_in_dim3A_1599 = vector.broadcast %broadcast_in_dim3A_1598 : bf16 to vector<6x128xbf16>
    %concatenate3A = tpu.concatenate %convert_element_type3A_1596, %convert_element_type3A_1597, %broadcast_in_dim3A_1599 in 0 : vector<1x128xbf16>, vector<1x128xbf16>, vector<6x128xbf16> -> vector<8x128xbf16>
    %broadcast_in_dim3A_1600 = arith.constant 0.000000e+00 : f32
    %broadcast_in_dim3A_1601 = vector.broadcast %broadcast_in_dim3A_1600 : f32 to vector<128x128xf32>
    %swap3A_1602 = arith.constant 0 : index
    %swap3A_1603 = arith.constant 0 : index
    %swap3A_1604 = vector.load %arg4[%swap3A_1602, %swap3A_1603] : memref<128x128xf32, #tpu.memory_space<vmem>>, vector<128x128xf32>
    tpu.vector_store %arg4[%swap3A_1602, %swap3A_1603], %broadcast_in_dim3A_1601 {strides = array<i32>} : memref<128x128xf32, #tpu.memory_space<vmem>>, vector<128x128xf32>,
    %scan3A_1605 = arith.constant 0 : i32
    %mul3A_1606 = arith.constant 512 : i32
    %mul3A_1607 = arith.muli %scan3A_1605, %mul3A_1606 : i32
    %get3A_1608 = arith.index_cast %mul3A_1607 : i32 to index
    %get3A_1609 = vector.load %arg0[%get3A_1608] : memref<12288xi32, #tpu.memory_space<vmem>>, vector<512xi32>
    %reshape3A_1610 = vector.shape_cast %get3A_1609 : vector<512xi32> to vector<1x512xi32>
    %shift_right_arithmetic3A_1611 = arith.constant 7 : i32
    %shift_right_arithmetic3A_1612 = vector.broadcast %shift_right_arithmetic3A_1611 : i32 to vector<1x512xi32>
    %shift_right_arithmetic3A_1613 = arith.shrsi %reshape3A_1610, %shift_right_arithmetic3A_1612 : vector<1x512xi32>
    %and3A_1614 = arith.constant 127 : i32
    %and3A_1615 = vector.broadcast %and3A_1614 : i32 to vector<1x512xi32>
    %and3A_1616 = arith.andi %reshape3A_1610, %and3A_1615 : vector<1x512xi32>
    %eq3A_1617 = vector.broadcast %shift_right_arithmetic3A_1613 : vector<1x512xi32> to vector<128x512xi32>
    %eq3A_1618 = arith.cmpi eq, %eq3A_1617, %iota3A : vector<128x512xi32>
    %convert_element_type3A_1619 = arith.extui %eq3A_1618 : vector<128x512xi1> to vector<128x512xi32>
    %convert_element_type3A_1620 = arith.sitofp %convert_element_type3A_1619 : vector<128x512xi32> to vector<128x512xf32>
    %convert_element_type3A_1621 = arith.truncf %convert_element_type3A_1620 : vector<128x512xf32> to vector<128x512xbf16>
    %get3A_1622 = arith.constant 0 : index
    %get3A_1623 = arith.constant 0 : index
    %get3A_1624 = vector.load %arg4[%get3A_1622, %get3A_1623] : memref<128x128xf32, #tpu.memory_space<vmem>>, vector<128x128xf32>
    %mul3A_1625 = arith.constant 3.906250e-03 : f32
    %mul3A_1626 = vector.broadcast %mul3A_1625 : f32 to vector<128x128xf32>
    %mul3A_1627 = arith.mulf %get3A_1624, %mul3A_1626 : vector<128x128xf32>
    %floor3A_1628 = math.floor %mul3A_1627 : vector<128x128xf32>
    %mul3A_1629 = arith.constant 2.560000e+02 : f32
    %mul3A_1630 = vector.broadcast %mul3A_1629 : f32 to vector<128x128xf32>
    %mul3A_1631 = arith.mulf %floor3A_1628, %mul3A_1630 : vector<128x128xf32>
    %sub3A_1632 = arith.subf %get3A_1624, %mul3A_1631 : vector<128x128xf32>
    %convert_element_type3A_1633 = arith.truncf %mul3A_1631 : vector<128x128xf32> to vector<128x128xbf16>
    %convert_element_type3A_1634 = arith.truncf %sub3A_1632 : vector<128x128xf32> to vector<128x128xbf16>
    %concatenate3A_1635 = tpu.concatenate %convert_element_type3A_1586, %convert_element_type3A_1587, %convert_element_type3A_1633, %convert_element_type3A_1634, %concatenate3A in 0 : vector<128x128xbf16>, vector<128x128xbf16>, vector<128x128xbf16>, vector<128x128xbf16>, vector<8x128xbf16> -> vector<520x128xbf16>
    %dot_general3A_1636 = arith.constant dense<0.000000e+00> : vector<520x512xf32>
    %dot_general3A_1637 = tpu.matmul %concatenate3A_1635, %convert_element_type3A_1621, %dot_general3A_1636 {dimension_numbers = #tpu.dot_dimension_numbers<[1], [0], [0], [1], [0, 0, 1, 1], [], []>, transpose_lhs_hint = false} : vector<520x128xbf16>, vector<128x512xbf16>, vector<520x512xf32> -> vector<520x512xf32>
    %slice3A = vector.extract_strided_slice %dot_general3A_1637 {offsets = [0, 0], sizes = [128, 512], strides = [1, 1]} : vector<520x512xf32> to vector<128x512xf32>
    %slice3A_1638 = vector.extract_strided_slice %dot_general3A_1637 {offsets = [128, 0], sizes = [128, 512], strides = [1, 1]} : vector<520x512xf32> to vector<128x512xf32>
    %add3A_1639 = arith.addf %slice3A, %slice3A_1638 : vector<128x512xf32>
    %slice3A_1640 = vector.extract_strided_slice %dot_general3A_1637 {offsets = [256, 0], sizes = [128, 512], strides = [1, 1]} : vector<520x512xf32> to vector<128x512xf32>
    %slice3A_1641 = vector.extract_strided_slice %dot_general3A_1637 {offsets = [384, 0], sizes = [128, 512], strides = [1, 1]} : vector<520x512xf32> to vector<128x512xf32>
    %add3A_1642 = arith.addf %slice3A_1640, %slice3A_1641 : vector<128x512xf32>
    %slice3A_1643 = vector.extract_strided_slice %dot_general3A_1637 {offsets = [512, 0], sizes = [1, 512], strides = [1, 1]} : vector<520x512xf32> to vector<1x512xf32>
    %slice3A_1644 = vector.extract_strided_slice %dot_general3A_1637 {offsets = [513, 0], sizes = [1, 512], strides = [1, 1]} : vector<520x512xf32> to vector<1x512xf32>
    %add3A_1645 = arith.addf %slice3A_1643, %slice3A_1644 : vector<1x512xf32>
    %lt3A_1646 = vector.broadcast %and3A_1616 : vector<1x512xi32> to vector<128x512xi32>
    %lt3A_1647 = arith.cmpi slt, %iota3A, %lt3A_1646 : vector<128x512xi32>
    %jit3A_1648 = arith.constant 0.000000e+00 : f32
    %broadcast_in_dim3A_1649 = vector.broadcast %jit3A_1648 : f32 to vector<128x512xf32>
    %select_n3A_1650 = arith.select %lt3A_1647, %add3A_1639, %broadcast_in_dim3A_1649 : vector<128x512xi1>, vector<128x512xf32>
    %reduce_sum3A_1651 = arith.constant dense<0.000000e+00> : vector<512xf32>
    %reduce_sum3A_1652 = vector.multi_reduction <add>, %select_n3A_1650, %reduce_sum3A_1651 [0] : vector<128x512xf32> to vector<512xf32>
    %broadcast_in_dim3A_1653 = vector.shape_cast %reduce_sum3A_1652 : vector<512xf32> to vector<1x512xf32>
    %eq3A_1654 = vector.broadcast %and3A_1616 : vector<1x512xi32> to vector<128x512xi32>
    %eq3A_1655 = arith.cmpi eq, %iota3A, %eq3A_1654 : vector<128x512xi32>
    %jit3A_1656 = arith.constant 0.000000e+00 : f32
    %broadcast_in_dim3A_1657 = vector.broadcast %jit3A_1656 : f32 to vector<128x512xf32>
    %select_n3A_1658 = arith.select %eq3A_1655, %add3A_1642, %broadcast_in_dim3A_1657 : vector<128x512xi1>, vector<128x512xf32>
    %reduce_sum3A_1659 = arith.constant dense<0.000000e+00> : vector<512xf32>
    %reduce_sum3A_1660 = vector.multi_reduction <add>, %select_n3A_1658, %reduce_sum3A_1659 [0] : vector<128x512xf32> to vector<512xf32>
    %broadcast_in_dim3A_1661 = vector.shape_cast %reduce_sum3A_1660 : vector<512xf32> to vector<1x512xf32>
    %add3A_1662 = arith.addf %add3A_1645, %broadcast_in_dim3A_1653 : vector<1x512xf32>
    %add3A_1663 = arith.addf %add3A_1662, %broadcast_in_dim3A_1661 : vector<1x512xf32>
    %get3A_1664 = arith.index_cast %scan3A_1605 : i32 to index
    %get3A_1665 = arith.constant 0 : index
    %get3A_1666 = vector.load %arg5[%get3A_1664, %get3A_1665] : memref<24x512xf32, #tpu.memory_space<vmem>>, vector<1x512xf32>
    %add3A_1667 = arith.addf %add3A_1663, %get3A_1666 : vector<1x512xf32>
    %convert_element_type3A_1668 = arith.fptosi %add3A_1667 : vector<1x512xf32> to vector<1x512xi32>
    %swap3A_1669 = arith.index_cast %scan3A_1605 : i32 to index
    %swap3A_1670 = arith.constant 0 : index
    %swap3A_1671 = vector.load %arg1[%swap3A_1669, %swap3A_1670] : memref<24x512xi32, #tpu.memory_space<vmem>>, vector<1x512xi32>
    tpu.vector_store %arg1[%swap3A_1669, %swap3A_1670], %convert_element_type3A_1668 {strides = array<i32>} : memref<24x512xi32, #tpu.memory_space<vmem>>, vector<1x512xi32>,
    %get3A_1672 = arith.constant 0 : index
    %get3A_1673 = arith.constant 0 : index
    %get3A_1674 = vector.load %arg4[%get3A_1672, %get3A_1673] : memref<128x128xf32, #tpu.memory_space<vmem>>, vector<128x128xf32>
    %mul3A_1675 = arith.constant 128 : i32
    %mul3A_1676 = arith.muli %scan3A_1605, %mul3A_1675 : i32
    %get3A_1677 = arith.index_cast %mul3A_1676 : i32 to index
    %get3A_1678 = arith.constant 0 : index
    %get3A_1679 = vector.load %arg2[%get3A_1677, %get3A_1678] : memref<3072x128xbf16, #tpu.memory_space<vmem>>, vector<128x128xbf16>
    %convert_element_type3A_1680 = arith.extf %get3A_1679 : vector<128x128xbf16> to vector<128x128xf32>
    %add3A_1681 = arith.addf %get3A_1674, %convert_element_type3A_1680 : vector<128x128xf32>
    %swap3A_1682 = arith.constant 0 : index
    %swap3A_1683 = arith.constant 0 : index
    %swap3A_1684 = vector.load %arg4[%swap3A_1682, %swap3A_1683] : memref<128x128xf32, #tpu.memory_space<vmem>>, vector<128x128xf32>
    tpu.vector_store %arg4[%swap3A_1682, %swap3A_1683], %add3A_1681 {strides = array<i32>} : memref<128x128xf32, #tpu.memory_space<vmem>>, vector<128x128xf32>,
    %scan3A_1685 = arith.constant 1 : i32
    %mul3A_1686 = arith.constant 512 : i32
    %mul3A_1687 = arith.muli %scan3A_1685, %mul3A_1686 : i32
    %get3A_1688 = arith.index_cast %mul3A_1687 : i32 to index
    %get3A_1689 = vector.load %arg0[%get3A_1688] : memref<12288xi32, #tpu.memory_space<vmem>>, vector<512xi32>
    %reshape3A_1690 = vector.shape_cast %get3A_1689 : vector<512xi32> to vector<1x512xi32>
    %shift_right_arithmetic3A_1691 = arith.constant 7 : i32
    %shift_right_arithmetic3A_1692 = vector.broadcast %shift_right_arithmetic3A_1691 : i32 to vector<1x512xi32>
    %shift_right_arithmetic3A_1693 = arith.shrsi %reshape3A_1690, %shift_right_arithmetic3A_1692 : vector<1x512xi32>
    %and3A_1694 = arith.constant 127 : i32
    %and3A_1695 = vector.broadcast %and3A_1694 : i32 to vector<1x512xi32>
    %and3A_1696 = arith.andi %reshape3A_1690, %and3A_1695 : vector<1x512xi32>
    %eq3A_1697 = vector.broadcast %shift_right_arithmetic3A_1693 : vector<1x512xi32> to vector<128x512xi32>
    %eq3A_1698 = arith.cmpi eq, %eq3A_1697, %iota3A : vector<128x512xi32>
    %convert_element_type3A_1699 = arith.extui %eq3A_1698 : vector<128x512xi1> to vector<128x512xi32>
    %convert_element_type3A_1700 = arith.sitofp %convert_element_type3A_1699 : vector<128x512xi32> to vector<128x512xf32>
    %convert_element_type3A_1701 = arith.truncf %convert_element_type3A_1700 : vector<128x512xf32> to vector<128x512xbf16>
    %get3A_1702 = arith.constant 0 : index
    %get3A_1703 = arith.constant 0 : index
    %get3A_1704 = vector.load %arg4[%get3A_1702, %get3A_1703] : memref<128x128xf32, #tpu.memory_space<vmem>>, vector<128x128xf32>
    %mul3A_1705 = arith.constant 3.906250e-03 : f32
    %mul3A_1706 = vector.broadcast %mul3A_1705 : f32 to vector<128x128xf32>
    %mul3A_1707 = arith.mulf %get3A_1704, %mul3A_1706 : vector<128x128xf32>
    %floor3A_1708 = math.floor %mul3A_1707 : vector<128x128xf32>
    %mul3A_1709 = arith.constant 2.560000e+02 : f32
    %mul3A_1710 = vector.broadcast %mul3A_1709 : f32 to vector<128x128xf32>
    %mul3A_1711 = arith.mulf %floor3A_1708, %mul3A_1710 : vector<128x128xf32>
    %sub3A_1712 = arith.subf %get3A_1704, %mul3A_1711 : vector<128x128xf32>
    %convert_element_type3A_1713 = arith.truncf %mul3A_1711 : vector<128x128xf32> to vector<128x128xbf16>
    %convert_element_type3A_1714 = arith.truncf %sub3A_1712 : vector<128x128xf32> to vector<128x128xbf16>
    %concatenate3A_1715 = tpu.concatenate %convert_element_type3A_1586, %convert_element_type3A_1587, %convert_element_type3A_1713, %convert_element_type3A_1714, %concatenate3A in 0 : vector<128x128xbf16>, vector<128x128xbf16>, vector<128x128xbf16>, vector<128x128xbf16>, vector<8x128xbf16> -> vector<520x128xbf16>
    %dot_general3A_1716 = arith.constant dense<0.000000e+00> : vector<520x512xf32>
    %dot_general3A_1717 = tpu.matmul %concatenate3A_1715, %convert_element_type3A_1701, %dot_general3A_1716 {dimension_numbers = #tpu.dot_dimension_numbers<[1], [0], [0], [1], [0, 0, 1, 1], [], []>, transpose_lhs_hint = false} : vector<520x128xbf16>, vector<128x512xbf16>, vector<520x512xf32> -> vector<520x512xf32>
    %slice3A_1718 = vector.extract_strided_slice %dot_general3A_1717 {offsets = [0, 0], sizes = [128, 512], strides = [1, 1]} : vector<520x512xf32> to vector<128x512xf32>
    %slice3A_1719 = vector.extract_strided_slice %dot_general3A_1717 {offsets = [128, 0], sizes = [128, 512], strides = [1, 1]} : vector<520x512xf32> to vector<128x512xf32>
    %add3A_1720 = arith.addf %slice3A_1718, %slice3A_1719 : vector<128x512xf32>
    %slice3A_1721 = vector.extract_strided_slice %dot_general3A_1717 {offsets = [256, 0], sizes = [128, 512], strides = [1, 1]} : vector<520x512xf32> to vector<128x512xf32>
    %slice3A_1722 = vector.extract_strided_slice %dot_general3A_1717 {offsets = [384, 0], sizes = [128, 512], strides = [1, 1]} : vector<520x512xf32> to vector<128x512xf32>
    %add3A_1723 = arith.addf %slice3A_1721, %slice3A_1722 : vector<128x512xf32>
    %slice3A_1724 = vector.extract_strided_slice %dot_general3A_1717 {offsets = [512, 0], sizes = [1, 512], strides = [1, 1]} : vector<520x512xf32> to vector<1x512xf32>
    %slice3A_1725 = vector.extract_strided_slice %dot_general3A_1717 {offsets = [513, 0], sizes = [1, 512], strides = [1, 1]} : vector<520x512xf32> to vector<1x512xf32>
    %add3A_1726 = arith.addf %slice3A_1724, %slice3A_1725 : vector<1x512xf32>
    %lt3A_1727 = vector.broadcast %and3A_1696 : vector<1x512xi32> to vector<128x512xi32>
    %lt3A_1728 = arith.cmpi slt, %iota3A, %lt3A_1727 : vector<128x512xi32>
    %jit3A_1729 = arith.constant 0.000000e+00 : f32
    %broadcast_in_dim3A_1730 = vector.broadcast %jit3A_1729 : f32 to vector<128x512xf32>
    %select_n3A_1731 = arith.select %lt3A_1728, %add3A_1720, %broadcast_in_dim3A_1730 : vector<128x512xi1>, vector<128x512xf32>
    %reduce_sum3A_1732 = arith.constant dense<0.000000e+00> : vector<512xf32>
    %reduce_sum3A_1733 = vector.multi_reduction <add>, %select_n3A_1731, %reduce_sum3A_1732 [0] : vector<128x512xf32> to vector<512xf32>
    %broadcast_in_dim3A_1734 = vector.shape_cast %reduce_sum3A_1733 : vector<512xf32> to vector<1x512xf32>
    %eq3A_1735 = vector.broadcast %and3A_1696 : vector<1x512xi32> to vector<128x512xi32>
    %eq3A_1736 = arith.cmpi eq, %iota3A, %eq3A_1735 : vector<128x512xi32>
    %jit3A_1737 = arith.constant 0.000000e+00 : f32
    %broadcast_in_dim3A_1738 = vector.broadcast %jit3A_1737 : f32 to vector<128x512xf32>
    %select_n3A_1739 = arith.select %eq3A_1736, %add3A_1723, %broadcast_in_dim3A_1738 : vector<128x512xi1>, vector<128x512xf32>
    %reduce_sum3A_1740 = arith.constant dense<0.000000e+00> : vector<512xf32>
    %reduce_sum3A_1741 = vector.multi_reduction <add>, %select_n3A_1739, %reduce_sum3A_1740 [0] : vector<128x512xf32> to vector<512xf32>
    %broadcast_in_dim3A_1742 = vector.shape_cast %reduce_sum3A_1741 : vector<512xf32> to vector<1x512xf32>
    %add3A_1743 = arith.addf %add3A_1726, %broadcast_in_dim3A_1734 : vector<1x512xf32>
    %add3A_1744 = arith.addf %add3A_1743, %broadcast_in_dim3A_1742 : vector<1x512xf32>
    %get3A_1745 = arith.index_cast %scan3A_1685 : i32 to index
    %get3A_1746 = arith.constant 0 : index
    %get3A_1747 = vector.load %arg5[%get3A_1745, %get3A_1746] : memref<24x512xf32, #tpu.memory_space<vmem>>, vector<1x512xf32>
    %add3A_1748 = arith.addf %add3A_1744, %get3A_1747 : vector<1x512xf32>
    %convert_element_type3A_1749 = arith.fptosi %add3A_1748 : vector<1x512xf32> to vector<1x512xi32>
    %swap3A_1750 = arith.index_cast %scan3A_1685 : i32 to index
    %swap3A_1751 = arith.constant 0 : index
    %swap3A_1752 = vector.load %arg1[%swap3A_1750, %swap3A_1751] : memref<24x512xi32, #tpu.memory_space<vmem>>, vector<1x512xi32>
    tpu.vector_store %arg1[%swap3A_1750, %swap3A_1751], %convert_element_type3A_1749 {strides = array<i32>} : memref<24x512xi32, #tpu.memory_space<vmem>>, vector<1x512xi32>,
    %get3A_1753 = arith.constant 0 : index
    %get3A_1754 = arith.constant 0 : index
    %get3A_1755 = vector.load %arg4[%get3A_1753, %get3A_1754] : memref<128x128xf32, #tpu.memory_space<vmem>>, vector<128x128xf32>
    %mul3A_1756 = arith.constant 128 : i32
    %mul3A_1757 = arith.muli %scan3A_1685, %mul3A_1756 : i32
    %get3A_1758 = arith.index_cast %mul3A_1757 : i32 to index
    %get3A_1759 = arith.constant 0 : index
    %get3A_1760 = vector.load %arg2[%get3A_1758, %get3A_1759] : memref<3072x128xbf16, #tpu.memory_space<vmem>>, vector<128x128xbf16>
    %convert_element_type3A_1761 = arith.extf %get3A_1760 : vector<128x128xbf16> to vector<128x128xf32>
    %add3A_1762 = arith.addf %get3A_1755, %convert_element_type3A_1761 : vector<128x128xf32>
    %swap3A_1763 = arith.constant 0 : index
    %swap3A_1764 = arith.constant 0 : index
    %swap3A_1765 = vector.load %arg4[%swap3A_1763, %swap3A_1764] : memref<128x128xf32, #tpu.memory_space<vmem>>, vector<128x128xf32>
    tpu.vector_store %arg4[%swap3A_1763, %swap3A_1764], %add3A_1762 {strides = array<i32>} : memref<128x128xf32, #tpu.memory_space<vmem>>, vector<128x128xf32>,
    %scan3A_1766 = arith.constant 2 : i32
    %mul3A_1767 = arith.constant 512 : i32
    %mul3A_1768 = arith.muli %scan3A_1766, %mul3A_1767 : i32
    %get3A_1769 = arith.index_cast %mul3A_1768 : i32 to index
    %get3A_1770 = vector.load %arg0[%get3A_1769] : memref<12288xi32, #tpu.memory_space<vmem>>, vector<512xi32>
    %reshape3A_1771 = vector.shape_cast %get3A_1770 : vector<512xi32> to vector<1x512xi32>
    %shift_right_arithmetic3A_1772 = arith.constant 7 : i32
    %shift_right_arithmetic3A_1773 = vector.broadcast %shift_right_arithmetic3A_1772 : i32 to vector<1x512xi32>
    %shift_right_arithmetic3A_1774 = arith.shrsi %reshape3A_1771, %shift_right_arithmetic3A_1773 : vector<1x512xi32>
    %and3A_1775 = arith.constant 127 : i32
    %and3A_1776 = vector.broadcast %and3A_1775 : i32 to vector<1x512xi32>
    %and3A_1777 = arith.andi %reshape3A_1771, %and3A_1776 : vector<1x512xi32>
    %eq3A_1778 = vector.broadcast %shift_right_arithmetic3A_1774 : vector<1x512xi32> to vector<128x512xi32>
    %eq3A_1779 = arith.cmpi eq, %eq3A_1778, %iota3A : vector<128x512xi32>
    %convert_element_type3A_1780 = arith.extui %eq3A_1779 : vector<128x512xi1> to vector<128x512xi32>
    %convert_element_type3A_1781 = arith.sitofp %convert_element_type3A_1780 : vector<128x512xi32> to vector<128x512xf32>
    %convert_element_type3A_1782 = arith.truncf %convert_element_type3A_1781 : vector<128x512xf32> to vector<128x512xbf16>
    %get3A_1783 = arith.constant 0 : index
    %get3A_1784 = arith.constant 0 : index
    %get3A_1785 = vector.load %arg4[%get3A_1783, %get3A_1784] : memref<128x128xf32, #tpu.memory_space<vmem>>, vector<128x128xf32>
    %mul3A_1786 = arith.constant 3.906250e-03 : f32
    %mul3A_1787 = vector.broadcast %mul3A_1786 : f32 to vector<128x128xf32>
    %mul3A_1788 = arith.mulf %get3A_1785, %mul3A_1787 : vector<128x128xf32>
    %floor3A_1789 = math.floor %mul3A_1788 : vector<128x128xf32>
    %mul3A_1790 = arith.constant 2.560000e+02 : f32
    %mul3A_1791 = vector.broadcast %mul3A_1790 : f32 to vector<128x128xf32>
    %mul3A_1792 = arith.mulf %floor3A_1789, %mul3A_1791 : vector<128x128xf32>
    %sub3A_1793 = arith.subf %get3A_1785, %mul3A_1792 : vector<128x128xf32>
    %convert_element_type3A_1794 = arith.truncf %mul3A_1792 : vector<128x128xf32> to vector<128x128xbf16>
    %convert_element_type3A_1795 = arith.truncf %sub3A_1793 : vector<128x128xf32> to vector<128x128xbf16>
    %concatenate3A_1796 = tpu.concatenate %convert_element_type3A_1586, %convert_element_type3A_1587, %convert_element_type3A_1794, %convert_element_type3A_1795, %concatenate3A in 0 : vector<128x128xbf16>, vector<128x128xbf16>, vector<128x128xbf16>, vector<128x128xbf16>, vector<8x128xbf16> -> vector<520x128xbf16>
    %dot_general3A_1797 = arith.constant dense<0.000000e+00> : vector<520x512xf32>
    %dot_general3A_1798 = tpu.matmul %concatenate3A_1796, %convert_element_type3A_1782, %dot_general3A_1797 {dimension_numbers = #tpu.dot_dimension_numbers<[1], [0], [0], [1], [0, 0, 1, 1], [], []>, transpose_lhs_hint = false} : vector<520x128xbf16>, vector<128x512xbf16>, vector<520x512xf32> -> vector<520x512xf32>
    %slice3A_1799 = vector.extract_strided_slice %dot_general3A_1798 {offsets = [0, 0], sizes = [128, 512], strides = [1, 1]} : vector<520x512xf32> to vector<128x512xf32>
    %slice3A_1800 = vector.extract_strided_slice %dot_general3A_1798 {offsets = [128, 0], sizes = [128, 512], strides = [1, 1]} : vector<520x512xf32> to vector<128x512xf32>
    %add3A_1801 = arith.addf %slice3A_1799, %slice3A_1800 : vector<128x512xf32>
    %slice3A_1802 = vector.extract_strided_slice %dot_general3A_1798 {offsets = [256, 0], sizes = [128, 512], strides = [1, 1]} : vector<520x512xf32> to vector<128x512xf32>
    %slice3A_1803 = vector.extract_strided_slice %dot_general3A_1798 {offsets = [384, 0], sizes = [128, 512], strides = [1, 1]} : vector<520x512xf32> to vector<128x512xf32>
    %add3A_1804 = arith.addf %slice3A_1802, %slice3A_1803 : vector<128x512xf32>
    %slice3A_1805 = vector.extract_strided_slice %dot_general3A_1798 {offsets = [512, 0], sizes = [1, 512], strides = [1, 1]} : vector<520x512xf32> to vector<1x512xf32>
    %slice3A_1806 = vector.extract_strided_slice %dot_general3A_1798 {offsets = [513, 0], sizes = [1, 512], strides = [1, 1]} : vector<520x512xf32> to vector<1x512xf32>
    %add3A_1807 = arith.addf %slice3A_1805, %slice3A_1806 : vector<1x512xf32>
    %lt3A_1808 = vector.broadcast %and3A_1777 : vector<1x512xi32> to vector<128x512xi32>
    %lt3A_1809 = arith.cmpi slt, %iota3A, %lt3A_1808 : vector<128x512xi32>
    %jit3A_1810 = arith.constant 0.000000e+00 : f32
    %broadcast_in_dim3A_1811 = vector.broadcast %jit3A_1810 : f32 to vector<128x512xf32>
    %select_n3A_1812 = arith.select %lt3A_1809, %add3A_1801, %broadcast_in_dim3A_1811 : vector<128x512xi1>, vector<128x512xf32>
    %reduce_sum3A_1813 = arith.constant dense<0.000000e+00> : vector<512xf32>
    %reduce_sum3A_1814 = vector.multi_reduction <add>, %select_n3A_1812, %reduce_sum3A_1813 [0] : vector<128x512xf32> to vector<512xf32>
    %broadcast_in_dim3A_1815 = vector.shape_cast %reduce_sum3A_1814 : vector<512xf32> to vector<1x512xf32>
    %eq3A_1816 = vector.broadcast %and3A_1777 : vector<1x512xi32> to vector<128x512xi32>
    %eq3A_1817 = arith.cmpi eq, %iota3A, %eq3A_1816 : vector<128x512xi32>
    %jit3A_1818 = arith.constant 0.000000e+00 : f32
    %broadcast_in_dim3A_1819 = vector.broadcast %jit3A_1818 : f32 to vector<128x512xf32>
    %select_n3A_1820 = arith.select %eq3A_1817, %add3A_1804, %broadcast_in_dim3A_1819 : vector<128x512xi1>, vector<128x512xf32>
    %reduce_sum3A_1821 = arith.constant dense<0.000000e+00> : vector<512xf32>
    %reduce_sum3A_1822 = vector.multi_reduction <add>, %select_n3A_1820, %reduce_sum3A_1821 [0] : vector<128x512xf32> to vector<512xf32>
    %broadcast_in_dim3A_1823 = vector.shape_cast %reduce_sum3A_1822 : vector<512xf32> to vector<1x512xf32>
    %add3A_1824 = arith.addf %add3A_1807, %broadcast_in_dim3A_1815 : vector<1x512xf32>
    %add3A_1825 = arith.addf %add3A_1824, %broadcast_in_dim3A_1823 : vector<1x512xf32>
    %get3A_1826 = arith.index_cast %scan3A_1766 : i32 to index
    %get3A_1827 = arith.constant 0 : index
    %get3A_1828 = vector.load %arg5[%get3A_1826, %get3A_1827] : memref<24x512xf32, #tpu.memory_space<vmem>>, vector<1x512xf32>
    %add3A_1829 = arith.addf %add3A_1825, %get3A_1828 : vector<1x512xf32>
    %convert_element_type3A_1830 = arith.fptosi %add3A_1829 : vector<1x512xf32> to vector<1x512xi32>
    %swap3A_1831 = arith.index_cast %scan3A_1766 : i32 to index
    %swap3A_1832 = arith.constant 0 : index
    %swap3A_1833 = vector.load %arg1[%swap3A_1831, %swap3A_1832] : memref<24x512xi32, #tpu.memory_space<vmem>>, vector<1x512xi32>
    tpu.vector_store %arg1[%swap3A_1831, %swap3A_1832], %convert_element_type3A_1830 {strides = array<i32>} : memref<24x512xi32, #tpu.memory_space<vmem>>, vector<1x512xi32>,
    %get3A_1834 = arith.constant 0 : index
    %get3A_1835 = arith.constant 0 : index
    %get3A_1836 = vector.load %arg4[%get3A_1834, %get3A_1835] : memref<128x128xf32, #tpu.memory_space<vmem>>, vector<128x128xf32>
    %mul3A_1837 = arith.constant 128 : i32
    %mul3A_1838 = arith.muli %scan3A_1766, %mul3A_1837 : i32
    %get3A_1839 = arith.index_cast %mul3A_1838 : i32 to index
    %get3A_1840 = arith.constant 0 : index
    %get3A_1841 = vector.load %arg2[%get3A_1839, %get3A_1840] : memref<3072x128xbf16, #tpu.memory_space<vmem>>, vector<128x128xbf16>
    %convert_element_type3A_1842 = arith.extf %get3A_1841 : vector<128x128xbf16> to vector<128x128xf32>
    %add3A_1843 = arith.addf %get3A_1836, %convert_element_type3A_1842 : vector<128x128xf32>
    %swap3A_1844 = arith.constant 0 : index
    %swap3A_1845 = arith.constant 0 : index
    %swap3A_1846 = vector.load %arg4[%swap3A_1844, %swap3A_1845] : memref<128x128xf32, #tpu.memory_space<vmem>>, vector<128x128xf32>
    tpu.vector_store %arg4[%swap3A_1844, %swap3A_1845], %add3A_1843 {strides = array<i32>} : memref<128x128xf32, #tpu.memory_space<vmem>>, vector<128x128xf32>,
    %scan3A_1847 = arith.constant 3 : i32
    %mul3A_1848 = arith.constant 512 : i32
    %mul3A_1849 = arith.muli %scan3A_1847, %mul3A_1848 : i32
    %get3A_1850 = arith.index_cast %mul3A_1849 : i32 to index
    %get3A_1851 = vector.load %arg0[%get3A_1850] : memref<12288xi32, #tpu.memory_space<vmem>>, vector<512xi32>
    %reshape3A_1852 = vector.shape_cast %get3A_1851 : vector<512xi32> to vector<1x512xi32>
    %shift_right_arithmetic3A_1853 = arith.constant 7 : i32
    %shift_right_arithmetic3A_1854 = vector.broadcast %shift_right_arithmetic3A_1853 : i32 to vector<1x512xi32>
    %shift_right_arithmetic3A_1855 = arith.shrsi %reshape3A_1852, %shift_right_arithmetic3A_1854 : vector<1x512xi32>
    %and3A_1856 = arith.constant 127 : i32
    %and3A_1857 = vector.broadcast %and3A_1856 : i32 to vector<1x512xi32>
    %and3A_1858 = arith.andi %reshape3A_1852, %and3A_1857 : vector<1x512xi32>
    %eq3A_1859 = vector.broadcast %shift_right_arithmetic3A_1855 : vector<1x512xi32> to vector<128x512xi32>
    %eq3A_1860 = arith.cmpi eq, %eq3A_1859, %iota3A : vector<128x512xi32>
    %convert_element_type3A_1861 = arith.extui %eq3A_1860 : vector<128x512xi1> to vector<128x512xi32>
    %convert_element_type3A_1862 = arith.sitofp %convert_element_type3A_1861 : vector<128x512xi32> to vector<128x512xf32>
    %convert_element_type3A_1863 = arith.truncf %convert_element_type3A_1862 : vector<128x512xf32> to vector<128x512xbf16>
    %get3A_1864 = arith.constant 0 : index
    %get3A_1865 = arith.constant 0 : index
    %get3A_1866 = vector.load %arg4[%get3A_1864, %get3A_1865] : memref<128x128xf32, #tpu.memory_space<vmem>>, vector<128x128xf32>
    %mul3A_1867 = arith.constant 3.906250e-03 : f32
    %mul3A_1868 = vector.broadcast %mul3A_1867 : f32 to vector<128x128xf32>
    %mul3A_1869 = arith.mulf %get3A_1866, %mul3A_1868 : vector<128x128xf32>
    %floor3A_1870 = math.floor %mul3A_1869 : vector<128x128xf32>
    %mul3A_1871 = arith.constant 2.560000e+02 : f32
    %mul3A_1872 = vector.broadcast %mul3A_1871 : f32 to vector<128x128xf32>
    %mul3A_1873 = arith.mulf %floor3A_1870, %mul3A_1872 : vector<128x128xf32>
    %sub3A_1874 = arith.subf %get3A_1866, %mul3A_1873 : vector<128x128xf32>
    %convert_element_type3A_1875 = arith.truncf %mul3A_1873 : vector<128x128xf32> to vector<128x128xbf16>
    %convert_element_type3A_1876 = arith.truncf %sub3A_1874 : vector<128x128xf32> to vector<128x128xbf16>
    %concatenate3A_1877 = tpu.concatenate %convert_element_type3A_1586, %convert_element_type3A_1587, %convert_element_type3A_1875, %convert_element_type3A_1876, %concatenate3A in 0 : vector<128x128xbf16>, vector<128x128xbf16>, vector<128x128xbf16>, vector<128x128xbf16>, vector<8x128xbf16> -> vector<520x128xbf16>
    %dot_general3A_1878 = arith.constant dense<0.000000e+00> : vector<520x512xf32>
    %dot_general3A_1879 = tpu.matmul %concatenate3A_1877, %convert_element_type3A_1863, %dot_general3A_1878 {dimension_numbers = #tpu.dot_dimension_numbers<[1], [0], [0], [1], [0, 0, 1, 1], [], []>, transpose_lhs_hint = false} : vector<520x128xbf16>, vector<128x512xbf16>, vector<520x512xf32> -> vector<520x512xf32>
    %slice3A_1880 = vector.extract_strided_slice %dot_general3A_1879 {offsets = [0, 0], sizes = [128, 512], strides = [1, 1]} : vector<520x512xf32> to vector<128x512xf32>
    %slice3A_1881 = vector.extract_strided_slice %dot_general3A_1879 {offsets = [128, 0], sizes = [128, 512], strides = [1, 1]} : vector<520x512xf32> to vector<128x512xf32>
    %add3A_1882 = arith.addf %slice3A_1880, %slice3A_1881 : vector<128x512xf32>
    %slice3A_1883 = vector.extract_strided_slice %dot_general3A_1879 {offsets = [256, 0], sizes = [128, 512], strides = [1, 1]} : vector<520x512xf32> to vector<128x512xf32>
    %slice3A_1884 = vector.extract_strided_slice %dot_general3A_1879 {offsets = [384, 0], sizes = [128, 512], strides = [1, 1]} : vector<520x512xf32> to vector<128x512xf32>
    %add3A_1885 = arith.addf %slice3A_1883, %slice3A_1884 : vector<128x512xf32>
    %slice3A_1886 = vector.extract_strided_slice %dot_general3A_1879 {offsets = [512, 0], sizes = [1, 512], strides = [1, 1]} : vector<520x512xf32> to vector<1x512xf32>
    %slice3A_1887 = vector.extract_strided_slice %dot_general3A_1879 {offsets = [513, 0], sizes = [1, 512], strides = [1, 1]} : vector<520x512xf32> to vector<1x512xf32>
    %add3A_1888 = arith.addf %slice3A_1886, %slice3A_1887 : vector<1x512xf32>
    %lt3A_1889 = vector.broadcast %and3A_1858 : vector<1x512xi32> to vector<128x512xi32>
    %lt3A_1890 = arith.cmpi slt, %iota3A, %lt3A_1889 : vector<128x512xi32>
    %jit3A_1891 = arith.constant 0.000000e+00 : f32
    %broadcast_in_dim3A_1892 = vector.broadcast %jit3A_1891 : f32 to vector<128x512xf32>
    %select_n3A_1893 = arith.select %lt3A_1890, %add3A_1882, %broadcast_in_dim3A_1892 : vector<128x512xi1>, vector<128x512xf32>
    %reduce_sum3A_1894 = arith.constant dense<0.000000e+00> : vector<512xf32>
    %reduce_sum3A_1895 = vector.multi_reduction <add>, %select_n3A_1893, %reduce_sum3A_1894 [0] : vector<128x512xf32> to vector<512xf32>
    %broadcast_in_dim3A_1896 = vector.shape_cast %reduce_sum3A_1895 : vector<512xf32> to vector<1x512xf32>
    %eq3A_1897 = vector.broadcast %and3A_1858 : vector<1x512xi32> to vector<128x512xi32>
    %eq3A_1898 = arith.cmpi eq, %iota3A, %eq3A_1897 : vector<128x512xi32>
    %jit3A_1899 = arith.constant 0.000000e+00 : f32
    %broadcast_in_dim3A_1900 = vector.broadcast %jit3A_1899 : f32 to vector<128x512xf32>
    %select_n3A_1901 = arith.select %eq3A_1898, %add3A_1885, %broadcast_in_dim3A_1900 : vector<128x512xi1>, vector<128x512xf32>
    %reduce_sum3A_1902 = arith.constant dense<0.000000e+00> : vector<512xf32>
    %reduce_sum3A_1903 = vector.multi_reduction <add>, %select_n3A_1901, %reduce_sum3A_1902 [0] : vector<128x512xf32> to vector<512xf32>
    %broadcast_in_dim3A_1904 = vector.shape_cast %reduce_sum3A_1903 : vector<512xf32> to vector<1x512xf32>
    %add3A_1905 = arith.addf %add3A_1888, %broadcast_in_dim3A_1896 : vector<1x512xf32>
    %add3A_1906 = arith.addf %add3A_1905, %broadcast_in_dim3A_1904 : vector<1x512xf32>
    %get3A_1907 = arith.index_cast %scan3A_1847 : i32 to index
    %get3A_1908 = arith.constant 0 : index
    %get3A_1909 = vector.load %arg5[%get3A_1907, %get3A_1908] : memref<24x512xf32, #tpu.memory_space<vmem>>, vector<1x512xf32>
    %add3A_1910 = arith.addf %add3A_1906, %get3A_1909 : vector<1x512xf32>
    %convert_element_type3A_1911 = arith.fptosi %add3A_1910 : vector<1x512xf32> to vector<1x512xi32>
    %swap3A_1912 = arith.index_cast %scan3A_1847 : i32 to index
    %swap3A_1913 = arith.constant 0 : index
    %swap3A_1914 = vector.load %arg1[%swap3A_1912, %swap3A_1913] : memref<24x512xi32, #tpu.memory_space<vmem>>, vector<1x512xi32>
    tpu.vector_store %arg1[%swap3A_1912, %swap3A_1913], %convert_element_type3A_1911 {strides = array<i32>} : memref<24x512xi32, #tpu.memory_space<vmem>>, vector<1x512xi32>,
    %get3A_1915 = arith.constant 0 : index
    %get3A_1916 = arith.constant 0 : index
    %get3A_1917 = vector.load %arg4[%get3A_1915, %get3A_1916] : memref<128x128xf32, #tpu.memory_space<vmem>>, vector<128x128xf32>
    %mul3A_1918 = arith.constant 128 : i32
    %mul3A_1919 = arith.muli %scan3A_1847, %mul3A_1918 : i32
    %get3A_1920 = arith.index_cast %mul3A_1919 : i32 to index
    %get3A_1921 = arith.constant 0 : index
    %get3A_1922 = vector.load %arg2[%get3A_1920, %get3A_1921] : memref<3072x128xbf16, #tpu.memory_space<vmem>>, vector<128x128xbf16>
    %convert_element_type3A_1923 = arith.extf %get3A_1922 : vector<128x128xbf16> to vector<128x128xf32>
    %add3A_1924 = arith.addf %get3A_1917, %convert_element_type3A_1923 : vector<128x128xf32>
    %swap3A_1925 = arith.constant 0 : index
    %swap3A_1926 = arith.constant 0 : index
    %swap3A_1927 = vector.load %arg4[%swap3A_1925, %swap3A_1926] : memref<128x128xf32, #tpu.memory_space<vmem>>, vector<128x128xf32>
    tpu.vector_store %arg4[%swap3A_1925, %swap3A_1926], %add3A_1924 {strides = array<i32>} : memref<128x128xf32, #tpu.memory_space<vmem>>, vector<128x128xf32>,
    %scan3A_1928 = arith.constant 4 : i32
    %mul3A_1929 = arith.constant 512 : i32
    %mul3A_1930 = arith.muli %scan3A_1928, %mul3A_1929 : i32
    %get3A_1931 = arith.index_cast %mul3A_1930 : i32 to index
    %get3A_1932 = vector.load %arg0[%get3A_1931] : memref<12288xi32, #tpu.memory_space<vmem>>, vector<512xi32>
    %reshape3A_1933 = vector.shape_cast %get3A_1932 : vector<512xi32> to vector<1x512xi32>
    %shift_right_arithmetic3A_1934 = arith.constant 7 : i32
    %shift_right_arithmetic3A_1935 = vector.broadcast %shift_right_arithmetic3A_1934 : i32 to vector<1x512xi32>
    %shift_right_arithmetic3A_1936 = arith.shrsi %reshape3A_1933, %shift_right_arithmetic3A_1935 : vector<1x512xi32>
    %and3A_1937 = arith.constant 127 : i32
    %and3A_1938 = vector.broadcast %and3A_1937 : i32 to vector<1x512xi32>
    %and3A_1939 = arith.andi %reshape3A_1933, %and3A_1938 : vector<1x512xi32>
    %eq3A_1940 = vector.broadcast %shift_right_arithmetic3A_1936 : vector<1x512xi32> to vector<128x512xi32>
    %eq3A_1941 = arith.cmpi eq, %eq3A_1940, %iota3A : vector<128x512xi32>
    %convert_element_type3A_1942 = arith.extui %eq3A_1941 : vector<128x512xi1> to vector<128x512xi32>
    %convert_element_type3A_1943 = arith.sitofp %convert_element_type3A_1942 : vector<128x512xi32> to vector<128x512xf32>
    %convert_element_type3A_1944 = arith.truncf %convert_element_type3A_1943 : vector<128x512xf32> to vector<128x512xbf16>
    %get3A_1945 = arith.constant 0 : index
    %get3A_1946 = arith.constant 0 : index
    %get3A_1947 = vector.load %arg4[%get3A_1945, %get3A_1946] : memref<128x128xf32, #tpu.memory_space<vmem>>, vector<128x128xf32>
    %mul3A_1948 = arith.constant 3.906250e-03 : f32
    %mul3A_1949 = vector.broadcast %mul3A_1948 : f32 to vector<128x128xf32>
    %mul3A_1950 = arith.mulf %get3A_1947, %mul3A_1949 : vector<128x128xf32>
    %floor3A_1951 = math.floor %mul3A_1950 : vector<128x128xf32>
    %mul3A_1952 = arith.constant 2.560000e+02 : f32
    %mul3A_1953 = vector.broadcast %mul3A_1952 : f32 to vector<128x128xf32>
    %mul3A_1954 = arith.mulf %floor3A_1951, %mul3A_1953 : vector<128x128xf32>
    %sub3A_1955 = arith.subf %get3A_1947, %mul3A_1954 : vector<128x128xf32>
    %convert_element_type3A_1956 = arith.truncf %mul3A_1954 : vector<128x128xf32> to vector<128x128xbf16>
    %convert_element_type3A_1957 = arith.truncf %sub3A_1955 : vector<128x128xf32> to vector<128x128xbf16>
    %concatenate3A_1958 = tpu.concatenate %convert_element_type3A_1586, %convert_element_type3A_1587, %convert_element_type3A_1956, %convert_element_type3A_1957, %concatenate3A in 0 : vector<128x128xbf16>, vector<128x128xbf16>, vector<128x128xbf16>, vector<128x128xbf16>, vector<8x128xbf16> -> vector<520x128xbf16>
    %dot_general3A_1959 = arith.constant dense<0.000000e+00> : vector<520x512xf32>
    %dot_general3A_1960 = tpu.matmul %concatenate3A_1958, %convert_element_type3A_1944, %dot_general3A_1959 {dimension_numbers = #tpu.dot_dimension_numbers<[1], [0], [0], [1], [0, 0, 1, 1], [], []>, transpose_lhs_hint = false} : vector<520x128xbf16>, vector<128x512xbf16>, vector<520x512xf32> -> vector<520x512xf32>
    %slice3A_1961 = vector.extract_strided_slice %dot_general3A_1960 {offsets = [0, 0], sizes = [128, 512], strides = [1, 1]} : vector<520x512xf32> to vector<128x512xf32>
    %slice3A_1962 = vector.extract_strided_slice %dot_general3A_1960 {offsets = [128, 0], sizes = [128, 512], strides = [1, 1]} : vector<520x512xf32> to vector<128x512xf32>
    %add3A_1963 = arith.addf %slice3A_1961, %slice3A_1962 : vector<128x512xf32>
    %slice3A_1964 = vector.extract_strided_slice %dot_general3A_1960 {offsets = [256, 0], sizes = [128, 512], strides = [1, 1]} : vector<520x512xf32> to vector<128x512xf32>
    %slice3A_1965 = vector.extract_strided_slice %dot_general3A_1960 {offsets = [384, 0], sizes = [128, 512], strides = [1, 1]} : vector<520x512xf32> to vector<128x512xf32>
    %add3A_1966 = arith.addf %slice3A_1964, %slice3A_1965 : vector<128x512xf32>
    %slice3A_1967 = vector.extract_strided_slice %dot_general3A_1960 {offsets = [512, 0], sizes = [1, 512], strides = [1, 1]} : vector<520x512xf32> to vector<1x512xf32>
    %slice3A_1968 = vector.extract_strided_slice %dot_general3A_1960 {offsets = [513, 0], sizes = [1, 512], strides = [1, 1]} : vector<520x512xf32> to vector<1x512xf32>
    %add3A_1969 = arith.addf %slice3A_1967, %slice3A_1968 : vector<1x512xf32>
    %lt3A_1970 = vector.broadcast %and3A_1939 : vector<1x512xi32> to vector<128x512xi32>
    %lt3A_1971 = arith.cmpi slt, %iota3A, %lt3A_1970 : vector<128x512xi32>
    %jit3A_1972 = arith.constant 0.000000e+00 : f32
    %broadcast_in_dim3A_1973 = vector.broadcast %jit3A_1972 : f32 to vector<128x512xf32>
    %select_n3A_1974 = arith.select %lt3A_1971, %add3A_1963, %broadcast_in_dim3A_1973 : vector<128x512xi1>, vector<128x512xf32>
    %reduce_sum3A_1975 = arith.constant dense<0.000000e+00> : vector<512xf32>
    %reduce_sum3A_1976 = vector.multi_reduction <add>, %select_n3A_1974, %reduce_sum3A_1975 [0] : vector<128x512xf32> to vector<512xf32>
    %broadcast_in_dim3A_1977 = vector.shape_cast %reduce_sum3A_1976 : vector<512xf32> to vector<1x512xf32>
    %eq3A_1978 = vector.broadcast %and3A_1939 : vector<1x512xi32> to vector<128x512xi32>
    %eq3A_1979 = arith.cmpi eq, %iota3A, %eq3A_1978 : vector<128x512xi32>
    %jit3A_1980 = arith.constant 0.000000e+00 : f32
    %broadcast_in_dim3A_1981 = vector.broadcast %jit3A_1980 : f32 to vector<128x512xf32>
    %select_n3A_1982 = arith.select %eq3A_1979, %add3A_1966, %broadcast_in_dim3A_1981 : vector<128x512xi1>, vector<128x512xf32>
    %reduce_sum3A_1983 = arith.constant dense<0.000000e+00> : vector<512xf32>
    %reduce_sum3A_1984 = vector.multi_reduction <add>, %select_n3A_1982, %reduce_sum3A_1983 [0] : vector<128x512xf32> to vector<512xf32>
    %broadcast_in_dim3A_1985 = vector.shape_cast %reduce_sum3A_1984 : vector<512xf32> to vector<1x512xf32>
    %add3A_1986 = arith.addf %add3A_1969, %broadcast_in_dim3A_1977 : vector<1x512xf32>
    %add3A_1987 = arith.addf %add3A_1986, %broadcast_in_dim3A_1985 : vector<1x512xf32>
    %get3A_1988 = arith.index_cast %scan3A_1928 : i32 to index
    %get3A_1989 = arith.constant 0 : index
    %get3A_1990 = vector.load %arg5[%get3A_1988, %get3A_1989] : memref<24x512xf32, #tpu.memory_space<vmem>>, vector<1x512xf32>
    %add3A_1991 = arith.addf %add3A_1987, %get3A_1990 : vector<1x512xf32>
    %convert_element_type3A_1992 = arith.fptosi %add3A_1991 : vector<1x512xf32> to vector<1x512xi32>
    %swap3A_1993 = arith.index_cast %scan3A_1928 : i32 to index
    %swap3A_1994 = arith.constant 0 : index
    %swap3A_1995 = vector.load %arg1[%swap3A_1993, %swap3A_1994] : memref<24x512xi32, #tpu.memory_space<vmem>>, vector<1x512xi32>
    tpu.vector_store %arg1[%swap3A_1993, %swap3A_1994], %convert_element_type3A_1992 {strides = array<i32>} : memref<24x512xi32, #tpu.memory_space<vmem>>, vector<1x512xi32>,
    %get3A_1996 = arith.constant 0 : index
    %get3A_1997 = arith.constant 0 : index
    %get3A_1998 = vector.load %arg4[%get3A_1996, %get3A_1997] : memref<128x128xf32, #tpu.memory_space<vmem>>, vector<128x128xf32>
    %mul3A_1999 = arith.constant 128 : i32
    %mul3A_2000 = arith.muli %scan3A_1928, %mul3A_1999 : i32
    %get3A_2001 = arith.index_cast %mul3A_2000 : i32 to index
    %get3A_2002 = arith.constant 0 : index
    %get3A_2003 = vector.load %arg2[%get3A_2001, %get3A_2002] : memref<3072x128xbf16, #tpu.memory_space<vmem>>, vector<128x128xbf16>
    %convert_element_type3A_2004 = arith.extf %get3A_2003 : vector<128x128xbf16> to vector<128x128xf32>
    %add3A_2005 = arith.addf %get3A_1998, %convert_element_type3A_2004 : vector<128x128xf32>
    %swap3A_2006 = arith.constant 0 : index
    %swap3A_2007 = arith.constant 0 : index
    %swap3A_2008 = vector.load %arg4[%swap3A_2006, %swap3A_2007] : memref<128x128xf32, #tpu.memory_space<vmem>>, vector<128x128xf32>
    tpu.vector_store %arg4[%swap3A_2006, %swap3A_2007], %add3A_2005 {strides = array<i32>} : memref<128x128xf32, #tpu.memory_space<vmem>>, vector<128x128xf32>,
    %scan3A_2009 = arith.constant 5 : i32
    %mul3A_2010 = arith.constant 512 : i32
    %mul3A_2011 = arith.muli %scan3A_2009, %mul3A_2010 : i32
    %get3A_2012 = arith.index_cast %mul3A_2011 : i32 to index
    %get3A_2013 = vector.load %arg0[%get3A_2012] : memref<12288xi32, #tpu.memory_space<vmem>>, vector<512xi32>
    %reshape3A_2014 = vector.shape_cast %get3A_2013 : vector<512xi32> to vector<1x512xi32>
    %shift_right_arithmetic3A_2015 = arith.constant 7 : i32
    %shift_right_arithmetic3A_2016 = vector.broadcast %shift_right_arithmetic3A_2015 : i32 to vector<1x512xi32>
    %shift_right_arithmetic3A_2017 = arith.shrsi %reshape3A_2014, %shift_right_arithmetic3A_2016 : vector<1x512xi32>
    %and3A_2018 = arith.constant 127 : i32
    %and3A_2019 = vector.broadcast %and3A_2018 : i32 to vector<1x512xi32>
    %and3A_2020 = arith.andi %reshape3A_2014, %and3A_2019 : vector<1x512xi32>
    %eq3A_2021 = vector.broadcast %shift_right_arithmetic3A_2017 : vector<1x512xi32> to vector<128x512xi32>
    %eq3A_2022 = arith.cmpi eq, %eq3A_2021, %iota3A : vector<128x512xi32>
    %convert_element_type3A_2023 = arith.extui %eq3A_2022 : vector<128x512xi1> to vector<128x512xi32>
    %convert_element_type3A_2024 = arith.sitofp %convert_element_type3A_2023 : vector<128x512xi32> to vector<128x512xf32>
    %convert_element_type3A_2025 = arith.truncf %convert_element_type3A_2024 : vector<128x512xf32> to vector<128x512xbf16>
    %get3A_2026 = arith.constant 0 : index
    %get3A_2027 = arith.constant 0 : index
    %get3A_2028 = vector.load %arg4[%get3A_2026, %get3A_2027] : memref<128x128xf32, #tpu.memory_space<vmem>>, vector<128x128xf32>
    %mul3A_2029 = arith.constant 3.906250e-03 : f32
    %mul3A_2030 = vector.broadcast %mul3A_2029 : f32 to vector<128x128xf32>
    %mul3A_2031 = arith.mulf %get3A_2028, %mul3A_2030 : vector<128x128xf32>
    %floor3A_2032 = math.floor %mul3A_2031 : vector<128x128xf32>
    %mul3A_2033 = arith.constant 2.560000e+02 : f32
    %mul3A_2034 = vector.broadcast %mul3A_2033 : f32 to vector<128x128xf32>
    %mul3A_2035 = arith.mulf %floor3A_2032, %mul3A_2034 : vector<128x128xf32>
    %sub3A_2036 = arith.subf %get3A_2028, %mul3A_2035 : vector<128x128xf32>
    %convert_element_type3A_2037 = arith.truncf %mul3A_2035 : vector<128x128xf32> to vector<128x128xbf16>
    %convert_element_type3A_2038 = arith.truncf %sub3A_2036 : vector<128x128xf32> to vector<128x128xbf16>
    %concatenate3A_2039 = tpu.concatenate %convert_element_type3A_1586, %convert_element_type3A_1587, %convert_element_type3A_2037, %convert_element_type3A_2038, %concatenate3A in 0 : vector<128x128xbf16>, vector<128x128xbf16>, vector<128x128xbf16>, vector<128x128xbf16>, vector<8x128xbf16> -> vector<520x128xbf16>
    %dot_general3A_2040 = arith.constant dense<0.000000e+00> : vector<520x512xf32>
    %dot_general3A_2041 = tpu.matmul %concatenate3A_2039, %convert_element_type3A_2025, %dot_general3A_2040 {dimension_numbers = #tpu.dot_dimension_numbers<[1], [0], [0], [1], [0, 0, 1, 1], [], []>, transpose_lhs_hint = false} : vector<520x128xbf16>, vector<128x512xbf16>, vector<520x512xf32> -> vector<520x512xf32>
    %slice3A_2042 = vector.extract_strided_slice %dot_general3A_2041 {offsets = [0, 0], sizes = [128, 512], strides = [1, 1]} : vector<520x512xf32> to vector<128x512xf32>
    %slice3A_2043 = vector.extract_strided_slice %dot_general3A_2041 {offsets = [128, 0], sizes = [128, 512], strides = [1, 1]} : vector<520x512xf32> to vector<128x512xf32>
    %add3A_2044 = arith.addf %slice3A_2042, %slice3A_2043 : vector<128x512xf32>
    %slice3A_2045 = vector.extract_strided_slice %dot_general3A_2041 {offsets = [256, 0], sizes = [128, 512], strides = [1, 1]} : vector<520x512xf32> to vector<128x512xf32>
    %slice3A_2046 = vector.extract_strided_slice %dot_general3A_2041 {offsets = [384, 0], sizes = [128, 512], strides = [1, 1]} : vector<520x512xf32> to vector<128x512xf32>
    %add3A_2047 = arith.addf %slice3A_2045, %slice3A_2046 : vector<128x512xf32>
    %slice3A_2048 = vector.extract_strided_slice %dot_general3A_2041 {offsets = [512, 0], sizes = [1, 512], strides = [1, 1]} : vector<520x512xf32> to vector<1x512xf32>
    %slice3A_2049 = vector.extract_strided_slice %dot_general3A_2041 {offsets = [513, 0], sizes = [1, 512], strides = [1, 1]} : vector<520x512xf32> to vector<1x512xf32>
    %add3A_2050 = arith.addf %slice3A_2048, %slice3A_2049 : vector<1x512xf32>
    %lt3A_2051 = vector.broadcast %and3A_2020 : vector<1x512xi32> to vector<128x512xi32>
    %lt3A_2052 = arith.cmpi slt, %iota3A, %lt3A_2051 : vector<128x512xi32>
    %jit3A_2053 = arith.constant 0.000000e+00 : f32
    %broadcast_in_dim3A_2054 = vector.broadcast %jit3A_2053 : f32 to vector<128x512xf32>
    %select_n3A_2055 = arith.select %lt3A_2052, %add3A_2044, %broadcast_in_dim3A_2054 : vector<128x512xi1>, vector<128x512xf32>
    %reduce_sum3A_2056 = arith.constant dense<0.000000e+00> : vector<512xf32>
    %reduce_sum3A_2057 = vector.multi_reduction <add>, %select_n3A_2055, %reduce_sum3A_2056 [0] : vector<128x512xf32> to vector<512xf32>
    %broadcast_in_dim3A_2058 = vector.shape_cast %reduce_sum3A_2057 : vector<512xf32> to vector<1x512xf32>
    %eq3A_2059 = vector.broadcast %and3A_2020 : vector<1x512xi32> to vector<128x512xi32>
    %eq3A_2060 = arith.cmpi eq, %iota3A, %eq3A_2059 : vector<128x512xi32>
    %jit3A_2061 = arith.constant 0.000000e+00 : f32
    %broadcast_in_dim3A_2062 = vector.broadcast %jit3A_2061 : f32 to vector<128x512xf32>
    %select_n3A_2063 = arith.select %eq3A_2060, %add3A_2047, %broadcast_in_dim3A_2062 : vector<128x512xi1>, vector<128x512xf32>
    %reduce_sum3A_2064 = arith.constant dense<0.000000e+00> : vector<512xf32>
    %reduce_sum3A_2065 = vector.multi_reduction <add>, %select_n3A_2063, %reduce_sum3A_2064 [0] : vector<128x512xf32> to vector<512xf32>
    %broadcast_in_dim3A_2066 = vector.shape_cast %reduce_sum3A_2065 : vector<512xf32> to vector<1x512xf32>
    %add3A_2067 = arith.addf %add3A_2050, %broadcast_in_dim3A_2058 : vector<1x512xf32>
    %add3A_2068 = arith.addf %add3A_2067, %broadcast_in_dim3A_2066 : vector<1x512xf32>
    %get3A_2069 = arith.index_cast %scan3A_2009 : i32 to index
    %get3A_2070 = arith.constant 0 : index
    %get3A_2071 = vector.load %arg5[%get3A_2069, %get3A_2070] : memref<24x512xf32, #tpu.memory_space<vmem>>, vector<1x512xf32>
    %add3A_2072 = arith.addf %add3A_2068, %get3A_2071 : vector<1x512xf32>
    %convert_element_type3A_2073 = arith.fptosi %add3A_2072 : vector<1x512xf32> to vector<1x512xi32>
    %swap3A_2074 = arith.index_cast %scan3A_2009 : i32 to index
    %swap3A_2075 = arith.constant 0 : index
    %swap3A_2076 = vector.load %arg1[%swap3A_2074, %swap3A_2075] : memref<24x512xi32, #tpu.memory_space<vmem>>, vector<1x512xi32>
    tpu.vector_store %arg1[%swap3A_2074, %swap3A_2075], %convert_element_type3A_2073 {strides = array<i32>} : memref<24x512xi32, #tpu.memory_space<vmem>>, vector<1x512xi32>,
    %get3A_2077 = arith.constant 0 : index
    %get3A_2078 = arith.constant 0 : index
    %get3A_2079 = vector.load %arg4[%get3A_2077, %get3A_2078] : memref<128x128xf32, #tpu.memory_space<vmem>>, vector<128x128xf32>
    %mul3A_2080 = arith.constant 128 : i32
    %mul3A_2081 = arith.muli %scan3A_2009, %mul3A_2080 : i32
    %get3A_2082 = arith.index_cast %mul3A_2081 : i32 to index
    %get3A_2083 = arith.constant 0 : index
    %get3A_2084 = vector.load %arg2[%get3A_2082, %get3A_2083] : memref<3072x128xbf16, #tpu.memory_space<vmem>>, vector<128x128xbf16>
    %convert_element_type3A_2085 = arith.extf %get3A_2084 : vector<128x128xbf16> to vector<128x128xf32>
    %add3A_2086 = arith.addf %get3A_2079, %convert_element_type3A_2085 : vector<128x128xf32>
    %swap3A_2087 = arith.constant 0 : index
    %swap3A_2088 = arith.constant 0 : index
    %swap3A_2089 = vector.load %arg4[%swap3A_2087, %swap3A_2088] : memref<128x128xf32, #tpu.memory_space<vmem>>, vector<128x128xf32>
    tpu.vector_store %arg4[%swap3A_2087, %swap3A_2088], %add3A_2086 {strides = array<i32>} : memref<128x128xf32, #tpu.memory_space<vmem>>, vector<128x128xf32>,
    %scan3A_2090 = arith.constant 6 : i32
    %mul3A_2091 = arith.constant 512 : i32
    %mul3A_2092 = arith.muli %scan3A_2090, %mul3A_2091 : i32
    %get3A_2093 = arith.index_cast %mul3A_2092 : i32 to index
    %get3A_2094 = vector.load %arg0[%get3A_2093] : memref<12288xi32, #tpu.memory_space<vmem>>, vector<512xi32>
    %reshape3A_2095 = vector.shape_cast %get3A_2094 : vector<512xi32> to vector<1x512xi32>
    %shift_right_arithmetic3A_2096 = arith.constant 7 : i32
    %shift_right_arithmetic3A_2097 = vector.broadcast %shift_right_arithmetic3A_2096 : i32 to vector<1x512xi32>
    %shift_right_arithmetic3A_2098 = arith.shrsi %reshape3A_2095, %shift_right_arithmetic3A_2097 : vector<1x512xi32>
    %and3A_2099 = arith.constant 127 : i32
    %and3A_2100 = vector.broadcast %and3A_2099 : i32 to vector<1x512xi32>
    %and3A_2101 = arith.andi %reshape3A_2095, %and3A_2100 : vector<1x512xi32>
    %eq3A_2102 = vector.broadcast %shift_right_arithmetic3A_2098 : vector<1x512xi32> to vector<128x512xi32>
    %eq3A_2103 = arith.cmpi eq, %eq3A_2102, %iota3A : vector<128x512xi32>
    %convert_element_type3A_2104 = arith.extui %eq3A_2103 : vector<128x512xi1> to vector<128x512xi32>
    %convert_element_type3A_2105 = arith.sitofp %convert_element_type3A_2104 : vector<128x512xi32> to vector<128x512xf32>
    %convert_element_type3A_2106 = arith.truncf %convert_element_type3A_2105 : vector<128x512xf32> to vector<128x512xbf16>
    %get3A_2107 = arith.constant 0 : index
    %get3A_2108 = arith.constant 0 : index
    %get3A_2109 = vector.load %arg4[%get3A_2107, %get3A_2108] : memref<128x128xf32, #tpu.memory_space<vmem>>, vector<128x128xf32>
    %mul3A_2110 = arith.constant 3.906250e-03 : f32
    %mul3A_2111 = vector.broadcast %mul3A_2110 : f32 to vector<128x128xf32>
    %mul3A_2112 = arith.mulf %get3A_2109, %mul3A_2111 : vector<128x128xf32>
    %floor3A_2113 = math.floor %mul3A_2112 : vector<128x128xf32>
    %mul3A_2114 = arith.constant 2.560000e+02 : f32
    %mul3A_2115 = vector.broadcast %mul3A_2114 : f32 to vector<128x128xf32>
    %mul3A_2116 = arith.mulf %floor3A_2113, %mul3A_2115 : vector<128x128xf32>
    %sub3A_2117 = arith.subf %get3A_2109, %mul3A_2116 : vector<128x128xf32>
    %convert_element_type3A_2118 = arith.truncf %mul3A_2116 : vector<128x128xf32> to vector<128x128xbf16>
    %convert_element_type3A_2119 = arith.truncf %sub3A_2117 : vector<128x128xf32> to vector<128x128xbf16>
    %concatenate3A_2120 = tpu.concatenate %convert_element_type3A_1586, %convert_element_type3A_1587, %convert_element_type3A_2118, %convert_element_type3A_2119, %concatenate3A in 0 : vector<128x128xbf16>, vector<128x128xbf16>, vector<128x128xbf16>, vector<128x128xbf16>, vector<8x128xbf16> -> vector<520x128xbf16>
    %dot_general3A_2121 = arith.constant dense<0.000000e+00> : vector<520x512xf32>
    %dot_general3A_2122 = tpu.matmul %concatenate3A_2120, %convert_element_type3A_2106, %dot_general3A_2121 {dimension_numbers = #tpu.dot_dimension_numbers<[1], [0], [0], [1], [0, 0, 1, 1], [], []>, transpose_lhs_hint = false} : vector<520x128xbf16>, vector<128x512xbf16>, vector<520x512xf32> -> vector<520x512xf32>
    %slice3A_2123 = vector.extract_strided_slice %dot_general3A_2122 {offsets = [0, 0], sizes = [128, 512], strides = [1, 1]} : vector<520x512xf32> to vector<128x512xf32>
    %slice3A_2124 = vector.extract_strided_slice %dot_general3A_2122 {offsets = [128, 0], sizes = [128, 512], strides = [1, 1]} : vector<520x512xf32> to vector<128x512xf32>
    %add3A_2125 = arith.addf %slice3A_2123, %slice3A_2124 : vector<128x512xf32>
    %slice3A_2126 = vector.extract_strided_slice %dot_general3A_2122 {offsets = [256, 0], sizes = [128, 512], strides = [1, 1]} : vector<520x512xf32> to vector<128x512xf32>
    %slice3A_2127 = vector.extract_strided_slice %dot_general3A_2122 {offsets = [384, 0], sizes = [128, 512], strides = [1, 1]} : vector<520x512xf32> to vector<128x512xf32>
    %add3A_2128 = arith.addf %slice3A_2126, %slice3A_2127 : vector<128x512xf32>
    %slice3A_2129 = vector.extract_strided_slice %dot_general3A_2122 {offsets = [512, 0], sizes = [1, 512], strides = [1, 1]} : vector<520x512xf32> to vector<1x512xf32>
    %slice3A_2130 = vector.extract_strided_slice %dot_general3A_2122 {offsets = [513, 0], sizes = [1, 512], strides = [1, 1]} : vector<520x512xf32> to vector<1x512xf32>
    %add3A_2131 = arith.addf %slice3A_2129, %slice3A_2130 : vector<1x512xf32>
    %lt3A_2132 = vector.broadcast %and3A_2101 : vector<1x512xi32> to vector<128x512xi32>
    %lt3A_2133 = arith.cmpi slt, %iota3A, %lt3A_2132 : vector<128x512xi32>
    %jit3A_2134 = arith.constant 0.000000e+00 : f32
    %broadcast_in_dim3A_2135 = vector.broadcast %jit3A_2134 : f32 to vector<128x512xf32>
    %select_n3A_2136 = arith.select %lt3A_2133, %add3A_2125, %broadcast_in_dim3A_2135 : vector<128x512xi1>, vector<128x512xf32>
    %reduce_sum3A_2137 = arith.constant dense<0.000000e+00> : vector<512xf32>
    %reduce_sum3A_2138 = vector.multi_reduction <add>, %select_n3A_2136, %reduce_sum3A_2137 [0] : vector<128x512xf32> to vector<512xf32>
    %broadcast_in_dim3A_2139 = vector.shape_cast %reduce_sum3A_2138 : vector<512xf32> to vector<1x512xf32>
    %eq3A_2140 = vector.broadcast %and3A_2101 : vector<1x512xi32> to vector<128x512xi32>
    %eq3A_2141 = arith.cmpi eq, %iota3A, %eq3A_2140 : vector<128x512xi32>
    %jit3A_2142 = arith.constant 0.000000e+00 : f32
    %broadcast_in_dim3A_2143 = vector.broadcast %jit3A_2142 : f32 to vector<128x512xf32>
    %select_n3A_2144 = arith.select %eq3A_2141, %add3A_2128, %broadcast_in_dim3A_2143 : vector<128x512xi1>, vector<128x512xf32>
    %reduce_sum3A_2145 = arith.constant dense<0.000000e+00> : vector<512xf32>
    %reduce_sum3A_2146 = vector.multi_reduction <add>, %select_n3A_2144, %reduce_sum3A_2145 [0] : vector<128x512xf32> to vector<512xf32>
    %broadcast_in_dim3A_2147 = vector.shape_cast %reduce_sum3A_2146 : vector<512xf32> to vector<1x512xf32>
    %add3A_2148 = arith.addf %add3A_2131, %broadcast_in_dim3A_2139 : vector<1x512xf32>
    %add3A_2149 = arith.addf %add3A_2148, %broadcast_in_dim3A_2147 : vector<1x512xf32>
    %get3A_2150 = arith.index_cast %scan3A_2090 : i32 to index
    %get3A_2151 = arith.constant 0 : index
    %get3A_2152 = vector.load %arg5[%get3A_2150, %get3A_2151] : memref<24x512xf32, #tpu.memory_space<vmem>>, vector<1x512xf32>
    %add3A_2153 = arith.addf %add3A_2149, %get3A_2152 : vector<1x512xf32>
    %convert_element_type3A_2154 = arith.fptosi %add3A_2153 : vector<1x512xf32> to vector<1x512xi32>
    %swap3A_2155 = arith.index_cast %scan3A_2090 : i32 to index
    %swap3A_2156 = arith.constant 0 : index
    %swap3A_2157 = vector.load %arg1[%swap3A_2155, %swap3A_2156] : memref<24x512xi32, #tpu.memory_space<vmem>>, vector<1x512xi32>
    tpu.vector_store %arg1[%swap3A_2155, %swap3A_2156], %convert_element_type3A_2154 {strides = array<i32>} : memref<24x512xi32, #tpu.memory_space<vmem>>, vector<1x512xi32>,
    %get3A_2158 = arith.constant 0 : index
    %get3A_2159 = arith.constant 0 : index
    %get3A_2160 = vector.load %arg4[%get3A_2158, %get3A_2159] : memref<128x128xf32, #tpu.memory_space<vmem>>, vector<128x128xf32>
    %mul3A_2161 = arith.constant 128 : i32
    %mul3A_2162 = arith.muli %scan3A_2090, %mul3A_2161 : i32
    %get3A_2163 = arith.index_cast %mul3A_2162 : i32 to index
    %get3A_2164 = arith.constant 0 : index
    %get3A_2165 = vector.load %arg2[%get3A_2163, %get3A_2164] : memref<3072x128xbf16, #tpu.memory_space<vmem>>, vector<128x128xbf16>
    %convert_element_type3A_2166 = arith.extf %get3A_2165 : vector<128x128xbf16> to vector<128x128xf32>
    %add3A_2167 = arith.addf %get3A_2160, %convert_element_type3A_2166 : vector<128x128xf32>
    %swap3A_2168 = arith.constant 0 : index
    %swap3A_2169 = arith.constant 0 : index
    %swap3A_2170 = vector.load %arg4[%swap3A_2168, %swap3A_2169] : memref<128x128xf32, #tpu.memory_space<vmem>>, vector<128x128xf32>
    tpu.vector_store %arg4[%swap3A_2168, %swap3A_2169], %add3A_2167 {strides = array<i32>} : memref<128x128xf32, #tpu.memory_space<vmem>>, vector<128x128xf32>,
    %scan3A_2171 = arith.constant 7 : i32
    %mul3A_2172 = arith.constant 512 : i32
    %mul3A_2173 = arith.muli %scan3A_2171, %mul3A_2172 : i32
    %get3A_2174 = arith.index_cast %mul3A_2173 : i32 to index
    %get3A_2175 = vector.load %arg0[%get3A_2174] : memref<12288xi32, #tpu.memory_space<vmem>>, vector<512xi32>
    %reshape3A_2176 = vector.shape_cast %get3A_2175 : vector<512xi32> to vector<1x512xi32>
    %shift_right_arithmetic3A_2177 = arith.constant 7 : i32
    %shift_right_arithmetic3A_2178 = vector.broadcast %shift_right_arithmetic3A_2177 : i32 to vector<1x512xi32>
    %shift_right_arithmetic3A_2179 = arith.shrsi %reshape3A_2176, %shift_right_arithmetic3A_2178 : vector<1x512xi32>
    %and3A_2180 = arith.constant 127 : i32
    %and3A_2181 = vector.broadcast %and3A_2180 : i32 to vector<1x512xi32>
    %and3A_2182 = arith.andi %reshape3A_2176, %and3A_2181 : vector<1x512xi32>
    %eq3A_2183 = vector.broadcast %shift_right_arithmetic3A_2179 : vector<1x512xi32> to vector<128x512xi32>
    %eq3A_2184 = arith.cmpi eq, %eq3A_2183, %iota3A : vector<128x512xi32>
    %convert_element_type3A_2185 = arith.extui %eq3A_2184 : vector<128x512xi1> to vector<128x512xi32>
    %convert_element_type3A_2186 = arith.sitofp %convert_element_type3A_2185 : vector<128x512xi32> to vector<128x512xf32>
    %convert_element_type3A_2187 = arith.truncf %convert_element_type3A_2186 : vector<128x512xf32> to vector<128x512xbf16>
    %get3A_2188 = arith.constant 0 : index
    %get3A_2189 = arith.constant 0 : index
    %get3A_2190 = vector.load %arg4[%get3A_2188, %get3A_2189] : memref<128x128xf32, #tpu.memory_space<vmem>>, vector<128x128xf32>
    %mul3A_2191 = arith.constant 3.906250e-03 : f32
    %mul3A_2192 = vector.broadcast %mul3A_2191 : f32 to vector<128x128xf32>
    %mul3A_2193 = arith.mulf %get3A_2190, %mul3A_2192 : vector<128x128xf32>
    %floor3A_2194 = math.floor %mul3A_2193 : vector<128x128xf32>
    %mul3A_2195 = arith.constant 2.560000e+02 : f32
    %mul3A_2196 = vector.broadcast %mul3A_2195 : f32 to vector<128x128xf32>
    %mul3A_2197 = arith.mulf %floor3A_2194, %mul3A_2196 : vector<128x128xf32>
    %sub3A_2198 = arith.subf %get3A_2190, %mul3A_2197 : vector<128x128xf32>
    %convert_element_type3A_2199 = arith.truncf %mul3A_2197 : vector<128x128xf32> to vector<128x128xbf16>
    %convert_element_type3A_2200 = arith.truncf %sub3A_2198 : vector<128x128xf32> to vector<128x128xbf16>
    %concatenate3A_2201 = tpu.concatenate %convert_element_type3A_1586, %convert_element_type3A_1587, %convert_element_type3A_2199, %convert_element_type3A_2200, %concatenate3A in 0 : vector<128x128xbf16>, vector<128x128xbf16>, vector<128x128xbf16>, vector<128x128xbf16>, vector<8x128xbf16> -> vector<520x128xbf16>
    %dot_general3A_2202 = arith.constant dense<0.000000e+00> : vector<520x512xf32>
    %dot_general3A_2203 = tpu.matmul %concatenate3A_2201, %convert_element_type3A_2187, %dot_general3A_2202 {dimension_numbers = #tpu.dot_dimension_numbers<[1], [0], [0], [1], [0, 0, 1, 1], [], []>, transpose_lhs_hint = false} : vector<520x128xbf16>, vector<128x512xbf16>, vector<520x512xf32> -> vector<520x512xf32>
    %slice3A_2204 = vector.extract_strided_slice %dot_general3A_2203 {offsets = [0, 0], sizes = [128, 512], strides = [1, 1]} : vector<520x512xf32> to vector<128x512xf32>
    %slice3A_2205 = vector.extract_strided_slice %dot_general3A_2203 {offsets = [128, 0], sizes = [128, 512], strides = [1, 1]} : vector<520x512xf32> to vector<128x512xf32>
    %add3A_2206 = arith.addf %slice3A_2204, %slice3A_2205 : vector<128x512xf32>
    %slice3A_2207 = vector.extract_strided_slice %dot_general3A_2203 {offsets = [256, 0], sizes = [128, 512], strides = [1, 1]} : vector<520x512xf32> to vector<128x512xf32>
    %slice3A_2208 = vector.extract_strided_slice %dot_general3A_2203 {offsets = [384, 0], sizes = [128, 512], strides = [1, 1]} : vector<520x512xf32> to vector<128x512xf32>
    %add3A_2209 = arith.addf %slice3A_2207, %slice3A_2208 : vector<128x512xf32>
    %slice3A_2210 = vector.extract_strided_slice %dot_general3A_2203 {offsets = [512, 0], sizes = [1, 512], strides = [1, 1]} : vector<520x512xf32> to vector<1x512xf32>
    %slice3A_2211 = vector.extract_strided_slice %dot_general3A_2203 {offsets = [513, 0], sizes = [1, 512], strides = [1, 1]} : vector<520x512xf32> to vector<1x512xf32>
    %add3A_2212 = arith.addf %slice3A_2210, %slice3A_2211 : vector<1x512xf32>
    %lt3A_2213 = vector.broadcast %and3A_2182 : vector<1x512xi32> to vector<128x512xi32>
    %lt3A_2214 = arith.cmpi slt, %iota3A, %lt3A_2213 : vector<128x512xi32>
    %jit3A_2215 = arith.constant 0.000000e+00 : f32
    %broadcast_in_dim3A_2216 = vector.broadcast %jit3A_2215 : f32 to vector<128x512xf32>
    %select_n3A_2217 = arith.select %lt3A_2214, %add3A_2206, %broadcast_in_dim3A_2216 : vector<128x512xi1>, vector<128x512xf32>
    %reduce_sum3A_2218 = arith.constant dense<0.000000e+00> : vector<512xf32>
    %reduce_sum3A_2219 = vector.multi_reduction <add>, %select_n3A_2217, %reduce_sum3A_2218 [0] : vector<128x512xf32> to vector<512xf32>
    %broadcast_in_dim3A_2220 = vector.shape_cast %reduce_sum3A_2219 : vector<512xf32> to vector<1x512xf32>
    %eq3A_2221 = vector.broadcast %and3A_2182 : vector<1x512xi32> to vector<128x512xi32>
    %eq3A_2222 = arith.cmpi eq, %iota3A, %eq3A_2221 : vector<128x512xi32>
    %jit3A_2223 = arith.constant 0.000000e+00 : f32
    %broadcast_in_dim3A_2224 = vector.broadcast %jit3A_2223 : f32 to vector<128x512xf32>
    %select_n3A_2225 = arith.select %eq3A_2222, %add3A_2209, %broadcast_in_dim3A_2224 : vector<128x512xi1>, vector<128x512xf32>
    %reduce_sum3A_2226 = arith.constant dense<0.000000e+00> : vector<512xf32>
    %reduce_sum3A_2227 = vector.multi_reduction <add>, %select_n3A_2225, %reduce_sum3A_2226 [0] : vector<128x512xf32> to vector<512xf32>
    %broadcast_in_dim3A_2228 = vector.shape_cast %reduce_sum3A_2227 : vector<512xf32> to vector<1x512xf32>
    %add3A_2229 = arith.addf %add3A_2212, %broadcast_in_dim3A_2220 : vector<1x512xf32>
    %add3A_2230 = arith.addf %add3A_2229, %broadcast_in_dim3A_2228 : vector<1x512xf32>
    %get3A_2231 = arith.index_cast %scan3A_2171 : i32 to index
    %get3A_2232 = arith.constant 0 : index
    %get3A_2233 = vector.load %arg5[%get3A_2231, %get3A_2232] : memref<24x512xf32, #tpu.memory_space<vmem>>, vector<1x512xf32>
    %add3A_2234 = arith.addf %add3A_2230, %get3A_2233 : vector<1x512xf32>
    %convert_element_type3A_2235 = arith.fptosi %add3A_2234 : vector<1x512xf32> to vector<1x512xi32>
    %swap3A_2236 = arith.index_cast %scan3A_2171 : i32 to index
    %swap3A_2237 = arith.constant 0 : index
    %swap3A_2238 = vector.load %arg1[%swap3A_2236, %swap3A_2237] : memref<24x512xi32, #tpu.memory_space<vmem>>, vector<1x512xi32>
    tpu.vector_store %arg1[%swap3A_2236, %swap3A_2237], %convert_element_type3A_2235 {strides = array<i32>} : memref<24x512xi32, #tpu.memory_space<vmem>>, vector<1x512xi32>,
    %get3A_2239 = arith.constant 0 : index
    %get3A_2240 = arith.constant 0 : index
    %get3A_2241 = vector.load %arg4[%get3A_2239, %get3A_2240] : memref<128x128xf32, #tpu.memory_space<vmem>>, vector<128x128xf32>
    %mul3A_2242 = arith.constant 128 : i32
    %mul3A_2243 = arith.muli %scan3A_2171, %mul3A_2242 : i32
    %get3A_2244 = arith.index_cast %mul3A_2243 : i32 to index
    %get3A_2245 = arith.constant 0 : index
    %get3A_2246 = vector.load %arg2[%get3A_2244, %get3A_2245] : memref<3072x128xbf16, #tpu.memory_space<vmem>>, vector<128x128xbf16>
    %convert_element_type3A_2247 = arith.extf %get3A_2246 : vector<128x128xbf16> to vector<128x128xf32>
    %add3A_2248 = arith.addf %get3A_2241, %convert_element_type3A_2247 : vector<128x128xf32>
    %swap3A_2249 = arith.constant 0 : index
    %swap3A_2250 = arith.constant 0 : index
    %swap3A_2251 = vector.load %arg4[%swap3A_2249, %swap3A_2250] : memref<128x128xf32, #tpu.memory_space<vmem>>, vector<128x128xf32>
    tpu.vector_store %arg4[%swap3A_2249, %swap3A_2250], %add3A_2248 {strides = array<i32>} : memref<128x128xf32, #tpu.memory_space<vmem>>, vector<128x128xf32>,
    %scan3A_2252 = arith.constant 8 : i32
    %mul3A_2253 = arith.constant 512 : i32
    %mul3A_2254 = arith.muli %scan3A_2252, %mul3A_2253 : i32
    %get3A_2255 = arith.index_cast %mul3A_2254 : i32 to index
    %get3A_2256 = vector.load %arg0[%get3A_2255] : memref<12288xi32, #tpu.memory_space<vmem>>, vector<512xi32>
    %reshape3A_2257 = vector.shape_cast %get3A_2256 : vector<512xi32> to vector<1x512xi32>
    %shift_right_arithmetic3A_2258 = arith.constant 7 : i32
    %shift_right_arithmetic3A_2259 = vector.broadcast %shift_right_arithmetic3A_2258 : i32 to vector<1x512xi32>
    %shift_right_arithmetic3A_2260 = arith.shrsi %reshape3A_2257, %shift_right_arithmetic3A_2259 : vector<1x512xi32>
    %and3A_2261 = arith.constant 127 : i32
    %and3A_2262 = vector.broadcast %and3A_2261 : i32 to vector<1x512xi32>
    %and3A_2263 = arith.andi %reshape3A_2257, %and3A_2262 : vector<1x512xi32>
    %eq3A_2264 = vector.broadcast %shift_right_arithmetic3A_2260 : vector<1x512xi32> to vector<128x512xi32>
    %eq3A_2265 = arith.cmpi eq, %eq3A_2264, %iota3A : vector<128x512xi32>
    %convert_element_type3A_2266 = arith.extui %eq3A_2265 : vector<128x512xi1> to vector<128x512xi32>
    %convert_element_type3A_2267 = arith.sitofp %convert_element_type3A_2266 : vector<128x512xi32> to vector<128x512xf32>
    %convert_element_type3A_2268 = arith.truncf %convert_element_type3A_2267 : vector<128x512xf32> to vector<128x512xbf16>
    %get3A_2269 = arith.constant 0 : index
    %get3A_2270 = arith.constant 0 : index
    %get3A_2271 = vector.load %arg4[%get3A_2269, %get3A_2270] : memref<128x128xf32, #tpu.memory_space<vmem>>, vector<128x128xf32>
    %mul3A_2272 = arith.constant 3.906250e-03 : f32
    %mul3A_2273 = vector.broadcast %mul3A_2272 : f32 to vector<128x128xf32>
    %mul3A_2274 = arith.mulf %get3A_2271, %mul3A_2273 : vector<128x128xf32>
    %floor3A_2275 = math.floor %mul3A_2274 : vector<128x128xf32>
    %mul3A_2276 = arith.constant 2.560000e+02 : f32
    %mul3A_2277 = vector.broadcast %mul3A_2276 : f32 to vector<128x128xf32>
    %mul3A_2278 = arith.mulf %floor3A_2275, %mul3A_2277 : vector<128x128xf32>
    %sub3A_2279 = arith.subf %get3A_2271, %mul3A_2278 : vector<128x128xf32>
    %convert_element_type3A_2280 = arith.truncf %mul3A_2278 : vector<128x128xf32> to vector<128x128xbf16>
    %convert_element_type3A_2281 = arith.truncf %sub3A_2279 : vector<128x128xf32> to vector<128x128xbf16>
    %concatenate3A_2282 = tpu.concatenate %convert_element_type3A_1586, %convert_element_type3A_1587, %convert_element_type3A_2280, %convert_element_type3A_2281, %concatenate3A in 0 : vector<128x128xbf16>, vector<128x128xbf16>, vector<128x128xbf16>, vector<128x128xbf16>, vector<8x128xbf16> -> vector<520x128xbf16>
    %dot_general3A_2283 = arith.constant dense<0.000000e+00> : vector<520x512xf32>
    %dot_general3A_2284 = tpu.matmul %concatenate3A_2282, %convert_element_type3A_2268, %dot_general3A_2283 {dimension_numbers = #tpu.dot_dimension_numbers<[1], [0], [0], [1], [0, 0, 1, 1], [], []>, transpose_lhs_hint = false} : vector<520x128xbf16>, vector<128x512xbf16>, vector<520x512xf32> -> vector<520x512xf32>
    %slice3A_2285 = vector.extract_strided_slice %dot_general3A_2284 {offsets = [0, 0], sizes = [128, 512], strides = [1, 1]} : vector<520x512xf32> to vector<128x512xf32>
    %slice3A_2286 = vector.extract_strided_slice %dot_general3A_2284 {offsets = [128, 0], sizes = [128, 512], strides = [1, 1]} : vector<520x512xf32> to vector<128x512xf32>
    %add3A_2287 = arith.addf %slice3A_2285, %slice3A_2286 : vector<128x512xf32>
    %slice3A_2288 = vector.extract_strided_slice %dot_general3A_2284 {offsets = [256, 0], sizes = [128, 512], strides = [1, 1]} : vector<520x512xf32> to vector<128x512xf32>
    %slice3A_2289 = vector.extract_strided_slice %dot_general3A_2284 {offsets = [384, 0], sizes = [128, 512], strides = [1, 1]} : vector<520x512xf32> to vector<128x512xf32>
    %add3A_2290 = arith.addf %slice3A_2288, %slice3A_2289 : vector<128x512xf32>
    %slice3A_2291 = vector.extract_strided_slice %dot_general3A_2284 {offsets = [512, 0], sizes = [1, 512], strides = [1, 1]} : vector<520x512xf32> to vector<1x512xf32>
    %slice3A_2292 = vector.extract_strided_slice %dot_general3A_2284 {offsets = [513, 0], sizes = [1, 512], strides = [1, 1]} : vector<520x512xf32> to vector<1x512xf32>
    %add3A_2293 = arith.addf %slice3A_2291, %slice3A_2292 : vector<1x512xf32>
    %lt3A_2294 = vector.broadcast %and3A_2263 : vector<1x512xi32> to vector<128x512xi32>
    %lt3A_2295 = arith.cmpi slt, %iota3A, %lt3A_2294 : vector<128x512xi32>
    %jit3A_2296 = arith.constant 0.000000e+00 : f32
    %broadcast_in_dim3A_2297 = vector.broadcast %jit3A_2296 : f32 to vector<128x512xf32>
    %select_n3A_2298 = arith.select %lt3A_2295, %add3A_2287, %broadcast_in_dim3A_2297 : vector<128x512xi1>, vector<128x512xf32>
    %reduce_sum3A_2299 = arith.constant dense<0.000000e+00> : vector<512xf32>
    %reduce_sum3A_2300 = vector.multi_reduction <add>, %select_n3A_2298, %reduce_sum3A_2299 [0] : vector<128x512xf32> to vector<512xf32>
    %broadcast_in_dim3A_2301 = vector.shape_cast %reduce_sum3A_2300 : vector<512xf32> to vector<1x512xf32>
    %eq3A_2302 = vector.broadcast %and3A_2263 : vector<1x512xi32> to vector<128x512xi32>
    %eq3A_2303 = arith.cmpi eq, %iota3A, %eq3A_2302 : vector<128x512xi32>
    %jit3A_2304 = arith.constant 0.000000e+00 : f32
    %broadcast_in_dim3A_2305 = vector.broadcast %jit3A_2304 : f32 to vector<128x512xf32>
    %select_n3A_2306 = arith.select %eq3A_2303, %add3A_2290, %broadcast_in_dim3A_2305 : vector<128x512xi1>, vector<128x512xf32>
    %reduce_sum3A_2307 = arith.constant dense<0.000000e+00> : vector<512xf32>
    %reduce_sum3A_2308 = vector.multi_reduction <add>, %select_n3A_2306, %reduce_sum3A_2307 [0] : vector<128x512xf32> to vector<512xf32>
    %broadcast_in_dim3A_2309 = vector.shape_cast %reduce_sum3A_2308 : vector<512xf32> to vector<1x512xf32>
    %add3A_2310 = arith.addf %add3A_2293, %broadcast_in_dim3A_2301 : vector<1x512xf32>
    %add3A_2311 = arith.addf %add3A_2310, %broadcast_in_dim3A_2309 : vector<1x512xf32>
    %get3A_2312 = arith.index_cast %scan3A_2252 : i32 to index
    %get3A_2313 = arith.constant 0 : index
    %get3A_2314 = vector.load %arg5[%get3A_2312, %get3A_2313] : memref<24x512xf32, #tpu.memory_space<vmem>>, vector<1x512xf32>
    %add3A_2315 = arith.addf %add3A_2311, %get3A_2314 : vector<1x512xf32>
    %convert_element_type3A_2316 = arith.fptosi %add3A_2315 : vector<1x512xf32> to vector<1x512xi32>
    %swap3A_2317 = arith.index_cast %scan3A_2252 : i32 to index
    %swap3A_2318 = arith.constant 0 : index
    %swap3A_2319 = vector.load %arg1[%swap3A_2317, %swap3A_2318] : memref<24x512xi32, #tpu.memory_space<vmem>>, vector<1x512xi32>
    tpu.vector_store %arg1[%swap3A_2317, %swap3A_2318], %convert_element_type3A_2316 {strides = array<i32>} : memref<24x512xi32, #tpu.memory_space<vmem>>, vector<1x512xi32>,
    %get3A_2320 = arith.constant 0 : index
    %get3A_2321 = arith.constant 0 : index
    %get3A_2322 = vector.load %arg4[%get3A_2320, %get3A_2321] : memref<128x128xf32, #tpu.memory_space<vmem>>, vector<128x128xf32>
    %mul3A_2323 = arith.constant 128 : i32
    %mul3A_2324 = arith.muli %scan3A_2252, %mul3A_2323 : i32
    %get3A_2325 = arith.index_cast %mul3A_2324 : i32 to index
    %get3A_2326 = arith.constant 0 : index
    %get3A_2327 = vector.load %arg2[%get3A_2325, %get3A_2326] : memref<3072x128xbf16, #tpu.memory_space<vmem>>, vector<128x128xbf16>
    %convert_element_type3A_2328 = arith.extf %get3A_2327 : vector<128x128xbf16> to vector<128x128xf32>
    %add3A_2329 = arith.addf %get3A_2322, %convert_element_type3A_2328 : vector<128x128xf32>
    %swap3A_2330 = arith.constant 0 : index
    %swap3A_2331 = arith.constant 0 : index
    %swap3A_2332 = vector.load %arg4[%swap3A_2330, %swap3A_2331] : memref<128x128xf32, #tpu.memory_space<vmem>>, vector<128x128xf32>
    tpu.vector_store %arg4[%swap3A_2330, %swap3A_2331], %add3A_2329 {strides = array<i32>} : memref<128x128xf32, #tpu.memory_space<vmem>>, vector<128x128xf32>,
    %scan3A_2333 = arith.constant 9 : i32
    %mul3A_2334 = arith.constant 512 : i32
    %mul3A_2335 = arith.muli %scan3A_2333, %mul3A_2334 : i32
    %get3A_2336 = arith.index_cast %mul3A_2335 : i32 to index
    %get3A_2337 = vector.load %arg0[%get3A_2336] : memref<12288xi32, #tpu.memory_space<vmem>>, vector<512xi32>
    %reshape3A_2338 = vector.shape_cast %get3A_2337 : vector<512xi32> to vector<1x512xi32>
    %shift_right_arithmetic3A_2339 = arith.constant 7 : i32
    %shift_right_arithmetic3A_2340 = vector.broadcast %shift_right_arithmetic3A_2339 : i32 to vector<1x512xi32>
    %shift_right_arithmetic3A_2341 = arith.shrsi %reshape3A_2338, %shift_right_arithmetic3A_2340 : vector<1x512xi32>
    %and3A_2342 = arith.constant 127 : i32
    %and3A_2343 = vector.broadcast %and3A_2342 : i32 to vector<1x512xi32>
    %and3A_2344 = arith.andi %reshape3A_2338, %and3A_2343 : vector<1x512xi32>
    %eq3A_2345 = vector.broadcast %shift_right_arithmetic3A_2341 : vector<1x512xi32> to vector<128x512xi32>
    %eq3A_2346 = arith.cmpi eq, %eq3A_2345, %iota3A : vector<128x512xi32>
    %convert_element_type3A_2347 = arith.extui %eq3A_2346 : vector<128x512xi1> to vector<128x512xi32>
    %convert_element_type3A_2348 = arith.sitofp %convert_element_type3A_2347 : vector<128x512xi32> to vector<128x512xf32>
    %convert_element_type3A_2349 = arith.truncf %convert_element_type3A_2348 : vector<128x512xf32> to vector<128x512xbf16>
    %get3A_2350 = arith.constant 0 : index
    %get3A_2351 = arith.constant 0 : index
    %get3A_2352 = vector.load %arg4[%get3A_2350, %get3A_2351] : memref<128x128xf32, #tpu.memory_space<vmem>>, vector<128x128xf32>
    %mul3A_2353 = arith.constant 3.906250e-03 : f32
    %mul3A_2354 = vector.broadcast %mul3A_2353 : f32 to vector<128x128xf32>
    %mul3A_2355 = arith.mulf %get3A_2352, %mul3A_2354 : vector<128x128xf32>
    %floor3A_2356 = math.floor %mul3A_2355 : vector<128x128xf32>
    %mul3A_2357 = arith.constant 2.560000e+02 : f32
    %mul3A_2358 = vector.broadcast %mul3A_2357 : f32 to vector<128x128xf32>
    %mul3A_2359 = arith.mulf %floor3A_2356, %mul3A_2358 : vector<128x128xf32>
    %sub3A_2360 = arith.subf %get3A_2352, %mul3A_2359 : vector<128x128xf32>
    %convert_element_type3A_2361 = arith.truncf %mul3A_2359 : vector<128x128xf32> to vector<128x128xbf16>
    %convert_element_type3A_2362 = arith.truncf %sub3A_2360 : vector<128x128xf32> to vector<128x128xbf16>
    %concatenate3A_2363 = tpu.concatenate %convert_element_type3A_1586, %convert_element_type3A_1587, %convert_element_type3A_2361, %convert_element_type3A_2362, %concatenate3A in 0 : vector<128x128xbf16>, vector<128x128xbf16>, vector<128x128xbf16>, vector<128x128xbf16>, vector<8x128xbf16> -> vector<520x128xbf16>
    %dot_general3A_2364 = arith.constant dense<0.000000e+00> : vector<520x512xf32>
    %dot_general3A_2365 = tpu.matmul %concatenate3A_2363, %convert_element_type3A_2349, %dot_general3A_2364 {dimension_numbers = #tpu.dot_dimension_numbers<[1], [0], [0], [1], [0, 0, 1, 1], [], []>, transpose_lhs_hint = false} : vector<520x128xbf16>, vector<128x512xbf16>, vector<520x512xf32> -> vector<520x512xf32>
    %slice3A_2366 = vector.extract_strided_slice %dot_general3A_2365 {offsets = [0, 0], sizes = [128, 512], strides = [1, 1]} : vector<520x512xf32> to vector<128x512xf32>
    %slice3A_2367 = vector.extract_strided_slice %dot_general3A_2365 {offsets = [128, 0], sizes = [128, 512], strides = [1, 1]} : vector<520x512xf32> to vector<128x512xf32>
    %add3A_2368 = arith.addf %slice3A_2366, %slice3A_2367 : vector<128x512xf32>
    %slice3A_2369 = vector.extract_strided_slice %dot_general3A_2365 {offsets = [256, 0], sizes = [128, 512], strides = [1, 1]} : vector<520x512xf32> to vector<128x512xf32>
    %slice3A_2370 = vector.extract_strided_slice %dot_general3A_2365 {offsets = [384, 0], sizes = [128, 512], strides = [1, 1]} : vector<520x512xf32> to vector<128x512xf32>
    %add3A_2371 = arith.addf %slice3A_2369, %slice3A_2370 : vector<128x512xf32>
    %slice3A_2372 = vector.extract_strided_slice %dot_general3A_2365 {offsets = [512, 0], sizes = [1, 512], strides = [1, 1]} : vector<520x512xf32> to vector<1x512xf32>
    %slice3A_2373 = vector.extract_strided_slice %dot_general3A_2365 {offsets = [513, 0], sizes = [1, 512], strides = [1, 1]} : vector<520x512xf32> to vector<1x512xf32>
    %add3A_2374 = arith.addf %slice3A_2372, %slice3A_2373 : vector<1x512xf32>
    %lt3A_2375 = vector.broadcast %and3A_2344 : vector<1x512xi32> to vector<128x512xi32>
    %lt3A_2376 = arith.cmpi slt, %iota3A, %lt3A_2375 : vector<128x512xi32>
    %jit3A_2377 = arith.constant 0.000000e+00 : f32
    %broadcast_in_dim3A_2378 = vector.broadcast %jit3A_2377 : f32 to vector<128x512xf32>
    %select_n3A_2379 = arith.select %lt3A_2376, %add3A_2368, %broadcast_in_dim3A_2378 : vector<128x512xi1>, vector<128x512xf32>
    %reduce_sum3A_2380 = arith.constant dense<0.000000e+00> : vector<512xf32>
    %reduce_sum3A_2381 = vector.multi_reduction <add>, %select_n3A_2379, %reduce_sum3A_2380 [0] : vector<128x512xf32> to vector<512xf32>
    %broadcast_in_dim3A_2382 = vector.shape_cast %reduce_sum3A_2381 : vector<512xf32> to vector<1x512xf32>
    %eq3A_2383 = vector.broadcast %and3A_2344 : vector<1x512xi32> to vector<128x512xi32>
    %eq3A_2384 = arith.cmpi eq, %iota3A, %eq3A_2383 : vector<128x512xi32>
    %jit3A_2385 = arith.constant 0.000000e+00 : f32
    %broadcast_in_dim3A_2386 = vector.broadcast %jit3A_2385 : f32 to vector<128x512xf32>
    %select_n3A_2387 = arith.select %eq3A_2384, %add3A_2371, %broadcast_in_dim3A_2386 : vector<128x512xi1>, vector<128x512xf32>
    %reduce_sum3A_2388 = arith.constant dense<0.000000e+00> : vector<512xf32>
    %reduce_sum3A_2389 = vector.multi_reduction <add>, %select_n3A_2387, %reduce_sum3A_2388 [0] : vector<128x512xf32> to vector<512xf32>
    %broadcast_in_dim3A_2390 = vector.shape_cast %reduce_sum3A_2389 : vector<512xf32> to vector<1x512xf32>
    %add3A_2391 = arith.addf %add3A_2374, %broadcast_in_dim3A_2382 : vector<1x512xf32>
    %add3A_2392 = arith.addf %add3A_2391, %broadcast_in_dim3A_2390 : vector<1x512xf32>
    %get3A_2393 = arith.index_cast %scan3A_2333 : i32 to index
    %get3A_2394 = arith.constant 0 : index
    %get3A_2395 = vector.load %arg5[%get3A_2393, %get3A_2394] : memref<24x512xf32, #tpu.memory_space<vmem>>, vector<1x512xf32>
    %add3A_2396 = arith.addf %add3A_2392, %get3A_2395 : vector<1x512xf32>
    %convert_element_type3A_2397 = arith.fptosi %add3A_2396 : vector<1x512xf32> to vector<1x512xi32>
    %swap3A_2398 = arith.index_cast %scan3A_2333 : i32 to index
    %swap3A_2399 = arith.constant 0 : index
    %swap3A_2400 = vector.load %arg1[%swap3A_2398, %swap3A_2399] : memref<24x512xi32, #tpu.memory_space<vmem>>, vector<1x512xi32>
    tpu.vector_store %arg1[%swap3A_2398, %swap3A_2399], %convert_element_type3A_2397 {strides = array<i32>} : memref<24x512xi32, #tpu.memory_space<vmem>>, vector<1x512xi32>,
    %get3A_2401 = arith.constant 0 : index
    %get3A_2402 = arith.constant 0 : index
    %get3A_2403 = vector.load %arg4[%get3A_2401, %get3A_2402] : memref<128x128xf32, #tpu.memory_space<vmem>>, vector<128x128xf32>
    %mul3A_2404 = arith.constant 128 : i32
    %mul3A_2405 = arith.muli %scan3A_2333, %mul3A_2404 : i32
    %get3A_2406 = arith.index_cast %mul3A_2405 : i32 to index
    %get3A_2407 = arith.constant 0 : index
    %get3A_2408 = vector.load %arg2[%get3A_2406, %get3A_2407] : memref<3072x128xbf16, #tpu.memory_space<vmem>>, vector<128x128xbf16>
    %convert_element_type3A_2409 = arith.extf %get3A_2408 : vector<128x128xbf16> to vector<128x128xf32>
    %add3A_2410 = arith.addf %get3A_2403, %convert_element_type3A_2409 : vector<128x128xf32>
    %swap3A_2411 = arith.constant 0 : index
    %swap3A_2412 = arith.constant 0 : index
    %swap3A_2413 = vector.load %arg4[%swap3A_2411, %swap3A_2412] : memref<128x128xf32, #tpu.memory_space<vmem>>, vector<128x128xf32>
    tpu.vector_store %arg4[%swap3A_2411, %swap3A_2412], %add3A_2410 {strides = array<i32>} : memref<128x128xf32, #tpu.memory_space<vmem>>, vector<128x128xf32>,
    %scan3A_2414 = arith.constant 10 : i32
    %mul3A_2415 = arith.constant 512 : i32
    %mul3A_2416 = arith.muli %scan3A_2414, %mul3A_2415 : i32
    %get3A_2417 = arith.index_cast %mul3A_2416 : i32 to index
    %get3A_2418 = vector.load %arg0[%get3A_2417] : memref<12288xi32, #tpu.memory_space<vmem>>, vector<512xi32>
    %reshape3A_2419 = vector.shape_cast %get3A_2418 : vector<512xi32> to vector<1x512xi32>
    %shift_right_arithmetic3A_2420 = arith.constant 7 : i32
    %shift_right_arithmetic3A_2421 = vector.broadcast %shift_right_arithmetic3A_2420 : i32 to vector<1x512xi32>
    %shift_right_arithmetic3A_2422 = arith.shrsi %reshape3A_2419, %shift_right_arithmetic3A_2421 : vector<1x512xi32>
    %and3A_2423 = arith.constant 127 : i32
    %and3A_2424 = vector.broadcast %and3A_2423 : i32 to vector<1x512xi32>
    %and3A_2425 = arith.andi %reshape3A_2419, %and3A_2424 : vector<1x512xi32>
    %eq3A_2426 = vector.broadcast %shift_right_arithmetic3A_2422 : vector<1x512xi32> to vector<128x512xi32>
    %eq3A_2427 = arith.cmpi eq, %eq3A_2426, %iota3A : vector<128x512xi32>
    %convert_element_type3A_2428 = arith.extui %eq3A_2427 : vector<128x512xi1> to vector<128x512xi32>
    %convert_element_type3A_2429 = arith.sitofp %convert_element_type3A_2428 : vector<128x512xi32> to vector<128x512xf32>
    %convert_element_type3A_2430 = arith.truncf %convert_element_type3A_2429 : vector<128x512xf32> to vector<128x512xbf16>
    %get3A_2431 = arith.constant 0 : index
    %get3A_2432 = arith.constant 0 : index
    %get3A_2433 = vector.load %arg4[%get3A_2431, %get3A_2432] : memref<128x128xf32, #tpu.memory_space<vmem>>, vector<128x128xf32>
    %mul3A_2434 = arith.constant 3.906250e-03 : f32
    %mul3A_2435 = vector.broadcast %mul3A_2434 : f32 to vector<128x128xf32>
    %mul3A_2436 = arith.mulf %get3A_2433, %mul3A_2435 : vector<128x128xf32>
    %floor3A_2437 = math.floor %mul3A_2436 : vector<128x128xf32>
    %mul3A_2438 = arith.constant 2.560000e+02 : f32
    %mul3A_2439 = vector.broadcast %mul3A_2438 : f32 to vector<128x128xf32>
    %mul3A_2440 = arith.mulf %floor3A_2437, %mul3A_2439 : vector<128x128xf32>
    %sub3A_2441 = arith.subf %get3A_2433, %mul3A_2440 : vector<128x128xf32>
    %convert_element_type3A_2442 = arith.truncf %mul3A_2440 : vector<128x128xf32> to vector<128x128xbf16>
    %convert_element_type3A_2443 = arith.truncf %sub3A_2441 : vector<128x128xf32> to vector<128x128xbf16>
    %concatenate3A_2444 = tpu.concatenate %convert_element_type3A_1586, %convert_element_type3A_1587, %convert_element_type3A_2442, %convert_element_type3A_2443, %concatenate3A in 0 : vector<128x128xbf16>, vector<128x128xbf16>, vector<128x128xbf16>, vector<128x128xbf16>, vector<8x128xbf16> -> vector<520x128xbf16>
    %dot_general3A_2445 = arith.constant dense<0.000000e+00> : vector<520x512xf32>
    %dot_general3A_2446 = tpu.matmul %concatenate3A_2444, %convert_element_type3A_2430, %dot_general3A_2445 {dimension_numbers = #tpu.dot_dimension_numbers<[1], [0], [0], [1], [0, 0, 1, 1], [], []>, transpose_lhs_hint = false} : vector<520x128xbf16>, vector<128x512xbf16>, vector<520x512xf32> -> vector<520x512xf32>
    %slice3A_2447 = vector.extract_strided_slice %dot_general3A_2446 {offsets = [0, 0], sizes = [128, 512], strides = [1, 1]} : vector<520x512xf32> to vector<128x512xf32>
    %slice3A_2448 = vector.extract_strided_slice %dot_general3A_2446 {offsets = [128, 0], sizes = [128, 512], strides = [1, 1]} : vector<520x512xf32> to vector<128x512xf32>
    %add3A_2449 = arith.addf %slice3A_2447, %slice3A_2448 : vector<128x512xf32>
    %slice3A_2450 = vector.extract_strided_slice %dot_general3A_2446 {offsets = [256, 0], sizes = [128, 512], strides = [1, 1]} : vector<520x512xf32> to vector<128x512xf32>
    %slice3A_2451 = vector.extract_strided_slice %dot_general3A_2446 {offsets = [384, 0], sizes = [128, 512], strides = [1, 1]} : vector<520x512xf32> to vector<128x512xf32>
    %add3A_2452 = arith.addf %slice3A_2450, %slice3A_2451 : vector<128x512xf32>
    %slice3A_2453 = vector.extract_strided_slice %dot_general3A_2446 {offsets = [512, 0], sizes = [1, 512], strides = [1, 1]} : vector<520x512xf32> to vector<1x512xf32>
    %slice3A_2454 = vector.extract_strided_slice %dot_general3A_2446 {offsets = [513, 0], sizes = [1, 512], strides = [1, 1]} : vector<520x512xf32> to vector<1x512xf32>
    %add3A_2455 = arith.addf %slice3A_2453, %slice3A_2454 : vector<1x512xf32>
    %lt3A_2456 = vector.broadcast %and3A_2425 : vector<1x512xi32> to vector<128x512xi32>
    %lt3A_2457 = arith.cmpi slt, %iota3A, %lt3A_2456 : vector<128x512xi32>
    %jit3A_2458 = arith.constant 0.000000e+00 : f32
    %broadcast_in_dim3A_2459 = vector.broadcast %jit3A_2458 : f32 to vector<128x512xf32>
    %select_n3A_2460 = arith.select %lt3A_2457, %add3A_2449, %broadcast_in_dim3A_2459 : vector<128x512xi1>, vector<128x512xf32>
    %reduce_sum3A_2461 = arith.constant dense<0.000000e+00> : vector<512xf32>
    %reduce_sum3A_2462 = vector.multi_reduction <add>, %select_n3A_2460, %reduce_sum3A_2461 [0] : vector<128x512xf32> to vector<512xf32>
    %broadcast_in_dim3A_2463 = vector.shape_cast %reduce_sum3A_2462 : vector<512xf32> to vector<1x512xf32>
    %eq3A_2464 = vector.broadcast %and3A_2425 : vector<1x512xi32> to vector<128x512xi32>
    %eq3A_2465 = arith.cmpi eq, %iota3A, %eq3A_2464 : vector<128x512xi32>
    %jit3A_2466 = arith.constant 0.000000e+00 : f32
    %broadcast_in_dim3A_2467 = vector.broadcast %jit3A_2466 : f32 to vector<128x512xf32>
    %select_n3A_2468 = arith.select %eq3A_2465, %add3A_2452, %broadcast_in_dim3A_2467 : vector<128x512xi1>, vector<128x512xf32>
    %reduce_sum3A_2469 = arith.constant dense<0.000000e+00> : vector<512xf32>
    %reduce_sum3A_2470 = vector.multi_reduction <add>, %select_n3A_2468, %reduce_sum3A_2469 [0] : vector<128x512xf32> to vector<512xf32>
    %broadcast_in_dim3A_2471 = vector.shape_cast %reduce_sum3A_2470 : vector<512xf32> to vector<1x512xf32>
    %add3A_2472 = arith.addf %add3A_2455, %broadcast_in_dim3A_2463 : vector<1x512xf32>
    %add3A_2473 = arith.addf %add3A_2472, %broadcast_in_dim3A_2471 : vector<1x512xf32>
    %get3A_2474 = arith.index_cast %scan3A_2414 : i32 to index
    %get3A_2475 = arith.constant 0 : index
    %get3A_2476 = vector.load %arg5[%get3A_2474, %get3A_2475] : memref<24x512xf32, #tpu.memory_space<vmem>>, vector<1x512xf32>
    %add3A_2477 = arith.addf %add3A_2473, %get3A_2476 : vector<1x512xf32>
    %convert_element_type3A_2478 = arith.fptosi %add3A_2477 : vector<1x512xf32> to vector<1x512xi32>
    %swap3A_2479 = arith.index_cast %scan3A_2414 : i32 to index
    %swap3A_2480 = arith.constant 0 : index
    %swap3A_2481 = vector.load %arg1[%swap3A_2479, %swap3A_2480] : memref<24x512xi32, #tpu.memory_space<vmem>>, vector<1x512xi32>
    tpu.vector_store %arg1[%swap3A_2479, %swap3A_2480], %convert_element_type3A_2478 {strides = array<i32>} : memref<24x512xi32, #tpu.memory_space<vmem>>, vector<1x512xi32>,
    %get3A_2482 = arith.constant 0 : index
    %get3A_2483 = arith.constant 0 : index
    %get3A_2484 = vector.load %arg4[%get3A_2482, %get3A_2483] : memref<128x128xf32, #tpu.memory_space<vmem>>, vector<128x128xf32>
    %mul3A_2485 = arith.constant 128 : i32
    %mul3A_2486 = arith.muli %scan3A_2414, %mul3A_2485 : i32
    %get3A_2487 = arith.index_cast %mul3A_2486 : i32 to index
    %get3A_2488 = arith.constant 0 : index
    %get3A_2489 = vector.load %arg2[%get3A_2487, %get3A_2488] : memref<3072x128xbf16, #tpu.memory_space<vmem>>, vector<128x128xbf16>
    %convert_element_type3A_2490 = arith.extf %get3A_2489 : vector<128x128xbf16> to vector<128x128xf32>
    %add3A_2491 = arith.addf %get3A_2484, %convert_element_type3A_2490 : vector<128x128xf32>
    %swap3A_2492 = arith.constant 0 : index
    %swap3A_2493 = arith.constant 0 : index
    %swap3A_2494 = vector.load %arg4[%swap3A_2492, %swap3A_2493] : memref<128x128xf32, #tpu.memory_space<vmem>>, vector<128x128xf32>
    tpu.vector_store %arg4[%swap3A_2492, %swap3A_2493], %add3A_2491 {strides = array<i32>} : memref<128x128xf32, #tpu.memory_space<vmem>>, vector<128x128xf32>,
    %scan3A_2495 = arith.constant 11 : i32
    %mul3A_2496 = arith.constant 512 : i32
    %mul3A_2497 = arith.muli %scan3A_2495, %mul3A_2496 : i32
    %get3A_2498 = arith.index_cast %mul3A_2497 : i32 to index
    %get3A_2499 = vector.load %arg0[%get3A_2498] : memref<12288xi32, #tpu.memory_space<vmem>>, vector<512xi32>
    %reshape3A_2500 = vector.shape_cast %get3A_2499 : vector<512xi32> to vector<1x512xi32>
    %shift_right_arithmetic3A_2501 = arith.constant 7 : i32
    %shift_right_arithmetic3A_2502 = vector.broadcast %shift_right_arithmetic3A_2501 : i32 to vector<1x512xi32>
    %shift_right_arithmetic3A_2503 = arith.shrsi %reshape3A_2500, %shift_right_arithmetic3A_2502 : vector<1x512xi32>
    %and3A_2504 = arith.constant 127 : i32
    %and3A_2505 = vector.broadcast %and3A_2504 : i32 to vector<1x512xi32>
    %and3A_2506 = arith.andi %reshape3A_2500, %and3A_2505 : vector<1x512xi32>
    %eq3A_2507 = vector.broadcast %shift_right_arithmetic3A_2503 : vector<1x512xi32> to vector<128x512xi32>
    %eq3A_2508 = arith.cmpi eq, %eq3A_2507, %iota3A : vector<128x512xi32>
    %convert_element_type3A_2509 = arith.extui %eq3A_2508 : vector<128x512xi1> to vector<128x512xi32>
    %convert_element_type3A_2510 = arith.sitofp %convert_element_type3A_2509 : vector<128x512xi32> to vector<128x512xf32>
    %convert_element_type3A_2511 = arith.truncf %convert_element_type3A_2510 : vector<128x512xf32> to vector<128x512xbf16>
    %get3A_2512 = arith.constant 0 : index
    %get3A_2513 = arith.constant 0 : index
    %get3A_2514 = vector.load %arg4[%get3A_2512, %get3A_2513] : memref<128x128xf32, #tpu.memory_space<vmem>>, vector<128x128xf32>
    %mul3A_2515 = arith.constant 3.906250e-03 : f32
    %mul3A_2516 = vector.broadcast %mul3A_2515 : f32 to vector<128x128xf32>
    %mul3A_2517 = arith.mulf %get3A_2514, %mul3A_2516 : vector<128x128xf32>
    %floor3A_2518 = math.floor %mul3A_2517 : vector<128x128xf32>
    %mul3A_2519 = arith.constant 2.560000e+02 : f32
    %mul3A_2520 = vector.broadcast %mul3A_2519 : f32 to vector<128x128xf32>
    %mul3A_2521 = arith.mulf %floor3A_2518, %mul3A_2520 : vector<128x128xf32>
    %sub3A_2522 = arith.subf %get3A_2514, %mul3A_2521 : vector<128x128xf32>
    %convert_element_type3A_2523 = arith.truncf %mul3A_2521 : vector<128x128xf32> to vector<128x128xbf16>
    %convert_element_type3A_2524 = arith.truncf %sub3A_2522 : vector<128x128xf32> to vector<128x128xbf16>
    %concatenate3A_2525 = tpu.concatenate %convert_element_type3A_1586, %convert_element_type3A_1587, %convert_element_type3A_2523, %convert_element_type3A_2524, %concatenate3A in 0 : vector<128x128xbf16>, vector<128x128xbf16>, vector<128x128xbf16>, vector<128x128xbf16>, vector<8x128xbf16> -> vector<520x128xbf16>
    %dot_general3A_2526 = arith.constant dense<0.000000e+00> : vector<520x512xf32>
    %dot_general3A_2527 = tpu.matmul %concatenate3A_2525, %convert_element_type3A_2511, %dot_general3A_2526 {dimension_numbers = #tpu.dot_dimension_numbers<[1], [0], [0], [1], [0, 0, 1, 1], [], []>, transpose_lhs_hint = false} : vector<520x128xbf16>, vector<128x512xbf16>, vector<520x512xf32> -> vector<520x512xf32>
    %slice3A_2528 = vector.extract_strided_slice %dot_general3A_2527 {offsets = [0, 0], sizes = [128, 512], strides = [1, 1]} : vector<520x512xf32> to vector<128x512xf32>
    %slice3A_2529 = vector.extract_strided_slice %dot_general3A_2527 {offsets = [128, 0], sizes = [128, 512], strides = [1, 1]} : vector<520x512xf32> to vector<128x512xf32>
    %add3A_2530 = arith.addf %slice3A_2528, %slice3A_2529 : vector<128x512xf32>
    %slice3A_2531 = vector.extract_strided_slice %dot_general3A_2527 {offsets = [256, 0], sizes = [128, 512], strides = [1, 1]} : vector<520x512xf32> to vector<128x512xf32>
    %slice3A_2532 = vector.extract_strided_slice %dot_general3A_2527 {offsets = [384, 0], sizes = [128, 512], strides = [1, 1]} : vector<520x512xf32> to vector<128x512xf32>
    %add3A_2533 = arith.addf %slice3A_2531, %slice3A_2532 : vector<128x512xf32>
    %slice3A_2534 = vector.extract_strided_slice %dot_general3A_2527 {offsets = [512, 0], sizes = [1, 512], strides = [1, 1]} : vector<520x512xf32> to vector<1x512xf32>
    %slice3A_2535 = vector.extract_strided_slice %dot_general3A_2527 {offsets = [513, 0], sizes = [1, 512], strides = [1, 1]} : vector<520x512xf32> to vector<1x512xf32>
    %add3A_2536 = arith.addf %slice3A_2534, %slice3A_2535 : vector<1x512xf32>
    %lt3A_2537 = vector.broadcast %and3A_2506 : vector<1x512xi32> to vector<128x512xi32>
    %lt3A_2538 = arith.cmpi slt, %iota3A, %lt3A_2537 : vector<128x512xi32>
    %jit3A_2539 = arith.constant 0.000000e+00 : f32
    %broadcast_in_dim3A_2540 = vector.broadcast %jit3A_2539 : f32 to vector<128x512xf32>
    %select_n3A_2541 = arith.select %lt3A_2538, %add3A_2530, %broadcast_in_dim3A_2540 : vector<128x512xi1>, vector<128x512xf32>
    %reduce_sum3A_2542 = arith.constant dense<0.000000e+00> : vector<512xf32>
    %reduce_sum3A_2543 = vector.multi_reduction <add>, %select_n3A_2541, %reduce_sum3A_2542 [0] : vector<128x512xf32> to vector<512xf32>
    %broadcast_in_dim3A_2544 = vector.shape_cast %reduce_sum3A_2543 : vector<512xf32> to vector<1x512xf32>
    %eq3A_2545 = vector.broadcast %and3A_2506 : vector<1x512xi32> to vector<128x512xi32>
    %eq3A_2546 = arith.cmpi eq, %iota3A, %eq3A_2545 : vector<128x512xi32>
    %jit3A_2547 = arith.constant 0.000000e+00 : f32
    %broadcast_in_dim3A_2548 = vector.broadcast %jit3A_2547 : f32 to vector<128x512xf32>
    %select_n3A_2549 = arith.select %eq3A_2546, %add3A_2533, %broadcast_in_dim3A_2548 : vector<128x512xi1>, vector<128x512xf32>
    %reduce_sum3A_2550 = arith.constant dense<0.000000e+00> : vector<512xf32>
    %reduce_sum3A_2551 = vector.multi_reduction <add>, %select_n3A_2549, %reduce_sum3A_2550 [0] : vector<128x512xf32> to vector<512xf32>
    %broadcast_in_dim3A_2552 = vector.shape_cast %reduce_sum3A_2551 : vector<512xf32> to vector<1x512xf32>
    %add3A_2553 = arith.addf %add3A_2536, %broadcast_in_dim3A_2544 : vector<1x512xf32>
    %add3A_2554 = arith.addf %add3A_2553, %broadcast_in_dim3A_2552 : vector<1x512xf32>
    %get3A_2555 = arith.index_cast %scan3A_2495 : i32 to index
    %get3A_2556 = arith.constant 0 : index
    %get3A_2557 = vector.load %arg5[%get3A_2555, %get3A_2556] : memref<24x512xf32, #tpu.memory_space<vmem>>, vector<1x512xf32>
    %add3A_2558 = arith.addf %add3A_2554, %get3A_2557 : vector<1x512xf32>
    %convert_element_type3A_2559 = arith.fptosi %add3A_2558 : vector<1x512xf32> to vector<1x512xi32>
    %swap3A_2560 = arith.index_cast %scan3A_2495 : i32 to index
    %swap3A_2561 = arith.constant 0 : index
    %swap3A_2562 = vector.load %arg1[%swap3A_2560, %swap3A_2561] : memref<24x512xi32, #tpu.memory_space<vmem>>, vector<1x512xi32>
    tpu.vector_store %arg1[%swap3A_2560, %swap3A_2561], %convert_element_type3A_2559 {strides = array<i32>} : memref<24x512xi32, #tpu.memory_space<vmem>>, vector<1x512xi32>,
    %get3A_2563 = arith.constant 0 : index
    %get3A_2564 = arith.constant 0 : index
    %get3A_2565 = vector.load %arg4[%get3A_2563, %get3A_2564] : memref<128x128xf32, #tpu.memory_space<vmem>>, vector<128x128xf32>
    %mul3A_2566 = arith.constant 128 : i32
    %mul3A_2567 = arith.muli %scan3A_2495, %mul3A_2566 : i32
    %get3A_2568 = arith.index_cast %mul3A_2567 : i32 to index
    %get3A_2569 = arith.constant 0 : index
    %get3A_2570 = vector.load %arg2[%get3A_2568, %get3A_2569] : memref<3072x128xbf16, #tpu.memory_space<vmem>>, vector<128x128xbf16>
    %convert_element_type3A_2571 = arith.extf %get3A_2570 : vector<128x128xbf16> to vector<128x128xf32>
    %add3A_2572 = arith.addf %get3A_2565, %convert_element_type3A_2571 : vector<128x128xf32>
    %swap3A_2573 = arith.constant 0 : index
    %swap3A_2574 = arith.constant 0 : index
    %swap3A_2575 = vector.load %arg4[%swap3A_2573, %swap3A_2574] : memref<128x128xf32, #tpu.memory_space<vmem>>, vector<128x128xf32>
    tpu.vector_store %arg4[%swap3A_2573, %swap3A_2574], %add3A_2572 {strides = array<i32>} : memref<128x128xf32, #tpu.memory_space<vmem>>, vector<128x128xf32>,
    %scan3A_2576 = arith.constant 12 : i32
    %mul3A_2577 = arith.constant 512 : i32
    %mul3A_2578 = arith.muli %scan3A_2576, %mul3A_2577 : i32
    %get3A_2579 = arith.index_cast %mul3A_2578 : i32 to index
    %get3A_2580 = vector.load %arg0[%get3A_2579] : memref<12288xi32, #tpu.memory_space<vmem>>, vector<512xi32>
    %reshape3A_2581 = vector.shape_cast %get3A_2580 : vector<512xi32> to vector<1x512xi32>
    %shift_right_arithmetic3A_2582 = arith.constant 7 : i32
    %shift_right_arithmetic3A_2583 = vector.broadcast %shift_right_arithmetic3A_2582 : i32 to vector<1x512xi32>
    %shift_right_arithmetic3A_2584 = arith.shrsi %reshape3A_2581, %shift_right_arithmetic3A_2583 : vector<1x512xi32>
    %and3A_2585 = arith.constant 127 : i32
    %and3A_2586 = vector.broadcast %and3A_2585 : i32 to vector<1x512xi32>
    %and3A_2587 = arith.andi %reshape3A_2581, %and3A_2586 : vector<1x512xi32>
    %eq3A_2588 = vector.broadcast %shift_right_arithmetic3A_2584 : vector<1x512xi32> to vector<128x512xi32>
    %eq3A_2589 = arith.cmpi eq, %eq3A_2588, %iota3A : vector<128x512xi32>
    %convert_element_type3A_2590 = arith.extui %eq3A_2589 : vector<128x512xi1> to vector<128x512xi32>
    %convert_element_type3A_2591 = arith.sitofp %convert_element_type3A_2590 : vector<128x512xi32> to vector<128x512xf32>
    %convert_element_type3A_2592 = arith.truncf %convert_element_type3A_2591 : vector<128x512xf32> to vector<128x512xbf16>
    %get3A_2593 = arith.constant 0 : index
    %get3A_2594 = arith.constant 0 : index
    %get3A_2595 = vector.load %arg4[%get3A_2593, %get3A_2594] : memref<128x128xf32, #tpu.memory_space<vmem>>, vector<128x128xf32>
    %mul3A_2596 = arith.constant 3.906250e-03 : f32
    %mul3A_2597 = vector.broadcast %mul3A_2596 : f32 to vector<128x128xf32>
    %mul3A_2598 = arith.mulf %get3A_2595, %mul3A_2597 : vector<128x128xf32>
    %floor3A_2599 = math.floor %mul3A_2598 : vector<128x128xf32>
    %mul3A_2600 = arith.constant 2.560000e+02 : f32
    %mul3A_2601 = vector.broadcast %mul3A_2600 : f32 to vector<128x128xf32>
    %mul3A_2602 = arith.mulf %floor3A_2599, %mul3A_2601 : vector<128x128xf32>
    %sub3A_2603 = arith.subf %get3A_2595, %mul3A_2602 : vector<128x128xf32>
    %convert_element_type3A_2604 = arith.truncf %mul3A_2602 : vector<128x128xf32> to vector<128x128xbf16>
    %convert_element_type3A_2605 = arith.truncf %sub3A_2603 : vector<128x128xf32> to vector<128x128xbf16>
    %concatenate3A_2606 = tpu.concatenate %convert_element_type3A_1586, %convert_element_type3A_1587, %convert_element_type3A_2604, %convert_element_type3A_2605, %concatenate3A in 0 : vector<128x128xbf16>, vector<128x128xbf16>, vector<128x128xbf16>, vector<128x128xbf16>, vector<8x128xbf16> -> vector<520x128xbf16>
    %dot_general3A_2607 = arith.constant dense<0.000000e+00> : vector<520x512xf32>
    %dot_general3A_2608 = tpu.matmul %concatenate3A_2606, %convert_element_type3A_2592, %dot_general3A_2607 {dimension_numbers = #tpu.dot_dimension_numbers<[1], [0], [0], [1], [0, 0, 1, 1], [], []>, transpose_lhs_hint = false} : vector<520x128xbf16>, vector<128x512xbf16>, vector<520x512xf32> -> vector<520x512xf32>
    %slice3A_2609 = vector.extract_strided_slice %dot_general3A_2608 {offsets = [0, 0], sizes = [128, 512], strides = [1, 1]} : vector<520x512xf32> to vector<128x512xf32>
    %slice3A_2610 = vector.extract_strided_slice %dot_general3A_2608 {offsets = [128, 0], sizes = [128, 512], strides = [1, 1]} : vector<520x512xf32> to vector<128x512xf32>
    %add3A_2611 = arith.addf %slice3A_2609, %slice3A_2610 : vector<128x512xf32>
    %slice3A_2612 = vector.extract_strided_slice %dot_general3A_2608 {offsets = [256, 0], sizes = [128, 512], strides = [1, 1]} : vector<520x512xf32> to vector<128x512xf32>
    %slice3A_2613 = vector.extract_strided_slice %dot_general3A_2608 {offsets = [384, 0], sizes = [128, 512], strides = [1, 1]} : vector<520x512xf32> to vector<128x512xf32>
    %add3A_2614 = arith.addf %slice3A_2612, %slice3A_2613 : vector<128x512xf32>
    %slice3A_2615 = vector.extract_strided_slice %dot_general3A_2608 {offsets = [512, 0], sizes = [1, 512], strides = [1, 1]} : vector<520x512xf32> to vector<1x512xf32>
    %slice3A_2616 = vector.extract_strided_slice %dot_general3A_2608 {offsets = [513, 0], sizes = [1, 512], strides = [1, 1]} : vector<520x512xf32> to vector<1x512xf32>
    %add3A_2617 = arith.addf %slice3A_2615, %slice3A_2616 : vector<1x512xf32>
    %lt3A_2618 = vector.broadcast %and3A_2587 : vector<1x512xi32> to vector<128x512xi32>
    %lt3A_2619 = arith.cmpi slt, %iota3A, %lt3A_2618 : vector<128x512xi32>
    %jit3A_2620 = arith.constant 0.000000e+00 : f32
    %broadcast_in_dim3A_2621 = vector.broadcast %jit3A_2620 : f32 to vector<128x512xf32>
    %select_n3A_2622 = arith.select %lt3A_2619, %add3A_2611, %broadcast_in_dim3A_2621 : vector<128x512xi1>, vector<128x512xf32>
    %reduce_sum3A_2623 = arith.constant dense<0.000000e+00> : vector<512xf32>
    %reduce_sum3A_2624 = vector.multi_reduction <add>, %select_n3A_2622, %reduce_sum3A_2623 [0] : vector<128x512xf32> to vector<512xf32>
    %broadcast_in_dim3A_2625 = vector.shape_cast %reduce_sum3A_2624 : vector<512xf32> to vector<1x512xf32>
    %eq3A_2626 = vector.broadcast %and3A_2587 : vector<1x512xi32> to vector<128x512xi32>
    %eq3A_2627 = arith.cmpi eq, %iota3A, %eq3A_2626 : vector<128x512xi32>
    %jit3A_2628 = arith.constant 0.000000e+00 : f32
    %broadcast_in_dim3A_2629 = vector.broadcast %jit3A_2628 : f32 to vector<128x512xf32>
    %select_n3A_2630 = arith.select %eq3A_2627, %add3A_2614, %broadcast_in_dim3A_2629 : vector<128x512xi1>, vector<128x512xf32>
    %reduce_sum3A_2631 = arith.constant dense<0.000000e+00> : vector<512xf32>
    %reduce_sum3A_2632 = vector.multi_reduction <add>, %select_n3A_2630, %reduce_sum3A_2631 [0] : vector<128x512xf32> to vector<512xf32>
    %broadcast_in_dim3A_2633 = vector.shape_cast %reduce_sum3A_2632 : vector<512xf32> to vector<1x512xf32>
    %add3A_2634 = arith.addf %add3A_2617, %broadcast_in_dim3A_2625 : vector<1x512xf32>
    %add3A_2635 = arith.addf %add3A_2634, %broadcast_in_dim3A_2633 : vector<1x512xf32>
    %get3A_2636 = arith.index_cast %scan3A_2576 : i32 to index
    %get3A_2637 = arith.constant 0 : index
    %get3A_2638 = vector.load %arg5[%get3A_2636, %get3A_2637] : memref<24x512xf32, #tpu.memory_space<vmem>>, vector<1x512xf32>
    %add3A_2639 = arith.addf %add3A_2635, %get3A_2638 : vector<1x512xf32>
    %convert_element_type3A_2640 = arith.fptosi %add3A_2639 : vector<1x512xf32> to vector<1x512xi32>
    %swap3A_2641 = arith.index_cast %scan3A_2576 : i32 to index
    %swap3A_2642 = arith.constant 0 : index
    %swap3A_2643 = vector.load %arg1[%swap3A_2641, %swap3A_2642] : memref<24x512xi32, #tpu.memory_space<vmem>>, vector<1x512xi32>
    tpu.vector_store %arg1[%swap3A_2641, %swap3A_2642], %convert_element_type3A_2640 {strides = array<i32>} : memref<24x512xi32, #tpu.memory_space<vmem>>, vector<1x512xi32>,
    %get3A_2644 = arith.constant 0 : index
    %get3A_2645 = arith.constant 0 : index
    %get3A_2646 = vector.load %arg4[%get3A_2644, %get3A_2645] : memref<128x128xf32, #tpu.memory_space<vmem>>, vector<128x128xf32>
    %mul3A_2647 = arith.constant 128 : i32
    %mul3A_2648 = arith.muli %scan3A_2576, %mul3A_2647 : i32
    %get3A_2649 = arith.index_cast %mul3A_2648 : i32 to index
    %get3A_2650 = arith.constant 0 : index
    %get3A_2651 = vector.load %arg2[%get3A_2649, %get3A_2650] : memref<3072x128xbf16, #tpu.memory_space<vmem>>, vector<128x128xbf16>
    %convert_element_type3A_2652 = arith.extf %get3A_2651 : vector<128x128xbf16> to vector<128x128xf32>
    %add3A_2653 = arith.addf %get3A_2646, %convert_element_type3A_2652 : vector<128x128xf32>
    %swap3A_2654 = arith.constant 0 : index
    %swap3A_2655 = arith.constant 0 : index
    %swap3A_2656 = vector.load %arg4[%swap3A_2654, %swap3A_2655] : memref<128x128xf32, #tpu.memory_space<vmem>>, vector<128x128xf32>
    tpu.vector_store %arg4[%swap3A_2654, %swap3A_2655], %add3A_2653 {strides = array<i32>} : memref<128x128xf32, #tpu.memory_space<vmem>>, vector<128x128xf32>,
    %scan3A_2657 = arith.constant 13 : i32
    %mul3A_2658 = arith.constant 512 : i32
    %mul3A_2659 = arith.muli %scan3A_2657, %mul3A_2658 : i32
    %get3A_2660 = arith.index_cast %mul3A_2659 : i32 to index
    %get3A_2661 = vector.load %arg0[%get3A_2660] : memref<12288xi32, #tpu.memory_space<vmem>>, vector<512xi32>
    %reshape3A_2662 = vector.shape_cast %get3A_2661 : vector<512xi32> to vector<1x512xi32>
    %shift_right_arithmetic3A_2663 = arith.constant 7 : i32
    %shift_right_arithmetic3A_2664 = vector.broadcast %shift_right_arithmetic3A_2663 : i32 to vector<1x512xi32>
    %shift_right_arithmetic3A_2665 = arith.shrsi %reshape3A_2662, %shift_right_arithmetic3A_2664 : vector<1x512xi32>
    %and3A_2666 = arith.constant 127 : i32
    %and3A_2667 = vector.broadcast %and3A_2666 : i32 to vector<1x512xi32>
    %and3A_2668 = arith.andi %reshape3A_2662, %and3A_2667 : vector<1x512xi32>
    %eq3A_2669 = vector.broadcast %shift_right_arithmetic3A_2665 : vector<1x512xi32> to vector<128x512xi32>
    %eq3A_2670 = arith.cmpi eq, %eq3A_2669, %iota3A : vector<128x512xi32>
    %convert_element_type3A_2671 = arith.extui %eq3A_2670 : vector<128x512xi1> to vector<128x512xi32>
    %convert_element_type3A_2672 = arith.sitofp %convert_element_type3A_2671 : vector<128x512xi32> to vector<128x512xf32>
    %convert_element_type3A_2673 = arith.truncf %convert_element_type3A_2672 : vector<128x512xf32> to vector<128x512xbf16>
    %get3A_2674 = arith.constant 0 : index
    %get3A_2675 = arith.constant 0 : index
    %get3A_2676 = vector.load %arg4[%get3A_2674, %get3A_2675] : memref<128x128xf32, #tpu.memory_space<vmem>>, vector<128x128xf32>
    %mul3A_2677 = arith.constant 3.906250e-03 : f32
    %mul3A_2678 = vector.broadcast %mul3A_2677 : f32 to vector<128x128xf32>
    %mul3A_2679 = arith.mulf %get3A_2676, %mul3A_2678 : vector<128x128xf32>
    %floor3A_2680 = math.floor %mul3A_2679 : vector<128x128xf32>
    %mul3A_2681 = arith.constant 2.560000e+02 : f32
    %mul3A_2682 = vector.broadcast %mul3A_2681 : f32 to vector<128x128xf32>
    %mul3A_2683 = arith.mulf %floor3A_2680, %mul3A_2682 : vector<128x128xf32>
    %sub3A_2684 = arith.subf %get3A_2676, %mul3A_2683 : vector<128x128xf32>
    %convert_element_type3A_2685 = arith.truncf %mul3A_2683 : vector<128x128xf32> to vector<128x128xbf16>
    %convert_element_type3A_2686 = arith.truncf %sub3A_2684 : vector<128x128xf32> to vector<128x128xbf16>
    %concatenate3A_2687 = tpu.concatenate %convert_element_type3A_1586, %convert_element_type3A_1587, %convert_element_type3A_2685, %convert_element_type3A_2686, %concatenate3A in 0 : vector<128x128xbf16>, vector<128x128xbf16>, vector<128x128xbf16>, vector<128x128xbf16>, vector<8x128xbf16> -> vector<520x128xbf16>
    %dot_general3A_2688 = arith.constant dense<0.000000e+00> : vector<520x512xf32>
    %dot_general3A_2689 = tpu.matmul %concatenate3A_2687, %convert_element_type3A_2673, %dot_general3A_2688 {dimension_numbers = #tpu.dot_dimension_numbers<[1], [0], [0], [1], [0, 0, 1, 1], [], []>, transpose_lhs_hint = false} : vector<520x128xbf16>, vector<128x512xbf16>, vector<520x512xf32> -> vector<520x512xf32>
    %slice3A_2690 = vector.extract_strided_slice %dot_general3A_2689 {offsets = [0, 0], sizes = [128, 512], strides = [1, 1]} : vector<520x512xf32> to vector<128x512xf32>
    %slice3A_2691 = vector.extract_strided_slice %dot_general3A_2689 {offsets = [128, 0], sizes = [128, 512], strides = [1, 1]} : vector<520x512xf32> to vector<128x512xf32>
    %add3A_2692 = arith.addf %slice3A_2690, %slice3A_2691 : vector<128x512xf32>
    %slice3A_2693 = vector.extract_strided_slice %dot_general3A_2689 {offsets = [256, 0], sizes = [128, 512], strides = [1, 1]} : vector<520x512xf32> to vector<128x512xf32>
    %slice3A_2694 = vector.extract_strided_slice %dot_general3A_2689 {offsets = [384, 0], sizes = [128, 512], strides = [1, 1]} : vector<520x512xf32> to vector<128x512xf32>
    %add3A_2695 = arith.addf %slice3A_2693, %slice3A_2694 : vector<128x512xf32>
    %slice3A_2696 = vector.extract_strided_slice %dot_general3A_2689 {offsets = [512, 0], sizes = [1, 512], strides = [1, 1]} : vector<520x512xf32> to vector<1x512xf32>
    %slice3A_2697 = vector.extract_strided_slice %dot_general3A_2689 {offsets = [513, 0], sizes = [1, 512], strides = [1, 1]} : vector<520x512xf32> to vector<1x512xf32>
    %add3A_2698 = arith.addf %slice3A_2696, %slice3A_2697 : vector<1x512xf32>
    %lt3A_2699 = vector.broadcast %and3A_2668 : vector<1x512xi32> to vector<128x512xi32>
    %lt3A_2700 = arith.cmpi slt, %iota3A, %lt3A_2699 : vector<128x512xi32>
    %jit3A_2701 = arith.constant 0.000000e+00 : f32
    %broadcast_in_dim3A_2702 = vector.broadcast %jit3A_2701 : f32 to vector<128x512xf32>
    %select_n3A_2703 = arith.select %lt3A_2700, %add3A_2692, %broadcast_in_dim3A_2702 : vector<128x512xi1>, vector<128x512xf32>
    %reduce_sum3A_2704 = arith.constant dense<0.000000e+00> : vector<512xf32>
    %reduce_sum3A_2705 = vector.multi_reduction <add>, %select_n3A_2703, %reduce_sum3A_2704 [0] : vector<128x512xf32> to vector<512xf32>
    %broadcast_in_dim3A_2706 = vector.shape_cast %reduce_sum3A_2705 : vector<512xf32> to vector<1x512xf32>
    %eq3A_2707 = vector.broadcast %and3A_2668 : vector<1x512xi32> to vector<128x512xi32>
    %eq3A_2708 = arith.cmpi eq, %iota3A, %eq3A_2707 : vector<128x512xi32>
    %jit3A_2709 = arith.constant 0.000000e+00 : f32
    %broadcast_in_dim3A_2710 = vector.broadcast %jit3A_2709 : f32 to vector<128x512xf32>
    %select_n3A_2711 = arith.select %eq3A_2708, %add3A_2695, %broadcast_in_dim3A_2710 : vector<128x512xi1>, vector<128x512xf32>
    %reduce_sum3A_2712 = arith.constant dense<0.000000e+00> : vector<512xf32>
    %reduce_sum3A_2713 = vector.multi_reduction <add>, %select_n3A_2711, %reduce_sum3A_2712 [0] : vector<128x512xf32> to vector<512xf32>
    %broadcast_in_dim3A_2714 = vector.shape_cast %reduce_sum3A_2713 : vector<512xf32> to vector<1x512xf32>
    %add3A_2715 = arith.addf %add3A_2698, %broadcast_in_dim3A_2706 : vector<1x512xf32>
    %add3A_2716 = arith.addf %add3A_2715, %broadcast_in_dim3A_2714 : vector<1x512xf32>
    %get3A_2717 = arith.index_cast %scan3A_2657 : i32 to index
    %get3A_2718 = arith.constant 0 : index
    %get3A_2719 = vector.load %arg5[%get3A_2717, %get3A_2718] : memref<24x512xf32, #tpu.memory_space<vmem>>, vector<1x512xf32>
    %add3A_2720 = arith.addf %add3A_2716, %get3A_2719 : vector<1x512xf32>
    %convert_element_type3A_2721 = arith.fptosi %add3A_2720 : vector<1x512xf32> to vector<1x512xi32>
    %swap3A_2722 = arith.index_cast %scan3A_2657 : i32 to index
    %swap3A_2723 = arith.constant 0 : index
    %swap3A_2724 = vector.load %arg1[%swap3A_2722, %swap3A_2723] : memref<24x512xi32, #tpu.memory_space<vmem>>, vector<1x512xi32>
    tpu.vector_store %arg1[%swap3A_2722, %swap3A_2723], %convert_element_type3A_2721 {strides = array<i32>} : memref<24x512xi32, #tpu.memory_space<vmem>>, vector<1x512xi32>,
    %get3A_2725 = arith.constant 0 : index
    %get3A_2726 = arith.constant 0 : index
    %get3A_2727 = vector.load %arg4[%get3A_2725, %get3A_2726] : memref<128x128xf32, #tpu.memory_space<vmem>>, vector<128x128xf32>
    %mul3A_2728 = arith.constant 128 : i32
    %mul3A_2729 = arith.muli %scan3A_2657, %mul3A_2728 : i32
    %get3A_2730 = arith.index_cast %mul3A_2729 : i32 to index
    %get3A_2731 = arith.constant 0 : index
    %get3A_2732 = vector.load %arg2[%get3A_2730, %get3A_2731] : memref<3072x128xbf16, #tpu.memory_space<vmem>>, vector<128x128xbf16>
    %convert_element_type3A_2733 = arith.extf %get3A_2732 : vector<128x128xbf16> to vector<128x128xf32>
    %add3A_2734 = arith.addf %get3A_2727, %convert_element_type3A_2733 : vector<128x128xf32>
    %swap3A_2735 = arith.constant 0 : index
    %swap3A_2736 = arith.constant 0 : index
    %swap3A_2737 = vector.load %arg4[%swap3A_2735, %swap3A_2736] : memref<128x128xf32, #tpu.memory_space<vmem>>, vector<128x128xf32>
    tpu.vector_store %arg4[%swap3A_2735, %swap3A_2736], %add3A_2734 {strides = array<i32>} : memref<128x128xf32, #tpu.memory_space<vmem>>, vector<128x128xf32>,
    %scan3A_2738 = arith.constant 14 : i32
    %mul3A_2739 = arith.constant 512 : i32
    %mul3A_2740 = arith.muli %scan3A_2738, %mul3A_2739 : i32
    %get3A_2741 = arith.index_cast %mul3A_2740 : i32 to index
    %get3A_2742 = vector.load %arg0[%get3A_2741] : memref<12288xi32, #tpu.memory_space<vmem>>, vector<512xi32>
    %reshape3A_2743 = vector.shape_cast %get3A_2742 : vector<512xi32> to vector<1x512xi32>
    %shift_right_arithmetic3A_2744 = arith.constant 7 : i32
    %shift_right_arithmetic3A_2745 = vector.broadcast %shift_right_arithmetic3A_2744 : i32 to vector<1x512xi32>
    %shift_right_arithmetic3A_2746 = arith.shrsi %reshape3A_2743, %shift_right_arithmetic3A_2745 : vector<1x512xi32>
    %and3A_2747 = arith.constant 127 : i32
    %and3A_2748 = vector.broadcast %and3A_2747 : i32 to vector<1x512xi32>
    %and3A_2749 = arith.andi %reshape3A_2743, %and3A_2748 : vector<1x512xi32>
    %eq3A_2750 = vector.broadcast %shift_right_arithmetic3A_2746 : vector<1x512xi32> to vector<128x512xi32>
    %eq3A_2751 = arith.cmpi eq, %eq3A_2750, %iota3A : vector<128x512xi32>
    %convert_element_type3A_2752 = arith.extui %eq3A_2751 : vector<128x512xi1> to vector<128x512xi32>
    %convert_element_type3A_2753 = arith.sitofp %convert_element_type3A_2752 : vector<128x512xi32> to vector<128x512xf32>
    %convert_element_type3A_2754 = arith.truncf %convert_element_type3A_2753 : vector<128x512xf32> to vector<128x512xbf16>
    %get3A_2755 = arith.constant 0 : index
    %get3A_2756 = arith.constant 0 : index
    %get3A_2757 = vector.load %arg4[%get3A_2755, %get3A_2756] : memref<128x128xf32, #tpu.memory_space<vmem>>, vector<128x128xf32>
    %mul3A_2758 = arith.constant 3.906250e-03 : f32
    %mul3A_2759 = vector.broadcast %mul3A_2758 : f32 to vector<128x128xf32>
    %mul3A_2760 = arith.mulf %get3A_2757, %mul3A_2759 : vector<128x128xf32>
    %floor3A_2761 = math.floor %mul3A_2760 : vector<128x128xf32>
    %mul3A_2762 = arith.constant 2.560000e+02 : f32
    %mul3A_2763 = vector.broadcast %mul3A_2762 : f32 to vector<128x128xf32>
    %mul3A_2764 = arith.mulf %floor3A_2761, %mul3A_2763 : vector<128x128xf32>
    %sub3A_2765 = arith.subf %get3A_2757, %mul3A_2764 : vector<128x128xf32>
    %convert_element_type3A_2766 = arith.truncf %mul3A_2764 : vector<128x128xf32> to vector<128x128xbf16>
    %convert_element_type3A_2767 = arith.truncf %sub3A_2765 : vector<128x128xf32> to vector<128x128xbf16>
    %concatenate3A_2768 = tpu.concatenate %convert_element_type3A_1586, %convert_element_type3A_1587, %convert_element_type3A_2766, %convert_element_type3A_2767, %concatenate3A in 0 : vector<128x128xbf16>, vector<128x128xbf16>, vector<128x128xbf16>, vector<128x128xbf16>, vector<8x128xbf16> -> vector<520x128xbf16>
    %dot_general3A_2769 = arith.constant dense<0.000000e+00> : vector<520x512xf32>
    %dot_general3A_2770 = tpu.matmul %concatenate3A_2768, %convert_element_type3A_2754, %dot_general3A_2769 {dimension_numbers = #tpu.dot_dimension_numbers<[1], [0], [0], [1], [0, 0, 1, 1], [], []>, transpose_lhs_hint = false} : vector<520x128xbf16>, vector<128x512xbf16>, vector<520x512xf32> -> vector<520x512xf32>
    %slice3A_2771 = vector.extract_strided_slice %dot_general3A_2770 {offsets = [0, 0], sizes = [128, 512], strides = [1, 1]} : vector<520x512xf32> to vector<128x512xf32>
    %slice3A_2772 = vector.extract_strided_slice %dot_general3A_2770 {offsets = [128, 0], sizes = [128, 512], strides = [1, 1]} : vector<520x512xf32> to vector<128x512xf32>
    %add3A_2773 = arith.addf %slice3A_2771, %slice3A_2772 : vector<128x512xf32>
    %slice3A_2774 = vector.extract_strided_slice %dot_general3A_2770 {offsets = [256, 0], sizes = [128, 512], strides = [1, 1]} : vector<520x512xf32> to vector<128x512xf32>
    %slice3A_2775 = vector.extract_strided_slice %dot_general3A_2770 {offsets = [384, 0], sizes = [128, 512], strides = [1, 1]} : vector<520x512xf32> to vector<128x512xf32>
    %add3A_2776 = arith.addf %slice3A_2774, %slice3A_2775 : vector<128x512xf32>
    %slice3A_2777 = vector.extract_strided_slice %dot_general3A_2770 {offsets = [512, 0], sizes = [1, 512], strides = [1, 1]} : vector<520x512xf32> to vector<1x512xf32>
    %slice3A_2778 = vector.extract_strided_slice %dot_general3A_2770 {offsets = [513, 0], sizes = [1, 512], strides = [1, 1]} : vector<520x512xf32> to vector<1x512xf32>
    %add3A_2779 = arith.addf %slice3A_2777, %slice3A_2778 : vector<1x512xf32>
    %lt3A_2780 = vector.broadcast %and3A_2749 : vector<1x512xi32> to vector<128x512xi32>
    %lt3A_2781 = arith.cmpi slt, %iota3A, %lt3A_2780 : vector<128x512xi32>
    %jit3A_2782 = arith.constant 0.000000e+00 : f32
    %broadcast_in_dim3A_2783 = vector.broadcast %jit3A_2782 : f32 to vector<128x512xf32>
    %select_n3A_2784 = arith.select %lt3A_2781, %add3A_2773, %broadcast_in_dim3A_2783 : vector<128x512xi1>, vector<128x512xf32>
    %reduce_sum3A_2785 = arith.constant dense<0.000000e+00> : vector<512xf32>
    %reduce_sum3A_2786 = vector.multi_reduction <add>, %select_n3A_2784, %reduce_sum3A_2785 [0] : vector<128x512xf32> to vector<512xf32>
    %broadcast_in_dim3A_2787 = vector.shape_cast %reduce_sum3A_2786 : vector<512xf32> to vector<1x512xf32>
    %eq3A_2788 = vector.broadcast %and3A_2749 : vector<1x512xi32> to vector<128x512xi32>
    %eq3A_2789 = arith.cmpi eq, %iota3A, %eq3A_2788 : vector<128x512xi32>
    %jit3A_2790 = arith.constant 0.000000e+00 : f32
    %broadcast_in_dim3A_2791 = vector.broadcast %jit3A_2790 : f32 to vector<128x512xf32>
    %select_n3A_2792 = arith.select %eq3A_2789, %add3A_2776, %broadcast_in_dim3A_2791 : vector<128x512xi1>, vector<128x512xf32>
    %reduce_sum3A_2793 = arith.constant dense<0.000000e+00> : vector<512xf32>
    %reduce_sum3A_2794 = vector.multi_reduction <add>, %select_n3A_2792, %reduce_sum3A_2793 [0] : vector<128x512xf32> to vector<512xf32>
    %broadcast_in_dim3A_2795 = vector.shape_cast %reduce_sum3A_2794 : vector<512xf32> to vector<1x512xf32>
    %add3A_2796 = arith.addf %add3A_2779, %broadcast_in_dim3A_2787 : vector<1x512xf32>
    %add3A_2797 = arith.addf %add3A_2796, %broadcast_in_dim3A_2795 : vector<1x512xf32>
    %get3A_2798 = arith.index_cast %scan3A_2738 : i32 to index
    %get3A_2799 = arith.constant 0 : index
    %get3A_2800 = vector.load %arg5[%get3A_2798, %get3A_2799] : memref<24x512xf32, #tpu.memory_space<vmem>>, vector<1x512xf32>
    %add3A_2801 = arith.addf %add3A_2797, %get3A_2800 : vector<1x512xf32>
    %convert_element_type3A_2802 = arith.fptosi %add3A_2801 : vector<1x512xf32> to vector<1x512xi32>
    %swap3A_2803 = arith.index_cast %scan3A_2738 : i32 to index
    %swap3A_2804 = arith.constant 0 : index
    %swap3A_2805 = vector.load %arg1[%swap3A_2803, %swap3A_2804] : memref<24x512xi32, #tpu.memory_space<vmem>>, vector<1x512xi32>
    tpu.vector_store %arg1[%swap3A_2803, %swap3A_2804], %convert_element_type3A_2802 {strides = array<i32>} : memref<24x512xi32, #tpu.memory_space<vmem>>, vector<1x512xi32>,
    %get3A_2806 = arith.constant 0 : index
    %get3A_2807 = arith.constant 0 : index
    %get3A_2808 = vector.load %arg4[%get3A_2806, %get3A_2807] : memref<128x128xf32, #tpu.memory_space<vmem>>, vector<128x128xf32>
    %mul3A_2809 = arith.constant 128 : i32
    %mul3A_2810 = arith.muli %scan3A_2738, %mul3A_2809 : i32
    %get3A_2811 = arith.index_cast %mul3A_2810 : i32 to index
    %get3A_2812 = arith.constant 0 : index
    %get3A_2813 = vector.load %arg2[%get3A_2811, %get3A_2812] : memref<3072x128xbf16, #tpu.memory_space<vmem>>, vector<128x128xbf16>
    %convert_element_type3A_2814 = arith.extf %get3A_2813 : vector<128x128xbf16> to vector<128x128xf32>
    %add3A_2815 = arith.addf %get3A_2808, %convert_element_type3A_2814 : vector<128x128xf32>
    %swap3A_2816 = arith.constant 0 : index
    %swap3A_2817 = arith.constant 0 : index
    %swap3A_2818 = vector.load %arg4[%swap3A_2816, %swap3A_2817] : memref<128x128xf32, #tpu.memory_space<vmem>>, vector<128x128xf32>
    tpu.vector_store %arg4[%swap3A_2816, %swap3A_2817], %add3A_2815 {strides = array<i32>} : memref<128x128xf32, #tpu.memory_space<vmem>>, vector<128x128xf32>,
    %scan3A_2819 = arith.constant 15 : i32
    %mul3A_2820 = arith.constant 512 : i32
    %mul3A_2821 = arith.muli %scan3A_2819, %mul3A_2820 : i32
    %get3A_2822 = arith.index_cast %mul3A_2821 : i32 to index
    %get3A_2823 = vector.load %arg0[%get3A_2822] : memref<12288xi32, #tpu.memory_space<vmem>>, vector<512xi32>
    %reshape3A_2824 = vector.shape_cast %get3A_2823 : vector<512xi32> to vector<1x512xi32>
    %shift_right_arithmetic3A_2825 = arith.constant 7 : i32
    %shift_right_arithmetic3A_2826 = vector.broadcast %shift_right_arithmetic3A_2825 : i32 to vector<1x512xi32>
    %shift_right_arithmetic3A_2827 = arith.shrsi %reshape3A_2824, %shift_right_arithmetic3A_2826 : vector<1x512xi32>
    %and3A_2828 = arith.constant 127 : i32
    %and3A_2829 = vector.broadcast %and3A_2828 : i32 to vector<1x512xi32>
    %and3A_2830 = arith.andi %reshape3A_2824, %and3A_2829 : vector<1x512xi32>
    %eq3A_2831 = vector.broadcast %shift_right_arithmetic3A_2827 : vector<1x512xi32> to vector<128x512xi32>
    %eq3A_2832 = arith.cmpi eq, %eq3A_2831, %iota3A : vector<128x512xi32>
    %convert_element_type3A_2833 = arith.extui %eq3A_2832 : vector<128x512xi1> to vector<128x512xi32>
    %convert_element_type3A_2834 = arith.sitofp %convert_element_type3A_2833 : vector<128x512xi32> to vector<128x512xf32>
    %convert_element_type3A_2835 = arith.truncf %convert_element_type3A_2834 : vector<128x512xf32> to vector<128x512xbf16>
    %get3A_2836 = arith.constant 0 : index
    %get3A_2837 = arith.constant 0 : index
    %get3A_2838 = vector.load %arg4[%get3A_2836, %get3A_2837] : memref<128x128xf32, #tpu.memory_space<vmem>>, vector<128x128xf32>
    %mul3A_2839 = arith.constant 3.906250e-03 : f32
    %mul3A_2840 = vector.broadcast %mul3A_2839 : f32 to vector<128x128xf32>
    %mul3A_2841 = arith.mulf %get3A_2838, %mul3A_2840 : vector<128x128xf32>
    %floor3A_2842 = math.floor %mul3A_2841 : vector<128x128xf32>
    %mul3A_2843 = arith.constant 2.560000e+02 : f32
    %mul3A_2844 = vector.broadcast %mul3A_2843 : f32 to vector<128x128xf32>
    %mul3A_2845 = arith.mulf %floor3A_2842, %mul3A_2844 : vector<128x128xf32>
    %sub3A_2846 = arith.subf %get3A_2838, %mul3A_2845 : vector<128x128xf32>
    %convert_element_type3A_2847 = arith.truncf %mul3A_2845 : vector<128x128xf32> to vector<128x128xbf16>
    %convert_element_type3A_2848 = arith.truncf %sub3A_2846 : vector<128x128xf32> to vector<128x128xbf16>
    %concatenate3A_2849 = tpu.concatenate %convert_element_type3A_1586, %convert_element_type3A_1587, %convert_element_type3A_2847, %convert_element_type3A_2848, %concatenate3A in 0 : vector<128x128xbf16>, vector<128x128xbf16>, vector<128x128xbf16>, vector<128x128xbf16>, vector<8x128xbf16> -> vector<520x128xbf16>
    %dot_general3A_2850 = arith.constant dense<0.000000e+00> : vector<520x512xf32>
    %dot_general3A_2851 = tpu.matmul %concatenate3A_2849, %convert_element_type3A_2835, %dot_general3A_2850 {dimension_numbers = #tpu.dot_dimension_numbers<[1], [0], [0], [1], [0, 0, 1, 1], [], []>, transpose_lhs_hint = false} : vector<520x128xbf16>, vector<128x512xbf16>, vector<520x512xf32> -> vector<520x512xf32>
    %slice3A_2852 = vector.extract_strided_slice %dot_general3A_2851 {offsets = [0, 0], sizes = [128, 512], strides = [1, 1]} : vector<520x512xf32> to vector<128x512xf32>
    %slice3A_2853 = vector.extract_strided_slice %dot_general3A_2851 {offsets = [128, 0], sizes = [128, 512], strides = [1, 1]} : vector<520x512xf32> to vector<128x512xf32>
    %add3A_2854 = arith.addf %slice3A_2852, %slice3A_2853 : vector<128x512xf32>
    %slice3A_2855 = vector.extract_strided_slice %dot_general3A_2851 {offsets = [256, 0], sizes = [128, 512], strides = [1, 1]} : vector<520x512xf32> to vector<128x512xf32>
    %slice3A_2856 = vector.extract_strided_slice %dot_general3A_2851 {offsets = [384, 0], sizes = [128, 512], strides = [1, 1]} : vector<520x512xf32> to vector<128x512xf32>
    %add3A_2857 = arith.addf %slice3A_2855, %slice3A_2856 : vector<128x512xf32>
    %slice3A_2858 = vector.extract_strided_slice %dot_general3A_2851 {offsets = [512, 0], sizes = [1, 512], strides = [1, 1]} : vector<520x512xf32> to vector<1x512xf32>
    %slice3A_2859 = vector.extract_strided_slice %dot_general3A_2851 {offsets = [513, 0], sizes = [1, 512], strides = [1, 1]} : vector<520x512xf32> to vector<1x512xf32>
    %add3A_2860 = arith.addf %slice3A_2858, %slice3A_2859 : vector<1x512xf32>
    %lt3A_2861 = vector.broadcast %and3A_2830 : vector<1x512xi32> to vector<128x512xi32>
    %lt3A_2862 = arith.cmpi slt, %iota3A, %lt3A_2861 : vector<128x512xi32>
    %jit3A_2863 = arith.constant 0.000000e+00 : f32
    %broadcast_in_dim3A_2864 = vector.broadcast %jit3A_2863 : f32 to vector<128x512xf32>
    %select_n3A_2865 = arith.select %lt3A_2862, %add3A_2854, %broadcast_in_dim3A_2864 : vector<128x512xi1>, vector<128x512xf32>
    %reduce_sum3A_2866 = arith.constant dense<0.000000e+00> : vector<512xf32>
    %reduce_sum3A_2867 = vector.multi_reduction <add>, %select_n3A_2865, %reduce_sum3A_2866 [0] : vector<128x512xf32> to vector<512xf32>
    %broadcast_in_dim3A_2868 = vector.shape_cast %reduce_sum3A_2867 : vector<512xf32> to vector<1x512xf32>
    %eq3A_2869 = vector.broadcast %and3A_2830 : vector<1x512xi32> to vector<128x512xi32>
    %eq3A_2870 = arith.cmpi eq, %iota3A, %eq3A_2869 : vector<128x512xi32>
    %jit3A_2871 = arith.constant 0.000000e+00 : f32
    %broadcast_in_dim3A_2872 = vector.broadcast %jit3A_2871 : f32 to vector<128x512xf32>
    %select_n3A_2873 = arith.select %eq3A_2870, %add3A_2857, %broadcast_in_dim3A_2872 : vector<128x512xi1>, vector<128x512xf32>
    %reduce_sum3A_2874 = arith.constant dense<0.000000e+00> : vector<512xf32>
    %reduce_sum3A_2875 = vector.multi_reduction <add>, %select_n3A_2873, %reduce_sum3A_2874 [0] : vector<128x512xf32> to vector<512xf32>
    %broadcast_in_dim3A_2876 = vector.shape_cast %reduce_sum3A_2875 : vector<512xf32> to vector<1x512xf32>
    %add3A_2877 = arith.addf %add3A_2860, %broadcast_in_dim3A_2868 : vector<1x512xf32>
    %add3A_2878 = arith.addf %add3A_2877, %broadcast_in_dim3A_2876 : vector<1x512xf32>
    %get3A_2879 = arith.index_cast %scan3A_2819 : i32 to index
    %get3A_2880 = arith.constant 0 : index
    %get3A_2881 = vector.load %arg5[%get3A_2879, %get3A_2880] : memref<24x512xf32, #tpu.memory_space<vmem>>, vector<1x512xf32>
    %add3A_2882 = arith.addf %add3A_2878, %get3A_2881 : vector<1x512xf32>
    %convert_element_type3A_2883 = arith.fptosi %add3A_2882 : vector<1x512xf32> to vector<1x512xi32>
    %swap3A_2884 = arith.index_cast %scan3A_2819 : i32 to index
    %swap3A_2885 = arith.constant 0 : index
    %swap3A_2886 = vector.load %arg1[%swap3A_2884, %swap3A_2885] : memref<24x512xi32, #tpu.memory_space<vmem>>, vector<1x512xi32>
    tpu.vector_store %arg1[%swap3A_2884, %swap3A_2885], %convert_element_type3A_2883 {strides = array<i32>} : memref<24x512xi32, #tpu.memory_space<vmem>>, vector<1x512xi32>,
    %get3A_2887 = arith.constant 0 : index
    %get3A_2888 = arith.constant 0 : index
    %get3A_2889 = vector.load %arg4[%get3A_2887, %get3A_2888] : memref<128x128xf32, #tpu.memory_space<vmem>>, vector<128x128xf32>
    %mul3A_2890 = arith.constant 128 : i32
    %mul3A_2891 = arith.muli %scan3A_2819, %mul3A_2890 : i32
    %get3A_2892 = arith.index_cast %mul3A_2891 : i32 to index
    %get3A_2893 = arith.constant 0 : index
    %get3A_2894 = vector.load %arg2[%get3A_2892, %get3A_2893] : memref<3072x128xbf16, #tpu.memory_space<vmem>>, vector<128x128xbf16>
    %convert_element_type3A_2895 = arith.extf %get3A_2894 : vector<128x128xbf16> to vector<128x128xf32>
    %add3A_2896 = arith.addf %get3A_2889, %convert_element_type3A_2895 : vector<128x128xf32>
    %swap3A_2897 = arith.constant 0 : index
    %swap3A_2898 = arith.constant 0 : index
    %swap3A_2899 = vector.load %arg4[%swap3A_2897, %swap3A_2898] : memref<128x128xf32, #tpu.memory_space<vmem>>, vector<128x128xf32>
    tpu.vector_store %arg4[%swap3A_2897, %swap3A_2898], %add3A_2896 {strides = array<i32>} : memref<128x128xf32, #tpu.memory_space<vmem>>, vector<128x128xf32>,
    %scan3A_2900 = arith.constant 16 : i32
    %mul3A_2901 = arith.constant 512 : i32
    %mul3A_2902 = arith.muli %scan3A_2900, %mul3A_2901 : i32
    %get3A_2903 = arith.index_cast %mul3A_2902 : i32 to index
    %get3A_2904 = vector.load %arg0[%get3A_2903] : memref<12288xi32, #tpu.memory_space<vmem>>, vector<512xi32>
    %reshape3A_2905 = vector.shape_cast %get3A_2904 : vector<512xi32> to vector<1x512xi32>
    %shift_right_arithmetic3A_2906 = arith.constant 7 : i32
    %shift_right_arithmetic3A_2907 = vector.broadcast %shift_right_arithmetic3A_2906 : i32 to vector<1x512xi32>
    %shift_right_arithmetic3A_2908 = arith.shrsi %reshape3A_2905, %shift_right_arithmetic3A_2907 : vector<1x512xi32>
    %and3A_2909 = arith.constant 127 : i32
    %and3A_2910 = vector.broadcast %and3A_2909 : i32 to vector<1x512xi32>
    %and3A_2911 = arith.andi %reshape3A_2905, %and3A_2910 : vector<1x512xi32>
    %eq3A_2912 = vector.broadcast %shift_right_arithmetic3A_2908 : vector<1x512xi32> to vector<128x512xi32>
    %eq3A_2913 = arith.cmpi eq, %eq3A_2912, %iota3A : vector<128x512xi32>
    %convert_element_type3A_2914 = arith.extui %eq3A_2913 : vector<128x512xi1> to vector<128x512xi32>
    %convert_element_type3A_2915 = arith.sitofp %convert_element_type3A_2914 : vector<128x512xi32> to vector<128x512xf32>
    %convert_element_type3A_2916 = arith.truncf %convert_element_type3A_2915 : vector<128x512xf32> to vector<128x512xbf16>
    %get3A_2917 = arith.constant 0 : index
    %get3A_2918 = arith.constant 0 : index
    %get3A_2919 = vector.load %arg4[%get3A_2917, %get3A_2918] : memref<128x128xf32, #tpu.memory_space<vmem>>, vector<128x128xf32>
    %mul3A_2920 = arith.constant 3.906250e-03 : f32
    %mul3A_2921 = vector.broadcast %mul3A_2920 : f32 to vector<128x128xf32>
    %mul3A_2922 = arith.mulf %get3A_2919, %mul3A_2921 : vector<128x128xf32>
    %floor3A_2923 = math.floor %mul3A_2922 : vector<128x128xf32>
    %mul3A_2924 = arith.constant 2.560000e+02 : f32
    %mul3A_2925 = vector.broadcast %mul3A_2924 : f32 to vector<128x128xf32>
    %mul3A_2926 = arith.mulf %floor3A_2923, %mul3A_2925 : vector<128x128xf32>
    %sub3A_2927 = arith.subf %get3A_2919, %mul3A_2926 : vector<128x128xf32>
    %convert_element_type3A_2928 = arith.truncf %mul3A_2926 : vector<128x128xf32> to vector<128x128xbf16>
    %convert_element_type3A_2929 = arith.truncf %sub3A_2927 : vector<128x128xf32> to vector<128x128xbf16>
    %concatenate3A_2930 = tpu.concatenate %convert_element_type3A_1586, %convert_element_type3A_1587, %convert_element_type3A_2928, %convert_element_type3A_2929, %concatenate3A in 0 : vector<128x128xbf16>, vector<128x128xbf16>, vector<128x128xbf16>, vector<128x128xbf16>, vector<8x128xbf16> -> vector<520x128xbf16>
    %dot_general3A_2931 = arith.constant dense<0.000000e+00> : vector<520x512xf32>
    %dot_general3A_2932 = tpu.matmul %concatenate3A_2930, %convert_element_type3A_2916, %dot_general3A_2931 {dimension_numbers = #tpu.dot_dimension_numbers<[1], [0], [0], [1], [0, 0, 1, 1], [], []>, transpose_lhs_hint = false} : vector<520x128xbf16>, vector<128x512xbf16>, vector<520x512xf32> -> vector<520x512xf32>
    %slice3A_2933 = vector.extract_strided_slice %dot_general3A_2932 {offsets = [0, 0], sizes = [128, 512], strides = [1, 1]} : vector<520x512xf32> to vector<128x512xf32>
    %slice3A_2934 = vector.extract_strided_slice %dot_general3A_2932 {offsets = [128, 0], sizes = [128, 512], strides = [1, 1]} : vector<520x512xf32> to vector<128x512xf32>
    %add3A_2935 = arith.addf %slice3A_2933, %slice3A_2934 : vector<128x512xf32>
    %slice3A_2936 = vector.extract_strided_slice %dot_general3A_2932 {offsets = [256, 0], sizes = [128, 512], strides = [1, 1]} : vector<520x512xf32> to vector<128x512xf32>
    %slice3A_2937 = vector.extract_strided_slice %dot_general3A_2932 {offsets = [384, 0], sizes = [128, 512], strides = [1, 1]} : vector<520x512xf32> to vector<128x512xf32>
    %add3A_2938 = arith.addf %slice3A_2936, %slice3A_2937 : vector<128x512xf32>
    %slice3A_2939 = vector.extract_strided_slice %dot_general3A_2932 {offsets = [512, 0], sizes = [1, 512], strides = [1, 1]} : vector<520x512xf32> to vector<1x512xf32>
    %slice3A_2940 = vector.extract_strided_slice %dot_general3A_2932 {offsets = [513, 0], sizes = [1, 512], strides = [1, 1]} : vector<520x512xf32> to vector<1x512xf32>
    %add3A_2941 = arith.addf %slice3A_2939, %slice3A_2940 : vector<1x512xf32>
    %lt3A_2942 = vector.broadcast %and3A_2911 : vector<1x512xi32> to vector<128x512xi32>
    %lt3A_2943 = arith.cmpi slt, %iota3A, %lt3A_2942 : vector<128x512xi32>
    %jit3A_2944 = arith.constant 0.000000e+00 : f32
    %broadcast_in_dim3A_2945 = vector.broadcast %jit3A_2944 : f32 to vector<128x512xf32>
    %select_n3A_2946 = arith.select %lt3A_2943, %add3A_2935, %broadcast_in_dim3A_2945 : vector<128x512xi1>, vector<128x512xf32>
    %reduce_sum3A_2947 = arith.constant dense<0.000000e+00> : vector<512xf32>
    %reduce_sum3A_2948 = vector.multi_reduction <add>, %select_n3A_2946, %reduce_sum3A_2947 [0] : vector<128x512xf32> to vector<512xf32>
    %broadcast_in_dim3A_2949 = vector.shape_cast %reduce_sum3A_2948 : vector<512xf32> to vector<1x512xf32>
    %eq3A_2950 = vector.broadcast %and3A_2911 : vector<1x512xi32> to vector<128x512xi32>
    %eq3A_2951 = arith.cmpi eq, %iota3A, %eq3A_2950 : vector<128x512xi32>
    %jit3A_2952 = arith.constant 0.000000e+00 : f32
    %broadcast_in_dim3A_2953 = vector.broadcast %jit3A_2952 : f32 to vector<128x512xf32>
    %select_n3A_2954 = arith.select %eq3A_2951, %add3A_2938, %broadcast_in_dim3A_2953 : vector<128x512xi1>, vector<128x512xf32>
    %reduce_sum3A_2955 = arith.constant dense<0.000000e+00> : vector<512xf32>
    %reduce_sum3A_2956 = vector.multi_reduction <add>, %select_n3A_2954, %reduce_sum3A_2955 [0] : vector<128x512xf32> to vector<512xf32>
    %broadcast_in_dim3A_2957 = vector.shape_cast %reduce_sum3A_2956 : vector<512xf32> to vector<1x512xf32>
    %add3A_2958 = arith.addf %add3A_2941, %broadcast_in_dim3A_2949 : vector<1x512xf32>
    %add3A_2959 = arith.addf %add3A_2958, %broadcast_in_dim3A_2957 : vector<1x512xf32>
    %get3A_2960 = arith.index_cast %scan3A_2900 : i32 to index
    %get3A_2961 = arith.constant 0 : index
    %get3A_2962 = vector.load %arg5[%get3A_2960, %get3A_2961] : memref<24x512xf32, #tpu.memory_space<vmem>>, vector<1x512xf32>
    %add3A_2963 = arith.addf %add3A_2959, %get3A_2962 : vector<1x512xf32>
    %convert_element_type3A_2964 = arith.fptosi %add3A_2963 : vector<1x512xf32> to vector<1x512xi32>
    %swap3A_2965 = arith.index_cast %scan3A_2900 : i32 to index
    %swap3A_2966 = arith.constant 0 : index
    %swap3A_2967 = vector.load %arg1[%swap3A_2965, %swap3A_2966] : memref<24x512xi32, #tpu.memory_space<vmem>>, vector<1x512xi32>
    tpu.vector_store %arg1[%swap3A_2965, %swap3A_2966], %convert_element_type3A_2964 {strides = array<i32>} : memref<24x512xi32, #tpu.memory_space<vmem>>, vector<1x512xi32>,
    %get3A_2968 = arith.constant 0 : index
    %get3A_2969 = arith.constant 0 : index
    %get3A_2970 = vector.load %arg4[%get3A_2968, %get3A_2969] : memref<128x128xf32, #tpu.memory_space<vmem>>, vector<128x128xf32>
    %mul3A_2971 = arith.constant 128 : i32
    %mul3A_2972 = arith.muli %scan3A_2900, %mul3A_2971 : i32
    %get3A_2973 = arith.index_cast %mul3A_2972 : i32 to index
    %get3A_2974 = arith.constant 0 : index
    %get3A_2975 = vector.load %arg2[%get3A_2973, %get3A_2974] : memref<3072x128xbf16, #tpu.memory_space<vmem>>, vector<128x128xbf16>
    %convert_element_type3A_2976 = arith.extf %get3A_2975 : vector<128x128xbf16> to vector<128x128xf32>
    %add3A_2977 = arith.addf %get3A_2970, %convert_element_type3A_2976 : vector<128x128xf32>
    %swap3A_2978 = arith.constant 0 : index
    %swap3A_2979 = arith.constant 0 : index
    %swap3A_2980 = vector.load %arg4[%swap3A_2978, %swap3A_2979] : memref<128x128xf32, #tpu.memory_space<vmem>>, vector<128x128xf32>
    tpu.vector_store %arg4[%swap3A_2978, %swap3A_2979], %add3A_2977 {strides = array<i32>} : memref<128x128xf32, #tpu.memory_space<vmem>>, vector<128x128xf32>,
    %scan3A_2981 = arith.constant 17 : i32
    %mul3A_2982 = arith.constant 512 : i32
    %mul3A_2983 = arith.muli %scan3A_2981, %mul3A_2982 : i32
    %get3A_2984 = arith.index_cast %mul3A_2983 : i32 to index
    %get3A_2985 = vector.load %arg0[%get3A_2984] : memref<12288xi32, #tpu.memory_space<vmem>>, vector<512xi32>
    %reshape3A_2986 = vector.shape_cast %get3A_2985 : vector<512xi32> to vector<1x512xi32>
    %shift_right_arithmetic3A_2987 = arith.constant 7 : i32
    %shift_right_arithmetic3A_2988 = vector.broadcast %shift_right_arithmetic3A_2987 : i32 to vector<1x512xi32>
    %shift_right_arithmetic3A_2989 = arith.shrsi %reshape3A_2986, %shift_right_arithmetic3A_2988 : vector<1x512xi32>
    %and3A_2990 = arith.constant 127 : i32
    %and3A_2991 = vector.broadcast %and3A_2990 : i32 to vector<1x512xi32>
    %and3A_2992 = arith.andi %reshape3A_2986, %and3A_2991 : vector<1x512xi32>
    %eq3A_2993 = vector.broadcast %shift_right_arithmetic3A_2989 : vector<1x512xi32> to vector<128x512xi32>
    %eq3A_2994 = arith.cmpi eq, %eq3A_2993, %iota3A : vector<128x512xi32>
    %convert_element_type3A_2995 = arith.extui %eq3A_2994 : vector<128x512xi1> to vector<128x512xi32>
    %convert_element_type3A_2996 = arith.sitofp %convert_element_type3A_2995 : vector<128x512xi32> to vector<128x512xf32>
    %convert_element_type3A_2997 = arith.truncf %convert_element_type3A_2996 : vector<128x512xf32> to vector<128x512xbf16>
    %get3A_2998 = arith.constant 0 : index
    %get3A_2999 = arith.constant 0 : index
    %get3A_3000 = vector.load %arg4[%get3A_2998, %get3A_2999] : memref<128x128xf32, #tpu.memory_space<vmem>>, vector<128x128xf32>
    %mul3A_3001 = arith.constant 3.906250e-03 : f32
    %mul3A_3002 = vector.broadcast %mul3A_3001 : f32 to vector<128x128xf32>
    %mul3A_3003 = arith.mulf %get3A_3000, %mul3A_3002 : vector<128x128xf32>
    %floor3A_3004 = math.floor %mul3A_3003 : vector<128x128xf32>
    %mul3A_3005 = arith.constant 2.560000e+02 : f32
    %mul3A_3006 = vector.broadcast %mul3A_3005 : f32 to vector<128x128xf32>
    %mul3A_3007 = arith.mulf %floor3A_3004, %mul3A_3006 : vector<128x128xf32>
    %sub3A_3008 = arith.subf %get3A_3000, %mul3A_3007 : vector<128x128xf32>
    %convert_element_type3A_3009 = arith.truncf %mul3A_3007 : vector<128x128xf32> to vector<128x128xbf16>
    %convert_element_type3A_3010 = arith.truncf %sub3A_3008 : vector<128x128xf32> to vector<128x128xbf16>
    %concatenate3A_3011 = tpu.concatenate %convert_element_type3A_1586, %convert_element_type3A_1587, %convert_element_type3A_3009, %convert_element_type3A_3010, %concatenate3A in 0 : vector<128x128xbf16>, vector<128x128xbf16>, vector<128x128xbf16>, vector<128x128xbf16>, vector<8x128xbf16> -> vector<520x128xbf16>
    %dot_general3A_3012 = arith.constant dense<0.000000e+00> : vector<520x512xf32>
    %dot_general3A_3013 = tpu.matmul %concatenate3A_3011, %convert_element_type3A_2997, %dot_general3A_3012 {dimension_numbers = #tpu.dot_dimension_numbers<[1], [0], [0], [1], [0, 0, 1, 1], [], []>, transpose_lhs_hint = false} : vector<520x128xbf16>, vector<128x512xbf16>, vector<520x512xf32> -> vector<520x512xf32>
    %slice3A_3014 = vector.extract_strided_slice %dot_general3A_3013 {offsets = [0, 0], sizes = [128, 512], strides = [1, 1]} : vector<520x512xf32> to vector<128x512xf32>
    %slice3A_3015 = vector.extract_strided_slice %dot_general3A_3013 {offsets = [128, 0], sizes = [128, 512], strides = [1, 1]} : vector<520x512xf32> to vector<128x512xf32>
    %add3A_3016 = arith.addf %slice3A_3014, %slice3A_3015 : vector<128x512xf32>
    %slice3A_3017 = vector.extract_strided_slice %dot_general3A_3013 {offsets = [256, 0], sizes = [128, 512], strides = [1, 1]} : vector<520x512xf32> to vector<128x512xf32>
    %slice3A_3018 = vector.extract_strided_slice %dot_general3A_3013 {offsets = [384, 0], sizes = [128, 512], strides = [1, 1]} : vector<520x512xf32> to vector<128x512xf32>
    %add3A_3019 = arith.addf %slice3A_3017, %slice3A_3018 : vector<128x512xf32>
    %slice3A_3020 = vector.extract_strided_slice %dot_general3A_3013 {offsets = [512, 0], sizes = [1, 512], strides = [1, 1]} : vector<520x512xf32> to vector<1x512xf32>
    %slice3A_3021 = vector.extract_strided_slice %dot_general3A_3013 {offsets = [513, 0], sizes = [1, 512], strides = [1, 1]} : vector<520x512xf32> to vector<1x512xf32>
    %add3A_3022 = arith.addf %slice3A_3020, %slice3A_3021 : vector<1x512xf32>
    %lt3A_3023 = vector.broadcast %and3A_2992 : vector<1x512xi32> to vector<128x512xi32>
    %lt3A_3024 = arith.cmpi slt, %iota3A, %lt3A_3023 : vector<128x512xi32>
    %jit3A_3025 = arith.constant 0.000000e+00 : f32
    %broadcast_in_dim3A_3026 = vector.broadcast %jit3A_3025 : f32 to vector<128x512xf32>
    %select_n3A_3027 = arith.select %lt3A_3024, %add3A_3016, %broadcast_in_dim3A_3026 : vector<128x512xi1>, vector<128x512xf32>
    %reduce_sum3A_3028 = arith.constant dense<0.000000e+00> : vector<512xf32>
    %reduce_sum3A_3029 = vector.multi_reduction <add>, %select_n3A_3027, %reduce_sum3A_3028 [0] : vector<128x512xf32> to vector<512xf32>
    %broadcast_in_dim3A_3030 = vector.shape_cast %reduce_sum3A_3029 : vector<512xf32> to vector<1x512xf32>
    %eq3A_3031 = vector.broadcast %and3A_2992 : vector<1x512xi32> to vector<128x512xi32>
    %eq3A_3032 = arith.cmpi eq, %iota3A, %eq3A_3031 : vector<128x512xi32>
    %jit3A_3033 = arith.constant 0.000000e+00 : f32
    %broadcast_in_dim3A_3034 = vector.broadcast %jit3A_3033 : f32 to vector<128x512xf32>
    %select_n3A_3035 = arith.select %eq3A_3032, %add3A_3019, %broadcast_in_dim3A_3034 : vector<128x512xi1>, vector<128x512xf32>
    %reduce_sum3A_3036 = arith.constant dense<0.000000e+00> : vector<512xf32>
    %reduce_sum3A_3037 = vector.multi_reduction <add>, %select_n3A_3035, %reduce_sum3A_3036 [0] : vector<128x512xf32> to vector<512xf32>
    %broadcast_in_dim3A_3038 = vector.shape_cast %reduce_sum3A_3037 : vector<512xf32> to vector<1x512xf32>
    %add3A_3039 = arith.addf %add3A_3022, %broadcast_in_dim3A_3030 : vector<1x512xf32>
    %add3A_3040 = arith.addf %add3A_3039, %broadcast_in_dim3A_3038 : vector<1x512xf32>
    %get3A_3041 = arith.index_cast %scan3A_2981 : i32 to index
    %get3A_3042 = arith.constant 0 : index
    %get3A_3043 = vector.load %arg5[%get3A_3041, %get3A_3042] : memref<24x512xf32, #tpu.memory_space<vmem>>, vector<1x512xf32>
    %add3A_3044 = arith.addf %add3A_3040, %get3A_3043 : vector<1x512xf32>
    %convert_element_type3A_3045 = arith.fptosi %add3A_3044 : vector<1x512xf32> to vector<1x512xi32>
    %swap3A_3046 = arith.index_cast %scan3A_2981 : i32 to index
    %swap3A_3047 = arith.constant 0 : index
    %swap3A_3048 = vector.load %arg1[%swap3A_3046, %swap3A_3047] : memref<24x512xi32, #tpu.memory_space<vmem>>, vector<1x512xi32>
    tpu.vector_store %arg1[%swap3A_3046, %swap3A_3047], %convert_element_type3A_3045 {strides = array<i32>} : memref<24x512xi32, #tpu.memory_space<vmem>>, vector<1x512xi32>,
    %get3A_3049 = arith.constant 0 : index
    %get3A_3050 = arith.constant 0 : index
    %get3A_3051 = vector.load %arg4[%get3A_3049, %get3A_3050] : memref<128x128xf32, #tpu.memory_space<vmem>>, vector<128x128xf32>
    %mul3A_3052 = arith.constant 128 : i32
    %mul3A_3053 = arith.muli %scan3A_2981, %mul3A_3052 : i32
    %get3A_3054 = arith.index_cast %mul3A_3053 : i32 to index
    %get3A_3055 = arith.constant 0 : index
    %get3A_3056 = vector.load %arg2[%get3A_3054, %get3A_3055] : memref<3072x128xbf16, #tpu.memory_space<vmem>>, vector<128x128xbf16>
    %convert_element_type3A_3057 = arith.extf %get3A_3056 : vector<128x128xbf16> to vector<128x128xf32>
    %add3A_3058 = arith.addf %get3A_3051, %convert_element_type3A_3057 : vector<128x128xf32>
    %swap3A_3059 = arith.constant 0 : index
    %swap3A_3060 = arith.constant 0 : index
    %swap3A_3061 = vector.load %arg4[%swap3A_3059, %swap3A_3060] : memref<128x128xf32, #tpu.memory_space<vmem>>, vector<128x128xf32>
    tpu.vector_store %arg4[%swap3A_3059, %swap3A_3060], %add3A_3058 {strides = array<i32>} : memref<128x128xf32, #tpu.memory_space<vmem>>, vector<128x128xf32>,
    %scan3A_3062 = arith.constant 18 : i32
    %mul3A_3063 = arith.constant 512 : i32
    %mul3A_3064 = arith.muli %scan3A_3062, %mul3A_3063 : i32
    %get3A_3065 = arith.index_cast %mul3A_3064 : i32 to index
    %get3A_3066 = vector.load %arg0[%get3A_3065] : memref<12288xi32, #tpu.memory_space<vmem>>, vector<512xi32>
    %reshape3A_3067 = vector.shape_cast %get3A_3066 : vector<512xi32> to vector<1x512xi32>
    %shift_right_arithmetic3A_3068 = arith.constant 7 : i32
    %shift_right_arithmetic3A_3069 = vector.broadcast %shift_right_arithmetic3A_3068 : i32 to vector<1x512xi32>
    %shift_right_arithmetic3A_3070 = arith.shrsi %reshape3A_3067, %shift_right_arithmetic3A_3069 : vector<1x512xi32>
    %and3A_3071 = arith.constant 127 : i32
    %and3A_3072 = vector.broadcast %and3A_3071 : i32 to vector<1x512xi32>
    %and3A_3073 = arith.andi %reshape3A_3067, %and3A_3072 : vector<1x512xi32>
    %eq3A_3074 = vector.broadcast %shift_right_arithmetic3A_3070 : vector<1x512xi32> to vector<128x512xi32>
    %eq3A_3075 = arith.cmpi eq, %eq3A_3074, %iota3A : vector<128x512xi32>
    %convert_element_type3A_3076 = arith.extui %eq3A_3075 : vector<128x512xi1> to vector<128x512xi32>
    %convert_element_type3A_3077 = arith.sitofp %convert_element_type3A_3076 : vector<128x512xi32> to vector<128x512xf32>
    %convert_element_type3A_3078 = arith.truncf %convert_element_type3A_3077 : vector<128x512xf32> to vector<128x512xbf16>
    %get3A_3079 = arith.constant 0 : index
    %get3A_3080 = arith.constant 0 : index
    %get3A_3081 = vector.load %arg4[%get3A_3079, %get3A_3080] : memref<128x128xf32, #tpu.memory_space<vmem>>, vector<128x128xf32>
    %mul3A_3082 = arith.constant 3.906250e-03 : f32
    %mul3A_3083 = vector.broadcast %mul3A_3082 : f32 to vector<128x128xf32>
    %mul3A_3084 = arith.mulf %get3A_3081, %mul3A_3083 : vector<128x128xf32>
    %floor3A_3085 = math.floor %mul3A_3084 : vector<128x128xf32>
    %mul3A_3086 = arith.constant 2.560000e+02 : f32
    %mul3A_3087 = vector.broadcast %mul3A_3086 : f32 to vector<128x128xf32>
    %mul3A_3088 = arith.mulf %floor3A_3085, %mul3A_3087 : vector<128x128xf32>
    %sub3A_3089 = arith.subf %get3A_3081, %mul3A_3088 : vector<128x128xf32>
    %convert_element_type3A_3090 = arith.truncf %mul3A_3088 : vector<128x128xf32> to vector<128x128xbf16>
    %convert_element_type3A_3091 = arith.truncf %sub3A_3089 : vector<128x128xf32> to vector<128x128xbf16>
    %concatenate3A_3092 = tpu.concatenate %convert_element_type3A_1586, %convert_element_type3A_1587, %convert_element_type3A_3090, %convert_element_type3A_3091, %concatenate3A in 0 : vector<128x128xbf16>, vector<128x128xbf16>, vector<128x128xbf16>, vector<128x128xbf16>, vector<8x128xbf16> -> vector<520x128xbf16>
    %dot_general3A_3093 = arith.constant dense<0.000000e+00> : vector<520x512xf32>
    %dot_general3A_3094 = tpu.matmul %concatenate3A_3092, %convert_element_type3A_3078, %dot_general3A_3093 {dimension_numbers = #tpu.dot_dimension_numbers<[1], [0], [0], [1], [0, 0, 1, 1], [], []>, transpose_lhs_hint = false} : vector<520x128xbf16>, vector<128x512xbf16>, vector<520x512xf32> -> vector<520x512xf32>
    %slice3A_3095 = vector.extract_strided_slice %dot_general3A_3094 {offsets = [0, 0], sizes = [128, 512], strides = [1, 1]} : vector<520x512xf32> to vector<128x512xf32>
    %slice3A_3096 = vector.extract_strided_slice %dot_general3A_3094 {offsets = [128, 0], sizes = [128, 512], strides = [1, 1]} : vector<520x512xf32> to vector<128x512xf32>
    %add3A_3097 = arith.addf %slice3A_3095, %slice3A_3096 : vector<128x512xf32>
    %slice3A_3098 = vector.extract_strided_slice %dot_general3A_3094 {offsets = [256, 0], sizes = [128, 512], strides = [1, 1]} : vector<520x512xf32> to vector<128x512xf32>
    %slice3A_3099 = vector.extract_strided_slice %dot_general3A_3094 {offsets = [384, 0], sizes = [128, 512], strides = [1, 1]} : vector<520x512xf32> to vector<128x512xf32>
    %add3A_3100 = arith.addf %slice3A_3098, %slice3A_3099 : vector<128x512xf32>
    %slice3A_3101 = vector.extract_strided_slice %dot_general3A_3094 {offsets = [512, 0], sizes = [1, 512], strides = [1, 1]} : vector<520x512xf32> to vector<1x512xf32>
    %slice3A_3102 = vector.extract_strided_slice %dot_general3A_3094 {offsets = [513, 0], sizes = [1, 512], strides = [1, 1]} : vector<520x512xf32> to vector<1x512xf32>
    %add3A_3103 = arith.addf %slice3A_3101, %slice3A_3102 : vector<1x512xf32>
    %lt3A_3104 = vector.broadcast %and3A_3073 : vector<1x512xi32> to vector<128x512xi32>
    %lt3A_3105 = arith.cmpi slt, %iota3A, %lt3A_3104 : vector<128x512xi32>
    %jit3A_3106 = arith.constant 0.000000e+00 : f32
    %broadcast_in_dim3A_3107 = vector.broadcast %jit3A_3106 : f32 to vector<128x512xf32>
    %select_n3A_3108 = arith.select %lt3A_3105, %add3A_3097, %broadcast_in_dim3A_3107 : vector<128x512xi1>, vector<128x512xf32>
    %reduce_sum3A_3109 = arith.constant dense<0.000000e+00> : vector<512xf32>
    %reduce_sum3A_3110 = vector.multi_reduction <add>, %select_n3A_3108, %reduce_sum3A_3109 [0] : vector<128x512xf32> to vector<512xf32>
    %broadcast_in_dim3A_3111 = vector.shape_cast %reduce_sum3A_3110 : vector<512xf32> to vector<1x512xf32>
    %eq3A_3112 = vector.broadcast %and3A_3073 : vector<1x512xi32> to vector<128x512xi32>
    %eq3A_3113 = arith.cmpi eq, %iota3A, %eq3A_3112 : vector<128x512xi32>
    %jit3A_3114 = arith.constant 0.000000e+00 : f32
    %broadcast_in_dim3A_3115 = vector.broadcast %jit3A_3114 : f32 to vector<128x512xf32>
    %select_n3A_3116 = arith.select %eq3A_3113, %add3A_3100, %broadcast_in_dim3A_3115 : vector<128x512xi1>, vector<128x512xf32>
    %reduce_sum3A_3117 = arith.constant dense<0.000000e+00> : vector<512xf32>
    %reduce_sum3A_3118 = vector.multi_reduction <add>, %select_n3A_3116, %reduce_sum3A_3117 [0] : vector<128x512xf32> to vector<512xf32>
    %broadcast_in_dim3A_3119 = vector.shape_cast %reduce_sum3A_3118 : vector<512xf32> to vector<1x512xf32>
    %add3A_3120 = arith.addf %add3A_3103, %broadcast_in_dim3A_3111 : vector<1x512xf32>
    %add3A_3121 = arith.addf %add3A_3120, %broadcast_in_dim3A_3119 : vector<1x512xf32>
    %get3A_3122 = arith.index_cast %scan3A_3062 : i32 to index
    %get3A_3123 = arith.constant 0 : index
    %get3A_3124 = vector.load %arg5[%get3A_3122, %get3A_3123] : memref<24x512xf32, #tpu.memory_space<vmem>>, vector<1x512xf32>
    %add3A_3125 = arith.addf %add3A_3121, %get3A_3124 : vector<1x512xf32>
    %convert_element_type3A_3126 = arith.fptosi %add3A_3125 : vector<1x512xf32> to vector<1x512xi32>
    %swap3A_3127 = arith.index_cast %scan3A_3062 : i32 to index
    %swap3A_3128 = arith.constant 0 : index
    %swap3A_3129 = vector.load %arg1[%swap3A_3127, %swap3A_3128] : memref<24x512xi32, #tpu.memory_space<vmem>>, vector<1x512xi32>
    tpu.vector_store %arg1[%swap3A_3127, %swap3A_3128], %convert_element_type3A_3126 {strides = array<i32>} : memref<24x512xi32, #tpu.memory_space<vmem>>, vector<1x512xi32>,
    %get3A_3130 = arith.constant 0 : index
    %get3A_3131 = arith.constant 0 : index
    %get3A_3132 = vector.load %arg4[%get3A_3130, %get3A_3131] : memref<128x128xf32, #tpu.memory_space<vmem>>, vector<128x128xf32>
    %mul3A_3133 = arith.constant 128 : i32
    %mul3A_3134 = arith.muli %scan3A_3062, %mul3A_3133 : i32
    %get3A_3135 = arith.index_cast %mul3A_3134 : i32 to index
    %get3A_3136 = arith.constant 0 : index
    %get3A_3137 = vector.load %arg2[%get3A_3135, %get3A_3136] : memref<3072x128xbf16, #tpu.memory_space<vmem>>, vector<128x128xbf16>
    %convert_element_type3A_3138 = arith.extf %get3A_3137 : vector<128x128xbf16> to vector<128x128xf32>
    %add3A_3139 = arith.addf %get3A_3132, %convert_element_type3A_3138 : vector<128x128xf32>
    %swap3A_3140 = arith.constant 0 : index
    %swap3A_3141 = arith.constant 0 : index
    %swap3A_3142 = vector.load %arg4[%swap3A_3140, %swap3A_3141] : memref<128x128xf32, #tpu.memory_space<vmem>>, vector<128x128xf32>
    tpu.vector_store %arg4[%swap3A_3140, %swap3A_3141], %add3A_3139 {strides = array<i32>} : memref<128x128xf32, #tpu.memory_space<vmem>>, vector<128x128xf32>,
    %scan3A_3143 = arith.constant 19 : i32
    %mul3A_3144 = arith.constant 512 : i32
    %mul3A_3145 = arith.muli %scan3A_3143, %mul3A_3144 : i32
    %get3A_3146 = arith.index_cast %mul3A_3145 : i32 to index
    %get3A_3147 = vector.load %arg0[%get3A_3146] : memref<12288xi32, #tpu.memory_space<vmem>>, vector<512xi32>
    %reshape3A_3148 = vector.shape_cast %get3A_3147 : vector<512xi32> to vector<1x512xi32>
    %shift_right_arithmetic3A_3149 = arith.constant 7 : i32
    %shift_right_arithmetic3A_3150 = vector.broadcast %shift_right_arithmetic3A_3149 : i32 to vector<1x512xi32>
    %shift_right_arithmetic3A_3151 = arith.shrsi %reshape3A_3148, %shift_right_arithmetic3A_3150 : vector<1x512xi32>
    %and3A_3152 = arith.constant 127 : i32
    %and3A_3153 = vector.broadcast %and3A_3152 : i32 to vector<1x512xi32>
    %and3A_3154 = arith.andi %reshape3A_3148, %and3A_3153 : vector<1x512xi32>
    %eq3A_3155 = vector.broadcast %shift_right_arithmetic3A_3151 : vector<1x512xi32> to vector<128x512xi32>
    %eq3A_3156 = arith.cmpi eq, %eq3A_3155, %iota3A : vector<128x512xi32>
    %convert_element_type3A_3157 = arith.extui %eq3A_3156 : vector<128x512xi1> to vector<128x512xi32>
    %convert_element_type3A_3158 = arith.sitofp %convert_element_type3A_3157 : vector<128x512xi32> to vector<128x512xf32>
    %convert_element_type3A_3159 = arith.truncf %convert_element_type3A_3158 : vector<128x512xf32> to vector<128x512xbf16>
    %get3A_3160 = arith.constant 0 : index
    %get3A_3161 = arith.constant 0 : index
    %get3A_3162 = vector.load %arg4[%get3A_3160, %get3A_3161] : memref<128x128xf32, #tpu.memory_space<vmem>>, vector<128x128xf32>
    %mul3A_3163 = arith.constant 3.906250e-03 : f32
    %mul3A_3164 = vector.broadcast %mul3A_3163 : f32 to vector<128x128xf32>
    %mul3A_3165 = arith.mulf %get3A_3162, %mul3A_3164 : vector<128x128xf32>
    %floor3A_3166 = math.floor %mul3A_3165 : vector<128x128xf32>
    %mul3A_3167 = arith.constant 2.560000e+02 : f32
    %mul3A_3168 = vector.broadcast %mul3A_3167 : f32 to vector<128x128xf32>
    %mul3A_3169 = arith.mulf %floor3A_3166, %mul3A_3168 : vector<128x128xf32>
    %sub3A_3170 = arith.subf %get3A_3162, %mul3A_3169 : vector<128x128xf32>
    %convert_element_type3A_3171 = arith.truncf %mul3A_3169 : vector<128x128xf32> to vector<128x128xbf16>
    %convert_element_type3A_3172 = arith.truncf %sub3A_3170 : vector<128x128xf32> to vector<128x128xbf16>
    %concatenate3A_3173 = tpu.concatenate %convert_element_type3A_1586, %convert_element_type3A_1587, %convert_element_type3A_3171, %convert_element_type3A_3172, %concatenate3A in 0 : vector<128x128xbf16>, vector<128x128xbf16>, vector<128x128xbf16>, vector<128x128xbf16>, vector<8x128xbf16> -> vector<520x128xbf16>
    %dot_general3A_3174 = arith.constant dense<0.000000e+00> : vector<520x512xf32>
    %dot_general3A_3175 = tpu.matmul %concatenate3A_3173, %convert_element_type3A_3159, %dot_general3A_3174 {dimension_numbers = #tpu.dot_dimension_numbers<[1], [0], [0], [1], [0, 0, 1, 1], [], []>, transpose_lhs_hint = false} : vector<520x128xbf16>, vector<128x512xbf16>, vector<520x512xf32> -> vector<520x512xf32>
    %slice3A_3176 = vector.extract_strided_slice %dot_general3A_3175 {offsets = [0, 0], sizes = [128, 512], strides = [1, 1]} : vector<520x512xf32> to vector<128x512xf32>
    %slice3A_3177 = vector.extract_strided_slice %dot_general3A_3175 {offsets = [128, 0], sizes = [128, 512], strides = [1, 1]} : vector<520x512xf32> to vector<128x512xf32>
    %add3A_3178 = arith.addf %slice3A_3176, %slice3A_3177 : vector<128x512xf32>
    %slice3A_3179 = vector.extract_strided_slice %dot_general3A_3175 {offsets = [256, 0], sizes = [128, 512], strides = [1, 1]} : vector<520x512xf32> to vector<128x512xf32>
    %slice3A_3180 = vector.extract_strided_slice %dot_general3A_3175 {offsets = [384, 0], sizes = [128, 512], strides = [1, 1]} : vector<520x512xf32> to vector<128x512xf32>
    %add3A_3181 = arith.addf %slice3A_3179, %slice3A_3180 : vector<128x512xf32>
    %slice3A_3182 = vector.extract_strided_slice %dot_general3A_3175 {offsets = [512, 0], sizes = [1, 512], strides = [1, 1]} : vector<520x512xf32> to vector<1x512xf32>
    %slice3A_3183 = vector.extract_strided_slice %dot_general3A_3175 {offsets = [513, 0], sizes = [1, 512], strides = [1, 1]} : vector<520x512xf32> to vector<1x512xf32>
    %add3A_3184 = arith.addf %slice3A_3182, %slice3A_3183 : vector<1x512xf32>
    %lt3A_3185 = vector.broadcast %and3A_3154 : vector<1x512xi32> to vector<128x512xi32>
    %lt3A_3186 = arith.cmpi slt, %iota3A, %lt3A_3185 : vector<128x512xi32>
    %jit3A_3187 = arith.constant 0.000000e+00 : f32
    %broadcast_in_dim3A_3188 = vector.broadcast %jit3A_3187 : f32 to vector<128x512xf32>
    %select_n3A_3189 = arith.select %lt3A_3186, %add3A_3178, %broadcast_in_dim3A_3188 : vector<128x512xi1>, vector<128x512xf32>
    %reduce_sum3A_3190 = arith.constant dense<0.000000e+00> : vector<512xf32>
    %reduce_sum3A_3191 = vector.multi_reduction <add>, %select_n3A_3189, %reduce_sum3A_3190 [0] : vector<128x512xf32> to vector<512xf32>
    %broadcast_in_dim3A_3192 = vector.shape_cast %reduce_sum3A_3191 : vector<512xf32> to vector<1x512xf32>
    %eq3A_3193 = vector.broadcast %and3A_3154 : vector<1x512xi32> to vector<128x512xi32>
    %eq3A_3194 = arith.cmpi eq, %iota3A, %eq3A_3193 : vector<128x512xi32>
    %jit3A_3195 = arith.constant 0.000000e+00 : f32
    %broadcast_in_dim3A_3196 = vector.broadcast %jit3A_3195 : f32 to vector<128x512xf32>
    %select_n3A_3197 = arith.select %eq3A_3194, %add3A_3181, %broadcast_in_dim3A_3196 : vector<128x512xi1>, vector<128x512xf32>
    %reduce_sum3A_3198 = arith.constant dense<0.000000e+00> : vector<512xf32>
    %reduce_sum3A_3199 = vector.multi_reduction <add>, %select_n3A_3197, %reduce_sum3A_3198 [0] : vector<128x512xf32> to vector<512xf32>
    %broadcast_in_dim3A_3200 = vector.shape_cast %reduce_sum3A_3199 : vector<512xf32> to vector<1x512xf32>
    %add3A_3201 = arith.addf %add3A_3184, %broadcast_in_dim3A_3192 : vector<1x512xf32>
    %add3A_3202 = arith.addf %add3A_3201, %broadcast_in_dim3A_3200 : vector<1x512xf32>
    %get3A_3203 = arith.index_cast %scan3A_3143 : i32 to index
    %get3A_3204 = arith.constant 0 : index
    %get3A_3205 = vector.load %arg5[%get3A_3203, %get3A_3204] : memref<24x512xf32, #tpu.memory_space<vmem>>, vector<1x512xf32>
    %add3A_3206 = arith.addf %add3A_3202, %get3A_3205 : vector<1x512xf32>
    %convert_element_type3A_3207 = arith.fptosi %add3A_3206 : vector<1x512xf32> to vector<1x512xi32>
    %swap3A_3208 = arith.index_cast %scan3A_3143 : i32 to index
    %swap3A_3209 = arith.constant 0 : index
    %swap3A_3210 = vector.load %arg1[%swap3A_3208, %swap3A_3209] : memref<24x512xi32, #tpu.memory_space<vmem>>, vector<1x512xi32>
    tpu.vector_store %arg1[%swap3A_3208, %swap3A_3209], %convert_element_type3A_3207 {strides = array<i32>} : memref<24x512xi32, #tpu.memory_space<vmem>>, vector<1x512xi32>,
    %get3A_3211 = arith.constant 0 : index
    %get3A_3212 = arith.constant 0 : index
    %get3A_3213 = vector.load %arg4[%get3A_3211, %get3A_3212] : memref<128x128xf32, #tpu.memory_space<vmem>>, vector<128x128xf32>
    %mul3A_3214 = arith.constant 128 : i32
    %mul3A_3215 = arith.muli %scan3A_3143, %mul3A_3214 : i32
    %get3A_3216 = arith.index_cast %mul3A_3215 : i32 to index
    %get3A_3217 = arith.constant 0 : index
    %get3A_3218 = vector.load %arg2[%get3A_3216, %get3A_3217] : memref<3072x128xbf16, #tpu.memory_space<vmem>>, vector<128x128xbf16>
    %convert_element_type3A_3219 = arith.extf %get3A_3218 : vector<128x128xbf16> to vector<128x128xf32>
    %add3A_3220 = arith.addf %get3A_3213, %convert_element_type3A_3219 : vector<128x128xf32>
    %swap3A_3221 = arith.constant 0 : index
    %swap3A_3222 = arith.constant 0 : index
    %swap3A_3223 = vector.load %arg4[%swap3A_3221, %swap3A_3222] : memref<128x128xf32, #tpu.memory_space<vmem>>, vector<128x128xf32>
    tpu.vector_store %arg4[%swap3A_3221, %swap3A_3222], %add3A_3220 {strides = array<i32>} : memref<128x128xf32, #tpu.memory_space<vmem>>, vector<128x128xf32>,
    %scan3A_3224 = arith.constant 20 : i32
    %mul3A_3225 = arith.constant 512 : i32
    %mul3A_3226 = arith.muli %scan3A_3224, %mul3A_3225 : i32
    %get3A_3227 = arith.index_cast %mul3A_3226 : i32 to index
    %get3A_3228 = vector.load %arg0[%get3A_3227] : memref<12288xi32, #tpu.memory_space<vmem>>, vector<512xi32>
    %reshape3A_3229 = vector.shape_cast %get3A_3228 : vector<512xi32> to vector<1x512xi32>
    %shift_right_arithmetic3A_3230 = arith.constant 7 : i32
    %shift_right_arithmetic3A_3231 = vector.broadcast %shift_right_arithmetic3A_3230 : i32 to vector<1x512xi32>
    %shift_right_arithmetic3A_3232 = arith.shrsi %reshape3A_3229, %shift_right_arithmetic3A_3231 : vector<1x512xi32>
    %and3A_3233 = arith.constant 127 : i32
    %and3A_3234 = vector.broadcast %and3A_3233 : i32 to vector<1x512xi32>
    %and3A_3235 = arith.andi %reshape3A_3229, %and3A_3234 : vector<1x512xi32>
    %eq3A_3236 = vector.broadcast %shift_right_arithmetic3A_3232 : vector<1x512xi32> to vector<128x512xi32>
    %eq3A_3237 = arith.cmpi eq, %eq3A_3236, %iota3A : vector<128x512xi32>
    %convert_element_type3A_3238 = arith.extui %eq3A_3237 : vector<128x512xi1> to vector<128x512xi32>
    %convert_element_type3A_3239 = arith.sitofp %convert_element_type3A_3238 : vector<128x512xi32> to vector<128x512xf32>
    %convert_element_type3A_3240 = arith.truncf %convert_element_type3A_3239 : vector<128x512xf32> to vector<128x512xbf16>
    %get3A_3241 = arith.constant 0 : index
    %get3A_3242 = arith.constant 0 : index
    %get3A_3243 = vector.load %arg4[%get3A_3241, %get3A_3242] : memref<128x128xf32, #tpu.memory_space<vmem>>, vector<128x128xf32>
    %mul3A_3244 = arith.constant 3.906250e-03 : f32
    %mul3A_3245 = vector.broadcast %mul3A_3244 : f32 to vector<128x128xf32>
    %mul3A_3246 = arith.mulf %get3A_3243, %mul3A_3245 : vector<128x128xf32>
    %floor3A_3247 = math.floor %mul3A_3246 : vector<128x128xf32>
    %mul3A_3248 = arith.constant 2.560000e+02 : f32
    %mul3A_3249 = vector.broadcast %mul3A_3248 : f32 to vector<128x128xf32>
    %mul3A_3250 = arith.mulf %floor3A_3247, %mul3A_3249 : vector<128x128xf32>
    %sub3A_3251 = arith.subf %get3A_3243, %mul3A_3250 : vector<128x128xf32>
    %convert_element_type3A_3252 = arith.truncf %mul3A_3250 : vector<128x128xf32> to vector<128x128xbf16>
    %convert_element_type3A_3253 = arith.truncf %sub3A_3251 : vector<128x128xf32> to vector<128x128xbf16>
    %concatenate3A_3254 = tpu.concatenate %convert_element_type3A_1586, %convert_element_type3A_1587, %convert_element_type3A_3252, %convert_element_type3A_3253, %concatenate3A in 0 : vector<128x128xbf16>, vector<128x128xbf16>, vector<128x128xbf16>, vector<128x128xbf16>, vector<8x128xbf16> -> vector<520x128xbf16>
    %dot_general3A_3255 = arith.constant dense<0.000000e+00> : vector<520x512xf32>
    %dot_general3A_3256 = tpu.matmul %concatenate3A_3254, %convert_element_type3A_3240, %dot_general3A_3255 {dimension_numbers = #tpu.dot_dimension_numbers<[1], [0], [0], [1], [0, 0, 1, 1], [], []>, transpose_lhs_hint = false} : vector<520x128xbf16>, vector<128x512xbf16>, vector<520x512xf32> -> vector<520x512xf32>
    %slice3A_3257 = vector.extract_strided_slice %dot_general3A_3256 {offsets = [0, 0], sizes = [128, 512], strides = [1, 1]} : vector<520x512xf32> to vector<128x512xf32>
    %slice3A_3258 = vector.extract_strided_slice %dot_general3A_3256 {offsets = [128, 0], sizes = [128, 512], strides = [1, 1]} : vector<520x512xf32> to vector<128x512xf32>
    %add3A_3259 = arith.addf %slice3A_3257, %slice3A_3258 : vector<128x512xf32>
    %slice3A_3260 = vector.extract_strided_slice %dot_general3A_3256 {offsets = [256, 0], sizes = [128, 512], strides = [1, 1]} : vector<520x512xf32> to vector<128x512xf32>
    %slice3A_3261 = vector.extract_strided_slice %dot_general3A_3256 {offsets = [384, 0], sizes = [128, 512], strides = [1, 1]} : vector<520x512xf32> to vector<128x512xf32>
    %add3A_3262 = arith.addf %slice3A_3260, %slice3A_3261 : vector<128x512xf32>
    %slice3A_3263 = vector.extract_strided_slice %dot_general3A_3256 {offsets = [512, 0], sizes = [1, 512], strides = [1, 1]} : vector<520x512xf32> to vector<1x512xf32>
    %slice3A_3264 = vector.extract_strided_slice %dot_general3A_3256 {offsets = [513, 0], sizes = [1, 512], strides = [1, 1]} : vector<520x512xf32> to vector<1x512xf32>
    %add3A_3265 = arith.addf %slice3A_3263, %slice3A_3264 : vector<1x512xf32>
    %lt3A_3266 = vector.broadcast %and3A_3235 : vector<1x512xi32> to vector<128x512xi32>
    %lt3A_3267 = arith.cmpi slt, %iota3A, %lt3A_3266 : vector<128x512xi32>
    %jit3A_3268 = arith.constant 0.000000e+00 : f32
    %broadcast_in_dim3A_3269 = vector.broadcast %jit3A_3268 : f32 to vector<128x512xf32>
    %select_n3A_3270 = arith.select %lt3A_3267, %add3A_3259, %broadcast_in_dim3A_3269 : vector<128x512xi1>, vector<128x512xf32>
    %reduce_sum3A_3271 = arith.constant dense<0.000000e+00> : vector<512xf32>
    %reduce_sum3A_3272 = vector.multi_reduction <add>, %select_n3A_3270, %reduce_sum3A_3271 [0] : vector<128x512xf32> to vector<512xf32>
    %broadcast_in_dim3A_3273 = vector.shape_cast %reduce_sum3A_3272 : vector<512xf32> to vector<1x512xf32>
    %eq3A_3274 = vector.broadcast %and3A_3235 : vector<1x512xi32> to vector<128x512xi32>
    %eq3A_3275 = arith.cmpi eq, %iota3A, %eq3A_3274 : vector<128x512xi32>
    %jit3A_3276 = arith.constant 0.000000e+00 : f32
    %broadcast_in_dim3A_3277 = vector.broadcast %jit3A_3276 : f32 to vector<128x512xf32>
    %select_n3A_3278 = arith.select %eq3A_3275, %add3A_3262, %broadcast_in_dim3A_3277 : vector<128x512xi1>, vector<128x512xf32>
    %reduce_sum3A_3279 = arith.constant dense<0.000000e+00> : vector<512xf32>
    %reduce_sum3A_3280 = vector.multi_reduction <add>, %select_n3A_3278, %reduce_sum3A_3279 [0] : vector<128x512xf32> to vector<512xf32>
    %broadcast_in_dim3A_3281 = vector.shape_cast %reduce_sum3A_3280 : vector<512xf32> to vector<1x512xf32>
    %add3A_3282 = arith.addf %add3A_3265, %broadcast_in_dim3A_3273 : vector<1x512xf32>
    %add3A_3283 = arith.addf %add3A_3282, %broadcast_in_dim3A_3281 : vector<1x512xf32>
    %get3A_3284 = arith.index_cast %scan3A_3224 : i32 to index
    %get3A_3285 = arith.constant 0 : index
    %get3A_3286 = vector.load %arg5[%get3A_3284, %get3A_3285] : memref<24x512xf32, #tpu.memory_space<vmem>>, vector<1x512xf32>
    %add3A_3287 = arith.addf %add3A_3283, %get3A_3286 : vector<1x512xf32>
    %convert_element_type3A_3288 = arith.fptosi %add3A_3287 : vector<1x512xf32> to vector<1x512xi32>
    %swap3A_3289 = arith.index_cast %scan3A_3224 : i32 to index
    %swap3A_3290 = arith.constant 0 : index
    %swap3A_3291 = vector.load %arg1[%swap3A_3289, %swap3A_3290] : memref<24x512xi32, #tpu.memory_space<vmem>>, vector<1x512xi32>
    tpu.vector_store %arg1[%swap3A_3289, %swap3A_3290], %convert_element_type3A_3288 {strides = array<i32>} : memref<24x512xi32, #tpu.memory_space<vmem>>, vector<1x512xi32>,
    %get3A_3292 = arith.constant 0 : index
    %get3A_3293 = arith.constant 0 : index
    %get3A_3294 = vector.load %arg4[%get3A_3292, %get3A_3293] : memref<128x128xf32, #tpu.memory_space<vmem>>, vector<128x128xf32>
    %mul3A_3295 = arith.constant 128 : i32
    %mul3A_3296 = arith.muli %scan3A_3224, %mul3A_3295 : i32
    %get3A_3297 = arith.index_cast %mul3A_3296 : i32 to index
    %get3A_3298 = arith.constant 0 : index
    %get3A_3299 = vector.load %arg2[%get3A_3297, %get3A_3298] : memref<3072x128xbf16, #tpu.memory_space<vmem>>, vector<128x128xbf16>
    %convert_element_type3A_3300 = arith.extf %get3A_3299 : vector<128x128xbf16> to vector<128x128xf32>
    %add3A_3301 = arith.addf %get3A_3294, %convert_element_type3A_3300 : vector<128x128xf32>
    %swap3A_3302 = arith.constant 0 : index
    %swap3A_3303 = arith.constant 0 : index
    %swap3A_3304 = vector.load %arg4[%swap3A_3302, %swap3A_3303] : memref<128x128xf32, #tpu.memory_space<vmem>>, vector<128x128xf32>
    tpu.vector_store %arg4[%swap3A_3302, %swap3A_3303], %add3A_3301 {strides = array<i32>} : memref<128x128xf32, #tpu.memory_space<vmem>>, vector<128x128xf32>,
    %scan3A_3305 = arith.constant 21 : i32
    %mul3A_3306 = arith.constant 512 : i32
    %mul3A_3307 = arith.muli %scan3A_3305, %mul3A_3306 : i32
    %get3A_3308 = arith.index_cast %mul3A_3307 : i32 to index
    %get3A_3309 = vector.load %arg0[%get3A_3308] : memref<12288xi32, #tpu.memory_space<vmem>>, vector<512xi32>
    %reshape3A_3310 = vector.shape_cast %get3A_3309 : vector<512xi32> to vector<1x512xi32>
    %shift_right_arithmetic3A_3311 = arith.constant 7 : i32
    %shift_right_arithmetic3A_3312 = vector.broadcast %shift_right_arithmetic3A_3311 : i32 to vector<1x512xi32>
    %shift_right_arithmetic3A_3313 = arith.shrsi %reshape3A_3310, %shift_right_arithmetic3A_3312 : vector<1x512xi32>
    %and3A_3314 = arith.constant 127 : i32
    %and3A_3315 = vector.broadcast %and3A_3314 : i32 to vector<1x512xi32>
    %and3A_3316 = arith.andi %reshape3A_3310, %and3A_3315 : vector<1x512xi32>
    %eq3A_3317 = vector.broadcast %shift_right_arithmetic3A_3313 : vector<1x512xi32> to vector<128x512xi32>
    %eq3A_3318 = arith.cmpi eq, %eq3A_3317, %iota3A : vector<128x512xi32>
    %convert_element_type3A_3319 = arith.extui %eq3A_3318 : vector<128x512xi1> to vector<128x512xi32>
    %convert_element_type3A_3320 = arith.sitofp %convert_element_type3A_3319 : vector<128x512xi32> to vector<128x512xf32>
    %convert_element_type3A_3321 = arith.truncf %convert_element_type3A_3320 : vector<128x512xf32> to vector<128x512xbf16>
    %get3A_3322 = arith.constant 0 : index
    %get3A_3323 = arith.constant 0 : index
    %get3A_3324 = vector.load %arg4[%get3A_3322, %get3A_3323] : memref<128x128xf32, #tpu.memory_space<vmem>>, vector<128x128xf32>
    %mul3A_3325 = arith.constant 3.906250e-03 : f32
    %mul3A_3326 = vector.broadcast %mul3A_3325 : f32 to vector<128x128xf32>
    %mul3A_3327 = arith.mulf %get3A_3324, %mul3A_3326 : vector<128x128xf32>
    %floor3A_3328 = math.floor %mul3A_3327 : vector<128x128xf32>
    %mul3A_3329 = arith.constant 2.560000e+02 : f32
    %mul3A_3330 = vector.broadcast %mul3A_3329 : f32 to vector<128x128xf32>
    %mul3A_3331 = arith.mulf %floor3A_3328, %mul3A_3330 : vector<128x128xf32>
    %sub3A_3332 = arith.subf %get3A_3324, %mul3A_3331 : vector<128x128xf32>
    %convert_element_type3A_3333 = arith.truncf %mul3A_3331 : vector<128x128xf32> to vector<128x128xbf16>
    %convert_element_type3A_3334 = arith.truncf %sub3A_3332 : vector<128x128xf32> to vector<128x128xbf16>
    %concatenate3A_3335 = tpu.concatenate %convert_element_type3A_1586, %convert_element_type3A_1587, %convert_element_type3A_3333, %convert_element_type3A_3334, %concatenate3A in 0 : vector<128x128xbf16>, vector<128x128xbf16>, vector<128x128xbf16>, vector<128x128xbf16>, vector<8x128xbf16> -> vector<520x128xbf16>
    %dot_general3A_3336 = arith.constant dense<0.000000e+00> : vector<520x512xf32>
    %dot_general3A_3337 = tpu.matmul %concatenate3A_3335, %convert_element_type3A_3321, %dot_general3A_3336 {dimension_numbers = #tpu.dot_dimension_numbers<[1], [0], [0], [1], [0, 0, 1, 1], [], []>, transpose_lhs_hint = false} : vector<520x128xbf16>, vector<128x512xbf16>, vector<520x512xf32> -> vector<520x512xf32>
    %slice3A_3338 = vector.extract_strided_slice %dot_general3A_3337 {offsets = [0, 0], sizes = [128, 512], strides = [1, 1]} : vector<520x512xf32> to vector<128x512xf32>
    %slice3A_3339 = vector.extract_strided_slice %dot_general3A_3337 {offsets = [128, 0], sizes = [128, 512], strides = [1, 1]} : vector<520x512xf32> to vector<128x512xf32>
    %add3A_3340 = arith.addf %slice3A_3338, %slice3A_3339 : vector<128x512xf32>
    %slice3A_3341 = vector.extract_strided_slice %dot_general3A_3337 {offsets = [256, 0], sizes = [128, 512], strides = [1, 1]} : vector<520x512xf32> to vector<128x512xf32>
    %slice3A_3342 = vector.extract_strided_slice %dot_general3A_3337 {offsets = [384, 0], sizes = [128, 512], strides = [1, 1]} : vector<520x512xf32> to vector<128x512xf32>
    %add3A_3343 = arith.addf %slice3A_3341, %slice3A_3342 : vector<128x512xf32>
    %slice3A_3344 = vector.extract_strided_slice %dot_general3A_3337 {offsets = [512, 0], sizes = [1, 512], strides = [1, 1]} : vector<520x512xf32> to vector<1x512xf32>
    %slice3A_3345 = vector.extract_strided_slice %dot_general3A_3337 {offsets = [513, 0], sizes = [1, 512], strides = [1, 1]} : vector<520x512xf32> to vector<1x512xf32>
    %add3A_3346 = arith.addf %slice3A_3344, %slice3A_3345 : vector<1x512xf32>
    %lt3A_3347 = vector.broadcast %and3A_3316 : vector<1x512xi32> to vector<128x512xi32>
    %lt3A_3348 = arith.cmpi slt, %iota3A, %lt3A_3347 : vector<128x512xi32>
    %jit3A_3349 = arith.constant 0.000000e+00 : f32
    %broadcast_in_dim3A_3350 = vector.broadcast %jit3A_3349 : f32 to vector<128x512xf32>
    %select_n3A_3351 = arith.select %lt3A_3348, %add3A_3340, %broadcast_in_dim3A_3350 : vector<128x512xi1>, vector<128x512xf32>
    %reduce_sum3A_3352 = arith.constant dense<0.000000e+00> : vector<512xf32>
    %reduce_sum3A_3353 = vector.multi_reduction <add>, %select_n3A_3351, %reduce_sum3A_3352 [0] : vector<128x512xf32> to vector<512xf32>
    %broadcast_in_dim3A_3354 = vector.shape_cast %reduce_sum3A_3353 : vector<512xf32> to vector<1x512xf32>
    %eq3A_3355 = vector.broadcast %and3A_3316 : vector<1x512xi32> to vector<128x512xi32>
    %eq3A_3356 = arith.cmpi eq, %iota3A, %eq3A_3355 : vector<128x512xi32>
    %jit3A_3357 = arith.constant 0.000000e+00 : f32
    %broadcast_in_dim3A_3358 = vector.broadcast %jit3A_3357 : f32 to vector<128x512xf32>
    %select_n3A_3359 = arith.select %eq3A_3356, %add3A_3343, %broadcast_in_dim3A_3358 : vector<128x512xi1>, vector<128x512xf32>
    %reduce_sum3A_3360 = arith.constant dense<0.000000e+00> : vector<512xf32>
    %reduce_sum3A_3361 = vector.multi_reduction <add>, %select_n3A_3359, %reduce_sum3A_3360 [0] : vector<128x512xf32> to vector<512xf32>
    %broadcast_in_dim3A_3362 = vector.shape_cast %reduce_sum3A_3361 : vector<512xf32> to vector<1x512xf32>
    %add3A_3363 = arith.addf %add3A_3346, %broadcast_in_dim3A_3354 : vector<1x512xf32>
    %add3A_3364 = arith.addf %add3A_3363, %broadcast_in_dim3A_3362 : vector<1x512xf32>
    %get3A_3365 = arith.index_cast %scan3A_3305 : i32 to index
    %get3A_3366 = arith.constant 0 : index
    %get3A_3367 = vector.load %arg5[%get3A_3365, %get3A_3366] : memref<24x512xf32, #tpu.memory_space<vmem>>, vector<1x512xf32>
    %add3A_3368 = arith.addf %add3A_3364, %get3A_3367 : vector<1x512xf32>
    %convert_element_type3A_3369 = arith.fptosi %add3A_3368 : vector<1x512xf32> to vector<1x512xi32>
    %swap3A_3370 = arith.index_cast %scan3A_3305 : i32 to index
    %swap3A_3371 = arith.constant 0 : index
    %swap3A_3372 = vector.load %arg1[%swap3A_3370, %swap3A_3371] : memref<24x512xi32, #tpu.memory_space<vmem>>, vector<1x512xi32>
    tpu.vector_store %arg1[%swap3A_3370, %swap3A_3371], %convert_element_type3A_3369 {strides = array<i32>} : memref<24x512xi32, #tpu.memory_space<vmem>>, vector<1x512xi32>,
    %get3A_3373 = arith.constant 0 : index
    %get3A_3374 = arith.constant 0 : index
    %get3A_3375 = vector.load %arg4[%get3A_3373, %get3A_3374] : memref<128x128xf32, #tpu.memory_space<vmem>>, vector<128x128xf32>
    %mul3A_3376 = arith.constant 128 : i32
    %mul3A_3377 = arith.muli %scan3A_3305, %mul3A_3376 : i32
    %get3A_3378 = arith.index_cast %mul3A_3377 : i32 to index
    %get3A_3379 = arith.constant 0 : index
    %get3A_3380 = vector.load %arg2[%get3A_3378, %get3A_3379] : memref<3072x128xbf16, #tpu.memory_space<vmem>>, vector<128x128xbf16>
    %convert_element_type3A_3381 = arith.extf %get3A_3380 : vector<128x128xbf16> to vector<128x128xf32>
    %add3A_3382 = arith.addf %get3A_3375, %convert_element_type3A_3381 : vector<128x128xf32>
    %swap3A_3383 = arith.constant 0 : index
    %swap3A_3384 = arith.constant 0 : index
    %swap3A_3385 = vector.load %arg4[%swap3A_3383, %swap3A_3384] : memref<128x128xf32, #tpu.memory_space<vmem>>, vector<128x128xf32>
    tpu.vector_store %arg4[%swap3A_3383, %swap3A_3384], %add3A_3382 {strides = array<i32>} : memref<128x128xf32, #tpu.memory_space<vmem>>, vector<128x128xf32>,
    %scan3A_3386 = arith.constant 22 : i32
    %mul3A_3387 = arith.constant 512 : i32
    %mul3A_3388 = arith.muli %scan3A_3386, %mul3A_3387 : i32
    %get3A_3389 = arith.index_cast %mul3A_3388 : i32 to index
    %get3A_3390 = vector.load %arg0[%get3A_3389] : memref<12288xi32, #tpu.memory_space<vmem>>, vector<512xi32>
    %reshape3A_3391 = vector.shape_cast %get3A_3390 : vector<512xi32> to vector<1x512xi32>
    %shift_right_arithmetic3A_3392 = arith.constant 7 : i32
    %shift_right_arithmetic3A_3393 = vector.broadcast %shift_right_arithmetic3A_3392 : i32 to vector<1x512xi32>
    %shift_right_arithmetic3A_3394 = arith.shrsi %reshape3A_3391, %shift_right_arithmetic3A_3393 : vector<1x512xi32>
    %and3A_3395 = arith.constant 127 : i32
    %and3A_3396 = vector.broadcast %and3A_3395 : i32 to vector<1x512xi32>
    %and3A_3397 = arith.andi %reshape3A_3391, %and3A_3396 : vector<1x512xi32>
    %eq3A_3398 = vector.broadcast %shift_right_arithmetic3A_3394 : vector<1x512xi32> to vector<128x512xi32>
    %eq3A_3399 = arith.cmpi eq, %eq3A_3398, %iota3A : vector<128x512xi32>
    %convert_element_type3A_3400 = arith.extui %eq3A_3399 : vector<128x512xi1> to vector<128x512xi32>
    %convert_element_type3A_3401 = arith.sitofp %convert_element_type3A_3400 : vector<128x512xi32> to vector<128x512xf32>
    %convert_element_type3A_3402 = arith.truncf %convert_element_type3A_3401 : vector<128x512xf32> to vector<128x512xbf16>
    %get3A_3403 = arith.constant 0 : index
    %get3A_3404 = arith.constant 0 : index
    %get3A_3405 = vector.load %arg4[%get3A_3403, %get3A_3404] : memref<128x128xf32, #tpu.memory_space<vmem>>, vector<128x128xf32>
    %mul3A_3406 = arith.constant 3.906250e-03 : f32
    %mul3A_3407 = vector.broadcast %mul3A_3406 : f32 to vector<128x128xf32>
    %mul3A_3408 = arith.mulf %get3A_3405, %mul3A_3407 : vector<128x128xf32>
    %floor3A_3409 = math.floor %mul3A_3408 : vector<128x128xf32>
    %mul3A_3410 = arith.constant 2.560000e+02 : f32
    %mul3A_3411 = vector.broadcast %mul3A_3410 : f32 to vector<128x128xf32>
    %mul3A_3412 = arith.mulf %floor3A_3409, %mul3A_3411 : vector<128x128xf32>
    %sub3A_3413 = arith.subf %get3A_3405, %mul3A_3412 : vector<128x128xf32>
    %convert_element_type3A_3414 = arith.truncf %mul3A_3412 : vector<128x128xf32> to vector<128x128xbf16>
    %convert_element_type3A_3415 = arith.truncf %sub3A_3413 : vector<128x128xf32> to vector<128x128xbf16>
    %concatenate3A_3416 = tpu.concatenate %convert_element_type3A_1586, %convert_element_type3A_1587, %convert_element_type3A_3414, %convert_element_type3A_3415, %concatenate3A in 0 : vector<128x128xbf16>, vector<128x128xbf16>, vector<128x128xbf16>, vector<128x128xbf16>, vector<8x128xbf16> -> vector<520x128xbf16>
    %dot_general3A_3417 = arith.constant dense<0.000000e+00> : vector<520x512xf32>
    %dot_general3A_3418 = tpu.matmul %concatenate3A_3416, %convert_element_type3A_3402, %dot_general3A_3417 {dimension_numbers = #tpu.dot_dimension_numbers<[1], [0], [0], [1], [0, 0, 1, 1], [], []>, transpose_lhs_hint = false} : vector<520x128xbf16>, vector<128x512xbf16>, vector<520x512xf32> -> vector<520x512xf32>
    %slice3A_3419 = vector.extract_strided_slice %dot_general3A_3418 {offsets = [0, 0], sizes = [128, 512], strides = [1, 1]} : vector<520x512xf32> to vector<128x512xf32>
    %slice3A_3420 = vector.extract_strided_slice %dot_general3A_3418 {offsets = [128, 0], sizes = [128, 512], strides = [1, 1]} : vector<520x512xf32> to vector<128x512xf32>
    %add3A_3421 = arith.addf %slice3A_3419, %slice3A_3420 : vector<128x512xf32>
    %slice3A_3422 = vector.extract_strided_slice %dot_general3A_3418 {offsets = [256, 0], sizes = [128, 512], strides = [1, 1]} : vector<520x512xf32> to vector<128x512xf32>
    %slice3A_3423 = vector.extract_strided_slice %dot_general3A_3418 {offsets = [384, 0], sizes = [128, 512], strides = [1, 1]} : vector<520x512xf32> to vector<128x512xf32>
    %add3A_3424 = arith.addf %slice3A_3422, %slice3A_3423 : vector<128x512xf32>
    %slice3A_3425 = vector.extract_strided_slice %dot_general3A_3418 {offsets = [512, 0], sizes = [1, 512], strides = [1, 1]} : vector<520x512xf32> to vector<1x512xf32>
    %slice3A_3426 = vector.extract_strided_slice %dot_general3A_3418 {offsets = [513, 0], sizes = [1, 512], strides = [1, 1]} : vector<520x512xf32> to vector<1x512xf32>
    %add3A_3427 = arith.addf %slice3A_3425, %slice3A_3426 : vector<1x512xf32>
    %lt3A_3428 = vector.broadcast %and3A_3397 : vector<1x512xi32> to vector<128x512xi32>
    %lt3A_3429 = arith.cmpi slt, %iota3A, %lt3A_3428 : vector<128x512xi32>
    %jit3A_3430 = arith.constant 0.000000e+00 : f32
    %broadcast_in_dim3A_3431 = vector.broadcast %jit3A_3430 : f32 to vector<128x512xf32>
    %select_n3A_3432 = arith.select %lt3A_3429, %add3A_3421, %broadcast_in_dim3A_3431 : vector<128x512xi1>, vector<128x512xf32>
    %reduce_sum3A_3433 = arith.constant dense<0.000000e+00> : vector<512xf32>
    %reduce_sum3A_3434 = vector.multi_reduction <add>, %select_n3A_3432, %reduce_sum3A_3433 [0] : vector<128x512xf32> to vector<512xf32>
    %broadcast_in_dim3A_3435 = vector.shape_cast %reduce_sum3A_3434 : vector<512xf32> to vector<1x512xf32>
    %eq3A_3436 = vector.broadcast %and3A_3397 : vector<1x512xi32> to vector<128x512xi32>
    %eq3A_3437 = arith.cmpi eq, %iota3A, %eq3A_3436 : vector<128x512xi32>
    %jit3A_3438 = arith.constant 0.000000e+00 : f32
    %broadcast_in_dim3A_3439 = vector.broadcast %jit3A_3438 : f32 to vector<128x512xf32>
    %select_n3A_3440 = arith.select %eq3A_3437, %add3A_3424, %broadcast_in_dim3A_3439 : vector<128x512xi1>, vector<128x512xf32>
    %reduce_sum3A_3441 = arith.constant dense<0.000000e+00> : vector<512xf32>
    %reduce_sum3A_3442 = vector.multi_reduction <add>, %select_n3A_3440, %reduce_sum3A_3441 [0] : vector<128x512xf32> to vector<512xf32>
    %broadcast_in_dim3A_3443 = vector.shape_cast %reduce_sum3A_3442 : vector<512xf32> to vector<1x512xf32>
    %add3A_3444 = arith.addf %add3A_3427, %broadcast_in_dim3A_3435 : vector<1x512xf32>
    %add3A_3445 = arith.addf %add3A_3444, %broadcast_in_dim3A_3443 : vector<1x512xf32>
    %get3A_3446 = arith.index_cast %scan3A_3386 : i32 to index
    %get3A_3447 = arith.constant 0 : index
    %get3A_3448 = vector.load %arg5[%get3A_3446, %get3A_3447] : memref<24x512xf32, #tpu.memory_space<vmem>>, vector<1x512xf32>
    %add3A_3449 = arith.addf %add3A_3445, %get3A_3448 : vector<1x512xf32>
    %convert_element_type3A_3450 = arith.fptosi %add3A_3449 : vector<1x512xf32> to vector<1x512xi32>
    %swap3A_3451 = arith.index_cast %scan3A_3386 : i32 to index
    %swap3A_3452 = arith.constant 0 : index
    %swap3A_3453 = vector.load %arg1[%swap3A_3451, %swap3A_3452] : memref<24x512xi32, #tpu.memory_space<vmem>>, vector<1x512xi32>
    tpu.vector_store %arg1[%swap3A_3451, %swap3A_3452], %convert_element_type3A_3450 {strides = array<i32>} : memref<24x512xi32, #tpu.memory_space<vmem>>, vector<1x512xi32>,
    %get3A_3454 = arith.constant 0 : index
    %get3A_3455 = arith.constant 0 : index
    %get3A_3456 = vector.load %arg4[%get3A_3454, %get3A_3455] : memref<128x128xf32, #tpu.memory_space<vmem>>, vector<128x128xf32>
    %mul3A_3457 = arith.constant 128 : i32
    %mul3A_3458 = arith.muli %scan3A_3386, %mul3A_3457 : i32
    %get3A_3459 = arith.index_cast %mul3A_3458 : i32 to index
    %get3A_3460 = arith.constant 0 : index
    %get3A_3461 = vector.load %arg2[%get3A_3459, %get3A_3460] : memref<3072x128xbf16, #tpu.memory_space<vmem>>, vector<128x128xbf16>
    %convert_element_type3A_3462 = arith.extf %get3A_3461 : vector<128x128xbf16> to vector<128x128xf32>
    %add3A_3463 = arith.addf %get3A_3456, %convert_element_type3A_3462 : vector<128x128xf32>
    %swap3A_3464 = arith.constant 0 : index
    %swap3A_3465 = arith.constant 0 : index
    %swap3A_3466 = vector.load %arg4[%swap3A_3464, %swap3A_3465] : memref<128x128xf32, #tpu.memory_space<vmem>>, vector<128x128xf32>
    tpu.vector_store %arg4[%swap3A_3464, %swap3A_3465], %add3A_3463 {strides = array<i32>} : memref<128x128xf32, #tpu.memory_space<vmem>>, vector<128x128xf32>,
    %scan3A_3467 = arith.constant 23 : i32
    %mul3A_3468 = arith.constant 512 : i32
    %mul3A_3469 = arith.muli %scan3A_3467, %mul3A_3468 : i32
    %get3A_3470 = arith.index_cast %mul3A_3469 : i32 to index
    %get3A_3471 = vector.load %arg0[%get3A_3470] : memref<12288xi32, #tpu.memory_space<vmem>>, vector<512xi32>
    %reshape3A_3472 = vector.shape_cast %get3A_3471 : vector<512xi32> to vector<1x512xi32>
    %shift_right_arithmetic3A_3473 = arith.constant 7 : i32
    %shift_right_arithmetic3A_3474 = vector.broadcast %shift_right_arithmetic3A_3473 : i32 to vector<1x512xi32>
    %shift_right_arithmetic3A_3475 = arith.shrsi %reshape3A_3472, %shift_right_arithmetic3A_3474 : vector<1x512xi32>
    %and3A_3476 = arith.constant 127 : i32
    %and3A_3477 = vector.broadcast %and3A_3476 : i32 to vector<1x512xi32>
    %and3A_3478 = arith.andi %reshape3A_3472, %and3A_3477 : vector<1x512xi32>
    %eq3A_3479 = vector.broadcast %shift_right_arithmetic3A_3475 : vector<1x512xi32> to vector<128x512xi32>
    %eq3A_3480 = arith.cmpi eq, %eq3A_3479, %iota3A : vector<128x512xi32>
    %convert_element_type3A_3481 = arith.extui %eq3A_3480 : vector<128x512xi1> to vector<128x512xi32>
    %convert_element_type3A_3482 = arith.sitofp %convert_element_type3A_3481 : vector<128x512xi32> to vector<128x512xf32>
    %convert_element_type3A_3483 = arith.truncf %convert_element_type3A_3482 : vector<128x512xf32> to vector<128x512xbf16>
    %get3A_3484 = arith.constant 0 : index
    %get3A_3485 = arith.constant 0 : index
    %get3A_3486 = vector.load %arg4[%get3A_3484, %get3A_3485] : memref<128x128xf32, #tpu.memory_space<vmem>>, vector<128x128xf32>
    %mul3A_3487 = arith.constant 3.906250e-03 : f32
    %mul3A_3488 = vector.broadcast %mul3A_3487 : f32 to vector<128x128xf32>
    %mul3A_3489 = arith.mulf %get3A_3486, %mul3A_3488 : vector<128x128xf32>
    %floor3A_3490 = math.floor %mul3A_3489 : vector<128x128xf32>
    %mul3A_3491 = arith.constant 2.560000e+02 : f32
    %mul3A_3492 = vector.broadcast %mul3A_3491 : f32 to vector<128x128xf32>
    %mul3A_3493 = arith.mulf %floor3A_3490, %mul3A_3492 : vector<128x128xf32>
    %sub3A_3494 = arith.subf %get3A_3486, %mul3A_3493 : vector<128x128xf32>
    %convert_element_type3A_3495 = arith.truncf %mul3A_3493 : vector<128x128xf32> to vector<128x128xbf16>
    %convert_element_type3A_3496 = arith.truncf %sub3A_3494 : vector<128x128xf32> to vector<128x128xbf16>
    %concatenate3A_3497 = tpu.concatenate %convert_element_type3A_1586, %convert_element_type3A_1587, %convert_element_type3A_3495, %convert_element_type3A_3496, %concatenate3A in 0 : vector<128x128xbf16>, vector<128x128xbf16>, vector<128x128xbf16>, vector<128x128xbf16>, vector<8x128xbf16> -> vector<520x128xbf16>
    %dot_general3A_3498 = arith.constant dense<0.000000e+00> : vector<520x512xf32>
    %dot_general3A_3499 = tpu.matmul %concatenate3A_3497, %convert_element_type3A_3483, %dot_general3A_3498 {dimension_numbers = #tpu.dot_dimension_numbers<[1], [0], [0], [1], [0, 0, 1, 1], [], []>, transpose_lhs_hint = false} : vector<520x128xbf16>, vector<128x512xbf16>, vector<520x512xf32> -> vector<520x512xf32>
    %slice3A_3500 = vector.extract_strided_slice %dot_general3A_3499 {offsets = [0, 0], sizes = [128, 512], strides = [1, 1]} : vector<520x512xf32> to vector<128x512xf32>
    %slice3A_3501 = vector.extract_strided_slice %dot_general3A_3499 {offsets = [128, 0], sizes = [128, 512], strides = [1, 1]} : vector<520x512xf32> to vector<128x512xf32>
    %add3A_3502 = arith.addf %slice3A_3500, %slice3A_3501 : vector<128x512xf32>
    %slice3A_3503 = vector.extract_strided_slice %dot_general3A_3499 {offsets = [256, 0], sizes = [128, 512], strides = [1, 1]} : vector<520x512xf32> to vector<128x512xf32>
    %slice3A_3504 = vector.extract_strided_slice %dot_general3A_3499 {offsets = [384, 0], sizes = [128, 512], strides = [1, 1]} : vector<520x512xf32> to vector<128x512xf32>
    %add3A_3505 = arith.addf %slice3A_3503, %slice3A_3504 : vector<128x512xf32>
    %slice3A_3506 = vector.extract_strided_slice %dot_general3A_3499 {offsets = [512, 0], sizes = [1, 512], strides = [1, 1]} : vector<520x512xf32> to vector<1x512xf32>
    %slice3A_3507 = vector.extract_strided_slice %dot_general3A_3499 {offsets = [513, 0], sizes = [1, 512], strides = [1, 1]} : vector<520x512xf32> to vector<1x512xf32>
    %add3A_3508 = arith.addf %slice3A_3506, %slice3A_3507 : vector<1x512xf32>
    %lt3A_3509 = vector.broadcast %and3A_3478 : vector<1x512xi32> to vector<128x512xi32>
    %lt3A_3510 = arith.cmpi slt, %iota3A, %lt3A_3509 : vector<128x512xi32>
    %jit3A_3511 = arith.constant 0.000000e+00 : f32
    %broadcast_in_dim3A_3512 = vector.broadcast %jit3A_3511 : f32 to vector<128x512xf32>
    %select_n3A_3513 = arith.select %lt3A_3510, %add3A_3502, %broadcast_in_dim3A_3512 : vector<128x512xi1>, vector<128x512xf32>
    %reduce_sum3A_3514 = arith.constant dense<0.000000e+00> : vector<512xf32>
    %reduce_sum3A_3515 = vector.multi_reduction <add>, %select_n3A_3513, %reduce_sum3A_3514 [0] : vector<128x512xf32> to vector<512xf32>
    %broadcast_in_dim3A_3516 = vector.shape_cast %reduce_sum3A_3515 : vector<512xf32> to vector<1x512xf32>
    %eq3A_3517 = vector.broadcast %and3A_3478 : vector<1x512xi32> to vector<128x512xi32>
    %eq3A_3518 = arith.cmpi eq, %iota3A, %eq3A_3517 : vector<128x512xi32>
    %jit3A_3519 = arith.constant 0.000000e+00 : f32
    %broadcast_in_dim3A_3520 = vector.broadcast %jit3A_3519 : f32 to vector<128x512xf32>
    %select_n3A_3521 = arith.select %eq3A_3518, %add3A_3505, %broadcast_in_dim3A_3520 : vector<128x512xi1>, vector<128x512xf32>
    %reduce_sum3A_3522 = arith.constant dense<0.000000e+00> : vector<512xf32>
    %reduce_sum3A_3523 = vector.multi_reduction <add>, %select_n3A_3521, %reduce_sum3A_3522 [0] : vector<128x512xf32> to vector<512xf32>
    %broadcast_in_dim3A_3524 = vector.shape_cast %reduce_sum3A_3523 : vector<512xf32> to vector<1x512xf32>
    %add3A_3525 = arith.addf %add3A_3508, %broadcast_in_dim3A_3516 : vector<1x512xf32>
    %add3A_3526 = arith.addf %add3A_3525, %broadcast_in_dim3A_3524 : vector<1x512xf32>
    %get3A_3527 = arith.index_cast %scan3A_3467 : i32 to index
    %get3A_3528 = arith.constant 0 : index
    %get3A_3529 = vector.load %arg5[%get3A_3527, %get3A_3528] : memref<24x512xf32, #tpu.memory_space<vmem>>, vector<1x512xf32>
    %add3A_3530 = arith.addf %add3A_3526, %get3A_3529 : vector<1x512xf32>
    %convert_element_type3A_3531 = arith.fptosi %add3A_3530 : vector<1x512xf32> to vector<1x512xi32>
    %swap3A_3532 = arith.index_cast %scan3A_3467 : i32 to index
    %swap3A_3533 = arith.constant 0 : index
    %swap3A_3534 = vector.load %arg1[%swap3A_3532, %swap3A_3533] : memref<24x512xi32, #tpu.memory_space<vmem>>, vector<1x512xi32>
    tpu.vector_store %arg1[%swap3A_3532, %swap3A_3533], %convert_element_type3A_3531 {strides = array<i32>} : memref<24x512xi32, #tpu.memory_space<vmem>>, vector<1x512xi32>,
    %get3A_3535 = arith.constant 0 : index
    %get3A_3536 = arith.constant 0 : index
    %get3A_3537 = vector.load %arg4[%get3A_3535, %get3A_3536] : memref<128x128xf32, #tpu.memory_space<vmem>>, vector<128x128xf32>
    %mul3A_3538 = arith.constant 128 : i32
    %mul3A_3539 = arith.muli %scan3A_3467, %mul3A_3538 : i32
    %get3A_3540 = arith.index_cast %mul3A_3539 : i32 to index
    %get3A_3541 = arith.constant 0 : index
    %get3A_3542 = vector.load %arg2[%get3A_3540, %get3A_3541] : memref<3072x128xbf16, #tpu.memory_space<vmem>>, vector<128x128xbf16>
    %convert_element_type3A_3543 = arith.extf %get3A_3542 : vector<128x128xbf16> to vector<128x128xf32>
    %add3A_3544 = arith.addf %get3A_3537, %convert_element_type3A_3543 : vector<128x128xf32>
    %swap3A_3545 = arith.constant 0 : index
    %swap3A_3546 = arith.constant 0 : index
    %swap3A_3547 = vector.load %arg4[%swap3A_3545, %swap3A_3546] : memref<128x128xf32, #tpu.memory_space<vmem>>, vector<128x128xf32>
    tpu.vector_store %arg4[%swap3A_3545, %swap3A_3546], %add3A_3544 {strides = array<i32>} : memref<128x128xf32, #tpu.memory_space<vmem>>, vector<128x128xf32>,
    %scan3A_3548 = arith.constant 24 : i32
    return
  }
}

</mosaic_0001>

<sc_bundles>
// kernel: kernel.4.cloned.1.call-start
scs
__scs_entry_jumppad:
0x0: {  	(pc) =	sbr.rel $0x88, $3  }
0x1: {  	(tag) =	ssettag $0x0;
	lr =	simm.s32 $0x1  }
0x2: {  	[smem:$0x3F9D] =	sst lr;
	_ =	strace $0xD0000000  }
0x3: {  	_ = 	snop  }
0x4: {  	_ = 	snop  }
0x5: {  	_ = 	snop  }
0x6: {  	_ = 	snop  }
0x7: {  	_ = 	snop  }
__scs_overlays_trampoline_lowered:
0x8: {  	[smem:$0x3FAC] =	sst s0  }
0x9: {  	[smem:$0x3FAD] =	sst s1  }
0xa: {  	[smem:$0x3FAE] =	sst s2  }
0xb: {  	[smem:$0x3FAF] =	sst s3  }
0xc: {  	[smem:$0x3FB0] =	sst s4  }
0xd: {  	[smem:$0x3FB1] =	sst s5  }
0xe: {  	[smem:$0x3FB2] =	sst s6  }
0xf: {  	[smem:$0x3FB3] =	sst s7  }
0x10: {  	[smem:$0x3FB4] =	sst s8  }
0x11: {  	[smem:$0x3FB5] =	sst s9;
	s0 =	simm.s32 @!p0 $0x0  }
0x12: {  	s1 =	sld [smem:$0x3F9B];
	s0 =	simm.s32 @p0 $0x1  }
0x13: {  	[smem:$0x3FB6] =	sst s0;
	s0 =	simm.s32 @!p1 $0x0  }
0x14: {  	s2 =	sld [smem:$0x3F9A];
	s0 =	simm.s32 @p1 $0x1  }
0x15: {  	[smem:$0x3FB7] =	sst s0;
	s0 =	simm.s32 @!p2 $0x0  }
0x16: {  	s3 =	sld [smem:$0x3FDB];
	s0 =	simm.s32 @p2 $0x1  }
0x17: {  	s4 =	simm.s32 $0x1BF5;
	[smem:$0x3FB9] =	sst s0  }
0x18: {  	s0 =	sld [smem:$0x3F9C];
	_ =	swait.ge [sflag:s4], $0x0  }
0x19: {  	s7 =	sld [smem:$0x3F9D]  }
0x1a: {  	s8 =	sadd.s32 $0xFFFFE003, lr  }
0x1b: {  	s9 =	sadd.s32 $0xFFFFFEF7, lr;
	s5 =	simm.s32 $0xFFFFFFFF;
	p2 =	slt.u32 s8, $0xFFFFF086  }
0x1c: {  	p1 =	slt.u32 s9, $0xF7A;
	s5 =	simm.s32 @!p2 $0x0  }
0x1d: {  	s5 =	simm.s32 @p1 $0x1;
	p0 =	seq.s32 s7, s2  }
0x1e: {  	s7 =	smul.u32 @!p0 $0xF7A, s2;
	p2 =	seq.s32 @!p0 s5, $0x0  }
0x1f: {  	s9 =	smul.u32 $0xF7A, s1;
	s8 =	simm.s32 @!p0 $0x1BF5;
	p2 =	por !p2, p0  }
0x20: {  	[sflag:s8] =	ssyncset.s32 @!p0 $0xFFFFF086;
	s6 =	sadd.s32 @!p0 s3, s7;
	s7 =	simm.s32 @!p0 $0x108  }
0x21: {  	s3 =	sadd.s32 s3, s9;
	s6 =	sadd.s32 @!p0 $0x88, s6;
	s7 =	simm.s32 @p2 $0x1082  }
0x22: {  	[simem:s7], [sflag:s8] =	dma.local @!p0 [hbm:s6], $0xF7A  }
0x23: {  	s9 =	sor.u32 $0xD0000000, s2;
	s6 =	simm.s32 $0x108;
	_ =	swait.ge @!p0 [sflag:s8], $0x0  }
0x24: {  	s3 =	sadd.s32 $0x88, s3;
	s6 =	simm.s32 @!p1 $0x1082;
	[sflag:s4] =	ssyncset.s32 $0xFFFFF086  }
0x25: {  	[simem:s6], [sflag:s4] =	dma.local [hbm:s3], $0xF7A  }
0x26: {  	[smem:$0x3F9D] =	sst s1;
	(tag) =	ssettag s2;
	_ =	strace s9  }
0x27: {  	s1 =	sld [smem:$0x3FAD]  }
0x28: {  	s2 =	sld [smem:$0x3FAE]  }
0x29: {  	s4 =	sld [smem:$0x3FB0]  }
0x2a: {  	p0 =	seq.s32 s5, $0x0;
	s5 =	sld [smem:$0x3FB1]  }
0x2b: {  	s6 =	sld [smem:$0x3FB2]  }
0x2c: {  	s7 =	sld [smem:$0x3FB3]  }
0x2d: {  	s3 =	simm.s32 $0x108;
	s8 =	sld [smem:$0x3FB4]  }
0x2e: {  	s3 =	simm.s32 @!p0 $0x1082;
	s9 =	sld [smem:$0x3FB5]  }
0x2f: {  	lr =	sadd.s32 s0, s3;
	s0 =	sld [smem:$0x3FAC]  }
0x30: {  	s3 =	sld [smem:$0x3FAF]  }
0x31: {  	[smem:$0x3FB8] =	sst s10  }
0x32: {  	s10 =	sld [smem:$0x3FB6];
	_ =	sdelay $0x3  }
0x33: {  	p0 =	seq.s32 s10, $0x1;
	s10 =	sld [smem:$0x3FB8];
	_ =	sdelay $0x3  }
0x34: {  	[smem:$0x3FB8] =	sst s10  }
0x35: {  	s10 =	sld [smem:$0x3FB7];
	_ =	sdelay $0x3  }
0x36: {  	p1 =	seq.s32 s10, $0x1;
	s10 =	sld [smem:$0x3FB8];
	_ =	sdelay $0x3  }
0x37: {  	[smem:$0x3FB8] =	sst s10  }
0x38: {  	s10 =	sld [smem:$0x3FB9]  }
0x39: {  	_ = 	snop;
	(pc) =	sbr.ind lr, $3  }
0x3a: {  	_ = 	snop  }
0x3b: {  	_ = 	snop  }
0x3c: {  	p2 =	seq.s32 s10, $0x1;
	s10 =	sld [smem:$0x3FB8]  }
0x3d: {  	_ =	shalt  }
0x3e: {  	_ =	shalt  }
0x3f: {  	_ =	shalt  }
0x40: {  	_ =	shalt  }
0x41: {  	_ =	shalt  }
0x42: {  	_ =	shalt  }
0x43: {  	_ =	shalt  }
0x44: {  	_ =	shalt  }
0x45: {  	_ =	shalt  }
0x46: {  	_ =	shalt  }
0x47: {  	_ =	shalt  }
0x48: {  	_ =	shalt  }
0x49: {  	_ =	shalt  }
0x4a: {  	_ =	shalt  }
0x4b: {  	_ =	shalt  }
0x4c: {  	_ =	shalt  }
0x4d: {  	_ =	shalt  }
0x4e: {  	_ =	shalt  }
0x4f: {  	_ =	shalt  }
0x50: {  	_ =	shalt  }
0x51: {  	_ =	shalt  }
0x52: {  	_ =	shalt  }
0x53: {  	_ =	shalt  }
0x54: {  	_ =	shalt  }
0x55: {  	_ =	shalt  }
0x56: {  	_ =	shalt  }
0x57: {  	_ =	shalt  }
0x58: {  	_ =	shalt  }
0x59: {  	_ =	shalt  }
0x5a: {  	_ =	shalt  }
0x5b: {  	_ =	shalt  }
0x5c: {  	_ =	shalt  }
0x5d: {  	_ =	shalt  }
0x5e: {  	_ =	shalt  }
0x5f: {  	_ =	shalt  }
0x60: {  	_ =	shalt  }
0x61: {  	_ =	shalt  }
0x62: {  	_ =	shalt  }
0x63: {  	_ =	shalt  }
0x64: {  	_ =	shalt  }
0x65: {  	_ =	shalt  }
0x66: {  	_ =	shalt  }
0x67: {  	_ =	shalt  }
0x68: {  	_ =	shalt  }
0x69: {  	_ =	shalt  }
0x6a: {  	_ =	shalt  }
0x6b: {  	_ =	shalt  }
0x6c: {  	_ =	shalt  }
0x6d: {  	_ =	shalt  }
0x6e: {  	_ =	shalt  }
0x6f: {  	_ =	shalt  }
0x70: {  	_ =	shalt  }
0x71: {  	_ =	shalt  }
0x72: {  	_ =	shalt  }
0x73: {  	_ =	shalt  }
0x74: {  	_ =	shalt  }
0x75: {  	_ =	shalt  }
0x76: {  	_ =	shalt  }
0x77: {  	_ =	shalt  }
0x78: {  	_ =	shalt  }
0x79: {  	_ =	shalt  }
0x7a: {  	_ =	shalt  }
0x7b: {  	_ =	shalt  }
0x7c: {  	_ =	shalt  }
0x7d: {  	_ =	shalt  }
0x7e: {  	_ =	shalt  }
0x7f: {  	_ =	shalt  }
0x80: {  	_ =	shalt  }
0x81: {  	_ =	shalt  }
0x82: {  	_ =	shalt  }
0x83: {  	_ =	shalt  }
0x84: {  	_ =	shalt  }
0x85: {  	_ =	shalt  }
0x86: {  	_ =	shalt  }
0x87: {  	_ =	shalt  }
.Lfunc_end0:
.L_simem_size_0:
called_computation_lowered:
.L_overlay_start_0:
0x88: {  	s2 =	sld [smem:$0x3FD9]  }
0x89: {  	s3 =	sld [smem:$0x3FFE];
	_ =	sdelay $0x1  }
0x8a: {  	s1 =	srdreg.scid  }
0x8b: {  	s0 =	sand.u32 $0x1, s1  }
0x8c: {  	s17 =	sshll.u32 s0, $0xA;
	s2 =	sadd.s32 s3, s2  }
0x8d: {  	s2 =	sadd.s32 s2, s17  }
0x8e: {  	[smem:$0x3FC4] =	sst s2  }
0x8f: {  	_ = 	snop  }
0x90: {  	s2 =	sld [smem:$0x3FC9]  }
0x91: {  	s18 =	sld [smem:$0x3FC8]  }
0x92: {  	s4 =	sld [smem:$0x3FC7]  }
0x93: {  	s5 =	sld [smem:$0x3FD0];
	(tm) =	ssettm $0x1  }
0x94: {  	s6 =	sld [smem:$0x3FFB];
	_ =	sdelay $0x3  }
0x95: {  	_ =	strace s6  }
0x96: {  	s6 =	sld [smem:$0x3FFC];
	_ =	sdelay $0x3  }
0x97: {  	_ =	strace s6  }
0x98: {  	s6 =	sld [smem:$0x3FFD];
	_ =	sdelay $0x3  }
0x99: {  	_ =	strace s6  }
0x9a: {  	_ =	strace $0x8FFFFFFF  }
0x9b: {  	s19 =	sld [smem:$0x3FDB];
	_ =	sdelay $0x1  }
0x9c: {  	s7 =	simm.s32 $_scs_section_size  }
0x9d: {  	s8 =	simm.s32 $_size__tile_overlayer_lowered;
	s9 =	simm.s32 $_tile_overlayer_lowered  }
0x9e: {  	s22 =	simm.s32 $0x1BFF;
	s21 =	sshll.u32 s9, $0x1;
	s6 =	sadd.s32 s7, s19  }
0x9f: {  	s10 =	simm.s32 $0x0;
	s20 =	sshll.u32 s8, $0x1;
	s8 =	sadd.s32 s21, s6  }
0xa0: {  	[timem:s10], [sflag:s22] =	dma.local [hbm:s8], s20  }
0xa1: {  	_ =	swait.ge [sflag:s22], s20  }
0xa2: {  	s7 =	ssub.s32 $0x0, s20;
	[sflag:s22] =	ssyncset.done $0x0  }
0xa3: {  	[sflag:s22] =	ssyncadd.s32 s7;
	_ =	sdelay $0x1  }
0xa4: {  	s23 =	simm.s32 $0x1B8B  }
0xa5: {  	_ =	swait.ge [sflag:s23], $0x1  }
0xa6: {  	[sflag:s23] =	ssyncset.done $0x0  }
0xa7: {  	s25 =	simm.s32 $0x1B8E;
	s24 =	sld [smem:$0x3FFE];
	[sflag:s23] =	ssyncadd.s32 $0xFFFFFFFF  }
0xa8: {  	s26 =	simm.s32 $execute0_lowered;
	[smem:$0x3FD2] =	sst s25  }
0xa9: {  	s8 =	sshll.u32 s26, $0x1;
	_ =	strace $0x80000046;
	[dreg:$0x1] =	wrdreg $0xFFFFFFFF  }
0xaa: {  	s28 =	simm.s32 $_size_execute0_lowered;
	s6 =	sadd.s32 s6, s8;
	[dreg:$0x0] =	wrdreg $0x0  }
0xab: {  	s8 =	sshll.u32 s28, $0x1;
	[dreg:$0x2] =	wrdreg s6  }
0xac: {  	[dreg:$0x3] =	wrdreg s8  }
0xad: {  	[dreg:$0x4] =	wrdreg $0xC0  }
0xae: {  	_ =	task [dreg:s10], $0x5FFFF  }
0xaf: {  	[dreg:$0x1] =	wrdreg $0xFFFFFFFF  }
0xb0: {  	[dreg:$0x0] =	wrdreg $0x60  }
0xb1: {  	[dreg:$0x2] =	wrdreg s2  }
0xb2: {  	[dreg:$0x3] =	wrdreg s18  }
0xb3: {  	[dreg:$0x4] =	wrdreg s4  }
0xb4: {  	[dreg:$0x5] =	wrdreg s24  }
0xb5: {  	[dreg:$0x6] =	wrdreg s5  }
0xb6: {  	[dreg:$0x7] =	wrdreg $0x9  }
0xb7: {  	_ =	task.clear_ibuf [dreg:s10], $0x8FFFF;
	_ =	strace $0x90000046  }
0xb8: {  	s29 =	simm.s32 $0x9;
	_ =	strace $0x80000048  }
0xb9: {  	_ =	swait.ge [sflag:s29], $0x1  }
0xba: {  	[sflag:s29] =	ssyncadd.s32 $0xFFFFFFFF  }
0xbb: {  	_ =	strace $0x90000048  }
0xbc: {  	_ =	sfence  }
0xbd: {  	s30 =	sld [smem:$0x0];
	_ =	sdelay $0x2  }
0xbe: {  	s31 =	sshll.u32 s1, $0xD;
	s1 =	sshrl.u32 s1, $0x2  }
0xbf: {  	s3 =	sand.u32 $0x4000, s31;
	s1 =	sadd.s32 s1, s30  }
0xc0: {  	s0 =	sor.u32 s3, s0;
	s1 =	sshll.u32 s1, $0x11  }
0xc1: {  	s0 =	sor.u32 s1, s0  }
0xc2: {  	s0 =	sadd.s32 $0x8F2B, s0  }
0xc3: {  	[sflag:s0] =	ssyncadd.remote.s32 $0x1  }
0xc4: {  	_ =	sfence.sel $0xFFFF  }
0xc5: {  	[dreg:$0x0] =	wrdreg $0xFFFFFFFF;
	(pc) =	sbr.abs _section_cstart, $3  }
0xc6: {  	[dreg:$0x1] =	wrdreg $0xFFFFFFFF  }
0xc7: {  	_ =	task.clear_ibuf [dreg:s10], $0x2FFFF;
	_ =	strace $0x9FFFFFFF  }
0xc8: {  	(tm) =	ssettm $0x7FFFFFFF  }
0xc9: {  	_ =	shalt  }
tec
execute0_lowered:
.L_overlay_start_1:
0x0: {  	(tag) =	ssettag $0x1  }
0x1: {  	s0 =	rddreg [dreg:$0x0]  }
0x2: {  	s1 =	rddreg [dreg:$0x1]  }
0x3: {  	s5 =	rddreg [dreg:$0x2];
	s2 =	srdreg.scid  }
0x4: {  	s4 =	rddreg [dreg:$0x3];
	s9 =	stileid.u32  }
0x5: {  	s3 =	simm.s32 $0x0;
	s30 =	simm.s32 $0x200;
	s31 =	simm.s32 $0x400  }
0x6: {  	s6 =	sand.u32 $0x1, s2;
	s2 =	rddreg [dreg:$0x4];
	s8 =	sshll.u32 s9, $0x7  }
0x7: {  	[smem:$0x7FF] =	sst s3;
	s11 =	sshll.u32 s9, $0xF;
	s12 =	sshll.u32 s6, $0xE  }
0x8: {  	_ =	strace $0x80000047;
	[dreg:$0x15] =	wrdreg s30;
	s13 =	sor.u32 s12, s11  }
0x9: {  	s7 =	sshll.u32 s6, $0x6;
	[dreg:$0x16] =	wrdreg s31;
	s14 =	sadd.s32 s0, s13  }
0xa: {  	s7 =	sor.u32 s7, s8;
	s17 =	sadd.s32 s1, s13;
	[dreg:$0x9] =	wrdreg s14  }
0xb: {  	s4 =	sadd.s32 s7, s4;
	s22 =	sadd.s32 s5, s13;
	[dreg:$0xd] =	wrdreg s17  }
0xc: {  	s29 =	simm.s32 $0x2;
	s7 =	sadd.s32 $0x600, s4;
	[dreg:$0x11] =	wrdreg s22  }
0xd: {  	s28 =	simm.s32 $0x8800;
	s10 =	sadd.s32 $0xE00, s4;
	[dreg:$0x6] =	wrdreg s7  }
0xe: {  	s8 =	sor.u32 $0x1000, s13;
	s4 =	sadd.s32 $0x1600, s4;
	[dreg:$0x7] =	wrdreg s10  }
0xf: {  	s9 =	sor.u32 $0x2000, s13;
	s15 =	sadd.s32 s0, s8;
	[dreg:$0x8] =	wrdreg s4  }
0x10: {  	s21 =	ssub.s32 $0x2, s6;
	s16 =	sadd.s32 s0, s9;
	[dreg:$0xa] =	wrdreg s15  }
0x11: {  	s6 =	sadd.s32 $0x300, s2;
	s18 =	sadd.s32 s1, s8;
	[dreg:$0xb] =	wrdreg s16  }
0x12: {  	s23 =	sshrl.u32 s21, $0x1;
	s19 =	sadd.s32 s1, s9;
	[dreg:$0xe] =	wrdreg s18  }
0x13: {  	s24 =	sadd.s32 s5, s8;
	s25 =	sadd.s32 s5, s9;
	[dreg:$0xf] =	wrdreg s19  }
0x14: {  	s22 =	simm.s32 $0x6;
	s10 =	sor.u32 $0x3000, s13;
	[dreg:$0x12] =	wrdreg s24  }
0x15: {  	s4 =	sadd.s32 $0x100, s2;
	[dreg:$0x13] =	wrdreg s25;
	s24 =	simm.s32 $0x3  }
0x16: {  	s0 =	sadd.s32 s0, s10;
	s20 =	sadd.s32 s1, s10;
	s1 =	ssub.s32 s21, s23  }
0x17: {  	v2 =	vlaneseq.u32;
	s26 =	sadd.s32 s5, s10;
	s5 =	sadd.s32 $0x200, s2;
	[dreg:$0xc] =	wrdreg s0  }
0x18: {  	vm0 =	vmmov $0xffff;
	v1 =	vshrl.u32 v2, $0x3;
	s23 =	simm.s32 $0x4;
	s21 =	simm.s32 $0x5;
	[dreg:$0x10] =	wrdreg s20  }
0x19: {  	v0 =	vand.u32 $0x7, v2;
	v2 =	vor.u32 $0x8, v2;
	v1 =	vmul.u32 $0x8, v1;
	s10 =	simm.s32 $0x800;
	[dreg:$0x14] =	wrdreg s26;
	s7 =	smax.u32 s1, $0x1  }
.LBB2_1:
0x1a: {  	s25 =	rddreg [dreg:$0x6];
	s0 =	simm.s32 $0x7  }
0x1b: {  	[tilespmem:s3], [sflag:$0x7] =	stream.linear.gather [hbm4b:s25+s3], $0x200, $0x38;
	[tilespmem:$0x18800] =	vst v63  }
0x1c: {  	_ =	swait.ge [sflag:s0], $0x200  }
0x1d: {  	s18 =	rddreg [dreg:$0x7];
	[sflag:s0] =	ssyncset.done $0x0  }
0x1e: {  	s26 =	rddreg [dreg:$0x15];
	[sflag:s0] =	ssyncadd.s32 $0xFFFFFE00  }
0x1f: {  	[tilespmem:s26], [sflag:$0x7] =	stream.linear.gather [hbm4b:s18+s3], $0x200, $0x38;
	[tilespmem:$0x18800] =	vst v63  }
0x20: {  	_ =	swait.ge [sflag:s0], $0x200  }
0x21: {  	s19 =	rddreg [dreg:$0x8];
	[sflag:s0] =	ssyncset.done $0x0  }
0x22: {  	s20 =	rddreg [dreg:$0x16];
	[sflag:s0] =	ssyncadd.s32 $0xFFFFFE00  }
0x23: {  	[tilespmem:s20], [sflag:$0x7] =	stream.linear.gather [hbm4b:s19+s3], $0x200, $0x38;
	[tilespmem:$0x18800] =	vst v63  }
0x24: {  	_ =	swait.ge [sflag:s0], $0x200  }
0x25: {  	[sflag:s0] =	ssyncset.done $0x0  }
0x26: {  	s26 =	rddreg [dreg:$0x9];
	[sflag:s0] =	ssyncadd.s32 $0xFFFFFE00  }
0x27: {  	[tilespmem:s10], [sflag:$0x1] =	stream.linear.gather [hbm4b:s26+s3], $0x8000, $0x38;
	[tilespmem:$0x18800] =	vst v63  }
0x28: {  	s1 =	simm.s32 $0x1;
	s30 =	rddreg [dreg:$0xa]  }
0x29: {  	[tilespmem:s28], [sflag:$0x2] =	stream.linear.gather [hbm4b:s30+s3], $0x8000, $0x38;
	[tilespmem:$0x18800] =	vst v63  }
0x2a: {  	_ =	swait.ge [sflag:s1], $0x8000  }
0x2b: {  	[sflag:s1] =	ssyncset.done $0x0  }
0x2c: {  	[sflag:s1] =	ssyncadd.s32 $0xFFFF8000  }
0x2d: {  	v3 =	vld [tilespmem:$0x0];
	_ =	sdelay $0x4  }
0x2e: {  	v4 =	vshll.u32 v3, $0x3  }
0x2f: {  	v3 =	vand.u32 $0x7, v3;
	v4 =	vand.u32 $0xFFFFFFC0, v4  }
0x30: {  	v3 =	vor.u32 v3, v4  }
0x31: {  	v4 =	vperm.xlane v3, v0;
	_ =	sdelay $0x1  }
0x32: {  	v4 =	vadd.s32 v1, v4;
	_ =	sdelay $0x4  }
0x33: {  	[hbm4b:s2+s3] =	stream.indirect_vreg.scatter [tilespmem:s10], [sflag:$0x4], $0x80, v4, vm0, $0xb8;
	[tilespmem:$0x18800] =	vst v63  }
0x34: {  	s31 =	simm.s32 $0x1000;
	v3 =	vperm.xlane v3, v2  }
0x35: {  	[hbm4b:s4+s3] =	stream.indirect_vreg.scatter [tilespmem:s31], [sflag:$0x4], $0x80, v4, vm0, $0xb8;
	[tilespmem:$0x18800] =	vst v63  }
0x36: {  	s8 =	simm.s32 $0x1800;
	v3 =	vadd.s32 v1, v3  }
0x37: {  	[hbm4b:s5+s3] =	stream.indirect_vreg.scatter [tilespmem:s8], [sflag:$0x4], $0x80, v4, vm0, $0xb8;
	[tilespmem:$0x18800] =	vst v63  }
0x38: {  	s9 =	simm.s32 $0x2000  }
0x39: {  	[hbm4b:s6+s3] =	stream.indirect_vreg.scatter [tilespmem:s9], [sflag:$0x4], $0x80, v4, vm0, $0xb8;
	[tilespmem:$0x18800] =	vst v63  }
0x3a: {  	s11 =	simm.s32 $0x2800  }
0x3b: {  	[hbm4b:s2+s3] =	stream.indirect_vreg.scatter [tilespmem:s11], [sflag:$0x4], $0x80, v3, vm0, $0xb8;
	[tilespmem:$0x18800] =	vst v63  }
0x3c: {  	s12 =	simm.s32 $0x3000  }
0x3d: {  	[hbm4b:s4+s3] =	stream.indirect_vreg.scatter [tilespmem:s12], [sflag:$0x4], $0x80, v3, vm0, $0xb8;
	[tilespmem:$0x18800] =	vst v63  }
0x3e: {  	s13 =	simm.s32 $0x3800  }
0x3f: {  	[hbm4b:s5+s3] =	stream.indirect_vreg.scatter [tilespmem:s13], [sflag:$0x4], $0x80, v3, vm0, $0xb8;
	[tilespmem:$0x18800] =	vst v63  }
0x40: {  	s14 =	simm.s32 $0x4000  }
0x41: {  	[hbm4b:s6+s3] =	stream.indirect_vreg.scatter [tilespmem:s14], [sflag:$0x4], $0x80, v3, vm0, $0xb8;
	[tilespmem:$0x18800] =	vst v63  }
0x42: {  	v3 =	vld [tilespmem:$0x10];
	_ =	sdelay $0x4  }
0x43: {  	v41 =	vshll.u32 v3, $0x3  }
0x44: {  	v3 =	vand.u32 $0x7, v3;
	v4 =	vand.u32 $0xFFFFFFC0, v41  }
0x45: {  	v3 =	vor.u32 v3, v4  }
0x46: {  	v4 =	vperm.xlane v3, v0;
	_ =	sdelay $0x1  }
0x47: {  	v4 =	vadd.s32 v1, v4;
	_ =	sdelay $0x3  }
0x48: {  	s15 =	simm.s32 $0x4800  }
0x49: {  	[hbm4b:s2+s3] =	stream.indirect_vreg.scatter [tilespmem:s15], [sflag:$0x4], $0x80, v4, vm0, $0xb8;
	[tilespmem:$0x18800] =	vst v63  }
0x4a: {  	s19 =	simm.s32 $0x5000;
	v3 =	vperm.xlane v3, v2  }
0x4b: {  	[hbm4b:s4+s3] =	stream.indirect_vreg.scatter [tilespmem:s19], [sflag:$0x4], $0x80, v4, vm0, $0xb8;
	[tilespmem:$0x18800] =	vst v63  }
0x4c: {  	s20 =	simm.s32 $0x5800;
	v3 =	vadd.s32 v1, v3  }
0x4d: {  	[hbm4b:s5+s3] =	stream.indirect_vreg.scatter [tilespmem:s20], [sflag:$0x4], $0x80, v4, vm0, $0xb8;
	[tilespmem:$0x18800] =	vst v63  }
0x4e: {  	s25 =	simm.s32 $0x6000  }
0x4f: {  	[hbm4b:s6+s3] =	stream.indirect_vreg.scatter [tilespmem:s25], [sflag:$0x4], $0x80, v4, vm0, $0xb8;
	[tilespmem:$0x18800] =	vst v63  }
0x50: {  	s26 =	simm.s32 $0x6800  }
0x51: {  	[hbm4b:s2+s3] =	stream.indirect_vreg.scatter [tilespmem:s26], [sflag:$0x4], $0x80, v3, vm0, $0xb8;
	[tilespmem:$0x18800] =	vst v63  }
0x52: {  	s13 =	simm.s32 $0x7000  }
0x53: {  	[hbm4b:s4+s3] =	stream.indirect_vreg.scatter [tilespmem:s13], [sflag:$0x4], $0x80, v3, vm0, $0xb8;
	[tilespmem:$0x18800] =	vst v63  }
0x54: {  	s14 =	simm.s32 $0x7800  }
0x55: {  	[hbm4b:s5+s3] =	stream.indirect_vreg.scatter [tilespmem:s14], [sflag:$0x4], $0x80, v3, vm0, $0xb8;
	[tilespmem:$0x18800] =	vst v63  }
0x56: {  	s19 =	simm.s32 $0x8000  }
0x57: {  	[hbm4b:s6+s3] =	stream.indirect_vreg.scatter [tilespmem:s19], [sflag:$0x4], $0x80, v3, vm0, $0xb8;
	[tilespmem:$0x18800] =	vst v63  }
0x58: {  	s15 =	rddreg [dreg:$0xb];
	s26 =	simm.s32 $0x10800  }
0x59: {  	[tilespmem:s26], [sflag:$0x3] =	stream.linear.gather [hbm4b:s15+s3], $0x8000, $0x38;
	[tilespmem:$0x18800] =	vst v63  }
0x5a: {  	_ =	swait.ge [sflag:s29], $0x8000  }
0x5b: {  	[sflag:s29] =	ssyncset.done $0x0  }
0x5c: {  	[sflag:s29] =	ssyncadd.s32 $0xFFFF8000  }
0x5d: {  	v3 =	vld [tilespmem:$0x80];
	_ =	sdelay $0x4  }
0x5e: {  	v42 =	vshll.u32 v3, $0x3  }
0x5f: {  	v3 =	vand.u32 $0x7, v3;
	v4 =	vand.u32 $0xFFFFFFC0, v42  }
0x60: {  	v3 =	vor.u32 v3, v4  }
0x61: {  	v4 =	vperm.xlane v3, v0;
	_ =	sdelay $0x1  }
0x62: {  	v4 =	vadd.s32 v1, v4;
	_ =	sdelay $0x4  }
0x63: {  	[hbm4b:s2+s3] =	stream.indirect_vreg.scatter [tilespmem:s28], [sflag:$0x5], $0x80, v4, vm0, $0xb8;
	[tilespmem:$0x18800] =	vst v63  }
0x64: {  	s20 =	simm.s32 $0x9000;
	v3 =	vperm.xlane v3, v2  }
0x65: {  	[hbm4b:s4+s3] =	stream.indirect_vreg.scatter [tilespmem:s20], [sflag:$0x5], $0x80, v4, vm0, $0xb8;
	[tilespmem:$0x18800] =	vst v63  }
0x66: {  	s25 =	simm.s32 $0x9800;
	v3 =	vadd.s32 v1, v3  }
0x67: {  	[hbm4b:s5+s3] =	stream.indirect_vreg.scatter [tilespmem:s25], [sflag:$0x5], $0x80, v4, vm0, $0xb8;
	[tilespmem:$0x18800] =	vst v63  }
0x68: {  	s13 =	simm.s32 $0xA000  }
0x69: {  	[hbm4b:s6+s3] =	stream.indirect_vreg.scatter [tilespmem:s13], [sflag:$0x5], $0x80, v4, vm0, $0xb8;
	[tilespmem:$0x18800] =	vst v63  }
0x6a: {  	s14 =	simm.s32 $0xA800  }
0x6b: {  	[hbm4b:s2+s3] =	stream.indirect_vreg.scatter [tilespmem:s14], [sflag:$0x5], $0x80, v3, vm0, $0xb8;
	[tilespmem:$0x18800] =	vst v63  }
0x6c: {  	s15 =	simm.s32 $0xB000  }
0x6d: {  	[hbm4b:s4+s3] =	stream.indirect_vreg.scatter [tilespmem:s15], [sflag:$0x5], $0x80, v3, vm0, $0xb8;
	[tilespmem:$0x18800] =	vst v63  }
0x6e: {  	s20 =	simm.s32 $0xB800  }
0x6f: {  	[hbm4b:s5+s3] =	stream.indirect_vreg.scatter [tilespmem:s20], [sflag:$0x5], $0x80, v3, vm0, $0xb8;
	[tilespmem:$0x18800] =	vst v63  }
0x70: {  	s25 =	simm.s32 $0xC000  }
0x71: {  	[hbm4b:s6+s3] =	stream.indirect_vreg.scatter [tilespmem:s25], [sflag:$0x5], $0x80, v3, vm0, $0xb8;
	[tilespmem:$0x18800] =	vst v63  }
0x72: {  	v3 =	vld [tilespmem:$0x90];
	_ =	sdelay $0x4  }
0x73: {  	v43 =	vshll.u32 v3, $0x3  }
0x74: {  	v3 =	vand.u32 $0x7, v3;
	v4 =	vand.u32 $0xFFFFFFC0, v43  }
0x75: {  	v3 =	vor.u32 v3, v4  }
0x76: {  	v4 =	vperm.xlane v3, v0;
	_ =	sdelay $0x1  }
0x77: {  	v4 =	vadd.s32 v1, v4;
	_ =	sdelay $0x3  }
0x78: {  	s13 =	simm.s32 $0xC800  }
0x79: {  	[hbm4b:s2+s3] =	stream.indirect_vreg.scatter [tilespmem:s13], [sflag:$0x5], $0x80, v4, vm0, $0xb8;
	[tilespmem:$0x18800] =	vst v63  }
0x7a: {  	s15 =	simm.s32 $0xD000;
	v3 =	vperm.xlane v3, v2  }
0x7b: {  	[hbm4b:s4+s3] =	stream.indirect_vreg.scatter [tilespmem:s15], [sflag:$0x5], $0x80, v4, vm0, $0xb8;
	[tilespmem:$0x18800] =	vst v63  }
0x7c: {  	s20 =	simm.s32 $0xD800;
	v3 =	vadd.s32 v1, v3  }
0x7d: {  	[hbm4b:s5+s3] =	stream.indirect_vreg.scatter [tilespmem:s20], [sflag:$0x5], $0x80, v4, vm0, $0xb8;
	[tilespmem:$0x18800] =	vst v63  }
0x7e: {  	s25 =	simm.s32 $0xE000  }
0x7f: {  	[hbm4b:s6+s3] =	stream.indirect_vreg.scatter [tilespmem:s25], [sflag:$0x5], $0x80, v4, vm0, $0xb8;
	[tilespmem:$0x18800] =	vst v63  }
0x80: {  	s20 =	simm.s32 $0xE800  }
0x81: {  	[hbm4b:s2+s3] =	stream.indirect_vreg.scatter [tilespmem:s20], [sflag:$0x5], $0x80, v3, vm0, $0xb8;
	[tilespmem:$0x18800] =	vst v63  }
0x82: {  	s25 =	simm.s32 $0xF000  }
0x83: {  	[hbm4b:s4+s3] =	stream.indirect_vreg.scatter [tilespmem:s25], [sflag:$0x5], $0x80, v3, vm0, $0xb8;
	[tilespmem:$0x18800] =	vst v63  }
0x84: {  	s20 =	simm.s32 $0xF800  }
0x85: {  	[hbm4b:s5+s3] =	stream.indirect_vreg.scatter [tilespmem:s20], [sflag:$0x5], $0x80, v3, vm0, $0xb8;
	[tilespmem:$0x18800] =	vst v63  }
0x86: {  	s25 =	simm.s32 $0x10000  }
0x87: {  	[hbm4b:s6+s3] =	stream.indirect_vreg.scatter [tilespmem:s25], [sflag:$0x5], $0x80, v3, vm0, $0xb8;
	[tilespmem:$0x18800] =	vst v63  }
0x88: {  	_ =	swait.ge [sflag:s23], $0x8000  }
0x89: {  	[sflag:s23] =	ssyncset.done $0x0  }
0x8a: {  	s0 =	rddreg [dreg:$0xc];
	[sflag:s23] =	ssyncadd.s32 $0xFFFF8000  }
0x8b: {  	[tilespmem:s10], [sflag:$0x1] =	stream.linear.gather [hbm4b:s0+s3], $0x8000, $0x38;
	[tilespmem:$0x18800] =	vst v63  }
0x8c: {  	_ =	swait.ge [sflag:s24], $0x8000  }
0x8d: {  	[sflag:s24] =	ssyncset.done $0x0  }
0x8e: {  	[sflag:s24] =	ssyncadd.s32 $0xFFFF8000  }
0x8f: {  	v3 =	vld [tilespmem:$0x100];
	_ =	sdelay $0x4  }
0x90: {  	v44 =	vshll.u32 v3, $0x3  }
0x91: {  	v3 =	vand.u32 $0x7, v3;
	v4 =	vand.u32 $0xFFFFFFC0, v44  }
0x92: {  	v3 =	vor.u32 v3, v4  }
0x93: {  	v4 =	vperm.xlane v3, v0;
	_ =	sdelay $0x1  }
0x94: {  	v4 =	vadd.s32 v1, v4;
	_ =	sdelay $0x4  }
0x95: {  	[hbm4b:s2+s3] =	stream.indirect_vreg.scatter [tilespmem:s26], [sflag:$0x6], $0x80, v4, vm0, $0xb8;
	[tilespmem:$0x18800] =	vst v63  }
0x96: {  	s20 =	simm.s32 $0x11000;
	v3 =	vperm.xlane v3, v2  }
0x97: {  	[hbm4b:s4+s3] =	stream.indirect_vreg.scatter [tilespmem:s20], [sflag:$0x6], $0x80, v4, vm0, $0xb8;
	[tilespmem:$0x18800] =	vst v63  }
0x98: {  	s25 =	simm.s32 $0x11800;
	v3 =	vadd.s32 v1, v3  }
0x99: {  	[hbm4b:s5+s3] =	stream.indirect_vreg.scatter [tilespmem:s25], [sflag:$0x6], $0x80, v4, vm0, $0xb8;
	[tilespmem:$0x18800] =	vst v63  }
0x9a: {  	s20 =	simm.s32 $0x12000  }
0x9b: {  	[hbm4b:s6+s3] =	stream.indirect_vreg.scatter [tilespmem:s20], [sflag:$0x6], $0x80, v4, vm0, $0xb8;
	[tilespmem:$0x18800] =	vst v63  }
0x9c: {  	s25 =	simm.s32 $0x12800  }
0x9d: {  	[hbm4b:s2+s3] =	stream.indirect_vreg.scatter [tilespmem:s25], [sflag:$0x6], $0x80, v3, vm0, $0xb8;
	[tilespmem:$0x18800] =	vst v63  }
0x9e: {  	s25 =	simm.s32 $0x13000  }
0x9f: {  	[hbm4b:s4+s3] =	stream.indirect_vreg.scatter [tilespmem:s25], [sflag:$0x6], $0x80, v3, vm0, $0xb8;
	[tilespmem:$0x18800] =	vst v63  }
0xa0: {  	s25 =	simm.s32 $0x13800  }
0xa1: {  	[hbm4b:s5+s3] =	stream.indirect_vreg.scatter [tilespmem:s25], [sflag:$0x6], $0x80, v3, vm0, $0xb8;
	[tilespmem:$0x18800] =	vst v63  }
0xa2: {  	s25 =	simm.s32 $0x14000  }
0xa3: {  	[hbm4b:s6+s3] =	stream.indirect_vreg.scatter [tilespmem:s25], [sflag:$0x6], $0x80, v3, vm0, $0xb8;
	[tilespmem:$0x18800] =	vst v63  }
0xa4: {  	v3 =	vld [tilespmem:$0x110];
	_ =	sdelay $0x4  }
0xa5: {  	v45 =	vshll.u32 v3, $0x3  }
0xa6: {  	v3 =	vand.u32 $0x7, v3;
	v4 =	vand.u32 $0xFFFFFFC0, v45  }
0xa7: {  	v3 =	vor.u32 v3, v4  }
0xa8: {  	v4 =	vperm.xlane v3, v0;
	_ =	sdelay $0x1  }
0xa9: {  	v4 =	vadd.s32 v1, v4;
	_ =	sdelay $0x3  }
0xaa: {  	s25 =	simm.s32 $0x14800  }
0xab: {  	[hbm4b:s2+s3] =	stream.indirect_vreg.scatter [tilespmem:s25], [sflag:$0x6], $0x80, v4, vm0, $0xb8;
	[tilespmem:$0x18800] =	vst v63  }
0xac: {  	v3 =	vperm.xlane v3, v2;
	s25 =	simm.s32 $0x15000  }
0xad: {  	[hbm4b:s4+s3] =	stream.indirect_vreg.scatter [tilespmem:s25], [sflag:$0x6], $0x80, v4, vm0, $0xb8;
	[tilespmem:$0x18800] =	vst v63  }
0xae: {  	v3 =	vadd.s32 v1, v3;
	s25 =	simm.s32 $0x15800  }
0xaf: {  	[hbm4b:s5+s3] =	stream.indirect_vreg.scatter [tilespmem:s25], [sflag:$0x6], $0x80, v4, vm0, $0xb8;
	[tilespmem:$0x18800] =	vst v63  }
0xb0: {  	s25 =	simm.s32 $0x16000  }
0xb1: {  	[hbm4b:s6+s3] =	stream.indirect_vreg.scatter [tilespmem:s25], [sflag:$0x6], $0x80, v4, vm0, $0xb8;
	[tilespmem:$0x18800] =	vst v63  }
0xb2: {  	s25 =	simm.s32 $0x16800  }
0xb3: {  	[hbm4b:s2+s3] =	stream.indirect_vreg.scatter [tilespmem:s25], [sflag:$0x6], $0x80, v3, vm0, $0xb8;
	[tilespmem:$0x18800] =	vst v63  }
0xb4: {  	s25 =	simm.s32 $0x17000  }
0xb5: {  	[hbm4b:s4+s3] =	stream.indirect_vreg.scatter [tilespmem:s25], [sflag:$0x6], $0x80, v3, vm0, $0xb8;
	[tilespmem:$0x18800] =	vst v63  }
0xb6: {  	s25 =	simm.s32 $0x17800  }
0xb7: {  	[hbm4b:s5+s3] =	stream.indirect_vreg.scatter [tilespmem:s25], [sflag:$0x6], $0x80, v3, vm0, $0xb8;
	[tilespmem:$0x18800] =	vst v63  }
0xb8: {  	s25 =	simm.s32 $0x18000  }
0xb9: {  	[hbm4b:s6+s3] =	stream.indirect_vreg.scatter [tilespmem:s25], [sflag:$0x6], $0x80, v3, vm0, $0xb8;
	[tilespmem:$0x18800] =	vst v63  }
0xba: {  	_ =	swait.ge [sflag:s21], $0x8000  }
0xbb: {  	[sflag:s21] =	ssyncset.done $0x0  }
0xbc: {  	s0 =	rddreg [dreg:$0xd];
	[sflag:s21] =	ssyncadd.s32 $0xFFFF8000  }
0xbd: {  	[tilespmem:s28], [sflag:$0x2] =	stream.linear.gather [hbm4b:s0+s3], $0x8000, $0x38;
	[tilespmem:$0x18800] =	vst v63  }
0xbe: {  	_ =	swait.ge [sflag:s1], $0x8000  }
0xbf: {  	[sflag:s1] =	ssyncset.done $0x0  }
0xc0: {  	[sflag:s1] =	ssyncadd.s32 $0xFFFF8000  }
0xc1: {  	v3 =	vld [tilespmem:$0x180];
	_ =	sdelay $0x4  }
0xc2: {  	v46 =	vshll.u32 v3, $0x3  }
0xc3: {  	v3 =	vand.u32 $0x7, v3;
	v4 =	vand.u32 $0xFFFFFFC0, v46  }
0xc4: {  	v3 =	vor.u32 v3, v4  }
0xc5: {  	v4 =	vperm.xlane v3, v0;
	_ =	sdelay $0x1  }
0xc6: {  	v4 =	vadd.s32 v1, v4;
	_ =	sdelay $0x4  }
0xc7: {  	[hbm4b:s2+s3] =	stream.indirect_vreg.scatter [tilespmem:s10], [sflag:$0x4], $0x80, v4, vm0, $0xb8;
	[tilespmem:$0x18800] =	vst v63  }
0xc8: {  	s17 =	simm.s32 $0x1000;
	v3 =	vperm.xlane v3, v2  }
0xc9: {  	[hbm4b:s4+s3] =	stream.indirect_vreg.scatter [tilespmem:s17], [sflag:$0x4], $0x80, v4, vm0, $0xb8;
	[tilespmem:$0x18800] =	vst v63  }
0xca: {  	s8 =	simm.s32 $0x1800;
	v3 =	vadd.s32 v1, v3  }
0xcb: {  	[hbm4b:s5+s3] =	stream.indirect_vreg.scatter [tilespmem:s8], [sflag:$0x4], $0x80, v4, vm0, $0xb8;
	[tilespmem:$0x18800] =	vst v63  }
0xcc: {  	s9 =	simm.s32 $0x2000  }
0xcd: {  	[hbm4b:s6+s3] =	stream.indirect_vreg.scatter [tilespmem:s9], [sflag:$0x4], $0x80, v4, vm0, $0xb8;
	[tilespmem:$0x18800] =	vst v63  }
0xce: {  	s11 =	simm.s32 $0x2800  }
0xcf: {  	[hbm4b:s2+s3] =	stream.indirect_vreg.scatter [tilespmem:s11], [sflag:$0x4], $0x80, v3, vm0, $0xb8;
	[tilespmem:$0x18800] =	vst v63  }
0xd0: {  	s12 =	simm.s32 $0x3000  }
0xd1: {  	[hbm4b:s4+s3] =	stream.indirect_vreg.scatter [tilespmem:s12], [sflag:$0x4], $0x80, v3, vm0, $0xb8;
	[tilespmem:$0x18800] =	vst v63  }
0xd2: {  	s16 =	simm.s32 $0x3800  }
0xd3: {  	[hbm4b:s5+s3] =	stream.indirect_vreg.scatter [tilespmem:s16], [sflag:$0x4], $0x80, v3, vm0, $0xb8;
	[tilespmem:$0x18800] =	vst v63  }
0xd4: {  	s18 =	simm.s32 $0x4000  }
0xd5: {  	[hbm4b:s6+s3] =	stream.indirect_vreg.scatter [tilespmem:s18], [sflag:$0x4], $0x80, v3, vm0, $0xb8;
	[tilespmem:$0x18800] =	vst v63  }
0xd6: {  	v3 =	vld [tilespmem:$0x190];
	_ =	sdelay $0x4  }
0xd7: {  	v47 =	vshll.u32 v3, $0x3  }
0xd8: {  	v3 =	vand.u32 $0x7, v3;
	v4 =	vand.u32 $0xFFFFFFC0, v47  }
0xd9: {  	v3 =	vor.u32 v3, v4  }
0xda: {  	v4 =	vperm.xlane v3, v0;
	_ =	sdelay $0x1  }
0xdb: {  	v4 =	vadd.s32 v1, v4;
	_ =	sdelay $0x3  }
0xdc: {  	s30 =	simm.s32 $0x4800  }
0xdd: {  	[hbm4b:s2+s3] =	stream.indirect_vreg.scatter [tilespmem:s30], [sflag:$0x4], $0x80, v4, vm0, $0xb8;
	[tilespmem:$0x18800] =	vst v63  }
0xde: {  	s31 =	simm.s32 $0x5000;
	v3 =	vperm.xlane v3, v2  }
0xdf: {  	[hbm4b:s4+s3] =	stream.indirect_vreg.scatter [tilespmem:s31], [sflag:$0x4], $0x80, v4, vm0, $0xb8;
	[tilespmem:$0x18800] =	vst v63  }
0xe0: {  	s18 =	simm.s32 $0x5800;
	v3 =	vadd.s32 v1, v3  }
0xe1: {  	[hbm4b:s5+s3] =	stream.indirect_vreg.scatter [tilespmem:s18], [sflag:$0x4], $0x80, v4, vm0, $0xb8;
	[tilespmem:$0x18800] =	vst v63  }
0xe2: {  	s30 =	simm.s32 $0x6000  }
0xe3: {  	[hbm4b:s6+s3] =	stream.indirect_vreg.scatter [tilespmem:s30], [sflag:$0x4], $0x80, v4, vm0, $0xb8;
	[tilespmem:$0x18800] =	vst v63  }
0xe4: {  	s31 =	simm.s32 $0x6800  }
0xe5: {  	[hbm4b:s2+s3] =	stream.indirect_vreg.scatter [tilespmem:s31], [sflag:$0x4], $0x80, v3, vm0, $0xb8;
	[tilespmem:$0x18800] =	vst v63  }
0xe6: {  	s17 =	simm.s32 $0x7000  }
0xe7: {  	[hbm4b:s4+s3] =	stream.indirect_vreg.scatter [tilespmem:s17], [sflag:$0x4], $0x80, v3, vm0, $0xb8;
	[tilespmem:$0x18800] =	vst v63  }
0xe8: {  	s11 =	simm.s32 $0x7800  }
0xe9: {  	[hbm4b:s5+s3] =	stream.indirect_vreg.scatter [tilespmem:s11], [sflag:$0x4], $0x80, v3, vm0, $0xb8;
	[tilespmem:$0x18800] =	vst v63  }
0xea: {  	s9 =	simm.s32 $0x8000  }
0xeb: {  	[hbm4b:s6+s3] =	stream.indirect_vreg.scatter [tilespmem:s9], [sflag:$0x4], $0x80, v3, vm0, $0xb8;
	[tilespmem:$0x18800] =	vst v63  }
0xec: {  	_ =	swait.ge [sflag:s22], $0x8000  }
0xed: {  	[sflag:s22] =	ssyncset.done $0x0  }
0xee: {  	s12 =	rddreg [dreg:$0xe];
	[sflag:s22] =	ssyncadd.s32 $0xFFFF8000  }
0xef: {  	[tilespmem:s26], [sflag:$0x3] =	stream.linear.gather [hbm4b:s12+s3], $0x8000, $0x38;
	[tilespmem:$0x18800] =	vst v63  }
0xf0: {  	_ =	swait.ge [sflag:s29], $0x8000  }
0xf1: {  	[sflag:s29] =	ssyncset.done $0x0  }
0xf2: {  	[sflag:s29] =	ssyncadd.s32 $0xFFFF8000  }
0xf3: {  	v3 =	vld [tilespmem:$0x200];
	_ =	sdelay $0x4  }
0xf4: {  	v48 =	vshll.u32 v3, $0x3  }
0xf5: {  	v3 =	vand.u32 $0x7, v3;
	v4 =	vand.u32 $0xFFFFFFC0, v48  }
0xf6: {  	v3 =	vor.u32 v3, v4  }
0xf7: {  	v4 =	vperm.xlane v3, v0;
	_ =	sdelay $0x1  }
0xf8: {  	v4 =	vadd.s32 v1, v4;
	_ =	sdelay $0x4  }
0xf9: {  	[hbm4b:s2+s3] =	stream.indirect_vreg.scatter [tilespmem:s28], [sflag:$0x5], $0x80, v4, vm0, $0xb8;
	[tilespmem:$0x18800] =	vst v63  }
0xfa: {  	s19 =	simm.s32 $0x9000;
	v3 =	vperm.xlane v3, v2  }
0xfb: {  	[hbm4b:s4+s3] =	stream.indirect_vreg.scatter [tilespmem:s19], [sflag:$0x5], $0x80, v4, vm0, $0xb8;
	[tilespmem:$0x18800] =	vst v63  }
0xfc: {  	s0 =	simm.s32 $0x9800;
	v3 =	vadd.s32 v1, v3  }
0xfd: {  	[hbm4b:s5+s3] =	stream.indirect_vreg.scatter [tilespmem:s0], [sflag:$0x5], $0x80, v4, vm0, $0xb8;
	[tilespmem:$0x18800] =	vst v63  }
0xfe: {  	s19 =	simm.s32 $0xA000  }
0xff: {  	[hbm4b:s6+s3] =	stream.indirect_vreg.scatter [tilespmem:s19], [sflag:$0x5], $0x80, v4, vm0, $0xb8;
	[tilespmem:$0x18800] =	vst v63  }
0x100: {  	s8 =	simm.s32 $0xA800  }
0x101: {  	[hbm4b:s2+s3] =	stream.indirect_vreg.scatter [tilespmem:s8], [sflag:$0x5], $0x80, v3, vm0, $0xb8;
	[tilespmem:$0x18800] =	vst v63  }
0x102: {  	s9 =	simm.s32 $0xB000  }
0x103: {  	[hbm4b:s4+s3] =	stream.indirect_vreg.scatter [tilespmem:s9], [sflag:$0x5], $0x80, v3, vm0, $0xb8;
	[tilespmem:$0x18800] =	vst v63  }
0x104: {  	s12 =	simm.s32 $0xB800  }
0x105: {  	[hbm4b:s5+s3] =	stream.indirect_vreg.scatter [tilespmem:s12], [sflag:$0x5], $0x80, v3, vm0, $0xb8;
	[tilespmem:$0x18800] =	vst v63  }
0x106: {  	s14 =	simm.s32 $0xC000  }
0x107: {  	[hbm4b:s6+s3] =	stream.indirect_vreg.scatter [tilespmem:s14], [sflag:$0x5], $0x80, v3, vm0, $0xb8;
	[tilespmem:$0x18800] =	vst v63  }
0x108: {  	v3 =	vld [tilespmem:$0x210];
	_ =	sdelay $0x4  }
0x109: {  	v49 =	vshll.u32 v3, $0x3  }
0x10a: {  	v3 =	vand.u32 $0x7, v3;
	v4 =	vand.u32 $0xFFFFFFC0, v49  }
0x10b: {  	v3 =	vor.u32 v3, v4  }
0x10c: {  	v4 =	vperm.xlane v3, v0;
	_ =	sdelay $0x1  }
0x10d: {  	v4 =	vadd.s32 v1, v4;
	_ =	sdelay $0x3  }
0x10e: {  	s13 =	simm.s32 $0xC800  }
0x10f: {  	[hbm4b:s2+s3] =	stream.indirect_vreg.scatter [tilespmem:s13], [sflag:$0x5], $0x80, v4, vm0, $0xb8;
	[tilespmem:$0x18800] =	vst v63  }
0x110: {  	s15 =	simm.s32 $0xD000;
	v3 =	vperm.xlane v3, v2  }
0x111: {  	[hbm4b:s4+s3] =	stream.indirect_vreg.scatter [tilespmem:s15], [sflag:$0x5], $0x80, v4, vm0, $0xb8;
	[tilespmem:$0x18800] =	vst v63  }
0x112: {  	s16 =	simm.s32 $0xD800;
	v3 =	vadd.s32 v1, v3  }
0x113: {  	[hbm4b:s5+s3] =	stream.indirect_vreg.scatter [tilespmem:s16], [sflag:$0x5], $0x80, v4, vm0, $0xb8;
	[tilespmem:$0x18800] =	vst v63  }
0x114: {  	s13 =	simm.s32 $0xE000  }
0x115: {  	[hbm4b:s6+s3] =	stream.indirect_vreg.scatter [tilespmem:s13], [sflag:$0x5], $0x80, v4, vm0, $0xb8;
	[tilespmem:$0x18800] =	vst v63  }
0x116: {  	s14 =	simm.s32 $0xE800  }
0x117: {  	[hbm4b:s2+s3] =	stream.indirect_vreg.scatter [tilespmem:s14], [sflag:$0x5], $0x80, v3, vm0, $0xb8;
	[tilespmem:$0x18800] =	vst v63  }
0x118: {  	s15 =	simm.s32 $0xF000  }
0x119: {  	[hbm4b:s4+s3] =	stream.indirect_vreg.scatter [tilespmem:s15], [sflag:$0x5], $0x80, v3, vm0, $0xb8;
	[tilespmem:$0x18800] =	vst v63  }
0x11a: {  	s16 =	simm.s32 $0xF800  }
0x11b: {  	[hbm4b:s5+s3] =	stream.indirect_vreg.scatter [tilespmem:s16], [sflag:$0x5], $0x80, v3, vm0, $0xb8;
	[tilespmem:$0x18800] =	vst v63  }
0x11c: {  	s25 =	simm.s32 $0x10000  }
0x11d: {  	[hbm4b:s6+s3] =	stream.indirect_vreg.scatter [tilespmem:s25], [sflag:$0x5], $0x80, v3, vm0, $0xb8;
	[tilespmem:$0x18800] =	vst v63  }
0x11e: {  	_ =	swait.ge [sflag:s23], $0x8000  }
0x11f: {  	[sflag:s23] =	ssyncset.done $0x0  }
0x120: {  	s25 =	rddreg [dreg:$0xf];
	[sflag:s23] =	ssyncadd.s32 $0xFFFF8000  }
0x121: {  	[tilespmem:s10], [sflag:$0x1] =	stream.linear.gather [hbm4b:s25+s3], $0x8000, $0x38;
	[tilespmem:$0x18800] =	vst v63  }
0x122: {  	_ =	swait.ge [sflag:s24], $0x8000  }
0x123: {  	[sflag:s24] =	ssyncset.done $0x0  }
0x124: {  	[sflag:s24] =	ssyncadd.s32 $0xFFFF8000  }
0x125: {  	v3 =	vld [tilespmem:$0x280];
	_ =	sdelay $0x4  }
0x126: {  	v50 =	vshll.u32 v3, $0x3  }
0x127: {  	v3 =	vand.u32 $0x7, v3;
	v4 =	vand.u32 $0xFFFFFFC0, v50  }
0x128: {  	v3 =	vor.u32 v3, v4  }
0x129: {  	v4 =	vperm.xlane v3, v0;
	_ =	sdelay $0x1  }
0x12a: {  	v4 =	vadd.s32 v1, v4;
	_ =	sdelay $0x4  }
0x12b: {  	[hbm4b:s2+s3] =	stream.indirect_vreg.scatter [tilespmem:s26], [sflag:$0x6], $0x80, v4, vm0, $0xb8;
	[tilespmem:$0x18800] =	vst v63  }
0x12c: {  	s25 =	simm.s32 $0x11000;
	v3 =	vperm.xlane v3, v2  }
0x12d: {  	[hbm4b:s4+s3] =	stream.indirect_vreg.scatter [tilespmem:s25], [sflag:$0x6], $0x80, v4, vm0, $0xb8;
	[tilespmem:$0x18800] =	vst v63  }
0x12e: {  	v3 =	vadd.s32 v1, v3;
	s25 =	simm.s32 $0x11800  }
0x12f: {  	[hbm4b:s5+s3] =	stream.indirect_vreg.scatter [tilespmem:s25], [sflag:$0x6], $0x80, v4, vm0, $0xb8;
	[tilespmem:$0x18800] =	vst v63  }
0x130: {  	s20 =	simm.s32 $0x12000  }
0x131: {  	[hbm4b:s6+s3] =	stream.indirect_vreg.scatter [tilespmem:s20], [sflag:$0x6], $0x80, v4, vm0, $0xb8;
	[tilespmem:$0x18800] =	vst v63  }
0x132: {  	s25 =	simm.s32 $0x12800  }
0x133: {  	[hbm4b:s2+s3] =	stream.indirect_vreg.scatter [tilespmem:s25], [sflag:$0x6], $0x80, v3, vm0, $0xb8;
	[tilespmem:$0x18800] =	vst v63  }
0x134: {  	s25 =	simm.s32 $0x13000  }
0x135: {  	[hbm4b:s4+s3] =	stream.indirect_vreg.scatter [tilespmem:s25], [sflag:$0x6], $0x80, v3, vm0, $0xb8;
	[tilespmem:$0x18800] =	vst v63  }
0x136: {  	s25 =	simm.s32 $0x13800  }
0x137: {  	[hbm4b:s5+s3] =	stream.indirect_vreg.scatter [tilespmem:s25], [sflag:$0x6], $0x80, v3, vm0, $0xb8;
	[tilespmem:$0x18800] =	vst v63  }
0x138: {  	s25 =	simm.s32 $0x14000  }
0x139: {  	[hbm4b:s6+s3] =	stream.indirect_vreg.scatter [tilespmem:s25], [sflag:$0x6], $0x80, v3, vm0, $0xb8;
	[tilespmem:$0x18800] =	vst v63  }
0x13a: {  	v3 =	vld [tilespmem:$0x290];
	_ =	sdelay $0x4  }
0x13b: {  	v51 =	vshll.u32 v3, $0x3  }
0x13c: {  	v3 =	vand.u32 $0x7, v3;
	v4 =	vand.u32 $0xFFFFFFC0, v51  }
0x13d: {  	v3 =	vor.u32 v3, v4  }
0x13e: {  	v4 =	vperm.xlane v3, v0;
	_ =	sdelay $0x1  }
0x13f: {  	v4 =	vadd.s32 v1, v4;
	_ =	sdelay $0x3  }
0x140: {  	s25 =	simm.s32 $0x14800  }
0x141: {  	[hbm4b:s2+s3] =	stream.indirect_vreg.scatter [tilespmem:s25], [sflag:$0x6], $0x80, v4, vm0, $0xb8;
	[tilespmem:$0x18800] =	vst v63  }
0x142: {  	v3 =	vperm.xlane v3, v2;
	s25 =	simm.s32 $0x15000  }
0x143: {  	[hbm4b:s4+s3] =	stream.indirect_vreg.scatter [tilespmem:s25], [sflag:$0x6], $0x80, v4, vm0, $0xb8;
	[tilespmem:$0x18800] =	vst v63  }
0x144: {  	v3 =	vadd.s32 v1, v3;
	s25 =	simm.s32 $0x15800  }
0x145: {  	[hbm4b:s5+s3] =	stream.indirect_vreg.scatter [tilespmem:s25], [sflag:$0x6], $0x80, v4, vm0, $0xb8;
	[tilespmem:$0x18800] =	vst v63  }
0x146: {  	s25 =	simm.s32 $0x16000  }
0x147: {  	[hbm4b:s6+s3] =	stream.indirect_vreg.scatter [tilespmem:s25], [sflag:$0x6], $0x80, v4, vm0, $0xb8;
	[tilespmem:$0x18800] =	vst v63  }
0x148: {  	s25 =	simm.s32 $0x16800  }
0x149: {  	[hbm4b:s2+s3] =	stream.indirect_vreg.scatter [tilespmem:s25], [sflag:$0x6], $0x80, v3, vm0, $0xb8;
	[tilespmem:$0x18800] =	vst v63  }
0x14a: {  	s25 =	simm.s32 $0x17000  }
0x14b: {  	[hbm4b:s4+s3] =	stream.indirect_vreg.scatter [tilespmem:s25], [sflag:$0x6], $0x80, v3, vm0, $0xb8;
	[tilespmem:$0x18800] =	vst v63  }
0x14c: {  	s25 =	simm.s32 $0x17800  }
0x14d: {  	[hbm4b:s5+s3] =	stream.indirect_vreg.scatter [tilespmem:s25], [sflag:$0x6], $0x80, v3, vm0, $0xb8;
	[tilespmem:$0x18800] =	vst v63  }
0x14e: {  	s25 =	simm.s32 $0x18000  }
0x14f: {  	[hbm4b:s6+s3] =	stream.indirect_vreg.scatter [tilespmem:s25], [sflag:$0x6], $0x80, v3, vm0, $0xb8;
	[tilespmem:$0x18800] =	vst v63  }
0x150: {  	_ =	swait.ge [sflag:s21], $0x8000  }
0x151: {  	[sflag:s21] =	ssyncset.done $0x0  }
0x152: {  	s20 =	rddreg [dreg:$0x10];
	[sflag:s21] =	ssyncadd.s32 $0xFFFF8000  }
0x153: {  	[tilespmem:s28], [sflag:$0x2] =	stream.linear.gather [hbm4b:s20+s3], $0x8000, $0x38;
	[tilespmem:$0x18800] =	vst v63  }
0x154: {  	_ =	swait.ge [sflag:s1], $0x8000  }
0x155: {  	[sflag:s1] =	ssyncset.done $0x0  }
0x156: {  	[sflag:s1] =	ssyncadd.s32 $0xFFFF8000  }
0x157: {  	v3 =	vld [tilespmem:$0x300];
	_ =	sdelay $0x4  }
0x158: {  	v52 =	vshll.u32 v3, $0x3  }
0x159: {  	v3 =	vand.u32 $0x7, v3;
	v4 =	vand.u32 $0xFFFFFFC0, v52  }
0x15a: {  	v3 =	vor.u32 v3, v4  }
0x15b: {  	v4 =	vperm.xlane v3, v0;
	_ =	sdelay $0x1  }
0x15c: {  	v4 =	vadd.s32 v1, v4;
	_ =	sdelay $0x4  }
0x15d: {  	[hbm4b:s2+s3] =	stream.indirect_vreg.scatter [tilespmem:s10], [sflag:$0x4], $0x80, v4, vm0, $0xb8;
	[tilespmem:$0x18800] =	vst v63  }
0x15e: {  	s20 =	simm.s32 $0x1000;
	v3 =	vperm.xlane v3, v2  }
0x15f: {  	[hbm4b:s4+s3] =	stream.indirect_vreg.scatter [tilespmem:s20], [sflag:$0x4], $0x80, v4, vm0, $0xb8;
	[tilespmem:$0x18800] =	vst v63  }
0x160: {  	v3 =	vadd.s32 v1, v3;
	s20 =	simm.s32 $0x1800  }
0x161: {  	[hbm4b:s5+s3] =	stream.indirect_vreg.scatter [tilespmem:s20], [sflag:$0x4], $0x80, v4, vm0, $0xb8;
	[tilespmem:$0x18800] =	vst v63  }
0x162: {  	s20 =	simm.s32 $0x2000  }
0x163: {  	[hbm4b:s6+s3] =	stream.indirect_vreg.scatter [tilespmem:s20], [sflag:$0x4], $0x80, v4, vm0, $0xb8;
	[tilespmem:$0x18800] =	vst v63  }
0x164: {  	s20 =	simm.s32 $0x2800  }
0x165: {  	[hbm4b:s2+s3] =	stream.indirect_vreg.scatter [tilespmem:s20], [sflag:$0x4], $0x80, v3, vm0, $0xb8;
	[tilespmem:$0x18800] =	vst v63  }
0x166: {  	s20 =	simm.s32 $0x3000  }
0x167: {  	[hbm4b:s4+s3] =	stream.indirect_vreg.scatter [tilespmem:s20], [sflag:$0x4], $0x80, v3, vm0, $0xb8;
	[tilespmem:$0x18800] =	vst v63  }
0x168: {  	s20 =	simm.s32 $0x3800  }
0x169: {  	[hbm4b:s5+s3] =	stream.indirect_vreg.scatter [tilespmem:s20], [sflag:$0x4], $0x80, v3, vm0, $0xb8;
	[tilespmem:$0x18800] =	vst v63  }
0x16a: {  	s20 =	simm.s32 $0x4000  }
0x16b: {  	[hbm4b:s6+s3] =	stream.indirect_vreg.scatter [tilespmem:s20], [sflag:$0x4], $0x80, v3, vm0, $0xb8;
	[tilespmem:$0x18800] =	vst v63  }
0x16c: {  	v3 =	vld [tilespmem:$0x310];
	_ =	sdelay $0x4  }
0x16d: {  	v53 =	vshll.u32 v3, $0x3  }
0x16e: {  	v3 =	vand.u32 $0x7, v3;
	v4 =	vand.u32 $0xFFFFFFC0, v53  }
0x16f: {  	v3 =	vor.u32 v3, v4  }
0x170: {  	v4 =	vperm.xlane v3, v0;
	_ =	sdelay $0x1  }
0x171: {  	v4 =	vadd.s32 v1, v4;
	_ =	sdelay $0x3  }
0x172: {  	s20 =	simm.s32 $0x4800  }
0x173: {  	[hbm4b:s2+s3] =	stream.indirect_vreg.scatter [tilespmem:s20], [sflag:$0x4], $0x80, v4, vm0, $0xb8;
	[tilespmem:$0x18800] =	vst v63  }
0x174: {  	v3 =	vperm.xlane v3, v2;
	s20 =	simm.s32 $0x5000  }
0x175: {  	[hbm4b:s4+s3] =	stream.indirect_vreg.scatter [tilespmem:s20], [sflag:$0x4], $0x80, v4, vm0, $0xb8;
	[tilespmem:$0x18800] =	vst v63  }
0x176: {  	v3 =	vadd.s32 v1, v3  }
0x177: {  	[hbm4b:s5+s3] =	stream.indirect_vreg.scatter [tilespmem:s18], [sflag:$0x4], $0x80, v4, vm0, $0xb8;
	[tilespmem:$0x18800] =	vst v63  }
0x178: {  	_ = 	snop  }
0x179: {  	[hbm4b:s6+s3] =	stream.indirect_vreg.scatter [tilespmem:s30], [sflag:$0x4], $0x80, v4, vm0, $0xb8;
	[tilespmem:$0x18800] =	vst v63  }
0x17a: {  	_ = 	snop  }
0x17b: {  	[hbm4b:s2+s3] =	stream.indirect_vreg.scatter [tilespmem:s31], [sflag:$0x4], $0x80, v3, vm0, $0xb8;
	[tilespmem:$0x18800] =	vst v63  }
0x17c: {  	_ = 	snop  }
0x17d: {  	[hbm4b:s4+s3] =	stream.indirect_vreg.scatter [tilespmem:s17], [sflag:$0x4], $0x80, v3, vm0, $0xb8;
	[tilespmem:$0x18800] =	vst v63  }
0x17e: {  	_ = 	snop  }
0x17f: {  	[hbm4b:s5+s3] =	stream.indirect_vreg.scatter [tilespmem:s11], [sflag:$0x4], $0x80, v3, vm0, $0xb8;
	[tilespmem:$0x18800] =	vst v63  }
0x180: {  	s20 =	simm.s32 $0x8000  }
0x181: {  	[hbm4b:s6+s3] =	stream.indirect_vreg.scatter [tilespmem:s20], [sflag:$0x4], $0x80, v3, vm0, $0xb8;
	[tilespmem:$0x18800] =	vst v63  }
0x182: {  	_ =	swait.ge [sflag:s22], $0x8000  }
0x183: {  	[sflag:s22] =	ssyncset.done $0x0  }
0x184: {  	s30 =	rddreg [dreg:$0x11];
	[sflag:s22] =	ssyncadd.s32 $0xFFFF8000  }
0x185: {  	[tilespmem:s26], [sflag:$0x3] =	stream.linear.gather [hbm4b:s30+s3], $0x8000, $0x38;
	[tilespmem:$0x18800] =	vst v63  }
0x186: {  	_ =	swait.ge [sflag:s29], $0x8000  }
0x187: {  	[sflag:s29] =	ssyncset.done $0x0  }
0x188: {  	[sflag:s29] =	ssyncadd.s32 $0xFFFF8000  }
0x189: {  	v3 =	vld [tilespmem:$0x380];
	_ =	sdelay $0x4  }
0x18a: {  	v54 =	vshll.u32 v3, $0x3  }
0x18b: {  	v3 =	vand.u32 $0x7, v3;
	v4 =	vand.u32 $0xFFFFFFC0, v54  }
0x18c: {  	v3 =	vor.u32 v3, v4  }
0x18d: {  	v4 =	vperm.xlane v3, v0;
	_ =	sdelay $0x1  }
0x18e: {  	v4 =	vadd.s32 v1, v4;
	_ =	sdelay $0x4  }
0x18f: {  	[hbm4b:s2+s3] =	stream.indirect_vreg.scatter [tilespmem:s28], [sflag:$0x5], $0x80, v4, vm0, $0xb8;
	[tilespmem:$0x18800] =	vst v63  }
0x190: {  	s31 =	simm.s32 $0x9000;
	v3 =	vperm.xlane v3, v2  }
0x191: {  	[hbm4b:s4+s3] =	stream.indirect_vreg.scatter [tilespmem:s31], [sflag:$0x5], $0x80, v4, vm0, $0xb8;
	[tilespmem:$0x18800] =	vst v63  }
0x192: {  	v3 =	vadd.s32 v1, v3  }
0x193: {  	[hbm4b:s5+s3] =	stream.indirect_vreg.scatter [tilespmem:s0], [sflag:$0x5], $0x80, v4, vm0, $0xb8;
	[tilespmem:$0x18800] =	vst v63  }
0x194: {  	_ = 	snop  }
0x195: {  	[hbm4b:s6+s3] =	stream.indirect_vreg.scatter [tilespmem:s19], [sflag:$0x5], $0x80, v4, vm0, $0xb8;
	[tilespmem:$0x18800] =	vst v63  }
0x196: {  	_ = 	snop  }
0x197: {  	[hbm4b:s2+s3] =	stream.indirect_vreg.scatter [tilespmem:s8], [sflag:$0x5], $0x80, v3, vm0, $0xb8;
	[tilespmem:$0x18800] =	vst v63  }
0x198: {  	_ = 	snop  }
0x199: {  	[hbm4b:s4+s3] =	stream.indirect_vreg.scatter [tilespmem:s9], [sflag:$0x5], $0x80, v3, vm0, $0xb8;
	[tilespmem:$0x18800] =	vst v63  }
0x19a: {  	_ = 	snop  }
0x19b: {  	[hbm4b:s5+s3] =	stream.indirect_vreg.scatter [tilespmem:s12], [sflag:$0x5], $0x80, v3, vm0, $0xb8;
	[tilespmem:$0x18800] =	vst v63  }
0x19c: {  	s30 =	simm.s32 $0xC000  }
0x19d: {  	[hbm4b:s6+s3] =	stream.indirect_vreg.scatter [tilespmem:s30], [sflag:$0x5], $0x80, v3, vm0, $0xb8;
	[tilespmem:$0x18800] =	vst v63  }
0x19e: {  	v3 =	vld [tilespmem:$0x390];
	_ =	sdelay $0x4  }
0x19f: {  	v55 =	vshll.u32 v3, $0x3  }
0x1a0: {  	v3 =	vand.u32 $0x7, v3;
	v4 =	vand.u32 $0xFFFFFFC0, v55  }
0x1a1: {  	v3 =	vor.u32 v3, v4  }
0x1a2: {  	v4 =	vperm.xlane v3, v0;
	_ =	sdelay $0x1  }
0x1a3: {  	v4 =	vadd.s32 v1, v4;
	_ =	sdelay $0x3  }
0x1a4: {  	s31 =	simm.s32 $0xC800  }
0x1a5: {  	[hbm4b:s2+s3] =	stream.indirect_vreg.scatter [tilespmem:s31], [sflag:$0x5], $0x80, v4, vm0, $0xb8;
	[tilespmem:$0x18800] =	vst v63  }
0x1a6: {  	s11 =	simm.s32 $0xD000;
	v3 =	vperm.xlane v3, v2  }
0x1a7: {  	[hbm4b:s4+s3] =	stream.indirect_vreg.scatter [tilespmem:s11], [sflag:$0x5], $0x80, v4, vm0, $0xb8;
	[tilespmem:$0x18800] =	vst v63  }
0x1a8: {  	s12 =	simm.s32 $0xD800;
	v3 =	vadd.s32 v1, v3  }
0x1a9: {  	[hbm4b:s5+s3] =	stream.indirect_vreg.scatter [tilespmem:s12], [sflag:$0x5], $0x80, v4, vm0, $0xb8;
	[tilespmem:$0x18800] =	vst v63  }
0x1aa: {  	_ = 	snop  }
0x1ab: {  	[hbm4b:s6+s3] =	stream.indirect_vreg.scatter [tilespmem:s13], [sflag:$0x5], $0x80, v4, vm0, $0xb8;
	[tilespmem:$0x18800] =	vst v63  }
0x1ac: {  	_ = 	snop  }
0x1ad: {  	[hbm4b:s2+s3] =	stream.indirect_vreg.scatter [tilespmem:s14], [sflag:$0x5], $0x80, v3, vm0, $0xb8;
	[tilespmem:$0x18800] =	vst v63  }
0x1ae: {  	_ = 	snop  }
0x1af: {  	[hbm4b:s4+s3] =	stream.indirect_vreg.scatter [tilespmem:s15], [sflag:$0x5], $0x80, v3, vm0, $0xb8;
	[tilespmem:$0x18800] =	vst v63  }
0x1b0: {  	_ = 	snop  }
0x1b1: {  	[hbm4b:s5+s3] =	stream.indirect_vreg.scatter [tilespmem:s16], [sflag:$0x5], $0x80, v3, vm0, $0xb8;
	[tilespmem:$0x18800] =	vst v63  }
0x1b2: {  	s17 =	simm.s32 $0x10000  }
0x1b3: {  	[hbm4b:s6+s3] =	stream.indirect_vreg.scatter [tilespmem:s17], [sflag:$0x5], $0x80, v3, vm0, $0xb8;
	[tilespmem:$0x18800] =	vst v63  }
0x1b4: {  	_ =	swait.ge [sflag:s23], $0x8000  }
0x1b5: {  	[sflag:s23] =	ssyncset.done $0x0  }
0x1b6: {  	s18 =	rddreg [dreg:$0x12];
	[sflag:s23] =	ssyncadd.s32 $0xFFFF8000  }
0x1b7: {  	[tilespmem:s10], [sflag:$0x1] =	stream.linear.gather [hbm4b:s18+s3], $0x8000, $0x38;
	[tilespmem:$0x18800] =	vst v63  }
0x1b8: {  	_ =	swait.ge [sflag:s24], $0x8000  }
0x1b9: {  	[sflag:s24] =	ssyncset.done $0x0  }
0x1ba: {  	[sflag:s24] =	ssyncadd.s32 $0xFFFF8000  }
0x1bb: {  	v3 =	vld [tilespmem:$0x400];
	_ =	sdelay $0x4  }
0x1bc: {  	v56 =	vshll.u32 v3, $0x3  }
0x1bd: {  	v3 =	vand.u32 $0x7, v3;
	v4 =	vand.u32 $0xFFFFFFC0, v56  }
0x1be: {  	v3 =	vor.u32 v3, v4  }
0x1bf: {  	v4 =	vperm.xlane v3, v0;
	_ =	sdelay $0x1  }
0x1c0: {  	v4 =	vadd.s32 v1, v4;
	_ =	sdelay $0x4  }
0x1c1: {  	[hbm4b:s2+s3] =	stream.indirect_vreg.scatter [tilespmem:s26], [sflag:$0x6], $0x80, v4, vm0, $0xb8;
	[tilespmem:$0x18800] =	vst v63  }
0x1c2: {  	s19 =	simm.s32 $0x11000;
	v3 =	vperm.xlane v3, v2  }
0x1c3: {  	[hbm4b:s4+s3] =	stream.indirect_vreg.scatter [tilespmem:s19], [sflag:$0x6], $0x80, v4, vm0, $0xb8;
	[tilespmem:$0x18800] =	vst v63  }
0x1c4: {  	s20 =	simm.s32 $0x11800;
	v3 =	vadd.s32 v1, v3  }
0x1c5: {  	[hbm4b:s5+s3] =	stream.indirect_vreg.scatter [tilespmem:s20], [sflag:$0x6], $0x80, v4, vm0, $0xb8;
	[tilespmem:$0x18800] =	vst v63  }
0x1c6: {  	s0 =	simm.s32 $0x12000  }
0x1c7: {  	[hbm4b:s6+s3] =	stream.indirect_vreg.scatter [tilespmem:s0], [sflag:$0x6], $0x80, v4, vm0, $0xb8;
	[tilespmem:$0x18800] =	vst v63  }
0x1c8: {  	s8 =	simm.s32 $0x12800  }
0x1c9: {  	[hbm4b:s2+s3] =	stream.indirect_vreg.scatter [tilespmem:s8], [sflag:$0x6], $0x80, v3, vm0, $0xb8;
	[tilespmem:$0x18800] =	vst v63  }
0x1ca: {  	s9 =	simm.s32 $0x13000  }
0x1cb: {  	[hbm4b:s4+s3] =	stream.indirect_vreg.scatter [tilespmem:s9], [sflag:$0x6], $0x80, v3, vm0, $0xb8;
	[tilespmem:$0x18800] =	vst v63  }
0x1cc: {  	s11 =	simm.s32 $0x13800  }
0x1cd: {  	[hbm4b:s5+s3] =	stream.indirect_vreg.scatter [tilespmem:s11], [sflag:$0x6], $0x80, v3, vm0, $0xb8;
	[tilespmem:$0x18800] =	vst v63  }
0x1ce: {  	s17 =	simm.s32 $0x14000  }
0x1cf: {  	[hbm4b:s6+s3] =	stream.indirect_vreg.scatter [tilespmem:s17], [sflag:$0x6], $0x80, v3, vm0, $0xb8;
	[tilespmem:$0x18800] =	vst v63  }
0x1d0: {  	v3 =	vld [tilespmem:$0x410];
	_ =	sdelay $0x4  }
0x1d1: {  	v57 =	vshll.u32 v3, $0x3  }
0x1d2: {  	v3 =	vand.u32 $0x7, v3;
	v4 =	vand.u32 $0xFFFFFFC0, v57  }
0x1d3: {  	v3 =	vor.u32 v3, v4  }
0x1d4: {  	v4 =	vperm.xlane v3, v0;
	_ =	sdelay $0x1  }
0x1d5: {  	v4 =	vadd.s32 v1, v4;
	_ =	sdelay $0x3  }
0x1d6: {  	s18 =	simm.s32 $0x14800  }
0x1d7: {  	[hbm4b:s2+s3] =	stream.indirect_vreg.scatter [tilespmem:s18], [sflag:$0x6], $0x80, v4, vm0, $0xb8;
	[tilespmem:$0x18800] =	vst v63  }
0x1d8: {  	s19 =	simm.s32 $0x15000;
	v3 =	vperm.xlane v3, v2  }
0x1d9: {  	[hbm4b:s4+s3] =	stream.indirect_vreg.scatter [tilespmem:s19], [sflag:$0x6], $0x80, v4, vm0, $0xb8;
	[tilespmem:$0x18800] =	vst v63  }
0x1da: {  	s12 =	simm.s32 $0x15800;
	v3 =	vadd.s32 v1, v3  }
0x1db: {  	[hbm4b:s5+s3] =	stream.indirect_vreg.scatter [tilespmem:s12], [sflag:$0x6], $0x80, v4, vm0, $0xb8;
	[tilespmem:$0x18800] =	vst v63  }
0x1dc: {  	s13 =	simm.s32 $0x16000  }
0x1dd: {  	[hbm4b:s6+s3] =	stream.indirect_vreg.scatter [tilespmem:s13], [sflag:$0x6], $0x80, v4, vm0, $0xb8;
	[tilespmem:$0x18800] =	vst v63  }
0x1de: {  	s14 =	simm.s32 $0x16800  }
0x1df: {  	[hbm4b:s2+s3] =	stream.indirect_vreg.scatter [tilespmem:s14], [sflag:$0x6], $0x80, v3, vm0, $0xb8;
	[tilespmem:$0x18800] =	vst v63  }
0x1e0: {  	s15 =	simm.s32 $0x17000  }
0x1e1: {  	[hbm4b:s4+s3] =	stream.indirect_vreg.scatter [tilespmem:s15], [sflag:$0x6], $0x80, v3, vm0, $0xb8;
	[tilespmem:$0x18800] =	vst v63  }
0x1e2: {  	s16 =	simm.s32 $0x17800  }
0x1e3: {  	[hbm4b:s5+s3] =	stream.indirect_vreg.scatter [tilespmem:s16], [sflag:$0x6], $0x80, v3, vm0, $0xb8;
	[tilespmem:$0x18800] =	vst v63  }
0x1e4: {  	s20 =	simm.s32 $0x18000  }
0x1e5: {  	[hbm4b:s6+s3] =	stream.indirect_vreg.scatter [tilespmem:s20], [sflag:$0x6], $0x80, v3, vm0, $0xb8;
	[tilespmem:$0x18800] =	vst v63  }
0x1e6: {  	_ =	swait.ge [sflag:s21], $0x8000  }
0x1e7: {  	[sflag:s21] =	ssyncset.done $0x0  }
0x1e8: {  	s25 =	rddreg [dreg:$0x13];
	[sflag:s21] =	ssyncadd.s32 $0xFFFF8000  }
0x1e9: {  	[tilespmem:s28], [sflag:$0x2] =	stream.linear.gather [hbm4b:s25+s3], $0x8000, $0x38;
	[tilespmem:$0x18800] =	vst v63  }
0x1ea: {  	_ =	swait.ge [sflag:s1], $0x8000  }
0x1eb: {  	[sflag:s1] =	ssyncset.done $0x0  }
0x1ec: {  	[sflag:s1] =	ssyncadd.s32 $0xFFFF8000  }
0x1ed: {  	v3 =	vld [tilespmem:$0x480];
	_ =	sdelay $0x4  }
0x1ee: {  	v58 =	vshll.u32 v3, $0x3  }
0x1ef: {  	v3 =	vand.u32 $0x7, v3;
	v4 =	vand.u32 $0xFFFFFFC0, v58  }
0x1f0: {  	v3 =	vor.u32 v3, v4  }
0x1f1: {  	v4 =	vperm.xlane v3, v0;
	_ =	sdelay $0x1  }
0x1f2: {  	v4 =	vadd.s32 v1, v4;
	_ =	sdelay $0x4  }
0x1f3: {  	[hbm4b:s2+s3] =	stream.indirect_vreg.scatter [tilespmem:s10], [sflag:$0x4], $0x80, v4, vm0, $0xb8;
	[tilespmem:$0x18800] =	vst v63  }
0x1f4: {  	s25 =	simm.s32 $0x1000;
	v3 =	vperm.xlane v3, v2  }
0x1f5: {  	[hbm4b:s4+s3] =	stream.indirect_vreg.scatter [tilespmem:s25], [sflag:$0x4], $0x80, v4, vm0, $0xb8;
	[tilespmem:$0x18800] =	vst v63  }
0x1f6: {  	v3 =	vadd.s32 v1, v3;
	s25 =	simm.s32 $0x1800  }
0x1f7: {  	[hbm4b:s5+s3] =	stream.indirect_vreg.scatter [tilespmem:s25], [sflag:$0x4], $0x80, v4, vm0, $0xb8;
	[tilespmem:$0x18800] =	vst v63  }
0x1f8: {  	s25 =	simm.s32 $0x2000  }
0x1f9: {  	[hbm4b:s6+s3] =	stream.indirect_vreg.scatter [tilespmem:s25], [sflag:$0x4], $0x80, v4, vm0, $0xb8;
	[tilespmem:$0x18800] =	vst v63  }
0x1fa: {  	s25 =	simm.s32 $0x2800  }
0x1fb: {  	[hbm4b:s2+s3] =	stream.indirect_vreg.scatter [tilespmem:s25], [sflag:$0x4], $0x80, v3, vm0, $0xb8;
	[tilespmem:$0x18800] =	vst v63  }
0x1fc: {  	s25 =	simm.s32 $0x3000  }
0x1fd: {  	[hbm4b:s4+s3] =	stream.indirect_vreg.scatter [tilespmem:s25], [sflag:$0x4], $0x80, v3, vm0, $0xb8;
	[tilespmem:$0x18800] =	vst v63  }
0x1fe: {  	s25 =	simm.s32 $0x3800  }
0x1ff: {  	[hbm4b:s5+s3] =	stream.indirect_vreg.scatter [tilespmem:s25], [sflag:$0x4], $0x80, v3, vm0, $0xb8;
	[tilespmem:$0x18800] =	vst v63  }
0x200: {  	s25 =	simm.s32 $0x4000  }
0x201: {  	[hbm4b:s6+s3] =	stream.indirect_vreg.scatter [tilespmem:s25], [sflag:$0x4], $0x80, v3, vm0, $0xb8;
	[tilespmem:$0x18800] =	vst v63  }
0x202: {  	v3 =	vld [tilespmem:$0x490];
	_ =	sdelay $0x4  }
0x203: {  	v59 =	vshll.u32 v3, $0x3  }
0x204: {  	v3 =	vand.u32 $0x7, v3;
	v4 =	vand.u32 $0xFFFFFFC0, v59  }
0x205: {  	v3 =	vor.u32 v3, v4  }
0x206: {  	v4 =	vperm.xlane v3, v0;
	_ =	sdelay $0x1  }
0x207: {  	v4 =	vadd.s32 v1, v4;
	_ =	sdelay $0x3  }
0x208: {  	s25 =	simm.s32 $0x4800  }
0x209: {  	[hbm4b:s2+s3] =	stream.indirect_vreg.scatter [tilespmem:s25], [sflag:$0x4], $0x80, v4, vm0, $0xb8;
	[tilespmem:$0x18800] =	vst v63  }
0x20a: {  	v3 =	vperm.xlane v3, v2;
	s25 =	simm.s32 $0x5000  }
0x20b: {  	[hbm4b:s4+s3] =	stream.indirect_vreg.scatter [tilespmem:s25], [sflag:$0x4], $0x80, v4, vm0, $0xb8;
	[tilespmem:$0x18800] =	vst v63  }
0x20c: {  	v3 =	vadd.s32 v1, v3;
	s25 =	simm.s32 $0x5800  }
0x20d: {  	[hbm4b:s5+s3] =	stream.indirect_vreg.scatter [tilespmem:s25], [sflag:$0x4], $0x80, v4, vm0, $0xb8;
	[tilespmem:$0x18800] =	vst v63  }
0x20e: {  	s25 =	simm.s32 $0x6000  }
0x20f: {  	[hbm4b:s6+s3] =	stream.indirect_vreg.scatter [tilespmem:s25], [sflag:$0x4], $0x80, v4, vm0, $0xb8;
	[tilespmem:$0x18800] =	vst v63  }
0x210: {  	s25 =	simm.s32 $0x6800  }
0x211: {  	[hbm4b:s2+s3] =	stream.indirect_vreg.scatter [tilespmem:s25], [sflag:$0x4], $0x80, v3, vm0, $0xb8;
	[tilespmem:$0x18800] =	vst v63  }
0x212: {  	s25 =	simm.s32 $0x7000  }
0x213: {  	[hbm4b:s4+s3] =	stream.indirect_vreg.scatter [tilespmem:s25], [sflag:$0x4], $0x80, v3, vm0, $0xb8;
	[tilespmem:$0x18800] =	vst v63  }
0x214: {  	s25 =	simm.s32 $0x7800  }
0x215: {  	[hbm4b:s5+s3] =	stream.indirect_vreg.scatter [tilespmem:s25], [sflag:$0x4], $0x80, v3, vm0, $0xb8;
	[tilespmem:$0x18800] =	vst v63  }
0x216: {  	s25 =	simm.s32 $0x8000  }
0x217: {  	[hbm4b:s6+s3] =	stream.indirect_vreg.scatter [tilespmem:s25], [sflag:$0x4], $0x80, v3, vm0, $0xb8;
	[tilespmem:$0x18800] =	vst v63  }
0x218: {  	_ =	swait.ge [sflag:s22], $0x8000  }
0x219: {  	[sflag:s22] =	ssyncset.done $0x0  }
0x21a: {  	s1 =	rddreg [dreg:$0x14];
	[sflag:s22] =	ssyncadd.s32 $0xFFFF8000  }
0x21b: {  	[tilespmem:s26], [sflag:$0x3] =	stream.linear.gather [hbm4b:s1+s3], $0x8000, $0x38;
	[tilespmem:$0x18800] =	vst v63  }
0x21c: {  	_ =	swait.ge [sflag:s29], $0x8000  }
0x21d: {  	[sflag:s29] =	ssyncset.done $0x0  }
0x21e: {  	[sflag:s29] =	ssyncadd.s32 $0xFFFF8000  }
0x21f: {  	v3 =	vld [tilespmem:$0x500];
	_ =	sdelay $0x4  }
0x220: {  	v60 =	vshll.u32 v3, $0x3  }
0x221: {  	v3 =	vand.u32 $0x7, v3;
	v4 =	vand.u32 $0xFFFFFFC0, v60  }
0x222: {  	v3 =	vor.u32 v3, v4  }
0x223: {  	v4 =	vperm.xlane v3, v0;
	_ =	sdelay $0x1  }
0x224: {  	v4 =	vadd.s32 v1, v4;
	_ =	sdelay $0x4  }
0x225: {  	[hbm4b:s2+s3] =	stream.indirect_vreg.scatter [tilespmem:s28], [sflag:$0x5], $0x80, v4, vm0, $0xb8;
	[tilespmem:$0x18800] =	vst v63  }
0x226: {  	s25 =	simm.s32 $0x9000;
	v3 =	vperm.xlane v3, v2  }
0x227: {  	[hbm4b:s4+s3] =	stream.indirect_vreg.scatter [tilespmem:s25], [sflag:$0x5], $0x80, v4, vm0, $0xb8;
	[tilespmem:$0x18800] =	vst v63  }
0x228: {  	v3 =	vadd.s32 v1, v3;
	s25 =	simm.s32 $0x9800  }
0x229: {  	[hbm4b:s5+s3] =	stream.indirect_vreg.scatter [tilespmem:s25], [sflag:$0x5], $0x80, v4, vm0, $0xb8;
	[tilespmem:$0x18800] =	vst v63  }
0x22a: {  	s25 =	simm.s32 $0xA000  }
0x22b: {  	[hbm4b:s6+s3] =	stream.indirect_vreg.scatter [tilespmem:s25], [sflag:$0x5], $0x80, v4, vm0, $0xb8;
	[tilespmem:$0x18800] =	vst v63  }
0x22c: {  	s25 =	simm.s32 $0xA800  }
0x22d: {  	[hbm4b:s2+s3] =	stream.indirect_vreg.scatter [tilespmem:s25], [sflag:$0x5], $0x80, v3, vm0, $0xb8;
	[tilespmem:$0x18800] =	vst v63  }
0x22e: {  	s25 =	simm.s32 $0xB000  }
0x22f: {  	[hbm4b:s4+s3] =	stream.indirect_vreg.scatter [tilespmem:s25], [sflag:$0x5], $0x80, v3, vm0, $0xb8;
	[tilespmem:$0x18800] =	vst v63  }
0x230: {  	s25 =	simm.s32 $0xB800  }
0x231: {  	[hbm4b:s5+s3] =	stream.indirect_vreg.scatter [tilespmem:s25], [sflag:$0x5], $0x80, v3, vm0, $0xb8;
	[tilespmem:$0x18800] =	vst v63  }
0x232: {  	_ = 	snop  }
0x233: {  	[hbm4b:s6+s3] =	stream.indirect_vreg.scatter [tilespmem:s30], [sflag:$0x5], $0x80, v3, vm0, $0xb8;
	[tilespmem:$0x18800] =	vst v63  }
0x234: {  	v3 =	vld [tilespmem:$0x510];
	_ =	sdelay $0x4  }
0x235: {  	v61 =	vshll.u32 v3, $0x3  }
0x236: {  	v3 =	vand.u32 $0x7, v3;
	v4 =	vand.u32 $0xFFFFFFC0, v61  }
0x237: {  	v3 =	vor.u32 v3, v4  }
0x238: {  	v4 =	vperm.xlane v3, v0;
	_ =	sdelay $0x1  }
0x239: {  	v4 =	vadd.s32 v1, v4;
	_ =	sdelay $0x4  }
0x23a: {  	[hbm4b:s2+s3] =	stream.indirect_vreg.scatter [tilespmem:s31], [sflag:$0x5], $0x80, v4, vm0, $0xb8;
	[tilespmem:$0x18800] =	vst v63  }
0x23b: {  	s25 =	simm.s32 $0xD000;
	v3 =	vperm.xlane v3, v2  }
0x23c: {  	[hbm4b:s4+s3] =	stream.indirect_vreg.scatter [tilespmem:s25], [sflag:$0x5], $0x80, v4, vm0, $0xb8;
	[tilespmem:$0x18800] =	vst v63  }
0x23d: {  	s30 =	simm.s32 $0xD800;
	v3 =	vadd.s32 v1, v3  }
0x23e: {  	[hbm4b:s5+s3] =	stream.indirect_vreg.scatter [tilespmem:s30], [sflag:$0x5], $0x80, v4, vm0, $0xb8;
	[tilespmem:$0x18800] =	vst v63  }
0x23f: {  	s31 =	simm.s32 $0xE000  }
0x240: {  	[hbm4b:s6+s3] =	stream.indirect_vreg.scatter [tilespmem:s31], [sflag:$0x5], $0x80, v4, vm0, $0xb8;
	[tilespmem:$0x18800] =	vst v63  }
0x241: {  	s25 =	simm.s32 $0xE800  }
0x242: {  	[hbm4b:s2+s3] =	stream.indirect_vreg.scatter [tilespmem:s25], [sflag:$0x5], $0x80, v3, vm0, $0xb8;
	[tilespmem:$0x18800] =	vst v63  }
0x243: {  	s30 =	simm.s32 $0xF000  }
0x244: {  	[hbm4b:s4+s3] =	stream.indirect_vreg.scatter [tilespmem:s30], [sflag:$0x5], $0x80, v3, vm0, $0xb8;
	[tilespmem:$0x18800] =	vst v63  }
0x245: {  	s31 =	simm.s32 $0xF800  }
0x246: {  	[hbm4b:s5+s3] =	stream.indirect_vreg.scatter [tilespmem:s31], [sflag:$0x5], $0x80, v3, vm0, $0xb8;
	[tilespmem:$0x18800] =	vst v63  }
0x247: {  	s25 =	simm.s32 $0x10000  }
0x248: {  	[hbm4b:s6+s3] =	stream.indirect_vreg.scatter [tilespmem:s25], [sflag:$0x5], $0x80, v3, vm0, $0xb8;
	[tilespmem:$0x18800] =	vst v63  }
0x249: {  	_ =	swait.ge [sflag:s24], $0x8000  }
0x24a: {  	[sflag:s24] =	ssyncset.done $0x0  }
0x24b: {  	[sflag:s24] =	ssyncadd.s32 $0xFFFF8000  }
0x24c: {  	v3 =	vld [tilespmem:$0x580];
	_ =	sdelay $0x4  }
0x24d: {  	v62 =	vshll.u32 v3, $0x3  }
0x24e: {  	v3 =	vand.u32 $0x7, v3;
	v4 =	vand.u32 $0xFFFFFFC0, v62  }
0x24f: {  	v3 =	vor.u32 v3, v4  }
0x250: {  	v4 =	vperm.xlane v3, v0;
	_ =	sdelay $0x1  }
0x251: {  	v4 =	vadd.s32 v1, v4;
	_ =	sdelay $0x4  }
0x252: {  	[hbm4b:s2+s3] =	stream.indirect_vreg.scatter [tilespmem:s26], [sflag:$0x6], $0x80, v4, vm0, $0xb8;
	[tilespmem:$0x18800] =	vst v63  }
0x253: {  	s30 =	simm.s32 $0x11000;
	v3 =	vperm.xlane v3, v2  }
0x254: {  	[hbm4b:s4+s3] =	stream.indirect_vreg.scatter [tilespmem:s30], [sflag:$0x6], $0x80, v4, vm0, $0xb8;
	[tilespmem:$0x18800] =	vst v63  }
0x255: {  	s31 =	simm.s32 $0x11800;
	v3 =	vadd.s32 v1, v3  }
0x256: {  	[hbm4b:s5+s3] =	stream.indirect_vreg.scatter [tilespmem:s31], [sflag:$0x6], $0x80, v4, vm0, $0xb8;
	[tilespmem:$0x18800] =	vst v63  }
0x257: {  	_ = 	snop  }
0x258: {  	[hbm4b:s6+s3] =	stream.indirect_vreg.scatter [tilespmem:s0], [sflag:$0x6], $0x80, v4, vm0, $0xb8;
	[tilespmem:$0x18800] =	vst v63  }
0x259: {  	_ = 	snop  }
0x25a: {  	[hbm4b:s2+s3] =	stream.indirect_vreg.scatter [tilespmem:s8], [sflag:$0x6], $0x80, v3, vm0, $0xb8;
	[tilespmem:$0x18800] =	vst v63  }
0x25b: {  	_ = 	snop  }
0x25c: {  	[hbm4b:s4+s3] =	stream.indirect_vreg.scatter [tilespmem:s9], [sflag:$0x6], $0x80, v3, vm0, $0xb8;
	[tilespmem:$0x18800] =	vst v63  }
0x25d: {  	_ = 	snop  }
0x25e: {  	[hbm4b:s5+s3] =	stream.indirect_vreg.scatter [tilespmem:s11], [sflag:$0x6], $0x80, v3, vm0, $0xb8;
	[tilespmem:$0x18800] =	vst v63  }
0x25f: {  	_ = 	snop  }
0x260: {  	[hbm4b:s6+s3] =	stream.indirect_vreg.scatter [tilespmem:s17], [sflag:$0x6], $0x80, v3, vm0, $0xb8;
	[tilespmem:$0x18800] =	vst v63  }
0x261: {  	v3 =	vld [tilespmem:$0x590];
	_ =	sdelay $0x4  }
0x262: {  	v63 =	vshll.u32 v3, $0x3  }
0x263: {  	v3 =	vand.u32 $0x7, v3;
	v4 =	vand.u32 $0xFFFFFFC0, v63  }
0x264: {  	v3 =	vor.u32 v3, v4  }
0x265: {  	v4 =	vperm.xlane v3, v0;
	_ =	sdelay $0x1  }
0x266: {  	v4 =	vadd.s32 v1, v4;
	_ =	sdelay $0x4  }
0x267: {  	[hbm4b:s2+s3] =	stream.indirect_vreg.scatter [tilespmem:s18], [sflag:$0x6], $0x80, v4, vm0, $0xb8;
	[tilespmem:$0x18800] =	vst v63  }
0x268: {  	v3 =	vperm.xlane v3, v2  }
0x269: {  	[hbm4b:s4+s3] =	stream.indirect_vreg.scatter [tilespmem:s19], [sflag:$0x6], $0x80, v4, vm0, $0xb8;
	[tilespmem:$0x18800] =	vst v63  }
0x26a: {  	v3 =	vadd.s32 v1, v3  }
0x26b: {  	[hbm4b:s5+s3] =	stream.indirect_vreg.scatter [tilespmem:s12], [sflag:$0x6], $0x80, v4, vm0, $0xb8;
	[tilespmem:$0x18800] =	vst v63  }
0x26c: {  	_ = 	snop  }
0x26d: {  	[hbm4b:s6+s3] =	stream.indirect_vreg.scatter [tilespmem:s13], [sflag:$0x6], $0x80, v4, vm0, $0xb8;
	[tilespmem:$0x18800] =	vst v63  }
0x26e: {  	_ = 	snop  }
0x26f: {  	[hbm4b:s2+s3] =	stream.indirect_vreg.scatter [tilespmem:s14], [sflag:$0x6], $0x80, v3, vm0, $0xb8;
	[tilespmem:$0x18800] =	vst v63  }
0x270: {  	_ = 	snop  }
0x271: {  	[hbm4b:s4+s3] =	stream.indirect_vreg.scatter [tilespmem:s15], [sflag:$0x6], $0x80, v3, vm0, $0xb8;
	[tilespmem:$0x18800] =	vst v63  }
0x272: {  	_ = 	snop  }
0x273: {  	[hbm4b:s5+s3] =	stream.indirect_vreg.scatter [tilespmem:s16], [sflag:$0x6], $0x80, v3, vm0, $0xb8;
	[tilespmem:$0x18800] =	vst v63  }
0x274: {  	_ = 	snop  }
0x275: {  	[hbm4b:s6+s3] =	stream.indirect_vreg.scatter [tilespmem:s20], [sflag:$0x6], $0x80, v3, vm0, $0xb8;
	[tilespmem:$0x18800] =	vst v63  }
0x276: {  	_ =	swait.ge [sflag:s23], $0x8000  }
0x277: {  	[sflag:s23] =	ssyncset.done $0x0  }
0x278: {  	[sflag:s23] =	ssyncadd.s32 $0xFFFF8000  }
0x279: {  	p0 =	sne.s32 s7, $0x1;
	_ =	swait.ge [sflag:s21], $0x8000  }
.Ltmp0:
0x27a: {  	[sflag:s21] =	ssyncset.done $0x0;
	(pc) =	sbr.rel @p0 .LBB2_1-.Ltmp0, $4  }
0x27b: {  	[sflag:s21] =	ssyncadd.s32 $0xFFFF8000  }
0x27c: {  	_ =	swait.ge [sflag:s22], $0x8000  }
0x27d: {  	[sflag:s22] =	ssyncset.done $0x0  }
0x27e: {  	s7 =	sadd.s32 $0xFFFFFFFF, s7;
	[sflag:s22] =	ssyncadd.s32 $0xFFFF8000  }
0x27f: {  	_ =	sfence.sel $0x180000  }
0x280: {  	[bflag:$0x0] =	sbarrier.arrive $0xFFFF  }
0x281: {  	_ =	strace $0x90000047  }
0x282: {  	s0 =	stileid.u32;
	[bflag:$0x2] =	sbarrier.arrive $0xFFFF  }
0x283: {  	p0 =	sne.s32 s0, $0x0;
	s0 =	rddreg [dreg:$0x5]  }
0x284: {  	s0 =	sadd.s32 @!p0 $0x100000, s0  }
0x285: {  	[sflag:s0] =	ssyncadd.tile.s32 @!p0 $0x1;
	_ =	shalt  }
.Lfunc_end2:
_tile_overlayer_lowered:
.L_overlay_start_2:
0x286: {  	(tag) =	ssettag $0x2  }
0x287: {  	s0 =	rddreg [dreg:$0x0];
	s2 =	stileid.u32  }
0x288: {  	s1 =	rddreg [dreg:$0x1];
	p0 =	sne.s32 s2, $0x0  }
0x289: {  	s3 =	rddreg [dreg:$0x2];
	[bflag:$0x3] =	sbarrier.arrive $0xFFFF;
	s2 =	simm.s32 @!p0 $0x1C07  }
0x28a: {  	[timem:s3], [sflag:s2] =	dma.local @!p0 [hbm:s0], s1  }
0x28b: {  	s0 =	simm.s32 @!p0 $0x7  }
0x28c: {  	_ =	swait.ge @!p0 [sflag:s0], s1  }
0x28d: {  	s1 =	ssub.s32 @!p0 $0x0, s1;
	[sflag:s0] =	ssyncset.done @!p0 $0x0  }
0x28e: {  	[sflag:s0] =	ssyncadd.s32 @!p0 s1  }
0x28f: {  	[bflag:$0x3] =	sbarrier.arrive $0xFFFF  }
0x290: {  	_ =	shalt  }

</sc_bundles>
